<compile_context>
chip_gen: v7x
topology: tpu7x:2x2x1
jax: 0.10.2.dev20260603
libtpu: 0.0.44.dev20260713+nightly
codegen_flags: <defaults>
</compile_context>

<pallas_src>
import functools

import jax
import jax.numpy as jnp
from jax import lax
from jax.experimental import pallas as pl
from jax.experimental.pallas import tpu as pltpu
from jax.experimental.pallas import tpu_sc as plsc

_NC = 2
_NS = 16
_NW = _NC * _NS
_GRP = 64


def _build_gather(B, D):
    b_per_w = B // _NW
    ngrp = b_per_w // _GRP
    mesh = plsc.VectorSubcoreMesh(core_axis_name="c", subcore_axis_name="s")

    @functools.partial(
        pl.kernel,
        mesh=mesh,
        out_type=(
            jax.ShapeDtypeStruct((B, D), jnp.float32),
            jax.ShapeDtypeStruct((B, D), jnp.float32),
        ),
        scratch_types=[
            pltpu.VMEM((ngrp, _GRP), jnp.int32),
            pltpu.VMEM((ngrp, _GRP), jnp.int32),
            pltpu.VMEM((_GRP, D), jnp.float32),
            pltpu.VMEM((_GRP, D), jnp.float32),
            pltpu.SemaphoreType.DMA,
            pltpu.SemaphoreType.DMA,
        ],
        compiler_params=pltpu.CompilerParams(use_tc_tiling_on_sc=True),
    )
    def gather(xu3, xb3, tu, tb, out_u, out_b,
               idx_u, idx_b, rows_u, rows_b, sem_u, sem_b):
        wid = lax.axis_index("s") * _NC + lax.axis_index("c")
        base = wid * b_per_w
        pltpu.sync_copy(xu3.at[wid], idx_u)
        pltpu.sync_copy(xb3.at[wid], idx_b)

        def group_body(g, _):
            copies = []
            for k in range(_GRP // 16):
                vu = idx_u[g, pl.ds(k * 16, 16)]
                vb = idx_b[g, pl.ds(k * 16, 16)]
                for j in range(16):
                    t = k * 16 + j
                    copies.append(pltpu.async_copy(
                        tu.at[pl.ds(vu[j], 1), :], rows_u.at[pl.ds(t, 1), :], sem_u))
                    copies.append(pltpu.async_copy(
                        tb.at[pl.ds(vb[j], 1), :], rows_b.at[pl.ds(t, 1), :], sem_b))
            for cp in copies:
                cp.wait()
            row0 = pl.multiple_of(base + g * _GRP, _GRP)
            pltpu.sync_copy(rows_u, out_u.at[pl.ds(row0, _GRP)])
            pltpu.sync_copy(rows_b, out_b.at[pl.ds(row0, _GRP)])
            return _

        lax.fori_loop(0, ngrp, group_body, None)

    return gather


def _mlp_body(u, b, w1u, w1b, fcb, w2, hlb, out):
    h = (jnp.dot(u[...], w1u[...], preferred_element_type=jnp.float32)
         + jnp.dot(b[...], w1b[...], preferred_element_type=jnp.float32)
         + fcb[...])
    h2 = jnp.dot(h, w2[...], preferred_element_type=jnp.float32) + hlb[...]
    out[...] = 1.0 / (1.0 + jnp.exp(-h2)) * 4.0 + 1.0


def _mlp(u, b, fc_w, fc_b, hl_w, hl_b, blk=2048):
    B, D = u.shape
    H = fc_w.shape[1]
    O = hl_w.shape[1]
    grid = B // blk
    return pl.pallas_call(
        _mlp_body,
        grid=(grid,),
        in_specs=[
            pl.BlockSpec((blk, D), lambda i: (i, 0)),
            pl.BlockSpec((blk, D), lambda i: (i, 0)),
            pl.BlockSpec((D, H), lambda i: (0, 0)),
            pl.BlockSpec((D, H), lambda i: (0, 0)),
            pl.BlockSpec((1, H), lambda i: (0, 0)),
            pl.BlockSpec((H, O), lambda i: (0, 0)),
            pl.BlockSpec((1, O), lambda i: (0, 0)),
        ],
        out_specs=pl.BlockSpec((blk, O), lambda i: (i, 0)),
        out_shape=jax.ShapeDtypeStruct((B, O), jnp.float32),
    )(u, b, fc_w[:D], fc_w[D:], fc_b.reshape(1, H), hl_w, hl_b.reshape(1, O))


def kernel(x, user_emb, book_emb, fc_w, fc_b, hl_w, hl_b):
    B = x.shape[0]
    D = user_emb.shape[1]
    b_per_w = B // _NW
    ngrp = b_per_w // _GRP
    xu3 = x[:, 0].reshape(_NW, ngrp, _GRP)
    xb3 = x[:, 1].reshape(_NW, ngrp, _GRP)
    u_rows, b_rows = _build_gather(B, D)(xu3, xb3, user_emb, book_emb)
    return _mlp(u_rows, b_rows, fc_w, fc_b, hl_w, hl_b)

# --- scband reference (transcript-rebuilt; emitter-appended) ---
"""Pipeline reference for scband-recommender-net-25013889532615 (READ-ONLY COPY).

The authoritative reference and input builder live on the scoring server;
editing this copy changes nothing except your own understanding.
"""

import jax, jax.numpy as jnp
import numpy as np

N_USERS = 1000000
N_BOOKS = 1000000
N_FACTORS = 64
N_HIDDEN = 80
BATCH = 16384


def setup_inputs(seed: int = 0) -> dict:
    key = jax.random.key(seed)
    ks = jax.random.split(key, 7)
    x = jax.random.randint(ks[0], (BATCH, 2), 0, N_USERS, dtype=jnp.int32)
    user_emb = jax.random.normal(ks[1], (N_USERS, N_FACTORS), dtype=jnp.float32) * 0.01
    book_emb = jax.random.normal(ks[2], (N_BOOKS, N_FACTORS), dtype=jnp.float32) * 0.01
    fc_w = jax.random.normal(ks[3], (N_FACTORS * 2, N_HIDDEN), dtype=jnp.float32) * 0.05
    fc_b = jnp.zeros((N_HIDDEN,), dtype=jnp.float32)
    hl_w = jax.random.normal(ks[4], (N_HIDDEN, 5), dtype=jnp.float32) * 0.05
    hl_b = jnp.zeros((5,), dtype=jnp.float32)
    return {"x": x, "user_emb": user_emb, "book_emb": book_emb,
            "fc_w": fc_w, "fc_b": fc_b, "hl_w": hl_w, "hl_b": hl_b}


def reference(x, user_emb, book_emb, fc_w, fc_b, hl_w, hl_b):
    # Embedding lookups (gather)
    users = jnp.take(user_emb, x[:, 0], axis=0)
    books = jnp.take(book_emb, x[:, 1], axis=0)
    h = jnp.concatenate([users, books], axis=1)
    # Dropout is identity at inference (eval mode)
    h = h @ fc_w + fc_b
    h = h @ hl_w + hl_b
    return jax.nn.sigmoid(h) * 4.0 + 1.0

if __name__ == "__main__":
    import jax
    _d = setup_inputs()
    print(jax.jit(kernel)(*tuple(_d.values())))

</pallas_src>

<mosaic_0001>
#map = affine_map<(d0, d1) -> (0, 0, 0)>
#map1 = affine_map<(d0, d1) -> (0, 0)>
module attributes {stable_mosaic.version = 14 : i64} {
  func.func @gather(%arg0: i32, %arg1: i32, %arg2: memref<32x8x64xi32, #tpu.memory_space<hbm>>, %arg3: memref<32x8x64xi32, #tpu.memory_space<hbm>>, %arg4: memref<1000000x64xf32, #tpu.memory_space<hbm>>, %arg5: memref<1000000x64xf32, #tpu.memory_space<hbm>>, %arg6: memref<16384x64xf32, #tpu.memory_space<hbm>>, %arg7: memref<16384x64xf32, #tpu.memory_space<hbm>>, %arg8: memref<8x64xi32, #tpu.memory_space<vmem>>, %arg9: memref<8x64xi32, #tpu.memory_space<vmem>>, %arg10: memref<64x64xf32, #tpu.memory_space<vmem>>, %arg11: memref<64x64xf32, #tpu.memory_space<vmem>>, %arg12: memref<!tpu.dma_semaphore, #tpu.memory_space<semaphore_mem>>, %arg13: memref<!tpu.dma_semaphore, #tpu.memory_space<semaphore_mem>>) attributes {dimension_semantics = [#tpu.dimension_semantics<core_parallel>, #tpu.dimension_semantics<subcore_parallel>], iteration_bounds = array<i64: 2, 16>, scalar_prefetch = 0 : i64, scratch_operands = 6 : i64, tpu.core_type = #tpu.core_type<sc_vector_subcore>, window_params = [{transform_indices = #map}, {transform_indices = #map}, {transform_indices = #map1}, {transform_indices = #map1}, {transform_indices = #map1}, {transform_indices = #map1}]} {
    %mul3A = arith.constant 2 : i32
    %mul3A_0 = arith.muli %arg1, %mul3A : i32
    %add3A = arith.addi %mul3A_0, %arg0 : i32
    %mul3A_1 = arith.constant 512 : i32
    %mul3A_2 = arith.muli %add3A, %mul3A_1 : i32
    "tpu.region"() ({
      %run_scoped3A = tpu.sem_alloc : memref<!tpu.dma_semaphore, #tpu.memory_space<semaphore_mem>>
      %dma_start3A = arith.constant 0 : i32
      %dma_start3A_7 = arith.constant 0 : i32
      %dma_start3A_8 = tpu.memref_slice %arg2[%add3A, %dma_start3A, %dma_start3A_7] : memref<32x8x64xi32, #tpu.memory_space<hbm>> -> memref<1x8x64xi32, #tpu.memory_space<hbm>>
      %dma_start3A_9 = tpu.memref_squeeze %dma_start3A_8 : memref<1x8x64xi32, #tpu.memory_space<hbm>> -> memref<8x64xi32, #tpu.memory_space<hbm>>
      %dma_start3A_10 = arith.constant 0 : i32
      %dma_start3A_11 = arith.constant 0 : i32
      %dma_start3A_12 = tpu.memref_slice %arg2[%add3A, %dma_start3A_10, %dma_start3A_11] : memref<32x8x64xi32, #tpu.memory_space<hbm>> -> memref<1x8x64xi32, #tpu.memory_space<hbm>>
      %dma_start3A_13 = tpu.memref_squeeze %dma_start3A_12 : memref<1x8x64xi32, #tpu.memory_space<hbm>> -> memref<8x64xi32, #tpu.memory_space<hbm>>
      tpu.enqueue_dma source(%dma_start3A_13 : memref<8x64xi32, #tpu.memory_space<hbm>>) target(%arg8 : memref<8x64xi32, #tpu.memory_space<vmem>>) target_semaphore(%run_scoped3A : memref<!tpu.dma_semaphore, #tpu.memory_space<semaphore_mem>>)
      %dma_wait3A = arith.constant 0 : i32
      %dma_wait3A_14 = arith.constant 0 : i32
      %dma_wait3A_15 = tpu.memref_slice %arg2[%add3A, %dma_wait3A, %dma_wait3A_14] : memref<32x8x64xi32, #tpu.memory_space<hbm>> -> memref<1x8x64xi32, #tpu.memory_space<hbm>>
      %dma_wait3A_16 = tpu.memref_squeeze %dma_wait3A_15 : memref<1x8x64xi32, #tpu.memory_space<hbm>> -> memref<8x64xi32, #tpu.memory_space<hbm>>
      %dma_wait3A_17 = arith.constant 0 : i32
      %dma_wait3A_18 = arith.constant 0 : i32
      %dma_wait3A_19 = tpu.memref_slice %arg2[%add3A, %dma_wait3A_17, %dma_wait3A_18] : memref<32x8x64xi32, #tpu.memory_space<hbm>> -> memref<1x8x64xi32, #tpu.memory_space<hbm>>
      %dma_wait3A_20 = tpu.memref_squeeze %dma_wait3A_19 : memref<1x8x64xi32, #tpu.memory_space<hbm>> -> memref<8x64xi32, #tpu.memory_space<hbm>>
      tpu.wait_dma2 semaphore(%run_scoped3A : memref<!tpu.dma_semaphore, #tpu.memory_space<semaphore_mem>>) src(%dma_wait3A_20 : memref<8x64xi32, #tpu.memory_space<hbm>>) dst(%arg8 : memref<8x64xi32, #tpu.memory_space<vmem>>)
      tpu.yield
    }) : () -> ()
    "tpu.region"() ({
      %run_scoped3A = tpu.sem_alloc : memref<!tpu.dma_semaphore, #tpu.memory_space<semaphore_mem>>
      %dma_start3A = arith.constant 0 : i32
      %dma_start3A_7 = arith.constant 0 : i32
      %dma_start3A_8 = tpu.memref_slice %arg3[%add3A, %dma_start3A, %dma_start3A_7] : memref<32x8x64xi32, #tpu.memory_space<hbm>> -> memref<1x8x64xi32, #tpu.memory_space<hbm>>
      %dma_start3A_9 = tpu.memref_squeeze %dma_start3A_8 : memref<1x8x64xi32, #tpu.memory_space<hbm>> -> memref<8x64xi32, #tpu.memory_space<hbm>>
      %dma_start3A_10 = arith.constant 0 : i32
      %dma_start3A_11 = arith.constant 0 : i32
      %dma_start3A_12 = tpu.memref_slice %arg3[%add3A, %dma_start3A_10, %dma_start3A_11] : memref<32x8x64xi32, #tpu.memory_space<hbm>> -> memref<1x8x64xi32, #tpu.memory_space<hbm>>
      %dma_start3A_13 = tpu.memref_squeeze %dma_start3A_12 : memref<1x8x64xi32, #tpu.memory_space<hbm>> -> memref<8x64xi32, #tpu.memory_space<hbm>>
      tpu.enqueue_dma source(%dma_start3A_13 : memref<8x64xi32, #tpu.memory_space<hbm>>) target(%arg9 : memref<8x64xi32, #tpu.memory_space<vmem>>) target_semaphore(%run_scoped3A : memref<!tpu.dma_semaphore, #tpu.memory_space<semaphore_mem>>)
      %dma_wait3A = arith.constant 0 : i32
      %dma_wait3A_14 = arith.constant 0 : i32
      %dma_wait3A_15 = tpu.memref_slice %arg3[%add3A, %dma_wait3A, %dma_wait3A_14] : memref<32x8x64xi32, #tpu.memory_space<hbm>> -> memref<1x8x64xi32, #tpu.memory_space<hbm>>
      %dma_wait3A_16 = tpu.memref_squeeze %dma_wait3A_15 : memref<1x8x64xi32, #tpu.memory_space<hbm>> -> memref<8x64xi32, #tpu.memory_space<hbm>>
      %dma_wait3A_17 = arith.constant 0 : i32
      %dma_wait3A_18 = arith.constant 0 : i32
      %dma_wait3A_19 = tpu.memref_slice %arg3[%add3A, %dma_wait3A_17, %dma_wait3A_18] : memref<32x8x64xi32, #tpu.memory_space<hbm>> -> memref<1x8x64xi32, #tpu.memory_space<hbm>>
      %dma_wait3A_20 = tpu.memref_squeeze %dma_wait3A_19 : memref<1x8x64xi32, #tpu.memory_space<hbm>> -> memref<8x64xi32, #tpu.memory_space<hbm>>
      tpu.wait_dma2 semaphore(%run_scoped3A : memref<!tpu.dma_semaphore, #tpu.memory_space<semaphore_mem>>) src(%dma_wait3A_20 : memref<8x64xi32, #tpu.memory_space<hbm>>) dst(%arg9 : memref<8x64xi32, #tpu.memory_space<vmem>>)
      tpu.yield
    }) : () -> ()
    %scan3A = arith.constant 0 : i32
    %scan3A_3 = arith.constant 8 : i32
    %scan3A_4 = arith.addi %scan3A, %scan3A_3 : i32
    %scan3A_5 = arith.constant 1 : i32
    scf.for %scan3A_7 = %scan3A to %scan3A_4 step %scan3A_5  : i32 {
      %get3A = arith.index_cast %scan3A_7 : i32 to index
      %get3A_8 = arith.constant 0 : index
      %get3A_9 = tpu.vector_load %arg8[%get3A, %get3A_8] {strides = array<i32>} : memref<8x64xi32, #tpu.memory_space<vmem>>, vector<1x16xi32>,
      %get3A_10 = vector.shape_cast %get3A_9 : vector<1x16xi32> to vector<16xi32>
      %get3A_11 = arith.index_cast %scan3A_7 : i32 to index
      %get3A_12 = arith.constant 0 : index
      %get3A_13 = tpu.vector_load %arg9[%get3A_11, %get3A_12] {strides = array<i32>} : memref<8x64xi32, #tpu.memory_space<vmem>>, vector<1x16xi32>,
      %get3A_14 = vector.shape_cast %get3A_13 : vector<1x16xi32> to vector<16xi32>
      %slice3A = vector.extract_strided_slice %get3A_10 {offsets = [0], sizes = [1], strides = [1]} : vector<16xi32> to vector<1xi32>
      %squeeze3A = vector.extract %slice3A[0] : i32 from vector<1xi32>
      %dma_start3A = arith.constant 0 : i32
      %dma_start3A_15 = arith.constant 0 : i32
      %dma_start3A_16 = tpu.memref_slice %arg10[%dma_start3A, %dma_start3A_15] : memref<64x64xf32, #tpu.memory_space<vmem>> -> memref<1x64xf32, #tpu.memory_space<vmem>>
      %dma_start3A_17 = arith.constant 0 : i32
      %dma_start3A_18 = tpu.memref_slice %arg4[%squeeze3A, %dma_start3A_17] : memref<1000000x64xf32, #tpu.memory_space<hbm>> -> memref<1x64xf32, #tpu.memory_space<hbm>>
      %dma_start3A_19 = arith.constant 0 : i32
      %dma_start3A_20 = arith.constant 0 : i32
      %dma_start3A_21 = tpu.memref_slice %arg10[%dma_start3A_19, %dma_start3A_20] : memref<64x64xf32, #tpu.memory_space<vmem>> -> memref<1x64xf32, #tpu.memory_space<vmem>>
      %dma_start3A_22 = arith.constant 0 : i32
      %dma_start3A_23 = tpu.memref_slice %arg4[%squeeze3A, %dma_start3A_22] : memref<1000000x64xf32, #tpu.memory_space<hbm>> -> memref<1x64xf32, #tpu.memory_space<hbm>>
      tpu.enqueue_dma source(%dma_start3A_23 : memref<1x64xf32, #tpu.memory_space<hbm>>) target(%dma_start3A_21 : memref<1x64xf32, #tpu.memory_space<vmem>>) target_semaphore(%arg12 : memref<!tpu.dma_semaphore, #tpu.memory_space<semaphore_mem>>)
      %slice3A_24 = vector.extract_strided_slice %get3A_14 {offsets = [0], sizes = [1], strides = [1]} : vector<16xi32> to vector<1xi32>
      %squeeze3A_25 = vector.extract %slice3A_24[0] : i32 from vector<1xi32>
      %dma_start3A_26 = arith.constant 0 : i32
      %dma_start3A_27 = arith.constant 0 : i32
      %dma_start3A_28 = tpu.memref_slice %arg11[%dma_start3A_26, %dma_start3A_27] : memref<64x64xf32, #tpu.memory_space<vmem>> -> memref<1x64xf32, #tpu.memory_space<vmem>>
      %dma_start3A_29 = arith.constant 0 : i32
      %dma_start3A_30 = tpu.memref_slice %arg5[%squeeze3A_25, %dma_start3A_29] : memref<1000000x64xf32, #tpu.memory_space<hbm>> -> memref<1x64xf32, #tpu.memory_space<hbm>>
      %dma_start3A_31 = arith.constant 0 : i32
      %dma_start3A_32 = arith.constant 0 : i32
      %dma_start3A_33 = tpu.memref_slice %arg11[%dma_start3A_31, %dma_start3A_32] : memref<64x64xf32, #tpu.memory_space<vmem>> -> memref<1x64xf32, #tpu.memory_space<vmem>>
      %dma_start3A_34 = arith.constant 0 : i32
      %dma_start3A_35 = tpu.memref_slice %arg5[%squeeze3A_25, %dma_start3A_34] : memref<1000000x64xf32, #tpu.memory_space<hbm>> -> memref<1x64xf32, #tpu.memory_space<hbm>>
      tpu.enqueue_dma source(%dma_start3A_35 : memref<1x64xf32, #tpu.memory_space<hbm>>) target(%dma_start3A_33 : memref<1x64xf32, #tpu.memory_space<vmem>>) target_semaphore(%arg13 : memref<!tpu.dma_semaphore, #tpu.memory_space<semaphore_mem>>)
      %slice3A_36 = vector.extract_strided_slice %get3A_10 {offsets = [1], sizes = [1], strides = [1]} : vector<16xi32> to vector<1xi32>
      %squeeze3A_37 = vector.extract %slice3A_36[0] : i32 from vector<1xi32>
      %dma_start3A_38 = arith.constant 1 : i32
      %dma_start3A_39 = arith.constant 0 : i32
      %dma_start3A_40 = tpu.memref_slice %arg10[%dma_start3A_38, %dma_start3A_39] : memref<64x64xf32, #tpu.memory_space<vmem>> -> memref<1x64xf32, #tpu.memory_space<vmem>>
      %dma_start3A_41 = arith.constant 0 : i32
      %dma_start3A_42 = tpu.memref_slice %arg4[%squeeze3A_37, %dma_start3A_41] : memref<1000000x64xf32, #tpu.memory_space<hbm>> -> memref<1x64xf32, #tpu.memory_space<hbm>>
      %dma_start3A_43 = arith.constant 1 : i32
      %dma_start3A_44 = arith.constant 0 : i32
      %dma_start3A_45 = tpu.memref_slice %arg10[%dma_start3A_43, %dma_start3A_44] : memref<64x64xf32, #tpu.memory_space<vmem>> -> memref<1x64xf32, #tpu.memory_space<vmem>>
      %dma_start3A_46 = arith.constant 0 : i32
      %dma_start3A_47 = tpu.memref_slice %arg4[%squeeze3A_37, %dma_start3A_46] : memref<1000000x64xf32, #tpu.memory_space<hbm>> -> memref<1x64xf32, #tpu.memory_space<hbm>>
      tpu.enqueue_dma source(%dma_start3A_47 : memref<1x64xf32, #tpu.memory_space<hbm>>) target(%dma_start3A_45 : memref<1x64xf32, #tpu.memory_space<vmem>>) target_semaphore(%arg12 : memref<!tpu.dma_semaphore, #tpu.memory_space<semaphore_mem>>)
      %slice3A_48 = vector.extract_strided_slice %get3A_14 {offsets = [1], sizes = [1], strides = [1]} : vector<16xi32> to vector<1xi32>
      %squeeze3A_49 = vector.extract %slice3A_48[0] : i32 from vector<1xi32>
      %dma_start3A_50 = arith.constant 1 : i32
      %dma_start3A_51 = arith.constant 0 : i32
      %dma_start3A_52 = tpu.memref_slice %arg11[%dma_start3A_50, %dma_start3A_51] : memref<64x64xf32, #tpu.memory_space<vmem>> -> memref<1x64xf32, #tpu.memory_space<vmem>>
      %dma_start3A_53 = arith.constant 0 : i32
      %dma_start3A_54 = tpu.memref_slice %arg5[%squeeze3A_49, %dma_start3A_53] : memref<1000000x64xf32, #tpu.memory_space<hbm>> -> memref<1x64xf32, #tpu.memory_space<hbm>>
      %dma_start3A_55 = arith.constant 1 : i32
      %dma_start3A_56 = arith.constant 0 : i32
      %dma_start3A_57 = tpu.memref_slice %arg11[%dma_start3A_55, %dma_start3A_56] : memref<64x64xf32, #tpu.memory_space<vmem>> -> memref<1x64xf32, #tpu.memory_space<vmem>>
      %dma_start3A_58 = arith.constant 0 : i32
      %dma_start3A_59 = tpu.memref_slice %arg5[%squeeze3A_49, %dma_start3A_58] : memref<1000000x64xf32, #tpu.memory_space<hbm>> -> memref<1x64xf32, #tpu.memory_space<hbm>>
      tpu.enqueue_dma source(%dma_start3A_59 : memref<1x64xf32, #tpu.memory_space<hbm>>) target(%dma_start3A_57 : memref<1x64xf32, #tpu.memory_space<vmem>>) target_semaphore(%arg13 : memref<!tpu.dma_semaphore, #tpu.memory_space<semaphore_mem>>)
      %slice3A_60 = vector.extract_strided_slice %get3A_10 {offsets = [2], sizes = [1], strides = [1]} : vector<16xi32> to vector<1xi32>
      %squeeze3A_61 = vector.extract %slice3A_60[0] : i32 from vector<1xi32>
      %dma_start3A_62 = arith.constant 2 : i32
      %dma_start3A_63 = arith.constant 0 : i32
      %dma_start3A_64 = tpu.memref_slice %arg10[%dma_start3A_62, %dma_start3A_63] : memref<64x64xf32, #tpu.memory_space<vmem>> -> memref<1x64xf32, #tpu.memory_space<vmem>>
      %dma_start3A_65 = arith.constant 0 : i32
      %dma_start3A_66 = tpu.memref_slice %arg4[%squeeze3A_61, %dma_start3A_65] : memref<1000000x64xf32, #tpu.memory_space<hbm>> -> memref<1x64xf32, #tpu.memory_space<hbm>>
      %dma_start3A_67 = arith.constant 2 : i32
      %dma_start3A_68 = arith.constant 0 : i32
      %dma_start3A_69 = tpu.memref_slice %arg10[%dma_start3A_67, %dma_start3A_68] : memref<64x64xf32, #tpu.memory_space<vmem>> -> memref<1x64xf32, #tpu.memory_space<vmem>>
      %dma_start3A_70 = arith.constant 0 : i32
      %dma_start3A_71 = tpu.memref_slice %arg4[%squeeze3A_61, %dma_start3A_70] : memref<1000000x64xf32, #tpu.memory_space<hbm>> -> memref<1x64xf32, #tpu.memory_space<hbm>>
      tpu.enqueue_dma source(%dma_start3A_71 : memref<1x64xf32, #tpu.memory_space<hbm>>) target(%dma_start3A_69 : memref<1x64xf32, #tpu.memory_space<vmem>>) target_semaphore(%arg12 : memref<!tpu.dma_semaphore, #tpu.memory_space<semaphore_mem>>)
      %slice3A_72 = vector.extract_strided_slice %get3A_14 {offsets = [2], sizes = [1], strides = [1]} : vector<16xi32> to vector<1xi32>
      %squeeze3A_73 = vector.extract %slice3A_72[0] : i32 from vector<1xi32>
      %dma_start3A_74 = arith.constant 2 : i32
      %dma_start3A_75 = arith.constant 0 : i32
      %dma_start3A_76 = tpu.memref_slice %arg11[%dma_start3A_74, %dma_start3A_75] : memref<64x64xf32, #tpu.memory_space<vmem>> -> memref<1x64xf32, #tpu.memory_space<vmem>>
      %dma_start3A_77 = arith.constant 0 : i32
      %dma_start3A_78 = tpu.memref_slice %arg5[%squeeze3A_73, %dma_start3A_77] : memref<1000000x64xf32, #tpu.memory_space<hbm>> -> memref<1x64xf32, #tpu.memory_space<hbm>>
      %dma_start3A_79 = arith.constant 2 : i32
      %dma_start3A_80 = arith.constant 0 : i32
      %dma_start3A_81 = tpu.memref_slice %arg11[%dma_start3A_79, %dma_start3A_80] : memref<64x64xf32, #tpu.memory_space<vmem>> -> memref<1x64xf32, #tpu.memory_space<vmem>>
      %dma_start3A_82 = arith.constant 0 : i32
      %dma_start3A_83 = tpu.memref_slice %arg5[%squeeze3A_73, %dma_start3A_82] : memref<1000000x64xf32, #tpu.memory_space<hbm>> -> memref<1x64xf32, #tpu.memory_space<hbm>>
      tpu.enqueue_dma source(%dma_start3A_83 : memref<1x64xf32, #tpu.memory_space<hbm>>) target(%dma_start3A_81 : memref<1x64xf32, #tpu.memory_space<vmem>>) target_semaphore(%arg13 : memref<!tpu.dma_semaphore, #tpu.memory_space<semaphore_mem>>)
      %slice3A_84 = vector.extract_strided_slice %get3A_10 {offsets = [3], sizes = [1], strides = [1]} : vector<16xi32> to vector<1xi32>
      %squeeze3A_85 = vector.extract %slice3A_84[0] : i32 from vector<1xi32>
      %dma_start3A_86 = arith.constant 3 : i32
      %dma_start3A_87 = arith.constant 0 : i32
      %dma_start3A_88 = tpu.memref_slice %arg10[%dma_start3A_86, %dma_start3A_87] : memref<64x64xf32, #tpu.memory_space<vmem>> -> memref<1x64xf32, #tpu.memory_space<vmem>>
      %dma_start3A_89 = arith.constant 0 : i32
      %dma_start3A_90 = tpu.memref_slice %arg4[%squeeze3A_85, %dma_start3A_89] : memref<1000000x64xf32, #tpu.memory_space<hbm>> -> memref<1x64xf32, #tpu.memory_space<hbm>>
      %dma_start3A_91 = arith.constant 3 : i32
      %dma_start3A_92 = arith.constant 0 : i32
      %dma_start3A_93 = tpu.memref_slice %arg10[%dma_start3A_91, %dma_start3A_92] : memref<64x64xf32, #tpu.memory_space<vmem>> -> memref<1x64xf32, #tpu.memory_space<vmem>>
      %dma_start3A_94 = arith.constant 0 : i32
      %dma_start3A_95 = tpu.memref_slice %arg4[%squeeze3A_85, %dma_start3A_94] : memref<1000000x64xf32, #tpu.memory_space<hbm>> -> memref<1x64xf32, #tpu.memory_space<hbm>>
      tpu.enqueue_dma source(%dma_start3A_95 : memref<1x64xf32, #tpu.memory_space<hbm>>) target(%dma_start3A_93 : memref<1x64xf32, #tpu.memory_space<vmem>>) target_semaphore(%arg12 : memref<!tpu.dma_semaphore, #tpu.memory_space<semaphore_mem>>)
      %slice3A_96 = vector.extract_strided_slice %get3A_14 {offsets = [3], sizes = [1], strides = [1]} : vector<16xi32> to vector<1xi32>
      %squeeze3A_97 = vector.extract %slice3A_96[0] : i32 from vector<1xi32>
      %dma_start3A_98 = arith.constant 3 : i32
      %dma_start3A_99 = arith.constant 0 : i32
      %dma_start3A_100 = tpu.memref_slice %arg11[%dma_start3A_98, %dma_start3A_99] : memref<64x64xf32, #tpu.memory_space<vmem>> -> memref<1x64xf32, #tpu.memory_space<vmem>>
      %dma_start3A_101 = arith.constant 0 : i32
      %dma_start3A_102 = tpu.memref_slice %arg5[%squeeze3A_97, %dma_start3A_101] : memref<1000000x64xf32, #tpu.memory_space<hbm>> -> memref<1x64xf32, #tpu.memory_space<hbm>>
      %dma_start3A_103 = arith.constant 3 : i32
      %dma_start3A_104 = arith.constant 0 : i32
      %dma_start3A_105 = tpu.memref_slice %arg11[%dma_start3A_103, %dma_start3A_104] : memref<64x64xf32, #tpu.memory_space<vmem>> -> memref<1x64xf32, #tpu.memory_space<vmem>>
      %dma_start3A_106 = arith.constant 0 : i32
      %dma_start3A_107 = tpu.memref_slice %arg5[%squeeze3A_97, %dma_start3A_106] : memref<1000000x64xf32, #tpu.memory_space<hbm>> -> memref<1x64xf32, #tpu.memory_space<hbm>>
      tpu.enqueue_dma source(%dma_start3A_107 : memref<1x64xf32, #tpu.memory_space<hbm>>) target(%dma_start3A_105 : memref<1x64xf32, #tpu.memory_space<vmem>>) target_semaphore(%arg13 : memref<!tpu.dma_semaphore, #tpu.memory_space<semaphore_mem>>)
      %slice3A_108 = vector.extract_strided_slice %get3A_10 {offsets = [4], sizes = [1], strides = [1]} : vector<16xi32> to vector<1xi32>
      %squeeze3A_109 = vector.extract %slice3A_108[0] : i32 from vector<1xi32>
      %dma_start3A_110 = arith.constant 4 : i32
      %dma_start3A_111 = arith.constant 0 : i32
      %dma_start3A_112 = tpu.memref_slice %arg10[%dma_start3A_110, %dma_start3A_111] : memref<64x64xf32, #tpu.memory_space<vmem>> -> memref<1x64xf32, #tpu.memory_space<vmem>>
      %dma_start3A_113 = arith.constant 0 : i32
      %dma_start3A_114 = tpu.memref_slice %arg4[%squeeze3A_109, %dma_start3A_113] : memref<1000000x64xf32, #tpu.memory_space<hbm>> -> memref<1x64xf32, #tpu.memory_space<hbm>>
      %dma_start3A_115 = arith.constant 4 : i32
      %dma_start3A_116 = arith.constant 0 : i32
      %dma_start3A_117 = tpu.memref_slice %arg10[%dma_start3A_115, %dma_start3A_116] : memref<64x64xf32, #tpu.memory_space<vmem>> -> memref<1x64xf32, #tpu.memory_space<vmem>>
      %dma_start3A_118 = arith.constant 0 : i32
      %dma_start3A_119 = tpu.memref_slice %arg4[%squeeze3A_109, %dma_start3A_118] : memref<1000000x64xf32, #tpu.memory_space<hbm>> -> memref<1x64xf32, #tpu.memory_space<hbm>>
      tpu.enqueue_dma source(%dma_start3A_119 : memref<1x64xf32, #tpu.memory_space<hbm>>) target(%dma_start3A_117 : memref<1x64xf32, #tpu.memory_space<vmem>>) target_semaphore(%arg12 : memref<!tpu.dma_semaphore, #tpu.memory_space<semaphore_mem>>)
      %slice3A_120 = vector.extract_strided_slice %get3A_14 {offsets = [4], sizes = [1], strides = [1]} : vector<16xi32> to vector<1xi32>
      %squeeze3A_121 = vector.extract %slice3A_120[0] : i32 from vector<1xi32>
      %dma_start3A_122 = arith.constant 4 : i32
      %dma_start3A_123 = arith.constant 0 : i32
      %dma_start3A_124 = tpu.memref_slice %arg11[%dma_start3A_122, %dma_start3A_123] : memref<64x64xf32, #tpu.memory_space<vmem>> -> memref<1x64xf32, #tpu.memory_space<vmem>>
      %dma_start3A_125 = arith.constant 0 : i32
      %dma_start3A_126 = tpu.memref_slice %arg5[%squeeze3A_121, %dma_start3A_125] : memref<1000000x64xf32, #tpu.memory_space<hbm>> -> memref<1x64xf32, #tpu.memory_space<hbm>>
      %dma_start3A_127 = arith.constant 4 : i32
      %dma_start3A_128 = arith.constant 0 : i32
      %dma_start3A_129 = tpu.memref_slice %arg11[%dma_start3A_127, %dma_start3A_128] : memref<64x64xf32, #tpu.memory_space<vmem>> -> memref<1x64xf32, #tpu.memory_space<vmem>>
      %dma_start3A_130 = arith.constant 0 : i32
      %dma_start3A_131 = tpu.memref_slice %arg5[%squeeze3A_121, %dma_start3A_130] : memref<1000000x64xf32, #tpu.memory_space<hbm>> -> memref<1x64xf32, #tpu.memory_space<hbm>>
      tpu.enqueue_dma source(%dma_start3A_131 : memref<1x64xf32, #tpu.memory_space<hbm>>) target(%dma_start3A_129 : memref<1x64xf32, #tpu.memory_space<vmem>>) target_semaphore(%arg13 : memref<!tpu.dma_semaphore, #tpu.memory_space<semaphore_mem>>)
      %slice3A_132 = vector.extract_strided_slice %get3A_10 {offsets = [5], sizes = [1], strides = [1]} : vector<16xi32> to vector<1xi32>
      %squeeze3A_133 = vector.extract %slice3A_132[0] : i32 from vector<1xi32>
      %dma_start3A_134 = arith.constant 5 : i32
      %dma_start3A_135 = arith.constant 0 : i32
      %dma_start3A_136 = tpu.memref_slice %arg10[%dma_start3A_134, %dma_start3A_135] : memref<64x64xf32, #tpu.memory_space<vmem>> -> memref<1x64xf32, #tpu.memory_space<vmem>>
      %dma_start3A_137 = arith.constant 0 : i32
      %dma_start3A_138 = tpu.memref_slice %arg4[%squeeze3A_133, %dma_start3A_137] : memref<1000000x64xf32, #tpu.memory_space<hbm>> -> memref<1x64xf32, #tpu.memory_space<hbm>>
      %dma_start3A_139 = arith.constant 5 : i32
      %dma_start3A_140 = arith.constant 0 : i32
      %dma_start3A_141 = tpu.memref_slice %arg10[%dma_start3A_139, %dma_start3A_140] : memref<64x64xf32, #tpu.memory_space<vmem>> -> memref<1x64xf32, #tpu.memory_space<vmem>>
      %dma_start3A_142 = arith.constant 0 : i32
      %dma_start3A_143 = tpu.memref_slice %arg4[%squeeze3A_133, %dma_start3A_142] : memref<1000000x64xf32, #tpu.memory_space<hbm>> -> memref<1x64xf32, #tpu.memory_space<hbm>>
      tpu.enqueue_dma source(%dma_start3A_143 : memref<1x64xf32, #tpu.memory_space<hbm>>) target(%dma_start3A_141 : memref<1x64xf32, #tpu.memory_space<vmem>>) target_semaphore(%arg12 : memref<!tpu.dma_semaphore, #tpu.memory_space<semaphore_mem>>)
      %slice3A_144 = vector.extract_strided_slice %get3A_14 {offsets = [5], sizes = [1], strides = [1]} : vector<16xi32> to vector<1xi32>
      %squeeze3A_145 = vector.extract %slice3A_144[0] : i32 from vector<1xi32>
      %dma_start3A_146 = arith.constant 5 : i32
      %dma_start3A_147 = arith.constant 0 : i32
      %dma_start3A_148 = tpu.memref_slice %arg11[%dma_start3A_146, %dma_start3A_147] : memref<64x64xf32, #tpu.memory_space<vmem>> -> memref<1x64xf32, #tpu.memory_space<vmem>>
      %dma_start3A_149 = arith.constant 0 : i32
      %dma_start3A_150 = tpu.memref_slice %arg5[%squeeze3A_145, %dma_start3A_149] : memref<1000000x64xf32, #tpu.memory_space<hbm>> -> memref<1x64xf32, #tpu.memory_space<hbm>>
      %dma_start3A_151 = arith.constant 5 : i32
      %dma_start3A_152 = arith.constant 0 : i32
      %dma_start3A_153 = tpu.memref_slice %arg11[%dma_start3A_151, %dma_start3A_152] : memref<64x64xf32, #tpu.memory_space<vmem>> -> memref<1x64xf32, #tpu.memory_space<vmem>>
      %dma_start3A_154 = arith.constant 0 : i32
      %dma_start3A_155 = tpu.memref_slice %arg5[%squeeze3A_145, %dma_start3A_154] : memref<1000000x64xf32, #tpu.memory_space<hbm>> -> memref<1x64xf32, #tpu.memory_space<hbm>>
      tpu.enqueue_dma source(%dma_start3A_155 : memref<1x64xf32, #tpu.memory_space<hbm>>) target(%dma_start3A_153 : memref<1x64xf32, #tpu.memory_space<vmem>>) target_semaphore(%arg13 : memref<!tpu.dma_semaphore, #tpu.memory_space<semaphore_mem>>)
      %slice3A_156 = vector.extract_strided_slice %get3A_10 {offsets = [6], sizes = [1], strides = [1]} : vector<16xi32> to vector<1xi32>
      %squeeze3A_157 = vector.extract %slice3A_156[0] : i32 from vector<1xi32>
      %dma_start3A_158 = arith.constant 6 : i32
      %dma_start3A_159 = arith.constant 0 : i32
      %dma_start3A_160 = tpu.memref_slice %arg10[%dma_start3A_158, %dma_start3A_159] : memref<64x64xf32, #tpu.memory_space<vmem>> -> memref<1x64xf32, #tpu.memory_space<vmem>>
      %dma_start3A_161 = arith.constant 0 : i32
      %dma_start3A_162 = tpu.memref_slice %arg4[%squeeze3A_157, %dma_start3A_161] : memref<1000000x64xf32, #tpu.memory_space<hbm>> -> memref<1x64xf32, #tpu.memory_space<hbm>>
      %dma_start3A_163 = arith.constant 6 : i32
      %dma_start3A_164 = arith.constant 0 : i32
      %dma_start3A_165 = tpu.memref_slice %arg10[%dma_start3A_163, %dma_start3A_164] : memref<64x64xf32, #tpu.memory_space<vmem>> -> memref<1x64xf32, #tpu.memory_space<vmem>>
      %dma_start3A_166 = arith.constant 0 : i32
      %dma_start3A_167 = tpu.memref_slice %arg4[%squeeze3A_157, %dma_start3A_166] : memref<1000000x64xf32, #tpu.memory_space<hbm>> -> memref<1x64xf32, #tpu.memory_space<hbm>>
      tpu.enqueue_dma source(%dma_start3A_167 : memref<1x64xf32, #tpu.memory_space<hbm>>) target(%dma_start3A_165 : memref<1x64xf32, #tpu.memory_space<vmem>>) target_semaphore(%arg12 : memref<!tpu.dma_semaphore, #tpu.memory_space<semaphore_mem>>)
      %slice3A_168 = vector.extract_strided_slice %get3A_14 {offsets = [6], sizes = [1], strides = [1]} : vector<16xi32> to vector<1xi32>
      %squeeze3A_169 = vector.extract %slice3A_168[0] : i32 from vector<1xi32>
      %dma_start3A_170 = arith.constant 6 : i32
      %dma_start3A_171 = arith.constant 0 : i32
      %dma_start3A_172 = tpu.memref_slice %arg11[%dma_start3A_170, %dma_start3A_171] : memref<64x64xf32, #tpu.memory_space<vmem>> -> memref<1x64xf32, #tpu.memory_space<vmem>>
      %dma_start3A_173 = arith.constant 0 : i32
      %dma_start3A_174 = tpu.memref_slice %arg5[%squeeze3A_169, %dma_start3A_173] : memref<1000000x64xf32, #tpu.memory_space<hbm>> -> memref<1x64xf32, #tpu.memory_space<hbm>>
      %dma_start3A_175 = arith.constant 6 : i32
      %dma_start3A_176 = arith.constant 0 : i32
      %dma_start3A_177 = tpu.memref_slice %arg11[%dma_start3A_175, %dma_start3A_176] : memref<64x64xf32, #tpu.memory_space<vmem>> -> memref<1x64xf32, #tpu.memory_space<vmem>>
      %dma_start3A_178 = arith.constant 0 : i32
      %dma_start3A_179 = tpu.memref_slice %arg5[%squeeze3A_169, %dma_start3A_178] : memref<1000000x64xf32, #tpu.memory_space<hbm>> -> memref<1x64xf32, #tpu.memory_space<hbm>>
      tpu.enqueue_dma source(%dma_start3A_179 : memref<1x64xf32, #tpu.memory_space<hbm>>) target(%dma_start3A_177 : memref<1x64xf32, #tpu.memory_space<vmem>>) target_semaphore(%arg13 : memref<!tpu.dma_semaphore, #tpu.memory_space<semaphore_mem>>)
      %slice3A_180 = vector.extract_strided_slice %get3A_10 {offsets = [7], sizes = [1], strides = [1]} : vector<16xi32> to vector<1xi32>
      %squeeze3A_181 = vector.extract %slice3A_180[0] : i32 from vector<1xi32>
      %dma_start3A_182 = arith.constant 7 : i32
      %dma_start3A_183 = arith.constant 0 : i32
      %dma_start3A_184 = tpu.memref_slice %arg10[%dma_start3A_182, %dma_start3A_183] : memref<64x64xf32, #tpu.memory_space<vmem>> -> memref<1x64xf32, #tpu.memory_space<vmem>>
      %dma_start3A_185 = arith.constant 0 : i32
      %dma_start3A_186 = tpu.memref_slice %arg4[%squeeze3A_181, %dma_start3A_185] : memref<1000000x64xf32, #tpu.memory_space<hbm>> -> memref<1x64xf32, #tpu.memory_space<hbm>>
      %dma_start3A_187 = arith.constant 7 : i32
      %dma_start3A_188 = arith.constant 0 : i32
      %dma_start3A_189 = tpu.memref_slice %arg10[%dma_start3A_187, %dma_start3A_188] : memref<64x64xf32, #tpu.memory_space<vmem>> -> memref<1x64xf32, #tpu.memory_space<vmem>>
      %dma_start3A_190 = arith.constant 0 : i32
      %dma_start3A_191 = tpu.memref_slice %arg4[%squeeze3A_181, %dma_start3A_190] : memref<1000000x64xf32, #tpu.memory_space<hbm>> -> memref<1x64xf32, #tpu.memory_space<hbm>>
      tpu.enqueue_dma source(%dma_start3A_191 : memref<1x64xf32, #tpu.memory_space<hbm>>) target(%dma_start3A_189 : memref<1x64xf32, #tpu.memory_space<vmem>>) target_semaphore(%arg12 : memref<!tpu.dma_semaphore, #tpu.memory_space<semaphore_mem>>)
      %slice3A_192 = vector.extract_strided_slice %get3A_14 {offsets = [7], sizes = [1], strides = [1]} : vector<16xi32> to vector<1xi32>
      %squeeze3A_193 = vector.extract %slice3A_192[0] : i32 from vector<1xi32>
      %dma_start3A_194 = arith.constant 7 : i32
      %dma_start3A_195 = arith.constant 0 : i32
      %dma_start3A_196 = tpu.memref_slice %arg11[%dma_start3A_194, %dma_start3A_195] : memref<64x64xf32, #tpu.memory_space<vmem>> -> memref<1x64xf32, #tpu.memory_space<vmem>>
      %dma_start3A_197 = arith.constant 0 : i32
      %dma_start3A_198 = tpu.memref_slice %arg5[%squeeze3A_193, %dma_start3A_197] : memref<1000000x64xf32, #tpu.memory_space<hbm>> -> memref<1x64xf32, #tpu.memory_space<hbm>>
      %dma_start3A_199 = arith.constant 7 : i32
      %dma_start3A_200 = arith.constant 0 : i32
      %dma_start3A_201 = tpu.memref_slice %arg11[%dma_start3A_199, %dma_start3A_200] : memref<64x64xf32, #tpu.memory_space<vmem>> -> memref<1x64xf32, #tpu.memory_space<vmem>>
      %dma_start3A_202 = arith.constant 0 : i32
      %dma_start3A_203 = tpu.memref_slice %arg5[%squeeze3A_193, %dma_start3A_202] : memref<1000000x64xf32, #tpu.memory_space<hbm>> -> memref<1x64xf32, #tpu.memory_space<hbm>>
      tpu.enqueue_dma source(%dma_start3A_203 : memref<1x64xf32, #tpu.memory_space<hbm>>) target(%dma_start3A_201 : memref<1x64xf32, #tpu.memory_space<vmem>>) target_semaphore(%arg13 : memref<!tpu.dma_semaphore, #tpu.memory_space<semaphore_mem>>)
      %slice3A_204 = vector.extract_strided_slice %get3A_10 {offsets = [8], sizes = [1], strides = [1]} : vector<16xi32> to vector<1xi32>
      %squeeze3A_205 = vector.extract %slice3A_204[0] : i32 from vector<1xi32>
      %dma_start3A_206 = arith.constant 8 : i32
      %dma_start3A_207 = arith.constant 0 : i32
      %dma_start3A_208 = tpu.memref_slice %arg10[%dma_start3A_206, %dma_start3A_207] : memref<64x64xf32, #tpu.memory_space<vmem>> -> memref<1x64xf32, #tpu.memory_space<vmem>>
      %dma_start3A_209 = arith.constant 0 : i32
      %dma_start3A_210 = tpu.memref_slice %arg4[%squeeze3A_205, %dma_start3A_209] : memref<1000000x64xf32, #tpu.memory_space<hbm>> -> memref<1x64xf32, #tpu.memory_space<hbm>>
      %dma_start3A_211 = arith.constant 8 : i32
      %dma_start3A_212 = arith.constant 0 : i32
      %dma_start3A_213 = tpu.memref_slice %arg10[%dma_start3A_211, %dma_start3A_212] : memref<64x64xf32, #tpu.memory_space<vmem>> -> memref<1x64xf32, #tpu.memory_space<vmem>>
      %dma_start3A_214 = arith.constant 0 : i32
      %dma_start3A_215 = tpu.memref_slice %arg4[%squeeze3A_205, %dma_start3A_214] : memref<1000000x64xf32, #tpu.memory_space<hbm>> -> memref<1x64xf32, #tpu.memory_space<hbm>>
      tpu.enqueue_dma source(%dma_start3A_215 : memref<1x64xf32, #tpu.memory_space<hbm>>) target(%dma_start3A_213 : memref<1x64xf32, #tpu.memory_space<vmem>>) target_semaphore(%arg12 : memref<!tpu.dma_semaphore, #tpu.memory_space<semaphore_mem>>)
      %slice3A_216 = vector.extract_strided_slice %get3A_14 {offsets = [8], sizes = [1], strides = [1]} : vector<16xi32> to vector<1xi32>
      %squeeze3A_217 = vector.extract %slice3A_216[0] : i32 from vector<1xi32>
      %dma_start3A_218 = arith.constant 8 : i32
      %dma_start3A_219 = arith.constant 0 : i32
      %dma_start3A_220 = tpu.memref_slice %arg11[%dma_start3A_218, %dma_start3A_219] : memref<64x64xf32, #tpu.memory_space<vmem>> -> memref<1x64xf32, #tpu.memory_space<vmem>>
      %dma_start3A_221 = arith.constant 0 : i32
      %dma_start3A_222 = tpu.memref_slice %arg5[%squeeze3A_217, %dma_start3A_221] : memref<1000000x64xf32, #tpu.memory_space<hbm>> -> memref<1x64xf32, #tpu.memory_space<hbm>>
      %dma_start3A_223 = arith.constant 8 : i32
      %dma_start3A_224 = arith.constant 0 : i32
      %dma_start3A_225 = tpu.memref_slice %arg11[%dma_start3A_223, %dma_start3A_224] : memref<64x64xf32, #tpu.memory_space<vmem>> -> memref<1x64xf32, #tpu.memory_space<vmem>>
      %dma_start3A_226 = arith.constant 0 : i32
      %dma_start3A_227 = tpu.memref_slice %arg5[%squeeze3A_217, %dma_start3A_226] : memref<1000000x64xf32, #tpu.memory_space<hbm>> -> memref<1x64xf32, #tpu.memory_space<hbm>>
      tpu.enqueue_dma source(%dma_start3A_227 : memref<1x64xf32, #tpu.memory_space<hbm>>) target(%dma_start3A_225 : memref<1x64xf32, #tpu.memory_space<vmem>>) target_semaphore(%arg13 : memref<!tpu.dma_semaphore, #tpu.memory_space<semaphore_mem>>)
      %slice3A_228 = vector.extract_strided_slice %get3A_10 {offsets = [9], sizes = [1], strides = [1]} : vector<16xi32> to vector<1xi32>
      %squeeze3A_229 = vector.extract %slice3A_228[0] : i32 from vector<1xi32>
      %dma_start3A_230 = arith.constant 9 : i32
      %dma_start3A_231 = arith.constant 0 : i32
      %dma_start3A_232 = tpu.memref_slice %arg10[%dma_start3A_230, %dma_start3A_231] : memref<64x64xf32, #tpu.memory_space<vmem>> -> memref<1x64xf32, #tpu.memory_space<vmem>>
      %dma_start3A_233 = arith.constant 0 : i32
      %dma_start3A_234 = tpu.memref_slice %arg4[%squeeze3A_229, %dma_start3A_233] : memref<1000000x64xf32, #tpu.memory_space<hbm>> -> memref<1x64xf32, #tpu.memory_space<hbm>>
      %dma_start3A_235 = arith.constant 9 : i32
      %dma_start3A_236 = arith.constant 0 : i32
      %dma_start3A_237 = tpu.memref_slice %arg10[%dma_start3A_235, %dma_start3A_236] : memref<64x64xf32, #tpu.memory_space<vmem>> -> memref<1x64xf32, #tpu.memory_space<vmem>>
      %dma_start3A_238 = arith.constant 0 : i32
      %dma_start3A_239 = tpu.memref_slice %arg4[%squeeze3A_229, %dma_start3A_238] : memref<1000000x64xf32, #tpu.memory_space<hbm>> -> memref<1x64xf32, #tpu.memory_space<hbm>>
      tpu.enqueue_dma source(%dma_start3A_239 : memref<1x64xf32, #tpu.memory_space<hbm>>) target(%dma_start3A_237 : memref<1x64xf32, #tpu.memory_space<vmem>>) target_semaphore(%arg12 : memref<!tpu.dma_semaphore, #tpu.memory_space<semaphore_mem>>)
      %slice3A_240 = vector.extract_strided_slice %get3A_14 {offsets = [9], sizes = [1], strides = [1]} : vector<16xi32> to vector<1xi32>
      %squeeze3A_241 = vector.extract %slice3A_240[0] : i32 from vector<1xi32>
      %dma_start3A_242 = arith.constant 9 : i32
      %dma_start3A_243 = arith.constant 0 : i32
      %dma_start3A_244 = tpu.memref_slice %arg11[%dma_start3A_242, %dma_start3A_243] : memref<64x64xf32, #tpu.memory_space<vmem>> -> memref<1x64xf32, #tpu.memory_space<vmem>>
      %dma_start3A_245 = arith.constant 0 : i32
      %dma_start3A_246 = tpu.memref_slice %arg5[%squeeze3A_241, %dma_start3A_245] : memref<1000000x64xf32, #tpu.memory_space<hbm>> -> memref<1x64xf32, #tpu.memory_space<hbm>>
      %dma_start3A_247 = arith.constant 9 : i32
      %dma_start3A_248 = arith.constant 0 : i32
      %dma_start3A_249 = tpu.memref_slice %arg11[%dma_start3A_247, %dma_start3A_248] : memref<64x64xf32, #tpu.memory_space<vmem>> -> memref<1x64xf32, #tpu.memory_space<vmem>>
      %dma_start3A_250 = arith.constant 0 : i32
      %dma_start3A_251 = tpu.memref_slice %arg5[%squeeze3A_241, %dma_start3A_250] : memref<1000000x64xf32, #tpu.memory_space<hbm>> -> memref<1x64xf32, #tpu.memory_space<hbm>>
      tpu.enqueue_dma source(%dma_start3A_251 : memref<1x64xf32, #tpu.memory_space<hbm>>) target(%dma_start3A_249 : memref<1x64xf32, #tpu.memory_space<vmem>>) target_semaphore(%arg13 : memref<!tpu.dma_semaphore, #tpu.memory_space<semaphore_mem>>)
      %slice3A_252 = vector.extract_strided_slice %get3A_10 {offsets = [10], sizes = [1], strides = [1]} : vector<16xi32> to vector<1xi32>
      %squeeze3A_253 = vector.extract %slice3A_252[0] : i32 from vector<1xi32>
      %dma_start3A_254 = arith.constant 10 : i32
      %dma_start3A_255 = arith.constant 0 : i32
      %dma_start3A_256 = tpu.memref_slice %arg10[%dma_start3A_254, %dma_start3A_255] : memref<64x64xf32, #tpu.memory_space<vmem>> -> memref<1x64xf32, #tpu.memory_space<vmem>>
      %dma_start3A_257 = arith.constant 0 : i32
      %dma_start3A_258 = tpu.memref_slice %arg4[%squeeze3A_253, %dma_start3A_257] : memref<1000000x64xf32, #tpu.memory_space<hbm>> -> memref<1x64xf32, #tpu.memory_space<hbm>>
      %dma_start3A_259 = arith.constant 10 : i32
      %dma_start3A_260 = arith.constant 0 : i32
      %dma_start3A_261 = tpu.memref_slice %arg10[%dma_start3A_259, %dma_start3A_260] : memref<64x64xf32, #tpu.memory_space<vmem>> -> memref<1x64xf32, #tpu.memory_space<vmem>>
      %dma_start3A_262 = arith.constant 0 : i32
      %dma_start3A_263 = tpu.memref_slice %arg4[%squeeze3A_253, %dma_start3A_262] : memref<1000000x64xf32, #tpu.memory_space<hbm>> -> memref<1x64xf32, #tpu.memory_space<hbm>>
      tpu.enqueue_dma source(%dma_start3A_263 : memref<1x64xf32, #tpu.memory_space<hbm>>) target(%dma_start3A_261 : memref<1x64xf32, #tpu.memory_space<vmem>>) target_semaphore(%arg12 : memref<!tpu.dma_semaphore, #tpu.memory_space<semaphore_mem>>)
      %slice3A_264 = vector.extract_strided_slice %get3A_14 {offsets = [10], sizes = [1], strides = [1]} : vector<16xi32> to vector<1xi32>
      %squeeze3A_265 = vector.extract %slice3A_264[0] : i32 from vector<1xi32>
      %dma_start3A_266 = arith.constant 10 : i32
      %dma_start3A_267 = arith.constant 0 : i32
      %dma_start3A_268 = tpu.memref_slice %arg11[%dma_start3A_266, %dma_start3A_267] : memref<64x64xf32, #tpu.memory_space<vmem>> -> memref<1x64xf32, #tpu.memory_space<vmem>>
      %dma_start3A_269 = arith.constant 0 : i32
      %dma_start3A_270 = tpu.memref_slice %arg5[%squeeze3A_265, %dma_start3A_269] : memref<1000000x64xf32, #tpu.memory_space<hbm>> -> memref<1x64xf32, #tpu.memory_space<hbm>>
      %dma_start3A_271 = arith.constant 10 : i32
      %dma_start3A_272 = arith.constant 0 : i32
      %dma_start3A_273 = tpu.memref_slice %arg11[%dma_start3A_271, %dma_start3A_272] : memref<64x64xf32, #tpu.memory_space<vmem>> -> memref<1x64xf32, #tpu.memory_space<vmem>>
      %dma_start3A_274 = arith.constant 0 : i32
      %dma_start3A_275 = tpu.memref_slice %arg5[%squeeze3A_265, %dma_start3A_274] : memref<1000000x64xf32, #tpu.memory_space<hbm>> -> memref<1x64xf32, #tpu.memory_space<hbm>>
      tpu.enqueue_dma source(%dma_start3A_275 : memref<1x64xf32, #tpu.memory_space<hbm>>) target(%dma_start3A_273 : memref<1x64xf32, #tpu.memory_space<vmem>>) target_semaphore(%arg13 : memref<!tpu.dma_semaphore, #tpu.memory_space<semaphore_mem>>)
      %slice3A_276 = vector.extract_strided_slice %get3A_10 {offsets = [11], sizes = [1], strides = [1]} : vector<16xi32> to vector<1xi32>
      %squeeze3A_277 = vector.extract %slice3A_276[0] : i32 from vector<1xi32>
      %dma_start3A_278 = arith.constant 11 : i32
      %dma_start3A_279 = arith.constant 0 : i32
      %dma_start3A_280 = tpu.memref_slice %arg10[%dma_start3A_278, %dma_start3A_279] : memref<64x64xf32, #tpu.memory_space<vmem>> -> memref<1x64xf32, #tpu.memory_space<vmem>>
      %dma_start3A_281 = arith.constant 0 : i32
      %dma_start3A_282 = tpu.memref_slice %arg4[%squeeze3A_277, %dma_start3A_281] : memref<1000000x64xf32, #tpu.memory_space<hbm>> -> memref<1x64xf32, #tpu.memory_space<hbm>>
      %dma_start3A_283 = arith.constant 11 : i32
      %dma_start3A_284 = arith.constant 0 : i32
      %dma_start3A_285 = tpu.memref_slice %arg10[%dma_start3A_283, %dma_start3A_284] : memref<64x64xf32, #tpu.memory_space<vmem>> -> memref<1x64xf32, #tpu.memory_space<vmem>>
      %dma_start3A_286 = arith.constant 0 : i32
      %dma_start3A_287 = tpu.memref_slice %arg4[%squeeze3A_277, %dma_start3A_286] : memref<1000000x64xf32, #tpu.memory_space<hbm>> -> memref<1x64xf32, #tpu.memory_space<hbm>>
      tpu.enqueue_dma source(%dma_start3A_287 : memref<1x64xf32, #tpu.memory_space<hbm>>) target(%dma_start3A_285 : memref<1x64xf32, #tpu.memory_space<vmem>>) target_semaphore(%arg12 : memref<!tpu.dma_semaphore, #tpu.memory_space<semaphore_mem>>)
      %slice3A_288 = vector.extract_strided_slice %get3A_14 {offsets = [11], sizes = [1], strides = [1]} : vector<16xi32> to vector<1xi32>
      %squeeze3A_289 = vector.extract %slice3A_288[0] : i32 from vector<1xi32>
      %dma_start3A_290 = arith.constant 11 : i32
      %dma_start3A_291 = arith.constant 0 : i32
      %dma_start3A_292 = tpu.memref_slice %arg11[%dma_start3A_290, %dma_start3A_291] : memref<64x64xf32, #tpu.memory_space<vmem>> -> memref<1x64xf32, #tpu.memory_space<vmem>>
      %dma_start3A_293 = arith.constant 0 : i32
      %dma_start3A_294 = tpu.memref_slice %arg5[%squeeze3A_289, %dma_start3A_293] : memref<1000000x64xf32, #tpu.memory_space<hbm>> -> memref<1x64xf32, #tpu.memory_space<hbm>>
      %dma_start3A_295 = arith.constant 11 : i32
      %dma_start3A_296 = arith.constant 0 : i32
      %dma_start3A_297 = tpu.memref_slice %arg11[%dma_start3A_295, %dma_start3A_296] : memref<64x64xf32, #tpu.memory_space<vmem>> -> memref<1x64xf32, #tpu.memory_space<vmem>>
      %dma_start3A_298 = arith.constant 0 : i32
      %dma_start3A_299 = tpu.memref_slice %arg5[%squeeze3A_289, %dma_start3A_298] : memref<1000000x64xf32, #tpu.memory_space<hbm>> -> memref<1x64xf32, #tpu.memory_space<hbm>>
      tpu.enqueue_dma source(%dma_start3A_299 : memref<1x64xf32, #tpu.memory_space<hbm>>) target(%dma_start3A_297 : memref<1x64xf32, #tpu.memory_space<vmem>>) target_semaphore(%arg13 : memref<!tpu.dma_semaphore, #tpu.memory_space<semaphore_mem>>)
      %slice3A_300 = vector.extract_strided_slice %get3A_10 {offsets = [12], sizes = [1], strides = [1]} : vector<16xi32> to vector<1xi32>
      %squeeze3A_301 = vector.extract %slice3A_300[0] : i32 from vector<1xi32>
      %dma_start3A_302 = arith.constant 12 : i32
      %dma_start3A_303 = arith.constant 0 : i32
      %dma_start3A_304 = tpu.memref_slice %arg10[%dma_start3A_302, %dma_start3A_303] : memref<64x64xf32, #tpu.memory_space<vmem>> -> memref<1x64xf32, #tpu.memory_space<vmem>>
      %dma_start3A_305 = arith.constant 0 : i32
      %dma_start3A_306 = tpu.memref_slice %arg4[%squeeze3A_301, %dma_start3A_305] : memref<1000000x64xf32, #tpu.memory_space<hbm>> -> memref<1x64xf32, #tpu.memory_space<hbm>>
      %dma_start3A_307 = arith.constant 12 : i32
      %dma_start3A_308 = arith.constant 0 : i32
      %dma_start3A_309 = tpu.memref_slice %arg10[%dma_start3A_307, %dma_start3A_308] : memref<64x64xf32, #tpu.memory_space<vmem>> -> memref<1x64xf32, #tpu.memory_space<vmem>>
      %dma_start3A_310 = arith.constant 0 : i32
      %dma_start3A_311 = tpu.memref_slice %arg4[%squeeze3A_301, %dma_start3A_310] : memref<1000000x64xf32, #tpu.memory_space<hbm>> -> memref<1x64xf32, #tpu.memory_space<hbm>>
      tpu.enqueue_dma source(%dma_start3A_311 : memref<1x64xf32, #tpu.memory_space<hbm>>) target(%dma_start3A_309 : memref<1x64xf32, #tpu.memory_space<vmem>>) target_semaphore(%arg12 : memref<!tpu.dma_semaphore, #tpu.memory_space<semaphore_mem>>)
      %slice3A_312 = vector.extract_strided_slice %get3A_14 {offsets = [12], sizes = [1], strides = [1]} : vector<16xi32> to vector<1xi32>
      %squeeze3A_313 = vector.extract %slice3A_312[0] : i32 from vector<1xi32>
      %dma_start3A_314 = arith.constant 12 : i32
      %dma_start3A_315 = arith.constant 0 : i32
      %dma_start3A_316 = tpu.memref_slice %arg11[%dma_start3A_314, %dma_start3A_315] : memref<64x64xf32, #tpu.memory_space<vmem>> -> memref<1x64xf32, #tpu.memory_space<vmem>>
      %dma_start3A_317 = arith.constant 0 : i32
      %dma_start3A_318 = tpu.memref_slice %arg5[%squeeze3A_313, %dma_start3A_317] : memref<1000000x64xf32, #tpu.memory_space<hbm>> -> memref<1x64xf32, #tpu.memory_space<hbm>>
      %dma_start3A_319 = arith.constant 12 : i32
      %dma_start3A_320 = arith.constant 0 : i32
      %dma_start3A_321 = tpu.memref_slice %arg11[%dma_start3A_319, %dma_start3A_320] : memref<64x64xf32, #tpu.memory_space<vmem>> -> memref<1x64xf32, #tpu.memory_space<vmem>>
      %dma_start3A_322 = arith.constant 0 : i32
      %dma_start3A_323 = tpu.memref_slice %arg5[%squeeze3A_313, %dma_start3A_322] : memref<1000000x64xf32, #tpu.memory_space<hbm>> -> memref<1x64xf32, #tpu.memory_space<hbm>>
      tpu.enqueue_dma source(%dma_start3A_323 : memref<1x64xf32, #tpu.memory_space<hbm>>) target(%dma_start3A_321 : memref<1x64xf32, #tpu.memory_space<vmem>>) target_semaphore(%arg13 : memref<!tpu.dma_semaphore, #tpu.memory_space<semaphore_mem>>)
      %slice3A_324 = vector.extract_strided_slice %get3A_10 {offsets = [13], sizes = [1], strides = [1]} : vector<16xi32> to vector<1xi32>
      %squeeze3A_325 = vector.extract %slice3A_324[0] : i32 from vector<1xi32>
      %dma_start3A_326 = arith.constant 13 : i32
      %dma_start3A_327 = arith.constant 0 : i32
      %dma_start3A_328 = tpu.memref_slice %arg10[%dma_start3A_326, %dma_start3A_327] : memref<64x64xf32, #tpu.memory_space<vmem>> -> memref<1x64xf32, #tpu.memory_space<vmem>>
      %dma_start3A_329 = arith.constant 0 : i32
      %dma_start3A_330 = tpu.memref_slice %arg4[%squeeze3A_325, %dma_start3A_329] : memref<1000000x64xf32, #tpu.memory_space<hbm>> -> memref<1x64xf32, #tpu.memory_space<hbm>>
      %dma_start3A_331 = arith.constant 13 : i32
      %dma_start3A_332 = arith.constant 0 : i32
      %dma_start3A_333 = tpu.memref_slice %arg10[%dma_start3A_331, %dma_start3A_332] : memref<64x64xf32, #tpu.memory_space<vmem>> -> memref<1x64xf32, #tpu.memory_space<vmem>>
      %dma_start3A_334 = arith.constant 0 : i32
      %dma_start3A_335 = tpu.memref_slice %arg4[%squeeze3A_325, %dma_start3A_334] : memref<1000000x64xf32, #tpu.memory_space<hbm>> -> memref<1x64xf32, #tpu.memory_space<hbm>>
      tpu.enqueue_dma source(%dma_start3A_335 : memref<1x64xf32, #tpu.memory_space<hbm>>) target(%dma_start3A_333 : memref<1x64xf32, #tpu.memory_space<vmem>>) target_semaphore(%arg12 : memref<!tpu.dma_semaphore, #tpu.memory_space<semaphore_mem>>)
      %slice3A_336 = vector.extract_strided_slice %get3A_14 {offsets = [13], sizes = [1], strides = [1]} : vector<16xi32> to vector<1xi32>
      %squeeze3A_337 = vector.extract %slice3A_336[0] : i32 from vector<1xi32>
      %dma_start3A_338 = arith.constant 13 : i32
      %dma_start3A_339 = arith.constant 0 : i32
      %dma_start3A_340 = tpu.memref_slice %arg11[%dma_start3A_338, %dma_start3A_339] : memref<64x64xf32, #tpu.memory_space<vmem>> -> memref<1x64xf32, #tpu.memory_space<vmem>>
      %dma_start3A_341 = arith.constant 0 : i32
      %dma_start3A_342 = tpu.memref_slice %arg5[%squeeze3A_337, %dma_start3A_341] : memref<1000000x64xf32, #tpu.memory_space<hbm>> -> memref<1x64xf32, #tpu.memory_space<hbm>>
      %dma_start3A_343 = arith.constant 13 : i32
      %dma_start3A_344 = arith.constant 0 : i32
      %dma_start3A_345 = tpu.memref_slice %arg11[%dma_start3A_343, %dma_start3A_344] : memref<64x64xf32, #tpu.memory_space<vmem>> -> memref<1x64xf32, #tpu.memory_space<vmem>>
      %dma_start3A_346 = arith.constant 0 : i32
      %dma_start3A_347 = tpu.memref_slice %arg5[%squeeze3A_337, %dma_start3A_346] : memref<1000000x64xf32, #tpu.memory_space<hbm>> -> memref<1x64xf32, #tpu.memory_space<hbm>>
      tpu.enqueue_dma source(%dma_start3A_347 : memref<1x64xf32, #tpu.memory_space<hbm>>) target(%dma_start3A_345 : memref<1x64xf32, #tpu.memory_space<vmem>>) target_semaphore(%arg13 : memref<!tpu.dma_semaphore, #tpu.memory_space<semaphore_mem>>)
      %slice3A_348 = vector.extract_strided_slice %get3A_10 {offsets = [14], sizes = [1], strides = [1]} : vector<16xi32> to vector<1xi32>
      %squeeze3A_349 = vector.extract %slice3A_348[0] : i32 from vector<1xi32>
      %dma_start3A_350 = arith.constant 14 : i32
      %dma_start3A_351 = arith.constant 0 : i32
      %dma_start3A_352 = tpu.memref_slice %arg10[%dma_start3A_350, %dma_start3A_351] : memref<64x64xf32, #tpu.memory_space<vmem>> -> memref<1x64xf32, #tpu.memory_space<vmem>>
      %dma_start3A_353 = arith.constant 0 : i32
      %dma_start3A_354 = tpu.memref_slice %arg4[%squeeze3A_349, %dma_start3A_353] : memref<1000000x64xf32, #tpu.memory_space<hbm>> -> memref<1x64xf32, #tpu.memory_space<hbm>>
      %dma_start3A_355 = arith.constant 14 : i32
      %dma_start3A_356 = arith.constant 0 : i32
      %dma_start3A_357 = tpu.memref_slice %arg10[%dma_start3A_355, %dma_start3A_356] : memref<64x64xf32, #tpu.memory_space<vmem>> -> memref<1x64xf32, #tpu.memory_space<vmem>>
      %dma_start3A_358 = arith.constant 0 : i32
      %dma_start3A_359 = tpu.memref_slice %arg4[%squeeze3A_349, %dma_start3A_358] : memref<1000000x64xf32, #tpu.memory_space<hbm>> -> memref<1x64xf32, #tpu.memory_space<hbm>>
      tpu.enqueue_dma source(%dma_start3A_359 : memref<1x64xf32, #tpu.memory_space<hbm>>) target(%dma_start3A_357 : memref<1x64xf32, #tpu.memory_space<vmem>>) target_semaphore(%arg12 : memref<!tpu.dma_semaphore, #tpu.memory_space<semaphore_mem>>)
      %slice3A_360 = vector.extract_strided_slice %get3A_14 {offsets = [14], sizes = [1], strides = [1]} : vector<16xi32> to vector<1xi32>
      %squeeze3A_361 = vector.extract %slice3A_360[0] : i32 from vector<1xi32>
      %dma_start3A_362 = arith.constant 14 : i32
      %dma_start3A_363 = arith.constant 0 : i32
      %dma_start3A_364 = tpu.memref_slice %arg11[%dma_start3A_362, %dma_start3A_363] : memref<64x64xf32, #tpu.memory_space<vmem>> -> memref<1x64xf32, #tpu.memory_space<vmem>>
      %dma_start3A_365 = arith.constant 0 : i32
      %dma_start3A_366 = tpu.memref_slice %arg5[%squeeze3A_361, %dma_start3A_365] : memref<1000000x64xf32, #tpu.memory_space<hbm>> -> memref<1x64xf32, #tpu.memory_space<hbm>>
      %dma_start3A_367 = arith.constant 14 : i32
      %dma_start3A_368 = arith.constant 0 : i32
      %dma_start3A_369 = tpu.memref_slice %arg11[%dma_start3A_367, %dma_start3A_368] : memref<64x64xf32, #tpu.memory_space<vmem>> -> memref<1x64xf32, #tpu.memory_space<vmem>>
      %dma_start3A_370 = arith.constant 0 : i32
      %dma_start3A_371 = tpu.memref_slice %arg5[%squeeze3A_361, %dma_start3A_370] : memref<1000000x64xf32, #tpu.memory_space<hbm>> -> memref<1x64xf32, #tpu.memory_space<hbm>>
      tpu.enqueue_dma source(%dma_start3A_371 : memref<1x64xf32, #tpu.memory_space<hbm>>) target(%dma_start3A_369 : memref<1x64xf32, #tpu.memory_space<vmem>>) target_semaphore(%arg13 : memref<!tpu.dma_semaphore, #tpu.memory_space<semaphore_mem>>)
      %slice3A_372 = vector.extract_strided_slice %get3A_10 {offsets = [15], sizes = [1], strides = [1]} : vector<16xi32> to vector<1xi32>
      %squeeze3A_373 = vector.extract %slice3A_372[0] : i32 from vector<1xi32>
      %dma_start3A_374 = arith.constant 15 : i32
      %dma_start3A_375 = arith.constant 0 : i32
      %dma_start3A_376 = tpu.memref_slice %arg10[%dma_start3A_374, %dma_start3A_375] : memref<64x64xf32, #tpu.memory_space<vmem>> -> memref<1x64xf32, #tpu.memory_space<vmem>>
      %dma_start3A_377 = arith.constant 0 : i32
      %dma_start3A_378 = tpu.memref_slice %arg4[%squeeze3A_373, %dma_start3A_377] : memref<1000000x64xf32, #tpu.memory_space<hbm>> -> memref<1x64xf32, #tpu.memory_space<hbm>>
      %dma_start3A_379 = arith.constant 15 : i32
      %dma_start3A_380 = arith.constant 0 : i32
      %dma_start3A_381 = tpu.memref_slice %arg10[%dma_start3A_379, %dma_start3A_380] : memref<64x64xf32, #tpu.memory_space<vmem>> -> memref<1x64xf32, #tpu.memory_space<vmem>>
      %dma_start3A_382 = arith.constant 0 : i32
      %dma_start3A_383 = tpu.memref_slice %arg4[%squeeze3A_373, %dma_start3A_382] : memref<1000000x64xf32, #tpu.memory_space<hbm>> -> memref<1x64xf32, #tpu.memory_space<hbm>>
      tpu.enqueue_dma source(%dma_start3A_383 : memref<1x64xf32, #tpu.memory_space<hbm>>) target(%dma_start3A_381 : memref<1x64xf32, #tpu.memory_space<vmem>>) target_semaphore(%arg12 : memref<!tpu.dma_semaphore, #tpu.memory_space<semaphore_mem>>)
      %slice3A_384 = vector.extract_strided_slice %get3A_14 {offsets = [15], sizes = [1], strides = [1]} : vector<16xi32> to vector<1xi32>
      %squeeze3A_385 = vector.extract %slice3A_384[0] : i32 from vector<1xi32>
      %dma_start3A_386 = arith.constant 15 : i32
      %dma_start3A_387 = arith.constant 0 : i32
      %dma_start3A_388 = tpu.memref_slice %arg11[%dma_start3A_386, %dma_start3A_387] : memref<64x64xf32, #tpu.memory_space<vmem>> -> memref<1x64xf32, #tpu.memory_space<vmem>>
      %dma_start3A_389 = arith.constant 0 : i32
      %dma_start3A_390 = tpu.memref_slice %arg5[%squeeze3A_385, %dma_start3A_389] : memref<1000000x64xf32, #tpu.memory_space<hbm>> -> memref<1x64xf32, #tpu.memory_space<hbm>>
      %dma_start3A_391 = arith.constant 15 : i32
      %dma_start3A_392 = arith.constant 0 : i32
      %dma_start3A_393 = tpu.memref_slice %arg11[%dma_start3A_391, %dma_start3A_392] : memref<64x64xf32, #tpu.memory_space<vmem>> -> memref<1x64xf32, #tpu.memory_space<vmem>>
      %dma_start3A_394 = arith.constant 0 : i32
      %dma_start3A_395 = tpu.memref_slice %arg5[%squeeze3A_385, %dma_start3A_394] : memref<1000000x64xf32, #tpu.memory_space<hbm>> -> memref<1x64xf32, #tpu.memory_space<hbm>>
      tpu.enqueue_dma source(%dma_start3A_395 : memref<1x64xf32, #tpu.memory_space<hbm>>) target(%dma_start3A_393 : memref<1x64xf32, #tpu.memory_space<vmem>>) target_semaphore(%arg13 : memref<!tpu.dma_semaphore, #tpu.memory_space<semaphore_mem>>)
      %get3A_396 = arith.index_cast %scan3A_7 : i32 to index
      %get3A_397 = arith.constant 16 : index
      %get3A_398 = tpu.vector_load %arg8[%get3A_396, %get3A_397] {strides = array<i32>} : memref<8x64xi32, #tpu.memory_space<vmem>>, vector<1x16xi32>,
      %get3A_399 = vector.shape_cast %get3A_398 : vector<1x16xi32> to vector<16xi32>
      %get3A_400 = arith.index_cast %scan3A_7 : i32 to index
      %get3A_401 = arith.constant 16 : index
      %get3A_402 = tpu.vector_load %arg9[%get3A_400, %get3A_401] {strides = array<i32>} : memref<8x64xi32, #tpu.memory_space<vmem>>, vector<1x16xi32>,
      %get3A_403 = vector.shape_cast %get3A_402 : vector<1x16xi32> to vector<16xi32>
      %slice3A_404 = vector.extract_strided_slice %get3A_399 {offsets = [0], sizes = [1], strides = [1]} : vector<16xi32> to vector<1xi32>
      %squeeze3A_405 = vector.extract %slice3A_404[0] : i32 from vector<1xi32>
      %dma_start3A_406 = arith.constant 16 : i32
      %dma_start3A_407 = arith.constant 0 : i32
      %dma_start3A_408 = tpu.memref_slice %arg10[%dma_start3A_406, %dma_start3A_407] : memref<64x64xf32, #tpu.memory_space<vmem>> -> memref<1x64xf32, #tpu.memory_space<vmem>>
      %dma_start3A_409 = arith.constant 0 : i32
      %dma_start3A_410 = tpu.memref_slice %arg4[%squeeze3A_405, %dma_start3A_409] : memref<1000000x64xf32, #tpu.memory_space<hbm>> -> memref<1x64xf32, #tpu.memory_space<hbm>>
      %dma_start3A_411 = arith.constant 16 : i32
      %dma_start3A_412 = arith.constant 0 : i32
      %dma_start3A_413 = tpu.memref_slice %arg10[%dma_start3A_411, %dma_start3A_412] : memref<64x64xf32, #tpu.memory_space<vmem>> -> memref<1x64xf32, #tpu.memory_space<vmem>>
      %dma_start3A_414 = arith.constant 0 : i32
      %dma_start3A_415 = tpu.memref_slice %arg4[%squeeze3A_405, %dma_start3A_414] : memref<1000000x64xf32, #tpu.memory_space<hbm>> -> memref<1x64xf32, #tpu.memory_space<hbm>>
      tpu.enqueue_dma source(%dma_start3A_415 : memref<1x64xf32, #tpu.memory_space<hbm>>) target(%dma_start3A_413 : memref<1x64xf32, #tpu.memory_space<vmem>>) target_semaphore(%arg12 : memref<!tpu.dma_semaphore, #tpu.memory_space<semaphore_mem>>)
      %slice3A_416 = vector.extract_strided_slice %get3A_403 {offsets = [0], sizes = [1], strides = [1]} : vector<16xi32> to vector<1xi32>
      %squeeze3A_417 = vector.extract %slice3A_416[0] : i32 from vector<1xi32>
      %dma_start3A_418 = arith.constant 16 : i32
      %dma_start3A_419 = arith.constant 0 : i32
      %dma_start3A_420 = tpu.memref_slice %arg11[%dma_start3A_418, %dma_start3A_419] : memref<64x64xf32, #tpu.memory_space<vmem>> -> memref<1x64xf32, #tpu.memory_space<vmem>>
      %dma_start3A_421 = arith.constant 0 : i32
      %dma_start3A_422 = tpu.memref_slice %arg5[%squeeze3A_417, %dma_start3A_421] : memref<1000000x64xf32, #tpu.memory_space<hbm>> -> memref<1x64xf32, #tpu.memory_space<hbm>>
      %dma_start3A_423 = arith.constant 16 : i32
      %dma_start3A_424 = arith.constant 0 : i32
      %dma_start3A_425 = tpu.memref_slice %arg11[%dma_start3A_423, %dma_start3A_424] : memref<64x64xf32, #tpu.memory_space<vmem>> -> memref<1x64xf32, #tpu.memory_space<vmem>>
      %dma_start3A_426 = arith.constant 0 : i32
      %dma_start3A_427 = tpu.memref_slice %arg5[%squeeze3A_417, %dma_start3A_426] : memref<1000000x64xf32, #tpu.memory_space<hbm>> -> memref<1x64xf32, #tpu.memory_space<hbm>>
      tpu.enqueue_dma source(%dma_start3A_427 : memref<1x64xf32, #tpu.memory_space<hbm>>) target(%dma_start3A_425 : memref<1x64xf32, #tpu.memory_space<vmem>>) target_semaphore(%arg13 : memref<!tpu.dma_semaphore, #tpu.memory_space<semaphore_mem>>)
      %slice3A_428 = vector.extract_strided_slice %get3A_399 {offsets = [1], sizes = [1], strides = [1]} : vector<16xi32> to vector<1xi32>
      %squeeze3A_429 = vector.extract %slice3A_428[0] : i32 from vector<1xi32>
      %dma_start3A_430 = arith.constant 17 : i32
      %dma_start3A_431 = arith.constant 0 : i32
      %dma_start3A_432 = tpu.memref_slice %arg10[%dma_start3A_430, %dma_start3A_431] : memref<64x64xf32, #tpu.memory_space<vmem>> -> memref<1x64xf32, #tpu.memory_space<vmem>>
      %dma_start3A_433 = arith.constant 0 : i32
      %dma_start3A_434 = tpu.memref_slice %arg4[%squeeze3A_429, %dma_start3A_433] : memref<1000000x64xf32, #tpu.memory_space<hbm>> -> memref<1x64xf32, #tpu.memory_space<hbm>>
      %dma_start3A_435 = arith.constant 17 : i32
      %dma_start3A_436 = arith.constant 0 : i32
      %dma_start3A_437 = tpu.memref_slice %arg10[%dma_start3A_435, %dma_start3A_436] : memref<64x64xf32, #tpu.memory_space<vmem>> -> memref<1x64xf32, #tpu.memory_space<vmem>>
      %dma_start3A_438 = arith.constant 0 : i32
      %dma_start3A_439 = tpu.memref_slice %arg4[%squeeze3A_429, %dma_start3A_438] : memref<1000000x64xf32, #tpu.memory_space<hbm>> -> memref<1x64xf32, #tpu.memory_space<hbm>>
      tpu.enqueue_dma source(%dma_start3A_439 : memref<1x64xf32, #tpu.memory_space<hbm>>) target(%dma_start3A_437 : memref<1x64xf32, #tpu.memory_space<vmem>>) target_semaphore(%arg12 : memref<!tpu.dma_semaphore, #tpu.memory_space<semaphore_mem>>)
      %slice3A_440 = vector.extract_strided_slice %get3A_403 {offsets = [1], sizes = [1], strides = [1]} : vector<16xi32> to vector<1xi32>
      %squeeze3A_441 = vector.extract %slice3A_440[0] : i32 from vector<1xi32>
      %dma_start3A_442 = arith.constant 17 : i32
      %dma_start3A_443 = arith.constant 0 : i32
      %dma_start3A_444 = tpu.memref_slice %arg11[%dma_start3A_442, %dma_start3A_443] : memref<64x64xf32, #tpu.memory_space<vmem>> -> memref<1x64xf32, #tpu.memory_space<vmem>>
      %dma_start3A_445 = arith.constant 0 : i32
      %dma_start3A_446 = tpu.memref_slice %arg5[%squeeze3A_441, %dma_start3A_445] : memref<1000000x64xf32, #tpu.memory_space<hbm>> -> memref<1x64xf32, #tpu.memory_space<hbm>>
      %dma_start3A_447 = arith.constant 17 : i32
      %dma_start3A_448 = arith.constant 0 : i32
      %dma_start3A_449 = tpu.memref_slice %arg11[%dma_start3A_447, %dma_start3A_448] : memref<64x64xf32, #tpu.memory_space<vmem>> -> memref<1x64xf32, #tpu.memory_space<vmem>>
      %dma_start3A_450 = arith.constant 0 : i32
      %dma_start3A_451 = tpu.memref_slice %arg5[%squeeze3A_441, %dma_start3A_450] : memref<1000000x64xf32, #tpu.memory_space<hbm>> -> memref<1x64xf32, #tpu.memory_space<hbm>>
      tpu.enqueue_dma source(%dma_start3A_451 : memref<1x64xf32, #tpu.memory_space<hbm>>) target(%dma_start3A_449 : memref<1x64xf32, #tpu.memory_space<vmem>>) target_semaphore(%arg13 : memref<!tpu.dma_semaphore, #tpu.memory_space<semaphore_mem>>)
      %slice3A_452 = vector.extract_strided_slice %get3A_399 {offsets = [2], sizes = [1], strides = [1]} : vector<16xi32> to vector<1xi32>
      %squeeze3A_453 = vector.extract %slice3A_452[0] : i32 from vector<1xi32>
      %dma_start3A_454 = arith.constant 18 : i32
      %dma_start3A_455 = arith.constant 0 : i32
      %dma_start3A_456 = tpu.memref_slice %arg10[%dma_start3A_454, %dma_start3A_455] : memref<64x64xf32, #tpu.memory_space<vmem>> -> memref<1x64xf32, #tpu.memory_space<vmem>>
      %dma_start3A_457 = arith.constant 0 : i32
      %dma_start3A_458 = tpu.memref_slice %arg4[%squeeze3A_453, %dma_start3A_457] : memref<1000000x64xf32, #tpu.memory_space<hbm>> -> memref<1x64xf32, #tpu.memory_space<hbm>>
      %dma_start3A_459 = arith.constant 18 : i32
      %dma_start3A_460 = arith.constant 0 : i32
      %dma_start3A_461 = tpu.memref_slice %arg10[%dma_start3A_459, %dma_start3A_460] : memref<64x64xf32, #tpu.memory_space<vmem>> -> memref<1x64xf32, #tpu.memory_space<vmem>>
      %dma_start3A_462 = arith.constant 0 : i32
      %dma_start3A_463 = tpu.memref_slice %arg4[%squeeze3A_453, %dma_start3A_462] : memref<1000000x64xf32, #tpu.memory_space<hbm>> -> memref<1x64xf32, #tpu.memory_space<hbm>>
      tpu.enqueue_dma source(%dma_start3A_463 : memref<1x64xf32, #tpu.memory_space<hbm>>) target(%dma_start3A_461 : memref<1x64xf32, #tpu.memory_space<vmem>>) target_semaphore(%arg12 : memref<!tpu.dma_semaphore, #tpu.memory_space<semaphore_mem>>)
      %slice3A_464 = vector.extract_strided_slice %get3A_403 {offsets = [2], sizes = [1], strides = [1]} : vector<16xi32> to vector<1xi32>
      %squeeze3A_465 = vector.extract %slice3A_464[0] : i32 from vector<1xi32>
      %dma_start3A_466 = arith.constant 18 : i32
      %dma_start3A_467 = arith.constant 0 : i32
      %dma_start3A_468 = tpu.memref_slice %arg11[%dma_start3A_466, %dma_start3A_467] : memref<64x64xf32, #tpu.memory_space<vmem>> -> memref<1x64xf32, #tpu.memory_space<vmem>>
      %dma_start3A_469 = arith.constant 0 : i32
      %dma_start3A_470 = tpu.memref_slice %arg5[%squeeze3A_465, %dma_start3A_469] : memref<1000000x64xf32, #tpu.memory_space<hbm>> -> memref<1x64xf32, #tpu.memory_space<hbm>>
      %dma_start3A_471 = arith.constant 18 : i32
      %dma_start3A_472 = arith.constant 0 : i32
      %dma_start3A_473 = tpu.memref_slice %arg11[%dma_start3A_471, %dma_start3A_472] : memref<64x64xf32, #tpu.memory_space<vmem>> -> memref<1x64xf32, #tpu.memory_space<vmem>>
      %dma_start3A_474 = arith.constant 0 : i32
      %dma_start3A_475 = tpu.memref_slice %arg5[%squeeze3A_465, %dma_start3A_474] : memref<1000000x64xf32, #tpu.memory_space<hbm>> -> memref<1x64xf32, #tpu.memory_space<hbm>>
      tpu.enqueue_dma source(%dma_start3A_475 : memref<1x64xf32, #tpu.memory_space<hbm>>) target(%dma_start3A_473 : memref<1x64xf32, #tpu.memory_space<vmem>>) target_semaphore(%arg13 : memref<!tpu.dma_semaphore, #tpu.memory_space<semaphore_mem>>)
      %slice3A_476 = vector.extract_strided_slice %get3A_399 {offsets = [3], sizes = [1], strides = [1]} : vector<16xi32> to vector<1xi32>
      %squeeze3A_477 = vector.extract %slice3A_476[0] : i32 from vector<1xi32>
      %dma_start3A_478 = arith.constant 19 : i32
      %dma_start3A_479 = arith.constant 0 : i32
      %dma_start3A_480 = tpu.memref_slice %arg10[%dma_start3A_478, %dma_start3A_479] : memref<64x64xf32, #tpu.memory_space<vmem>> -> memref<1x64xf32, #tpu.memory_space<vmem>>
      %dma_start3A_481 = arith.constant 0 : i32
      %dma_start3A_482 = tpu.memref_slice %arg4[%squeeze3A_477, %dma_start3A_481] : memref<1000000x64xf32, #tpu.memory_space<hbm>> -> memref<1x64xf32, #tpu.memory_space<hbm>>
      %dma_start3A_483 = arith.constant 19 : i32
      %dma_start3A_484 = arith.constant 0 : i32
      %dma_start3A_485 = tpu.memref_slice %arg10[%dma_start3A_483, %dma_start3A_484] : memref<64x64xf32, #tpu.memory_space<vmem>> -> memref<1x64xf32, #tpu.memory_space<vmem>>
      %dma_start3A_486 = arith.constant 0 : i32
      %dma_start3A_487 = tpu.memref_slice %arg4[%squeeze3A_477, %dma_start3A_486] : memref<1000000x64xf32, #tpu.memory_space<hbm>> -> memref<1x64xf32, #tpu.memory_space<hbm>>
      tpu.enqueue_dma source(%dma_start3A_487 : memref<1x64xf32, #tpu.memory_space<hbm>>) target(%dma_start3A_485 : memref<1x64xf32, #tpu.memory_space<vmem>>) target_semaphore(%arg12 : memref<!tpu.dma_semaphore, #tpu.memory_space<semaphore_mem>>)
      %slice3A_488 = vector.extract_strided_slice %get3A_403 {offsets = [3], sizes = [1], strides = [1]} : vector<16xi32> to vector<1xi32>
      %squeeze3A_489 = vector.extract %slice3A_488[0] : i32 from vector<1xi32>
      %dma_start3A_490 = arith.constant 19 : i32
      %dma_start3A_491 = arith.constant 0 : i32
      %dma_start3A_492 = tpu.memref_slice %arg11[%dma_start3A_490, %dma_start3A_491] : memref<64x64xf32, #tpu.memory_space<vmem>> -> memref<1x64xf32, #tpu.memory_space<vmem>>
      %dma_start3A_493 = arith.constant 0 : i32
      %dma_start3A_494 = tpu.memref_slice %arg5[%squeeze3A_489, %dma_start3A_493] : memref<1000000x64xf32, #tpu.memory_space<hbm>> -> memref<1x64xf32, #tpu.memory_space<hbm>>
      %dma_start3A_495 = arith.constant 19 : i32
      %dma_start3A_496 = arith.constant 0 : i32
      %dma_start3A_497 = tpu.memref_slice %arg11[%dma_start3A_495, %dma_start3A_496] : memref<64x64xf32, #tpu.memory_space<vmem>> -> memref<1x64xf32, #tpu.memory_space<vmem>>
      %dma_start3A_498 = arith.constant 0 : i32
      %dma_start3A_499 = tpu.memref_slice %arg5[%squeeze3A_489, %dma_start3A_498] : memref<1000000x64xf32, #tpu.memory_space<hbm>> -> memref<1x64xf32, #tpu.memory_space<hbm>>
      tpu.enqueue_dma source(%dma_start3A_499 : memref<1x64xf32, #tpu.memory_space<hbm>>) target(%dma_start3A_497 : memref<1x64xf32, #tpu.memory_space<vmem>>) target_semaphore(%arg13 : memref<!tpu.dma_semaphore, #tpu.memory_space<semaphore_mem>>)
      %slice3A_500 = vector.extract_strided_slice %get3A_399 {offsets = [4], sizes = [1], strides = [1]} : vector<16xi32> to vector<1xi32>
      %squeeze3A_501 = vector.extract %slice3A_500[0] : i32 from vector<1xi32>
      %dma_start3A_502 = arith.constant 20 : i32
      %dma_start3A_503 = arith.constant 0 : i32
      %dma_start3A_504 = tpu.memref_slice %arg10[%dma_start3A_502, %dma_start3A_503] : memref<64x64xf32, #tpu.memory_space<vmem>> -> memref<1x64xf32, #tpu.memory_space<vmem>>
      %dma_start3A_505 = arith.constant 0 : i32
      %dma_start3A_506 = tpu.memref_slice %arg4[%squeeze3A_501, %dma_start3A_505] : memref<1000000x64xf32, #tpu.memory_space<hbm>> -> memref<1x64xf32, #tpu.memory_space<hbm>>
      %dma_start3A_507 = arith.constant 20 : i32
      %dma_start3A_508 = arith.constant 0 : i32
      %dma_start3A_509 = tpu.memref_slice %arg10[%dma_start3A_507, %dma_start3A_508] : memref<64x64xf32, #tpu.memory_space<vmem>> -> memref<1x64xf32, #tpu.memory_space<vmem>>
      %dma_start3A_510 = arith.constant 0 : i32
      %dma_start3A_511 = tpu.memref_slice %arg4[%squeeze3A_501, %dma_start3A_510] : memref<1000000x64xf32, #tpu.memory_space<hbm>> -> memref<1x64xf32, #tpu.memory_space<hbm>>
      tpu.enqueue_dma source(%dma_start3A_511 : memref<1x64xf32, #tpu.memory_space<hbm>>) target(%dma_start3A_509 : memref<1x64xf32, #tpu.memory_space<vmem>>) target_semaphore(%arg12 : memref<!tpu.dma_semaphore, #tpu.memory_space<semaphore_mem>>)
      %slice3A_512 = vector.extract_strided_slice %get3A_403 {offsets = [4], sizes = [1], strides = [1]} : vector<16xi32> to vector<1xi32>
      %squeeze3A_513 = vector.extract %slice3A_512[0] : i32 from vector<1xi32>
      %dma_start3A_514 = arith.constant 20 : i32
      %dma_start3A_515 = arith.constant 0 : i32
      %dma_start3A_516 = tpu.memref_slice %arg11[%dma_start3A_514, %dma_start3A_515] : memref<64x64xf32, #tpu.memory_space<vmem>> -> memref<1x64xf32, #tpu.memory_space<vmem>>
      %dma_start3A_517 = arith.constant 0 : i32
      %dma_start3A_518 = tpu.memref_slice %arg5[%squeeze3A_513, %dma_start3A_517] : memref<1000000x64xf32, #tpu.memory_space<hbm>> -> memref<1x64xf32, #tpu.memory_space<hbm>>
      %dma_start3A_519 = arith.constant 20 : i32
      %dma_start3A_520 = arith.constant 0 : i32
      %dma_start3A_521 = tpu.memref_slice %arg11[%dma_start3A_519, %dma_start3A_520] : memref<64x64xf32, #tpu.memory_space<vmem>> -> memref<1x64xf32, #tpu.memory_space<vmem>>
      %dma_start3A_522 = arith.constant 0 : i32
      %dma_start3A_523 = tpu.memref_slice %arg5[%squeeze3A_513, %dma_start3A_522] : memref<1000000x64xf32, #tpu.memory_space<hbm>> -> memref<1x64xf32, #tpu.memory_space<hbm>>
      tpu.enqueue_dma source(%dma_start3A_523 : memref<1x64xf32, #tpu.memory_space<hbm>>) target(%dma_start3A_521 : memref<1x64xf32, #tpu.memory_space<vmem>>) target_semaphore(%arg13 : memref<!tpu.dma_semaphore, #tpu.memory_space<semaphore_mem>>)
      %slice3A_524 = vector.extract_strided_slice %get3A_399 {offsets = [5], sizes = [1], strides = [1]} : vector<16xi32> to vector<1xi32>
      %squeeze3A_525 = vector.extract %slice3A_524[0] : i32 from vector<1xi32>
      %dma_start3A_526 = arith.constant 21 : i32
      %dma_start3A_527 = arith.constant 0 : i32
      %dma_start3A_528 = tpu.memref_slice %arg10[%dma_start3A_526, %dma_start3A_527] : memref<64x64xf32, #tpu.memory_space<vmem>> -> memref<1x64xf32, #tpu.memory_space<vmem>>
      %dma_start3A_529 = arith.constant 0 : i32
      %dma_start3A_530 = tpu.memref_slice %arg4[%squeeze3A_525, %dma_start3A_529] : memref<1000000x64xf32, #tpu.memory_space<hbm>> -> memref<1x64xf32, #tpu.memory_space<hbm>>
      %dma_start3A_531 = arith.constant 21 : i32
      %dma_start3A_532 = arith.constant 0 : i32
      %dma_start3A_533 = tpu.memref_slice %arg10[%dma_start3A_531, %dma_start3A_532] : memref<64x64xf32, #tpu.memory_space<vmem>> -> memref<1x64xf32, #tpu.memory_space<vmem>>
      %dma_start3A_534 = arith.constant 0 : i32
      %dma_start3A_535 = tpu.memref_slice %arg4[%squeeze3A_525, %dma_start3A_534] : memref<1000000x64xf32, #tpu.memory_space<hbm>> -> memref<1x64xf32, #tpu.memory_space<hbm>>
      tpu.enqueue_dma source(%dma_start3A_535 : memref<1x64xf32, #tpu.memory_space<hbm>>) target(%dma_start3A_533 : memref<1x64xf32, #tpu.memory_space<vmem>>) target_semaphore(%arg12 : memref<!tpu.dma_semaphore, #tpu.memory_space<semaphore_mem>>)
      %slice3A_536 = vector.extract_strided_slice %get3A_403 {offsets = [5], sizes = [1], strides = [1]} : vector<16xi32> to vector<1xi32>
      %squeeze3A_537 = vector.extract %slice3A_536[0] : i32 from vector<1xi32>
      %dma_start3A_538 = arith.constant 21 : i32
      %dma_start3A_539 = arith.constant 0 : i32
      %dma_start3A_540 = tpu.memref_slice %arg11[%dma_start3A_538, %dma_start3A_539] : memref<64x64xf32, #tpu.memory_space<vmem>> -> memref<1x64xf32, #tpu.memory_space<vmem>>
      %dma_start3A_541 = arith.constant 0 : i32
      %dma_start3A_542 = tpu.memref_slice %arg5[%squeeze3A_537, %dma_start3A_541] : memref<1000000x64xf32, #tpu.memory_space<hbm>> -> memref<1x64xf32, #tpu.memory_space<hbm>>
      %dma_start3A_543 = arith.constant 21 : i32
      %dma_start3A_544 = arith.constant 0 : i32
      %dma_start3A_545 = tpu.memref_slice %arg11[%dma_start3A_543, %dma_start3A_544] : memref<64x64xf32, #tpu.memory_space<vmem>> -> memref<1x64xf32, #tpu.memory_space<vmem>>
      %dma_start3A_546 = arith.constant 0 : i32
      %dma_start3A_547 = tpu.memref_slice %arg5[%squeeze3A_537, %dma_start3A_546] : memref<1000000x64xf32, #tpu.memory_space<hbm>> -> memref<1x64xf32, #tpu.memory_space<hbm>>
      tpu.enqueue_dma source(%dma_start3A_547 : memref<1x64xf32, #tpu.memory_space<hbm>>) target(%dma_start3A_545 : memref<1x64xf32, #tpu.memory_space<vmem>>) target_semaphore(%arg13 : memref<!tpu.dma_semaphore, #tpu.memory_space<semaphore_mem>>)
      %slice3A_548 = vector.extract_strided_slice %get3A_399 {offsets = [6], sizes = [1], strides = [1]} : vector<16xi32> to vector<1xi32>
      %squeeze3A_549 = vector.extract %slice3A_548[0] : i32 from vector<1xi32>
      %dma_start3A_550 = arith.constant 22 : i32
      %dma_start3A_551 = arith.constant 0 : i32
      %dma_start3A_552 = tpu.memref_slice %arg10[%dma_start3A_550, %dma_start3A_551] : memref<64x64xf32, #tpu.memory_space<vmem>> -> memref<1x64xf32, #tpu.memory_space<vmem>>
      %dma_start3A_553 = arith.constant 0 : i32
      %dma_start3A_554 = tpu.memref_slice %arg4[%squeeze3A_549, %dma_start3A_553] : memref<1000000x64xf32, #tpu.memory_space<hbm>> -> memref<1x64xf32, #tpu.memory_space<hbm>>
      %dma_start3A_555 = arith.constant 22 : i32
      %dma_start3A_556 = arith.constant 0 : i32
      %dma_start3A_557 = tpu.memref_slice %arg10[%dma_start3A_555, %dma_start3A_556] : memref<64x64xf32, #tpu.memory_space<vmem>> -> memref<1x64xf32, #tpu.memory_space<vmem>>
      %dma_start3A_558 = arith.constant 0 : i32
      %dma_start3A_559 = tpu.memref_slice %arg4[%squeeze3A_549, %dma_start3A_558] : memref<1000000x64xf32, #tpu.memory_space<hbm>> -> memref<1x64xf32, #tpu.memory_space<hbm>>
      tpu.enqueue_dma source(%dma_start3A_559 : memref<1x64xf32, #tpu.memory_space<hbm>>) target(%dma_start3A_557 : memref<1x64xf32, #tpu.memory_space<vmem>>) target_semaphore(%arg12 : memref<!tpu.dma_semaphore, #tpu.memory_space<semaphore_mem>>)
      %slice3A_560 = vector.extract_strided_slice %get3A_403 {offsets = [6], sizes = [1], strides = [1]} : vector<16xi32> to vector<1xi32>
      %squeeze3A_561 = vector.extract %slice3A_560[0] : i32 from vector<1xi32>
      %dma_start3A_562 = arith.constant 22 : i32
      %dma_start3A_563 = arith.constant 0 : i32
      %dma_start3A_564 = tpu.memref_slice %arg11[%dma_start3A_562, %dma_start3A_563] : memref<64x64xf32, #tpu.memory_space<vmem>> -> memref<1x64xf32, #tpu.memory_space<vmem>>
      %dma_start3A_565 = arith.constant 0 : i32
      %dma_start3A_566 = tpu.memref_slice %arg5[%squeeze3A_561, %dma_start3A_565] : memref<1000000x64xf32, #tpu.memory_space<hbm>> -> memref<1x64xf32, #tpu.memory_space<hbm>>
      %dma_start3A_567 = arith.constant 22 : i32
      %dma_start3A_568 = arith.constant 0 : i32
      %dma_start3A_569 = tpu.memref_slice %arg11[%dma_start3A_567, %dma_start3A_568] : memref<64x64xf32, #tpu.memory_space<vmem>> -> memref<1x64xf32, #tpu.memory_space<vmem>>
      %dma_start3A_570 = arith.constant 0 : i32
      %dma_start3A_571 = tpu.memref_slice %arg5[%squeeze3A_561, %dma_start3A_570] : memref<1000000x64xf32, #tpu.memory_space<hbm>> -> memref<1x64xf32, #tpu.memory_space<hbm>>
      tpu.enqueue_dma source(%dma_start3A_571 : memref<1x64xf32, #tpu.memory_space<hbm>>) target(%dma_start3A_569 : memref<1x64xf32, #tpu.memory_space<vmem>>) target_semaphore(%arg13 : memref<!tpu.dma_semaphore, #tpu.memory_space<semaphore_mem>>)
      %slice3A_572 = vector.extract_strided_slice %get3A_399 {offsets = [7], sizes = [1], strides = [1]} : vector<16xi32> to vector<1xi32>
      %squeeze3A_573 = vector.extract %slice3A_572[0] : i32 from vector<1xi32>
      %dma_start3A_574 = arith.constant 23 : i32
      %dma_start3A_575 = arith.constant 0 : i32
      %dma_start3A_576 = tpu.memref_slice %arg10[%dma_start3A_574, %dma_start3A_575] : memref<64x64xf32, #tpu.memory_space<vmem>> -> memref<1x64xf32, #tpu.memory_space<vmem>>
      %dma_start3A_577 = arith.constant 0 : i32
      %dma_start3A_578 = tpu.memref_slice %arg4[%squeeze3A_573, %dma_start3A_577] : memref<1000000x64xf32, #tpu.memory_space<hbm>> -> memref<1x64xf32, #tpu.memory_space<hbm>>
      %dma_start3A_579 = arith.constant 23 : i32
      %dma_start3A_580 = arith.constant 0 : i32
      %dma_start3A_581 = tpu.memref_slice %arg10[%dma_start3A_579, %dma_start3A_580] : memref<64x64xf32, #tpu.memory_space<vmem>> -> memref<1x64xf32, #tpu.memory_space<vmem>>
      %dma_start3A_582 = arith.constant 0 : i32
      %dma_start3A_583 = tpu.memref_slice %arg4[%squeeze3A_573, %dma_start3A_582] : memref<1000000x64xf32, #tpu.memory_space<hbm>> -> memref<1x64xf32, #tpu.memory_space<hbm>>
      tpu.enqueue_dma source(%dma_start3A_583 : memref<1x64xf32, #tpu.memory_space<hbm>>) target(%dma_start3A_581 : memref<1x64xf32, #tpu.memory_space<vmem>>) target_semaphore(%arg12 : memref<!tpu.dma_semaphore, #tpu.memory_space<semaphore_mem>>)
      %slice3A_584 = vector.extract_strided_slice %get3A_403 {offsets = [7], sizes = [1], strides = [1]} : vector<16xi32> to vector<1xi32>
      %squeeze3A_585 = vector.extract %slice3A_584[0] : i32 from vector<1xi32>
      %dma_start3A_586 = arith.constant 23 : i32
      %dma_start3A_587 = arith.constant 0 : i32
      %dma_start3A_588 = tpu.memref_slice %arg11[%dma_start3A_586, %dma_start3A_587] : memref<64x64xf32, #tpu.memory_space<vmem>> -> memref<1x64xf32, #tpu.memory_space<vmem>>
      %dma_start3A_589 = arith.constant 0 : i32
      %dma_start3A_590 = tpu.memref_slice %arg5[%squeeze3A_585, %dma_start3A_589] : memref<1000000x64xf32, #tpu.memory_space<hbm>> -> memref<1x64xf32, #tpu.memory_space<hbm>>
      %dma_start3A_591 = arith.constant 23 : i32
      %dma_start3A_592 = arith.constant 0 : i32
      %dma_start3A_593 = tpu.memref_slice %arg11[%dma_start3A_591, %dma_start3A_592] : memref<64x64xf32, #tpu.memory_space<vmem>> -> memref<1x64xf32, #tpu.memory_space<vmem>>
      %dma_start3A_594 = arith.constant 0 : i32
      %dma_start3A_595 = tpu.memref_slice %arg5[%squeeze3A_585, %dma_start3A_594] : memref<1000000x64xf32, #tpu.memory_space<hbm>> -> memref<1x64xf32, #tpu.memory_space<hbm>>
      tpu.enqueue_dma source(%dma_start3A_595 : memref<1x64xf32, #tpu.memory_space<hbm>>) target(%dma_start3A_593 : memref<1x64xf32, #tpu.memory_space<vmem>>) target_semaphore(%arg13 : memref<!tpu.dma_semaphore, #tpu.memory_space<semaphore_mem>>)
      %slice3A_596 = vector.extract_strided_slice %get3A_399 {offsets = [8], sizes = [1], strides = [1]} : vector<16xi32> to vector<1xi32>
      %squeeze3A_597 = vector.extract %slice3A_596[0] : i32 from vector<1xi32>
      %dma_start3A_598 = arith.constant 24 : i32
      %dma_start3A_599 = arith.constant 0 : i32
      %dma_start3A_600 = tpu.memref_slice %arg10[%dma_start3A_598, %dma_start3A_599] : memref<64x64xf32, #tpu.memory_space<vmem>> -> memref<1x64xf32, #tpu.memory_space<vmem>>
      %dma_start3A_601 = arith.constant 0 : i32
      %dma_start3A_602 = tpu.memref_slice %arg4[%squeeze3A_597, %dma_start3A_601] : memref<1000000x64xf32, #tpu.memory_space<hbm>> -> memref<1x64xf32, #tpu.memory_space<hbm>>
      %dma_start3A_603 = arith.constant 24 : i32
      %dma_start3A_604 = arith.constant 0 : i32
      %dma_start3A_605 = tpu.memref_slice %arg10[%dma_start3A_603, %dma_start3A_604] : memref<64x64xf32, #tpu.memory_space<vmem>> -> memref<1x64xf32, #tpu.memory_space<vmem>>
      %dma_start3A_606 = arith.constant 0 : i32
      %dma_start3A_607 = tpu.memref_slice %arg4[%squeeze3A_597, %dma_start3A_606] : memref<1000000x64xf32, #tpu.memory_space<hbm>> -> memref<1x64xf32, #tpu.memory_space<hbm>>
      tpu.enqueue_dma source(%dma_start3A_607 : memref<1x64xf32, #tpu.memory_space<hbm>>) target(%dma_start3A_605 : memref<1x64xf32, #tpu.memory_space<vmem>>) target_semaphore(%arg12 : memref<!tpu.dma_semaphore, #tpu.memory_space<semaphore_mem>>)
      %slice3A_608 = vector.extract_strided_slice %get3A_403 {offsets = [8], sizes = [1], strides = [1]} : vector<16xi32> to vector<1xi32>
      %squeeze3A_609 = vector.extract %slice3A_608[0] : i32 from vector<1xi32>
      %dma_start3A_610 = arith.constant 24 : i32
      %dma_start3A_611 = arith.constant 0 : i32
      %dma_start3A_612 = tpu.memref_slice %arg11[%dma_start3A_610, %dma_start3A_611] : memref<64x64xf32, #tpu.memory_space<vmem>> -> memref<1x64xf32, #tpu.memory_space<vmem>>
      %dma_start3A_613 = arith.constant 0 : i32
      %dma_start3A_614 = tpu.memref_slice %arg5[%squeeze3A_609, %dma_start3A_613] : memref<1000000x64xf32, #tpu.memory_space<hbm>> -> memref<1x64xf32, #tpu.memory_space<hbm>>
      %dma_start3A_615 = arith.constant 24 : i32
      %dma_start3A_616 = arith.constant 0 : i32
      %dma_start3A_617 = tpu.memref_slice %arg11[%dma_start3A_615, %dma_start3A_616] : memref<64x64xf32, #tpu.memory_space<vmem>> -> memref<1x64xf32, #tpu.memory_space<vmem>>
      %dma_start3A_618 = arith.constant 0 : i32
      %dma_start3A_619 = tpu.memref_slice %arg5[%squeeze3A_609, %dma_start3A_618] : memref<1000000x64xf32, #tpu.memory_space<hbm>> -> memref<1x64xf32, #tpu.memory_space<hbm>>
      tpu.enqueue_dma source(%dma_start3A_619 : memref<1x64xf32, #tpu.memory_space<hbm>>) target(%dma_start3A_617 : memref<1x64xf32, #tpu.memory_space<vmem>>) target_semaphore(%arg13 : memref<!tpu.dma_semaphore, #tpu.memory_space<semaphore_mem>>)
      %slice3A_620 = vector.extract_strided_slice %get3A_399 {offsets = [9], sizes = [1], strides = [1]} : vector<16xi32> to vector<1xi32>
      %squeeze3A_621 = vector.extract %slice3A_620[0] : i32 from vector<1xi32>
      %dma_start3A_622 = arith.constant 25 : i32
      %dma_start3A_623 = arith.constant 0 : i32
      %dma_start3A_624 = tpu.memref_slice %arg10[%dma_start3A_622, %dma_start3A_623] : memref<64x64xf32, #tpu.memory_space<vmem>> -> memref<1x64xf32, #tpu.memory_space<vmem>>
      %dma_start3A_625 = arith.constant 0 : i32
      %dma_start3A_626 = tpu.memref_slice %arg4[%squeeze3A_621, %dma_start3A_625] : memref<1000000x64xf32, #tpu.memory_space<hbm>> -> memref<1x64xf32, #tpu.memory_space<hbm>>
      %dma_start3A_627 = arith.constant 25 : i32
      %dma_start3A_628 = arith.constant 0 : i32
      %dma_start3A_629 = tpu.memref_slice %arg10[%dma_start3A_627, %dma_start3A_628] : memref<64x64xf32, #tpu.memory_space<vmem>> -> memref<1x64xf32, #tpu.memory_space<vmem>>
      %dma_start3A_630 = arith.constant 0 : i32
      %dma_start3A_631 = tpu.memref_slice %arg4[%squeeze3A_621, %dma_start3A_630] : memref<1000000x64xf32, #tpu.memory_space<hbm>> -> memref<1x64xf32, #tpu.memory_space<hbm>>
      tpu.enqueue_dma source(%dma_start3A_631 : memref<1x64xf32, #tpu.memory_space<hbm>>) target(%dma_start3A_629 : memref<1x64xf32, #tpu.memory_space<vmem>>) target_semaphore(%arg12 : memref<!tpu.dma_semaphore, #tpu.memory_space<semaphore_mem>>)
      %slice3A_632 = vector.extract_strided_slice %get3A_403 {offsets = [9], sizes = [1], strides = [1]} : vector<16xi32> to vector<1xi32>
      %squeeze3A_633 = vector.extract %slice3A_632[0] : i32 from vector<1xi32>
      %dma_start3A_634 = arith.constant 25 : i32
      %dma_start3A_635 = arith.constant 0 : i32
      %dma_start3A_636 = tpu.memref_slice %arg11[%dma_start3A_634, %dma_start3A_635] : memref<64x64xf32, #tpu.memory_space<vmem>> -> memref<1x64xf32, #tpu.memory_space<vmem>>
      %dma_start3A_637 = arith.constant 0 : i32
      %dma_start3A_638 = tpu.memref_slice %arg5[%squeeze3A_633, %dma_start3A_637] : memref<1000000x64xf32, #tpu.memory_space<hbm>> -> memref<1x64xf32, #tpu.memory_space<hbm>>
      %dma_start3A_639 = arith.constant 25 : i32
      %dma_start3A_640 = arith.constant 0 : i32
      %dma_start3A_641 = tpu.memref_slice %arg11[%dma_start3A_639, %dma_start3A_640] : memref<64x64xf32, #tpu.memory_space<vmem>> -> memref<1x64xf32, #tpu.memory_space<vmem>>
      %dma_start3A_642 = arith.constant 0 : i32
      %dma_start3A_643 = tpu.memref_slice %arg5[%squeeze3A_633, %dma_start3A_642] : memref<1000000x64xf32, #tpu.memory_space<hbm>> -> memref<1x64xf32, #tpu.memory_space<hbm>>
      tpu.enqueue_dma source(%dma_start3A_643 : memref<1x64xf32, #tpu.memory_space<hbm>>) target(%dma_start3A_641 : memref<1x64xf32, #tpu.memory_space<vmem>>) target_semaphore(%arg13 : memref<!tpu.dma_semaphore, #tpu.memory_space<semaphore_mem>>)
      %slice3A_644 = vector.extract_strided_slice %get3A_399 {offsets = [10], sizes = [1], strides = [1]} : vector<16xi32> to vector<1xi32>
      %squeeze3A_645 = vector.extract %slice3A_644[0] : i32 from vector<1xi32>
      %dma_start3A_646 = arith.constant 26 : i32
      %dma_start3A_647 = arith.constant 0 : i32
      %dma_start3A_648 = tpu.memref_slice %arg10[%dma_start3A_646, %dma_start3A_647] : memref<64x64xf32, #tpu.memory_space<vmem>> -> memref<1x64xf32, #tpu.memory_space<vmem>>
      %dma_start3A_649 = arith.constant 0 : i32
      %dma_start3A_650 = tpu.memref_slice %arg4[%squeeze3A_645, %dma_start3A_649] : memref<1000000x64xf32, #tpu.memory_space<hbm>> -> memref<1x64xf32, #tpu.memory_space<hbm>>
      %dma_start3A_651 = arith.constant 26 : i32
      %dma_start3A_652 = arith.constant 0 : i32
      %dma_start3A_653 = tpu.memref_slice %arg10[%dma_start3A_651, %dma_start3A_652] : memref<64x64xf32, #tpu.memory_space<vmem>> -> memref<1x64xf32, #tpu.memory_space<vmem>>
      %dma_start3A_654 = arith.constant 0 : i32
      %dma_start3A_655 = tpu.memref_slice %arg4[%squeeze3A_645, %dma_start3A_654] : memref<1000000x64xf32, #tpu.memory_space<hbm>> -> memref<1x64xf32, #tpu.memory_space<hbm>>
      tpu.enqueue_dma source(%dma_start3A_655 : memref<1x64xf32, #tpu.memory_space<hbm>>) target(%dma_start3A_653 : memref<1x64xf32, #tpu.memory_space<vmem>>) target_semaphore(%arg12 : memref<!tpu.dma_semaphore, #tpu.memory_space<semaphore_mem>>)
      %slice3A_656 = vector.extract_strided_slice %get3A_403 {offsets = [10], sizes = [1], strides = [1]} : vector<16xi32> to vector<1xi32>
      %squeeze3A_657 = vector.extract %slice3A_656[0] : i32 from vector<1xi32>
      %dma_start3A_658 = arith.constant 26 : i32
      %dma_start3A_659 = arith.constant 0 : i32
      %dma_start3A_660 = tpu.memref_slice %arg11[%dma_start3A_658, %dma_start3A_659] : memref<64x64xf32, #tpu.memory_space<vmem>> -> memref<1x64xf32, #tpu.memory_space<vmem>>
      %dma_start3A_661 = arith.constant 0 : i32
      %dma_start3A_662 = tpu.memref_slice %arg5[%squeeze3A_657, %dma_start3A_661] : memref<1000000x64xf32, #tpu.memory_space<hbm>> -> memref<1x64xf32, #tpu.memory_space<hbm>>
      %dma_start3A_663 = arith.constant 26 : i32
      %dma_start3A_664 = arith.constant 0 : i32
      %dma_start3A_665 = tpu.memref_slice %arg11[%dma_start3A_663, %dma_start3A_664] : memref<64x64xf32, #tpu.memory_space<vmem>> -> memref<1x64xf32, #tpu.memory_space<vmem>>
      %dma_start3A_666 = arith.constant 0 : i32
      %dma_start3A_667 = tpu.memref_slice %arg5[%squeeze3A_657, %dma_start3A_666] : memref<1000000x64xf32, #tpu.memory_space<hbm>> -> memref<1x64xf32, #tpu.memory_space<hbm>>
      tpu.enqueue_dma source(%dma_start3A_667 : memref<1x64xf32, #tpu.memory_space<hbm>>) target(%dma_start3A_665 : memref<1x64xf32, #tpu.memory_space<vmem>>) target_semaphore(%arg13 : memref<!tpu.dma_semaphore, #tpu.memory_space<semaphore_mem>>)
      %slice3A_668 = vector.extract_strided_slice %get3A_399 {offsets = [11], sizes = [1], strides = [1]} : vector<16xi32> to vector<1xi32>
      %squeeze3A_669 = vector.extract %slice3A_668[0] : i32 from vector<1xi32>
      %dma_start3A_670 = arith.constant 27 : i32
      %dma_start3A_671 = arith.constant 0 : i32
      %dma_start3A_672 = tpu.memref_slice %arg10[%dma_start3A_670, %dma_start3A_671] : memref<64x64xf32, #tpu.memory_space<vmem>> -> memref<1x64xf32, #tpu.memory_space<vmem>>
      %dma_start3A_673 = arith.constant 0 : i32
      %dma_start3A_674 = tpu.memref_slice %arg4[%squeeze3A_669, %dma_start3A_673] : memref<1000000x64xf32, #tpu.memory_space<hbm>> -> memref<1x64xf32, #tpu.memory_space<hbm>>
      %dma_start3A_675 = arith.constant 27 : i32
      %dma_start3A_676 = arith.constant 0 : i32
      %dma_start3A_677 = tpu.memref_slice %arg10[%dma_start3A_675, %dma_start3A_676] : memref<64x64xf32, #tpu.memory_space<vmem>> -> memref<1x64xf32, #tpu.memory_space<vmem>>
      %dma_start3A_678 = arith.constant 0 : i32
      %dma_start3A_679 = tpu.memref_slice %arg4[%squeeze3A_669, %dma_start3A_678] : memref<1000000x64xf32, #tpu.memory_space<hbm>> -> memref<1x64xf32, #tpu.memory_space<hbm>>
      tpu.enqueue_dma source(%dma_start3A_679 : memref<1x64xf32, #tpu.memory_space<hbm>>) target(%dma_start3A_677 : memref<1x64xf32, #tpu.memory_space<vmem>>) target_semaphore(%arg12 : memref<!tpu.dma_semaphore, #tpu.memory_space<semaphore_mem>>)
      %slice3A_680 = vector.extract_strided_slice %get3A_403 {offsets = [11], sizes = [1], strides = [1]} : vector<16xi32> to vector<1xi32>
      %squeeze3A_681 = vector.extract %slice3A_680[0] : i32 from vector<1xi32>
      %dma_start3A_682 = arith.constant 27 : i32
      %dma_start3A_683 = arith.constant 0 : i32
      %dma_start3A_684 = tpu.memref_slice %arg11[%dma_start3A_682, %dma_start3A_683] : memref<64x64xf32, #tpu.memory_space<vmem>> -> memref<1x64xf32, #tpu.memory_space<vmem>>
      %dma_start3A_685 = arith.constant 0 : i32
      %dma_start3A_686 = tpu.memref_slice %arg5[%squeeze3A_681, %dma_start3A_685] : memref<1000000x64xf32, #tpu.memory_space<hbm>> -> memref<1x64xf32, #tpu.memory_space<hbm>>
      %dma_start3A_687 = arith.constant 27 : i32
      %dma_start3A_688 = arith.constant 0 : i32
      %dma_start3A_689 = tpu.memref_slice %arg11[%dma_start3A_687, %dma_start3A_688] : memref<64x64xf32, #tpu.memory_space<vmem>> -> memref<1x64xf32, #tpu.memory_space<vmem>>
      %dma_start3A_690 = arith.constant 0 : i32
      %dma_start3A_691 = tpu.memref_slice %arg5[%squeeze3A_681, %dma_start3A_690] : memref<1000000x64xf32, #tpu.memory_space<hbm>> -> memref<1x64xf32, #tpu.memory_space<hbm>>
      tpu.enqueue_dma source(%dma_start3A_691 : memref<1x64xf32, #tpu.memory_space<hbm>>) target(%dma_start3A_689 : memref<1x64xf32, #tpu.memory_space<vmem>>) target_semaphore(%arg13 : memref<!tpu.dma_semaphore, #tpu.memory_space<semaphore_mem>>)
      %slice3A_692 = vector.extract_strided_slice %get3A_399 {offsets = [12], sizes = [1], strides = [1]} : vector<16xi32> to vector<1xi32>
      %squeeze3A_693 = vector.extract %slice3A_692[0] : i32 from vector<1xi32>
      %dma_start3A_694 = arith.constant 28 : i32
      %dma_start3A_695 = arith.constant 0 : i32
      %dma_start3A_696 = tpu.memref_slice %arg10[%dma_start3A_694, %dma_start3A_695] : memref<64x64xf32, #tpu.memory_space<vmem>> -> memref<1x64xf32, #tpu.memory_space<vmem>>
      %dma_start3A_697 = arith.constant 0 : i32
      %dma_start3A_698 = tpu.memref_slice %arg4[%squeeze3A_693, %dma_start3A_697] : memref<1000000x64xf32, #tpu.memory_space<hbm>> -> memref<1x64xf32, #tpu.memory_space<hbm>>
      %dma_start3A_699 = arith.constant 28 : i32
      %dma_start3A_700 = arith.constant 0 : i32
      %dma_start3A_701 = tpu.memref_slice %arg10[%dma_start3A_699, %dma_start3A_700] : memref<64x64xf32, #tpu.memory_space<vmem>> -> memref<1x64xf32, #tpu.memory_space<vmem>>
      %dma_start3A_702 = arith.constant 0 : i32
      %dma_start3A_703 = tpu.memref_slice %arg4[%squeeze3A_693, %dma_start3A_702] : memref<1000000x64xf32, #tpu.memory_space<hbm>> -> memref<1x64xf32, #tpu.memory_space<hbm>>
      tpu.enqueue_dma source(%dma_start3A_703 : memref<1x64xf32, #tpu.memory_space<hbm>>) target(%dma_start3A_701 : memref<1x64xf32, #tpu.memory_space<vmem>>) target_semaphore(%arg12 : memref<!tpu.dma_semaphore, #tpu.memory_space<semaphore_mem>>)
      %slice3A_704 = vector.extract_strided_slice %get3A_403 {offsets = [12], sizes = [1], strides = [1]} : vector<16xi32> to vector<1xi32>
      %squeeze3A_705 = vector.extract %slice3A_704[0] : i32 from vector<1xi32>
      %dma_start3A_706 = arith.constant 28 : i32
      %dma_start3A_707 = arith.constant 0 : i32
      %dma_start3A_708 = tpu.memref_slice %arg11[%dma_start3A_706, %dma_start3A_707] : memref<64x64xf32, #tpu.memory_space<vmem>> -> memref<1x64xf32, #tpu.memory_space<vmem>>
      %dma_start3A_709 = arith.constant 0 : i32
      %dma_start3A_710 = tpu.memref_slice %arg5[%squeeze3A_705, %dma_start3A_709] : memref<1000000x64xf32, #tpu.memory_space<hbm>> -> memref<1x64xf32, #tpu.memory_space<hbm>>
      %dma_start3A_711 = arith.constant 28 : i32
      %dma_start3A_712 = arith.constant 0 : i32
      %dma_start3A_713 = tpu.memref_slice %arg11[%dma_start3A_711, %dma_start3A_712] : memref<64x64xf32, #tpu.memory_space<vmem>> -> memref<1x64xf32, #tpu.memory_space<vmem>>
      %dma_start3A_714 = arith.constant 0 : i32
      %dma_start3A_715 = tpu.memref_slice %arg5[%squeeze3A_705, %dma_start3A_714] : memref<1000000x64xf32, #tpu.memory_space<hbm>> -> memref<1x64xf32, #tpu.memory_space<hbm>>
      tpu.enqueue_dma source(%dma_start3A_715 : memref<1x64xf32, #tpu.memory_space<hbm>>) target(%dma_start3A_713 : memref<1x64xf32, #tpu.memory_space<vmem>>) target_semaphore(%arg13 : memref<!tpu.dma_semaphore, #tpu.memory_space<semaphore_mem>>)
      %slice3A_716 = vector.extract_strided_slice %get3A_399 {offsets = [13], sizes = [1], strides = [1]} : vector<16xi32> to vector<1xi32>
      %squeeze3A_717 = vector.extract %slice3A_716[0] : i32 from vector<1xi32>
      %dma_start3A_718 = arith.constant 29 : i32
      %dma_start3A_719 = arith.constant 0 : i32
      %dma_start3A_720 = tpu.memref_slice %arg10[%dma_start3A_718, %dma_start3A_719] : memref<64x64xf32, #tpu.memory_space<vmem>> -> memref<1x64xf32, #tpu.memory_space<vmem>>
      %dma_start3A_721 = arith.constant 0 : i32
      %dma_start3A_722 = tpu.memref_slice %arg4[%squeeze3A_717, %dma_start3A_721] : memref<1000000x64xf32, #tpu.memory_space<hbm>> -> memref<1x64xf32, #tpu.memory_space<hbm>>
      %dma_start3A_723 = arith.constant 29 : i32
      %dma_start3A_724 = arith.constant 0 : i32
      %dma_start3A_725 = tpu.memref_slice %arg10[%dma_start3A_723, %dma_start3A_724] : memref<64x64xf32, #tpu.memory_space<vmem>> -> memref<1x64xf32, #tpu.memory_space<vmem>>
      %dma_start3A_726 = arith.constant 0 : i32
      %dma_start3A_727 = tpu.memref_slice %arg4[%squeeze3A_717, %dma_start3A_726] : memref<1000000x64xf32, #tpu.memory_space<hbm>> -> memref<1x64xf32, #tpu.memory_space<hbm>>
      tpu.enqueue_dma source(%dma_start3A_727 : memref<1x64xf32, #tpu.memory_space<hbm>>) target(%dma_start3A_725 : memref<1x64xf32, #tpu.memory_space<vmem>>) target_semaphore(%arg12 : memref<!tpu.dma_semaphore, #tpu.memory_space<semaphore_mem>>)
      %slice3A_728 = vector.extract_strided_slice %get3A_403 {offsets = [13], sizes = [1], strides = [1]} : vector<16xi32> to vector<1xi32>
      %squeeze3A_729 = vector.extract %slice3A_728[0] : i32 from vector<1xi32>
      %dma_start3A_730 = arith.constant 29 : i32
      %dma_start3A_731 = arith.constant 0 : i32
      %dma_start3A_732 = tpu.memref_slice %arg11[%dma_start3A_730, %dma_start3A_731] : memref<64x64xf32, #tpu.memory_space<vmem>> -> memref<1x64xf32, #tpu.memory_space<vmem>>
      %dma_start3A_733 = arith.constant 0 : i32
      %dma_start3A_734 = tpu.memref_slice %arg5[%squeeze3A_729, %dma_start3A_733] : memref<1000000x64xf32, #tpu.memory_space<hbm>> -> memref<1x64xf32, #tpu.memory_space<hbm>>
      %dma_start3A_735 = arith.constant 29 : i32
      %dma_start3A_736 = arith.constant 0 : i32
      %dma_start3A_737 = tpu.memref_slice %arg11[%dma_start3A_735, %dma_start3A_736] : memref<64x64xf32, #tpu.memory_space<vmem>> -> memref<1x64xf32, #tpu.memory_space<vmem>>
      %dma_start3A_738 = arith.constant 0 : i32
      %dma_start3A_739 = tpu.memref_slice %arg5[%squeeze3A_729, %dma_start3A_738] : memref<1000000x64xf32, #tpu.memory_space<hbm>> -> memref<1x64xf32, #tpu.memory_space<hbm>>
      tpu.enqueue_dma source(%dma_start3A_739 : memref<1x64xf32, #tpu.memory_space<hbm>>) target(%dma_start3A_737 : memref<1x64xf32, #tpu.memory_space<vmem>>) target_semaphore(%arg13 : memref<!tpu.dma_semaphore, #tpu.memory_space<semaphore_mem>>)
      %slice3A_740 = vector.extract_strided_slice %get3A_399 {offsets = [14], sizes = [1], strides = [1]} : vector<16xi32> to vector<1xi32>
      %squeeze3A_741 = vector.extract %slice3A_740[0] : i32 from vector<1xi32>
      %dma_start3A_742 = arith.constant 30 : i32
      %dma_start3A_743 = arith.constant 0 : i32
      %dma_start3A_744 = tpu.memref_slice %arg10[%dma_start3A_742, %dma_start3A_743] : memref<64x64xf32, #tpu.memory_space<vmem>> -> memref<1x64xf32, #tpu.memory_space<vmem>>
      %dma_start3A_745 = arith.constant 0 : i32
      %dma_start3A_746 = tpu.memref_slice %arg4[%squeeze3A_741, %dma_start3A_745] : memref<1000000x64xf32, #tpu.memory_space<hbm>> -> memref<1x64xf32, #tpu.memory_space<hbm>>
      %dma_start3A_747 = arith.constant 30 : i32
      %dma_start3A_748 = arith.constant 0 : i32
      %dma_start3A_749 = tpu.memref_slice %arg10[%dma_start3A_747, %dma_start3A_748] : memref<64x64xf32, #tpu.memory_space<vmem>> -> memref<1x64xf32, #tpu.memory_space<vmem>>
      %dma_start3A_750 = arith.constant 0 : i32
      %dma_start3A_751 = tpu.memref_slice %arg4[%squeeze3A_741, %dma_start3A_750] : memref<1000000x64xf32, #tpu.memory_space<hbm>> -> memref<1x64xf32, #tpu.memory_space<hbm>>
      tpu.enqueue_dma source(%dma_start3A_751 : memref<1x64xf32, #tpu.memory_space<hbm>>) target(%dma_start3A_749 : memref<1x64xf32, #tpu.memory_space<vmem>>) target_semaphore(%arg12 : memref<!tpu.dma_semaphore, #tpu.memory_space<semaphore_mem>>)
      %slice3A_752 = vector.extract_strided_slice %get3A_403 {offsets = [14], sizes = [1], strides = [1]} : vector<16xi32> to vector<1xi32>
      %squeeze3A_753 = vector.extract %slice3A_752[0] : i32 from vector<1xi32>
      %dma_start3A_754 = arith.constant 30 : i32
      %dma_start3A_755 = arith.constant 0 : i32
      %dma_start3A_756 = tpu.memref_slice %arg11[%dma_start3A_754, %dma_start3A_755] : memref<64x64xf32, #tpu.memory_space<vmem>> -> memref<1x64xf32, #tpu.memory_space<vmem>>
      %dma_start3A_757 = arith.constant 0 : i32
      %dma_start3A_758 = tpu.memref_slice %arg5[%squeeze3A_753, %dma_start3A_757] : memref<1000000x64xf32, #tpu.memory_space<hbm>> -> memref<1x64xf32, #tpu.memory_space<hbm>>
      %dma_start3A_759 = arith.constant 30 : i32
      %dma_start3A_760 = arith.constant 0 : i32
      %dma_start3A_761 = tpu.memref_slice %arg11[%dma_start3A_759, %dma_start3A_760] : memref<64x64xf32, #tpu.memory_space<vmem>> -> memref<1x64xf32, #tpu.memory_space<vmem>>
      %dma_start3A_762 = arith.constant 0 : i32
      %dma_start3A_763 = tpu.memref_slice %arg5[%squeeze3A_753, %dma_start3A_762] : memref<1000000x64xf32, #tpu.memory_space<hbm>> -> memref<1x64xf32, #tpu.memory_space<hbm>>
      tpu.enqueue_dma source(%dma_start3A_763 : memref<1x64xf32, #tpu.memory_space<hbm>>) target(%dma_start3A_761 : memref<1x64xf32, #tpu.memory_space<vmem>>) target_semaphore(%arg13 : memref<!tpu.dma_semaphore, #tpu.memory_space<semaphore_mem>>)
      %slice3A_764 = vector.extract_strided_slice %get3A_399 {offsets = [15], sizes = [1], strides = [1]} : vector<16xi32> to vector<1xi32>
      %squeeze3A_765 = vector.extract %slice3A_764[0] : i32 from vector<1xi32>
      %dma_start3A_766 = arith.constant 31 : i32
      %dma_start3A_767 = arith.constant 0 : i32
      %dma_start3A_768 = tpu.memref_slice %arg10[%dma_start3A_766, %dma_start3A_767] : memref<64x64xf32, #tpu.memory_space<vmem>> -> memref<1x64xf32, #tpu.memory_space<vmem>>
      %dma_start3A_769 = arith.constant 0 : i32
      %dma_start3A_770 = tpu.memref_slice %arg4[%squeeze3A_765, %dma_start3A_769] : memref<1000000x64xf32, #tpu.memory_space<hbm>> -> memref<1x64xf32, #tpu.memory_space<hbm>>
      %dma_start3A_771 = arith.constant 31 : i32
      %dma_start3A_772 = arith.constant 0 : i32
      %dma_start3A_773 = tpu.memref_slice %arg10[%dma_start3A_771, %dma_start3A_772] : memref<64x64xf32, #tpu.memory_space<vmem>> -> memref<1x64xf32, #tpu.memory_space<vmem>>
      %dma_start3A_774 = arith.constant 0 : i32
      %dma_start3A_775 = tpu.memref_slice %arg4[%squeeze3A_765, %dma_start3A_774] : memref<1000000x64xf32, #tpu.memory_space<hbm>> -> memref<1x64xf32, #tpu.memory_space<hbm>>
      tpu.enqueue_dma source(%dma_start3A_775 : memref<1x64xf32, #tpu.memory_space<hbm>>) target(%dma_start3A_773 : memref<1x64xf32, #tpu.memory_space<vmem>>) target_semaphore(%arg12 : memref<!tpu.dma_semaphore, #tpu.memory_space<semaphore_mem>>)
      %slice3A_776 = vector.extract_strided_slice %get3A_403 {offsets = [15], sizes = [1], strides = [1]} : vector<16xi32> to vector<1xi32>
      %squeeze3A_777 = vector.extract %slice3A_776[0] : i32 from vector<1xi32>
      %dma_start3A_778 = arith.constant 31 : i32
      %dma_start3A_779 = arith.constant 0 : i32
      %dma_start3A_780 = tpu.memref_slice %arg11[%dma_start3A_778, %dma_start3A_779] : memref<64x64xf32, #tpu.memory_space<vmem>> -> memref<1x64xf32, #tpu.memory_space<vmem>>
      %dma_start3A_781 = arith.constant 0 : i32
      %dma_start3A_782 = tpu.memref_slice %arg5[%squeeze3A_777, %dma_start3A_781] : memref<1000000x64xf32, #tpu.memory_space<hbm>> -> memref<1x64xf32, #tpu.memory_space<hbm>>
      %dma_start3A_783 = arith.constant 31 : i32
      %dma_start3A_784 = arith.constant 0 : i32
      %dma_start3A_785 = tpu.memref_slice %arg11[%dma_start3A_783, %dma_start3A_784] : memref<64x64xf32, #tpu.memory_space<vmem>> -> memref<1x64xf32, #tpu.memory_space<vmem>>
      %dma_start3A_786 = arith.constant 0 : i32
      %dma_start3A_787 = tpu.memref_slice %arg5[%squeeze3A_777, %dma_start3A_786] : memref<1000000x64xf32, #tpu.memory_space<hbm>> -> memref<1x64xf32, #tpu.memory_space<hbm>>
      tpu.enqueue_dma source(%dma_start3A_787 : memref<1x64xf32, #tpu.memory_space<hbm>>) target(%dma_start3A_785 : memref<1x64xf32, #tpu.memory_space<vmem>>) target_semaphore(%arg13 : memref<!tpu.dma_semaphore, #tpu.memory_space<semaphore_mem>>)
      %get3A_788 = arith.index_cast %scan3A_7 : i32 to index
      %get3A_789 = arith.constant 32 : index
      %get3A_790 = tpu.vector_load %arg8[%get3A_788, %get3A_789] {strides = array<i32>} : memref<8x64xi32, #tpu.memory_space<vmem>>, vector<1x16xi32>,
      %get3A_791 = vector.shape_cast %get3A_790 : vector<1x16xi32> to vector<16xi32>
      %get3A_792 = arith.index_cast %scan3A_7 : i32 to index
      %get3A_793 = arith.constant 32 : index
      %get3A_794 = tpu.vector_load %arg9[%get3A_792, %get3A_793] {strides = array<i32>} : memref<8x64xi32, #tpu.memory_space<vmem>>, vector<1x16xi32>,
      %get3A_795 = vector.shape_cast %get3A_794 : vector<1x16xi32> to vector<16xi32>
      %slice3A_796 = vector.extract_strided_slice %get3A_791 {offsets = [0], sizes = [1], strides = [1]} : vector<16xi32> to vector<1xi32>
      %squeeze3A_797 = vector.extract %slice3A_796[0] : i32 from vector<1xi32>
      %dma_start3A_798 = arith.constant 32 : i32
      %dma_start3A_799 = arith.constant 0 : i32
      %dma_start3A_800 = tpu.memref_slice %arg10[%dma_start3A_798, %dma_start3A_799] : memref<64x64xf32, #tpu.memory_space<vmem>> -> memref<1x64xf32, #tpu.memory_space<vmem>>
      %dma_start3A_801 = arith.constant 0 : i32
      %dma_start3A_802 = tpu.memref_slice %arg4[%squeeze3A_797, %dma_start3A_801] : memref<1000000x64xf32, #tpu.memory_space<hbm>> -> memref<1x64xf32, #tpu.memory_space<hbm>>
      %dma_start3A_803 = arith.constant 32 : i32
      %dma_start3A_804 = arith.constant 0 : i32
      %dma_start3A_805 = tpu.memref_slice %arg10[%dma_start3A_803, %dma_start3A_804] : memref<64x64xf32, #tpu.memory_space<vmem>> -> memref<1x64xf32, #tpu.memory_space<vmem>>
      %dma_start3A_806 = arith.constant 0 : i32
      %dma_start3A_807 = tpu.memref_slice %arg4[%squeeze3A_797, %dma_start3A_806] : memref<1000000x64xf32, #tpu.memory_space<hbm>> -> memref<1x64xf32, #tpu.memory_space<hbm>>
      tpu.enqueue_dma source(%dma_start3A_807 : memref<1x64xf32, #tpu.memory_space<hbm>>) target(%dma_start3A_805 : memref<1x64xf32, #tpu.memory_space<vmem>>) target_semaphore(%arg12 : memref<!tpu.dma_semaphore, #tpu.memory_space<semaphore_mem>>)
      %slice3A_808 = vector.extract_strided_slice %get3A_795 {offsets = [0], sizes = [1], strides = [1]} : vector<16xi32> to vector<1xi32>
      %squeeze3A_809 = vector.extract %slice3A_808[0] : i32 from vector<1xi32>
      %dma_start3A_810 = arith.constant 32 : i32
      %dma_start3A_811 = arith.constant 0 : i32
      %dma_start3A_812 = tpu.memref_slice %arg11[%dma_start3A_810, %dma_start3A_811] : memref<64x64xf32, #tpu.memory_space<vmem>> -> memref<1x64xf32, #tpu.memory_space<vmem>>
      %dma_start3A_813 = arith.constant 0 : i32
      %dma_start3A_814 = tpu.memref_slice %arg5[%squeeze3A_809, %dma_start3A_813] : memref<1000000x64xf32, #tpu.memory_space<hbm>> -> memref<1x64xf32, #tpu.memory_space<hbm>>
      %dma_start3A_815 = arith.constant 32 : i32
      %dma_start3A_816 = arith.constant 0 : i32
      %dma_start3A_817 = tpu.memref_slice %arg11[%dma_start3A_815, %dma_start3A_816] : memref<64x64xf32, #tpu.memory_space<vmem>> -> memref<1x64xf32, #tpu.memory_space<vmem>>
      %dma_start3A_818 = arith.constant 0 : i32
      %dma_start3A_819 = tpu.memref_slice %arg5[%squeeze3A_809, %dma_start3A_818] : memref<1000000x64xf32, #tpu.memory_space<hbm>> -> memref<1x64xf32, #tpu.memory_space<hbm>>
      tpu.enqueue_dma source(%dma_start3A_819 : memref<1x64xf32, #tpu.memory_space<hbm>>) target(%dma_start3A_817 : memref<1x64xf32, #tpu.memory_space<vmem>>) target_semaphore(%arg13 : memref<!tpu.dma_semaphore, #tpu.memory_space<semaphore_mem>>)
      %slice3A_820 = vector.extract_strided_slice %get3A_791 {offsets = [1], sizes = [1], strides = [1]} : vector<16xi32> to vector<1xi32>
      %squeeze3A_821 = vector.extract %slice3A_820[0] : i32 from vector<1xi32>
      %dma_start3A_822 = arith.constant 33 : i32
      %dma_start3A_823 = arith.constant 0 : i32
      %dma_start3A_824 = tpu.memref_slice %arg10[%dma_start3A_822, %dma_start3A_823] : memref<64x64xf32, #tpu.memory_space<vmem>> -> memref<1x64xf32, #tpu.memory_space<vmem>>
      %dma_start3A_825 = arith.constant 0 : i32
      %dma_start3A_826 = tpu.memref_slice %arg4[%squeeze3A_821, %dma_start3A_825] : memref<1000000x64xf32, #tpu.memory_space<hbm>> -> memref<1x64xf32, #tpu.memory_space<hbm>>
      %dma_start3A_827 = arith.constant 33 : i32
      %dma_start3A_828 = arith.constant 0 : i32
      %dma_start3A_829 = tpu.memref_slice %arg10[%dma_start3A_827, %dma_start3A_828] : memref<64x64xf32, #tpu.memory_space<vmem>> -> memref<1x64xf32, #tpu.memory_space<vmem>>
      %dma_start3A_830 = arith.constant 0 : i32
      %dma_start3A_831 = tpu.memref_slice %arg4[%squeeze3A_821, %dma_start3A_830] : memref<1000000x64xf32, #tpu.memory_space<hbm>> -> memref<1x64xf32, #tpu.memory_space<hbm>>
      tpu.enqueue_dma source(%dma_start3A_831 : memref<1x64xf32, #tpu.memory_space<hbm>>) target(%dma_start3A_829 : memref<1x64xf32, #tpu.memory_space<vmem>>) target_semaphore(%arg12 : memref<!tpu.dma_semaphore, #tpu.memory_space<semaphore_mem>>)
      %slice3A_832 = vector.extract_strided_slice %get3A_795 {offsets = [1], sizes = [1], strides = [1]} : vector<16xi32> to vector<1xi32>
      %squeeze3A_833 = vector.extract %slice3A_832[0] : i32 from vector<1xi32>
      %dma_start3A_834 = arith.constant 33 : i32
      %dma_start3A_835 = arith.constant 0 : i32
      %dma_start3A_836 = tpu.memref_slice %arg11[%dma_start3A_834, %dma_start3A_835] : memref<64x64xf32, #tpu.memory_space<vmem>> -> memref<1x64xf32, #tpu.memory_space<vmem>>
      %dma_start3A_837 = arith.constant 0 : i32
      %dma_start3A_838 = tpu.memref_slice %arg5[%squeeze3A_833, %dma_start3A_837] : memref<1000000x64xf32, #tpu.memory_space<hbm>> -> memref<1x64xf32, #tpu.memory_space<hbm>>
      %dma_start3A_839 = arith.constant 33 : i32
      %dma_start3A_840 = arith.constant 0 : i32
      %dma_start3A_841 = tpu.memref_slice %arg11[%dma_start3A_839, %dma_start3A_840] : memref<64x64xf32, #tpu.memory_space<vmem>> -> memref<1x64xf32, #tpu.memory_space<vmem>>
      %dma_start3A_842 = arith.constant 0 : i32
      %dma_start3A_843 = tpu.memref_slice %arg5[%squeeze3A_833, %dma_start3A_842] : memref<1000000x64xf32, #tpu.memory_space<hbm>> -> memref<1x64xf32, #tpu.memory_space<hbm>>
      tpu.enqueue_dma source(%dma_start3A_843 : memref<1x64xf32, #tpu.memory_space<hbm>>) target(%dma_start3A_841 : memref<1x64xf32, #tpu.memory_space<vmem>>) target_semaphore(%arg13 : memref<!tpu.dma_semaphore, #tpu.memory_space<semaphore_mem>>)
      %slice3A_844 = vector.extract_strided_slice %get3A_791 {offsets = [2], sizes = [1], strides = [1]} : vector<16xi32> to vector<1xi32>
      %squeeze3A_845 = vector.extract %slice3A_844[0] : i32 from vector<1xi32>
      %dma_start3A_846 = arith.constant 34 : i32
      %dma_start3A_847 = arith.constant 0 : i32
      %dma_start3A_848 = tpu.memref_slice %arg10[%dma_start3A_846, %dma_start3A_847] : memref<64x64xf32, #tpu.memory_space<vmem>> -> memref<1x64xf32, #tpu.memory_space<vmem>>
      %dma_start3A_849 = arith.constant 0 : i32
      %dma_start3A_850 = tpu.memref_slice %arg4[%squeeze3A_845, %dma_start3A_849] : memref<1000000x64xf32, #tpu.memory_space<hbm>> -> memref<1x64xf32, #tpu.memory_space<hbm>>
      %dma_start3A_851 = arith.constant 34 : i32
      %dma_start3A_852 = arith.constant 0 : i32
      %dma_start3A_853 = tpu.memref_slice %arg10[%dma_start3A_851, %dma_start3A_852] : memref<64x64xf32, #tpu.memory_space<vmem>> -> memref<1x64xf32, #tpu.memory_space<vmem>>
      %dma_start3A_854 = arith.constant 0 : i32
      %dma_start3A_855 = tpu.memref_slice %arg4[%squeeze3A_845, %dma_start3A_854] : memref<1000000x64xf32, #tpu.memory_space<hbm>> -> memref<1x64xf32, #tpu.memory_space<hbm>>
      tpu.enqueue_dma source(%dma_start3A_855 : memref<1x64xf32, #tpu.memory_space<hbm>>) target(%dma_start3A_853 : memref<1x64xf32, #tpu.memory_space<vmem>>) target_semaphore(%arg12 : memref<!tpu.dma_semaphore, #tpu.memory_space<semaphore_mem>>)
      %slice3A_856 = vector.extract_strided_slice %get3A_795 {offsets = [2], sizes = [1], strides = [1]} : vector<16xi32> to vector<1xi32>
      %squeeze3A_857 = vector.extract %slice3A_856[0] : i32 from vector<1xi32>
      %dma_start3A_858 = arith.constant 34 : i32
      %dma_start3A_859 = arith.constant 0 : i32
      %dma_start3A_860 = tpu.memref_slice %arg11[%dma_start3A_858, %dma_start3A_859] : memref<64x64xf32, #tpu.memory_space<vmem>> -> memref<1x64xf32, #tpu.memory_space<vmem>>
      %dma_start3A_861 = arith.constant 0 : i32
      %dma_start3A_862 = tpu.memref_slice %arg5[%squeeze3A_857, %dma_start3A_861] : memref<1000000x64xf32, #tpu.memory_space<hbm>> -> memref<1x64xf32, #tpu.memory_space<hbm>>
      %dma_start3A_863 = arith.constant 34 : i32
      %dma_start3A_864 = arith.constant 0 : i32
      %dma_start3A_865 = tpu.memref_slice %arg11[%dma_start3A_863, %dma_start3A_864] : memref<64x64xf32, #tpu.memory_space<vmem>> -> memref<1x64xf32, #tpu.memory_space<vmem>>
      %dma_start3A_866 = arith.constant 0 : i32
      %dma_start3A_867 = tpu.memref_slice %arg5[%squeeze3A_857, %dma_start3A_866] : memref<1000000x64xf32, #tpu.memory_space<hbm>> -> memref<1x64xf32, #tpu.memory_space<hbm>>
      tpu.enqueue_dma source(%dma_start3A_867 : memref<1x64xf32, #tpu.memory_space<hbm>>) target(%dma_start3A_865 : memref<1x64xf32, #tpu.memory_space<vmem>>) target_semaphore(%arg13 : memref<!tpu.dma_semaphore, #tpu.memory_space<semaphore_mem>>)
      %slice3A_868 = vector.extract_strided_slice %get3A_791 {offsets = [3], sizes = [1], strides = [1]} : vector<16xi32> to vector<1xi32>
      %squeeze3A_869 = vector.extract %slice3A_868[0] : i32 from vector<1xi32>
      %dma_start3A_870 = arith.constant 35 : i32
      %dma_start3A_871 = arith.constant 0 : i32
      %dma_start3A_872 = tpu.memref_slice %arg10[%dma_start3A_870, %dma_start3A_871] : memref<64x64xf32, #tpu.memory_space<vmem>> -> memref<1x64xf32, #tpu.memory_space<vmem>>
      %dma_start3A_873 = arith.constant 0 : i32
      %dma_start3A_874 = tpu.memref_slice %arg4[%squeeze3A_869, %dma_start3A_873] : memref<1000000x64xf32, #tpu.memory_space<hbm>> -> memref<1x64xf32, #tpu.memory_space<hbm>>
      %dma_start3A_875 = arith.constant 35 : i32
      %dma_start3A_876 = arith.constant 0 : i32
      %dma_start3A_877 = tpu.memref_slice %arg10[%dma_start3A_875, %dma_start3A_876] : memref<64x64xf32, #tpu.memory_space<vmem>> -> memref<1x64xf32, #tpu.memory_space<vmem>>
      %dma_start3A_878 = arith.constant 0 : i32
      %dma_start3A_879 = tpu.memref_slice %arg4[%squeeze3A_869, %dma_start3A_878] : memref<1000000x64xf32, #tpu.memory_space<hbm>> -> memref<1x64xf32, #tpu.memory_space<hbm>>
      tpu.enqueue_dma source(%dma_start3A_879 : memref<1x64xf32, #tpu.memory_space<hbm>>) target(%dma_start3A_877 : memref<1x64xf32, #tpu.memory_space<vmem>>) target_semaphore(%arg12 : memref<!tpu.dma_semaphore, #tpu.memory_space<semaphore_mem>>)
      %slice3A_880 = vector.extract_strided_slice %get3A_795 {offsets = [3], sizes = [1], strides = [1]} : vector<16xi32> to vector<1xi32>
      %squeeze3A_881 = vector.extract %slice3A_880[0] : i32 from vector<1xi32>
      %dma_start3A_882 = arith.constant 35 : i32
      %dma_start3A_883 = arith.constant 0 : i32
      %dma_start3A_884 = tpu.memref_slice %arg11[%dma_start3A_882, %dma_start3A_883] : memref<64x64xf32, #tpu.memory_space<vmem>> -> memref<1x64xf32, #tpu.memory_space<vmem>>
      %dma_start3A_885 = arith.constant 0 : i32
      %dma_start3A_886 = tpu.memref_slice %arg5[%squeeze3A_881, %dma_start3A_885] : memref<1000000x64xf32, #tpu.memory_space<hbm>> -> memref<1x64xf32, #tpu.memory_space<hbm>>
      %dma_start3A_887 = arith.constant 35 : i32
      %dma_start3A_888 = arith.constant 0 : i32
      %dma_start3A_889 = tpu.memref_slice %arg11[%dma_start3A_887, %dma_start3A_888] : memref<64x64xf32, #tpu.memory_space<vmem>> -> memref<1x64xf32, #tpu.memory_space<vmem>>
      %dma_start3A_890 = arith.constant 0 : i32
      %dma_start3A_891 = tpu.memref_slice %arg5[%squeeze3A_881, %dma_start3A_890] : memref<1000000x64xf32, #tpu.memory_space<hbm>> -> memref<1x64xf32, #tpu.memory_space<hbm>>
      tpu.enqueue_dma source(%dma_start3A_891 : memref<1x64xf32, #tpu.memory_space<hbm>>) target(%dma_start3A_889 : memref<1x64xf32, #tpu.memory_space<vmem>>) target_semaphore(%arg13 : memref<!tpu.dma_semaphore, #tpu.memory_space<semaphore_mem>>)
      %slice3A_892 = vector.extract_strided_slice %get3A_791 {offsets = [4], sizes = [1], strides = [1]} : vector<16xi32> to vector<1xi32>
      %squeeze3A_893 = vector.extract %slice3A_892[0] : i32 from vector<1xi32>
      %dma_start3A_894 = arith.constant 36 : i32
      %dma_start3A_895 = arith.constant 0 : i32
      %dma_start3A_896 = tpu.memref_slice %arg10[%dma_start3A_894, %dma_start3A_895] : memref<64x64xf32, #tpu.memory_space<vmem>> -> memref<1x64xf32, #tpu.memory_space<vmem>>
      %dma_start3A_897 = arith.constant 0 : i32
      %dma_start3A_898 = tpu.memref_slice %arg4[%squeeze3A_893, %dma_start3A_897] : memref<1000000x64xf32, #tpu.memory_space<hbm>> -> memref<1x64xf32, #tpu.memory_space<hbm>>
      %dma_start3A_899 = arith.constant 36 : i32
      %dma_start3A_900 = arith.constant 0 : i32
      %dma_start3A_901 = tpu.memref_slice %arg10[%dma_start3A_899, %dma_start3A_900] : memref<64x64xf32, #tpu.memory_space<vmem>> -> memref<1x64xf32, #tpu.memory_space<vmem>>
      %dma_start3A_902 = arith.constant 0 : i32
      %dma_start3A_903 = tpu.memref_slice %arg4[%squeeze3A_893, %dma_start3A_902] : memref<1000000x64xf32, #tpu.memory_space<hbm>> -> memref<1x64xf32, #tpu.memory_space<hbm>>
      tpu.enqueue_dma source(%dma_start3A_903 : memref<1x64xf32, #tpu.memory_space<hbm>>) target(%dma_start3A_901 : memref<1x64xf32, #tpu.memory_space<vmem>>) target_semaphore(%arg12 : memref<!tpu.dma_semaphore, #tpu.memory_space<semaphore_mem>>)
      %slice3A_904 = vector.extract_strided_slice %get3A_795 {offsets = [4], sizes = [1], strides = [1]} : vector<16xi32> to vector<1xi32>
      %squeeze3A_905 = vector.extract %slice3A_904[0] : i32 from vector<1xi32>
      %dma_start3A_906 = arith.constant 36 : i32
      %dma_start3A_907 = arith.constant 0 : i32
      %dma_start3A_908 = tpu.memref_slice %arg11[%dma_start3A_906, %dma_start3A_907] : memref<64x64xf32, #tpu.memory_space<vmem>> -> memref<1x64xf32, #tpu.memory_space<vmem>>
      %dma_start3A_909 = arith.constant 0 : i32
      %dma_start3A_910 = tpu.memref_slice %arg5[%squeeze3A_905, %dma_start3A_909] : memref<1000000x64xf32, #tpu.memory_space<hbm>> -> memref<1x64xf32, #tpu.memory_space<hbm>>
      %dma_start3A_911 = arith.constant 36 : i32
      %dma_start3A_912 = arith.constant 0 : i32
      %dma_start3A_913 = tpu.memref_slice %arg11[%dma_start3A_911, %dma_start3A_912] : memref<64x64xf32, #tpu.memory_space<vmem>> -> memref<1x64xf32, #tpu.memory_space<vmem>>
      %dma_start3A_914 = arith.constant 0 : i32
      %dma_start3A_915 = tpu.memref_slice %arg5[%squeeze3A_905, %dma_start3A_914] : memref<1000000x64xf32, #tpu.memory_space<hbm>> -> memref<1x64xf32, #tpu.memory_space<hbm>>
      tpu.enqueue_dma source(%dma_start3A_915 : memref<1x64xf32, #tpu.memory_space<hbm>>) target(%dma_start3A_913 : memref<1x64xf32, #tpu.memory_space<vmem>>) target_semaphore(%arg13 : memref<!tpu.dma_semaphore, #tpu.memory_space<semaphore_mem>>)
      %slice3A_916 = vector.extract_strided_slice %get3A_791 {offsets = [5], sizes = [1], strides = [1]} : vector<16xi32> to vector<1xi32>
      %squeeze3A_917 = vector.extract %slice3A_916[0] : i32 from vector<1xi32>
      %dma_start3A_918 = arith.constant 37 : i32
      %dma_start3A_919 = arith.constant 0 : i32
      %dma_start3A_920 = tpu.memref_slice %arg10[%dma_start3A_918, %dma_start3A_919] : memref<64x64xf32, #tpu.memory_space<vmem>> -> memref<1x64xf32, #tpu.memory_space<vmem>>
      %dma_start3A_921 = arith.constant 0 : i32
      %dma_start3A_922 = tpu.memref_slice %arg4[%squeeze3A_917, %dma_start3A_921] : memref<1000000x64xf32, #tpu.memory_space<hbm>> -> memref<1x64xf32, #tpu.memory_space<hbm>>
      %dma_start3A_923 = arith.constant 37 : i32
      %dma_start3A_924 = arith.constant 0 : i32
      %dma_start3A_925 = tpu.memref_slice %arg10[%dma_start3A_923, %dma_start3A_924] : memref<64x64xf32, #tpu.memory_space<vmem>> -> memref<1x64xf32, #tpu.memory_space<vmem>>
      %dma_start3A_926 = arith.constant 0 : i32
      %dma_start3A_927 = tpu.memref_slice %arg4[%squeeze3A_917, %dma_start3A_926] : memref<1000000x64xf32, #tpu.memory_space<hbm>> -> memref<1x64xf32, #tpu.memory_space<hbm>>
      tpu.enqueue_dma source(%dma_start3A_927 : memref<1x64xf32, #tpu.memory_space<hbm>>) target(%dma_start3A_925 : memref<1x64xf32, #tpu.memory_space<vmem>>) target_semaphore(%arg12 : memref<!tpu.dma_semaphore, #tpu.memory_space<semaphore_mem>>)
      %slice3A_928 = vector.extract_strided_slice %get3A_795 {offsets = [5], sizes = [1], strides = [1]} : vector<16xi32> to vector<1xi32>
      %squeeze3A_929 = vector.extract %slice3A_928[0] : i32 from vector<1xi32>
      %dma_start3A_930 = arith.constant 37 : i32
      %dma_start3A_931 = arith.constant 0 : i32
      %dma_start3A_932 = tpu.memref_slice %arg11[%dma_start3A_930, %dma_start3A_931] : memref<64x64xf32, #tpu.memory_space<vmem>> -> memref<1x64xf32, #tpu.memory_space<vmem>>
      %dma_start3A_933 = arith.constant 0 : i32
      %dma_start3A_934 = tpu.memref_slice %arg5[%squeeze3A_929, %dma_start3A_933] : memref<1000000x64xf32, #tpu.memory_space<hbm>> -> memref<1x64xf32, #tpu.memory_space<hbm>>
      %dma_start3A_935 = arith.constant 37 : i32
      %dma_start3A_936 = arith.constant 0 : i32
      %dma_start3A_937 = tpu.memref_slice %arg11[%dma_start3A_935, %dma_start3A_936] : memref<64x64xf32, #tpu.memory_space<vmem>> -> memref<1x64xf32, #tpu.memory_space<vmem>>
      %dma_start3A_938 = arith.constant 0 : i32
      %dma_start3A_939 = tpu.memref_slice %arg5[%squeeze3A_929, %dma_start3A_938] : memref<1000000x64xf32, #tpu.memory_space<hbm>> -> memref<1x64xf32, #tpu.memory_space<hbm>>
      tpu.enqueue_dma source(%dma_start3A_939 : memref<1x64xf32, #tpu.memory_space<hbm>>) target(%dma_start3A_937 : memref<1x64xf32, #tpu.memory_space<vmem>>) target_semaphore(%arg13 : memref<!tpu.dma_semaphore, #tpu.memory_space<semaphore_mem>>)
      %slice3A_940 = vector.extract_strided_slice %get3A_791 {offsets = [6], sizes = [1], strides = [1]} : vector<16xi32> to vector<1xi32>
      %squeeze3A_941 = vector.extract %slice3A_940[0] : i32 from vector<1xi32>
      %dma_start3A_942 = arith.constant 38 : i32
      %dma_start3A_943 = arith.constant 0 : i32
      %dma_start3A_944 = tpu.memref_slice %arg10[%dma_start3A_942, %dma_start3A_943] : memref<64x64xf32, #tpu.memory_space<vmem>> -> memref<1x64xf32, #tpu.memory_space<vmem>>
      %dma_start3A_945 = arith.constant 0 : i32
      %dma_start3A_946 = tpu.memref_slice %arg4[%squeeze3A_941, %dma_start3A_945] : memref<1000000x64xf32, #tpu.memory_space<hbm>> -> memref<1x64xf32, #tpu.memory_space<hbm>>
      %dma_start3A_947 = arith.constant 38 : i32
      %dma_start3A_948 = arith.constant 0 : i32
      %dma_start3A_949 = tpu.memref_slice %arg10[%dma_start3A_947, %dma_start3A_948] : memref<64x64xf32, #tpu.memory_space<vmem>> -> memref<1x64xf32, #tpu.memory_space<vmem>>
      %dma_start3A_950 = arith.constant 0 : i32
      %dma_start3A_951 = tpu.memref_slice %arg4[%squeeze3A_941, %dma_start3A_950] : memref<1000000x64xf32, #tpu.memory_space<hbm>> -> memref<1x64xf32, #tpu.memory_space<hbm>>
      tpu.enqueue_dma source(%dma_start3A_951 : memref<1x64xf32, #tpu.memory_space<hbm>>) target(%dma_start3A_949 : memref<1x64xf32, #tpu.memory_space<vmem>>) target_semaphore(%arg12 : memref<!tpu.dma_semaphore, #tpu.memory_space<semaphore_mem>>)
      %slice3A_952 = vector.extract_strided_slice %get3A_795 {offsets = [6], sizes = [1], strides = [1]} : vector<16xi32> to vector<1xi32>
      %squeeze3A_953 = vector.extract %slice3A_952[0] : i32 from vector<1xi32>
      %dma_start3A_954 = arith.constant 38 : i32
      %dma_start3A_955 = arith.constant 0 : i32
      %dma_start3A_956 = tpu.memref_slice %arg11[%dma_start3A_954, %dma_start3A_955] : memref<64x64xf32, #tpu.memory_space<vmem>> -> memref<1x64xf32, #tpu.memory_space<vmem>>
      %dma_start3A_957 = arith.constant 0 : i32
      %dma_start3A_958 = tpu.memref_slice %arg5[%squeeze3A_953, %dma_start3A_957] : memref<1000000x64xf32, #tpu.memory_space<hbm>> -> memref<1x64xf32, #tpu.memory_space<hbm>>
      %dma_start3A_959 = arith.constant 38 : i32
      %dma_start3A_960 = arith.constant 0 : i32
      %dma_start3A_961 = tpu.memref_slice %arg11[%dma_start3A_959, %dma_start3A_960] : memref<64x64xf32, #tpu.memory_space<vmem>> -> memref<1x64xf32, #tpu.memory_space<vmem>>
      %dma_start3A_962 = arith.constant 0 : i32
      %dma_start3A_963 = tpu.memref_slice %arg5[%squeeze3A_953, %dma_start3A_962] : memref<1000000x64xf32, #tpu.memory_space<hbm>> -> memref<1x64xf32, #tpu.memory_space<hbm>>
      tpu.enqueue_dma source(%dma_start3A_963 : memref<1x64xf32, #tpu.memory_space<hbm>>) target(%dma_start3A_961 : memref<1x64xf32, #tpu.memory_space<vmem>>) target_semaphore(%arg13 : memref<!tpu.dma_semaphore, #tpu.memory_space<semaphore_mem>>)
      %slice3A_964 = vector.extract_strided_slice %get3A_791 {offsets = [7], sizes = [1], strides = [1]} : vector<16xi32> to vector<1xi32>
      %squeeze3A_965 = vector.extract %slice3A_964[0] : i32 from vector<1xi32>
      %dma_start3A_966 = arith.constant 39 : i32
      %dma_start3A_967 = arith.constant 0 : i32
      %dma_start3A_968 = tpu.memref_slice %arg10[%dma_start3A_966, %dma_start3A_967] : memref<64x64xf32, #tpu.memory_space<vmem>> -> memref<1x64xf32, #tpu.memory_space<vmem>>
      %dma_start3A_969 = arith.constant 0 : i32
      %dma_start3A_970 = tpu.memref_slice %arg4[%squeeze3A_965, %dma_start3A_969] : memref<1000000x64xf32, #tpu.memory_space<hbm>> -> memref<1x64xf32, #tpu.memory_space<hbm>>
      %dma_start3A_971 = arith.constant 39 : i32
      %dma_start3A_972 = arith.constant 0 : i32
      %dma_start3A_973 = tpu.memref_slice %arg10[%dma_start3A_971, %dma_start3A_972] : memref<64x64xf32, #tpu.memory_space<vmem>> -> memref<1x64xf32, #tpu.memory_space<vmem>>
      %dma_start3A_974 = arith.constant 0 : i32
      %dma_start3A_975 = tpu.memref_slice %arg4[%squeeze3A_965, %dma_start3A_974] : memref<1000000x64xf32, #tpu.memory_space<hbm>> -> memref<1x64xf32, #tpu.memory_space<hbm>>
      tpu.enqueue_dma source(%dma_start3A_975 : memref<1x64xf32, #tpu.memory_space<hbm>>) target(%dma_start3A_973 : memref<1x64xf32, #tpu.memory_space<vmem>>) target_semaphore(%arg12 : memref<!tpu.dma_semaphore, #tpu.memory_space<semaphore_mem>>)
      %slice3A_976 = vector.extract_strided_slice %get3A_795 {offsets = [7], sizes = [1], strides = [1]} : vector<16xi32> to vector<1xi32>
      %squeeze3A_977 = vector.extract %slice3A_976[0] : i32 from vector<1xi32>
      %dma_start3A_978 = arith.constant 39 : i32
      %dma_start3A_979 = arith.constant 0 : i32
      %dma_start3A_980 = tpu.memref_slice %arg11[%dma_start3A_978, %dma_start3A_979] : memref<64x64xf32, #tpu.memory_space<vmem>> -> memref<1x64xf32, #tpu.memory_space<vmem>>
      %dma_start3A_981 = arith.constant 0 : i32
      %dma_start3A_982 = tpu.memref_slice %arg5[%squeeze3A_977, %dma_start3A_981] : memref<1000000x64xf32, #tpu.memory_space<hbm>> -> memref<1x64xf32, #tpu.memory_space<hbm>>
      %dma_start3A_983 = arith.constant 39 : i32
      %dma_start3A_984 = arith.constant 0 : i32
      %dma_start3A_985 = tpu.memref_slice %arg11[%dma_start3A_983, %dma_start3A_984] : memref<64x64xf32, #tpu.memory_space<vmem>> -> memref<1x64xf32, #tpu.memory_space<vmem>>
      %dma_start3A_986 = arith.constant 0 : i32
      %dma_start3A_987 = tpu.memref_slice %arg5[%squeeze3A_977, %dma_start3A_986] : memref<1000000x64xf32, #tpu.memory_space<hbm>> -> memref<1x64xf32, #tpu.memory_space<hbm>>
      tpu.enqueue_dma source(%dma_start3A_987 : memref<1x64xf32, #tpu.memory_space<hbm>>) target(%dma_start3A_985 : memref<1x64xf32, #tpu.memory_space<vmem>>) target_semaphore(%arg13 : memref<!tpu.dma_semaphore, #tpu.memory_space<semaphore_mem>>)
      %slice3A_988 = vector.extract_strided_slice %get3A_791 {offsets = [8], sizes = [1], strides = [1]} : vector<16xi32> to vector<1xi32>
      %squeeze3A_989 = vector.extract %slice3A_988[0] : i32 from vector<1xi32>
      %dma_start3A_990 = arith.constant 40 : i32
      %dma_start3A_991 = arith.constant 0 : i32
      %dma_start3A_992 = tpu.memref_slice %arg10[%dma_start3A_990, %dma_start3A_991] : memref<64x64xf32, #tpu.memory_space<vmem>> -> memref<1x64xf32, #tpu.memory_space<vmem>>
      %dma_start3A_993 = arith.constant 0 : i32
      %dma_start3A_994 = tpu.memref_slice %arg4[%squeeze3A_989, %dma_start3A_993] : memref<1000000x64xf32, #tpu.memory_space<hbm>> -> memref<1x64xf32, #tpu.memory_space<hbm>>
      %dma_start3A_995 = arith.constant 40 : i32
      %dma_start3A_996 = arith.constant 0 : i32
      %dma_start3A_997 = tpu.memref_slice %arg10[%dma_start3A_995, %dma_start3A_996] : memref<64x64xf32, #tpu.memory_space<vmem>> -> memref<1x64xf32, #tpu.memory_space<vmem>>
      %dma_start3A_998 = arith.constant 0 : i32
      %dma_start3A_999 = tpu.memref_slice %arg4[%squeeze3A_989, %dma_start3A_998] : memref<1000000x64xf32, #tpu.memory_space<hbm>> -> memref<1x64xf32, #tpu.memory_space<hbm>>
      tpu.enqueue_dma source(%dma_start3A_999 : memref<1x64xf32, #tpu.memory_space<hbm>>) target(%dma_start3A_997 : memref<1x64xf32, #tpu.memory_space<vmem>>) target_semaphore(%arg12 : memref<!tpu.dma_semaphore, #tpu.memory_space<semaphore_mem>>)
      %slice3A_1000 = vector.extract_strided_slice %get3A_795 {offsets = [8], sizes = [1], strides = [1]} : vector<16xi32> to vector<1xi32>
      %squeeze3A_1001 = vector.extract %slice3A_1000[0] : i32 from vector<1xi32>
      %dma_start3A_1002 = arith.constant 40 : i32
      %dma_start3A_1003 = arith.constant 0 : i32
      %dma_start3A_1004 = tpu.memref_slice %arg11[%dma_start3A_1002, %dma_start3A_1003] : memref<64x64xf32, #tpu.memory_space<vmem>> -> memref<1x64xf32, #tpu.memory_space<vmem>>
      %dma_start3A_1005 = arith.constant 0 : i32
      %dma_start3A_1006 = tpu.memref_slice %arg5[%squeeze3A_1001, %dma_start3A_1005] : memref<1000000x64xf32, #tpu.memory_space<hbm>> -> memref<1x64xf32, #tpu.memory_space<hbm>>
      %dma_start3A_1007 = arith.constant 40 : i32
      %dma_start3A_1008 = arith.constant 0 : i32
      %dma_start3A_1009 = tpu.memref_slice %arg11[%dma_start3A_1007, %dma_start3A_1008] : memref<64x64xf32, #tpu.memory_space<vmem>> -> memref<1x64xf32, #tpu.memory_space<vmem>>
      %dma_start3A_1010 = arith.constant 0 : i32
      %dma_start3A_1011 = tpu.memref_slice %arg5[%squeeze3A_1001, %dma_start3A_1010] : memref<1000000x64xf32, #tpu.memory_space<hbm>> -> memref<1x64xf32, #tpu.memory_space<hbm>>
      tpu.enqueue_dma source(%dma_start3A_1011 : memref<1x64xf32, #tpu.memory_space<hbm>>) target(%dma_start3A_1009 : memref<1x64xf32, #tpu.memory_space<vmem>>) target_semaphore(%arg13 : memref<!tpu.dma_semaphore, #tpu.memory_space<semaphore_mem>>)
      %slice3A_1012 = vector.extract_strided_slice %get3A_791 {offsets = [9], sizes = [1], strides = [1]} : vector<16xi32> to vector<1xi32>
      %squeeze3A_1013 = vector.extract %slice3A_1012[0] : i32 from vector<1xi32>
      %dma_start3A_1014 = arith.constant 41 : i32
      %dma_start3A_1015 = arith.constant 0 : i32
      %dma_start3A_1016 = tpu.memref_slice %arg10[%dma_start3A_1014, %dma_start3A_1015] : memref<64x64xf32, #tpu.memory_space<vmem>> -> memref<1x64xf32, #tpu.memory_space<vmem>>
      %dma_start3A_1017 = arith.constant 0 : i32
      %dma_start3A_1018 = tpu.memref_slice %arg4[%squeeze3A_1013, %dma_start3A_1017] : memref<1000000x64xf32, #tpu.memory_space<hbm>> -> memref<1x64xf32, #tpu.memory_space<hbm>>
      %dma_start3A_1019 = arith.constant 41 : i32
      %dma_start3A_1020 = arith.constant 0 : i32
      %dma_start3A_1021 = tpu.memref_slice %arg10[%dma_start3A_1019, %dma_start3A_1020] : memref<64x64xf32, #tpu.memory_space<vmem>> -> memref<1x64xf32, #tpu.memory_space<vmem>>
      %dma_start3A_1022 = arith.constant 0 : i32
      %dma_start3A_1023 = tpu.memref_slice %arg4[%squeeze3A_1013, %dma_start3A_1022] : memref<1000000x64xf32, #tpu.memory_space<hbm>> -> memref<1x64xf32, #tpu.memory_space<hbm>>
      tpu.enqueue_dma source(%dma_start3A_1023 : memref<1x64xf32, #tpu.memory_space<hbm>>) target(%dma_start3A_1021 : memref<1x64xf32, #tpu.memory_space<vmem>>) target_semaphore(%arg12 : memref<!tpu.dma_semaphore, #tpu.memory_space<semaphore_mem>>)
      %slice3A_1024 = vector.extract_strided_slice %get3A_795 {offsets = [9], sizes = [1], strides = [1]} : vector<16xi32> to vector<1xi32>
      %squeeze3A_1025 = vector.extract %slice3A_1024[0] : i32 from vector<1xi32>
      %dma_start3A_1026 = arith.constant 41 : i32
      %dma_start3A_1027 = arith.constant 0 : i32
      %dma_start3A_1028 = tpu.memref_slice %arg11[%dma_start3A_1026, %dma_start3A_1027] : memref<64x64xf32, #tpu.memory_space<vmem>> -> memref<1x64xf32, #tpu.memory_space<vmem>>
      %dma_start3A_1029 = arith.constant 0 : i32
      %dma_start3A_1030 = tpu.memref_slice %arg5[%squeeze3A_1025, %dma_start3A_1029] : memref<1000000x64xf32, #tpu.memory_space<hbm>> -> memref<1x64xf32, #tpu.memory_space<hbm>>
      %dma_start3A_1031 = arith.constant 41 : i32
      %dma_start3A_1032 = arith.constant 0 : i32
      %dma_start3A_1033 = tpu.memref_slice %arg11[%dma_start3A_1031, %dma_start3A_1032] : memref<64x64xf32, #tpu.memory_space<vmem>> -> memref<1x64xf32, #tpu.memory_space<vmem>>
      %dma_start3A_1034 = arith.constant 0 : i32
      %dma_start3A_1035 = tpu.memref_slice %arg5[%squeeze3A_1025, %dma_start3A_1034] : memref<1000000x64xf32, #tpu.memory_space<hbm>> -> memref<1x64xf32, #tpu.memory_space<hbm>>
      tpu.enqueue_dma source(%dma_start3A_1035 : memref<1x64xf32, #tpu.memory_space<hbm>>) target(%dma_start3A_1033 : memref<1x64xf32, #tpu.memory_space<vmem>>) target_semaphore(%arg13 : memref<!tpu.dma_semaphore, #tpu.memory_space<semaphore_mem>>)
      %slice3A_1036 = vector.extract_strided_slice %get3A_791 {offsets = [10], sizes = [1], strides = [1]} : vector<16xi32> to vector<1xi32>
      %squeeze3A_1037 = vector.extract %slice3A_1036[0] : i32 from vector<1xi32>
      %dma_start3A_1038 = arith.constant 42 : i32
      %dma_start3A_1039 = arith.constant 0 : i32
      %dma_start3A_1040 = tpu.memref_slice %arg10[%dma_start3A_1038, %dma_start3A_1039] : memref<64x64xf32, #tpu.memory_space<vmem>> -> memref<1x64xf32, #tpu.memory_space<vmem>>
      %dma_start3A_1041 = arith.constant 0 : i32
      %dma_start3A_1042 = tpu.memref_slice %arg4[%squeeze3A_1037, %dma_start3A_1041] : memref<1000000x64xf32, #tpu.memory_space<hbm>> -> memref<1x64xf32, #tpu.memory_space<hbm>>
      %dma_start3A_1043 = arith.constant 42 : i32
      %dma_start3A_1044 = arith.constant 0 : i32
      %dma_start3A_1045 = tpu.memref_slice %arg10[%dma_start3A_1043, %dma_start3A_1044] : memref<64x64xf32, #tpu.memory_space<vmem>> -> memref<1x64xf32, #tpu.memory_space<vmem>>
      %dma_start3A_1046 = arith.constant 0 : i32
      %dma_start3A_1047 = tpu.memref_slice %arg4[%squeeze3A_1037, %dma_start3A_1046] : memref<1000000x64xf32, #tpu.memory_space<hbm>> -> memref<1x64xf32, #tpu.memory_space<hbm>>
      tpu.enqueue_dma source(%dma_start3A_1047 : memref<1x64xf32, #tpu.memory_space<hbm>>) target(%dma_start3A_1045 : memref<1x64xf32, #tpu.memory_space<vmem>>) target_semaphore(%arg12 : memref<!tpu.dma_semaphore, #tpu.memory_space<semaphore_mem>>)
      %slice3A_1048 = vector.extract_strided_slice %get3A_795 {offsets = [10], sizes = [1], strides = [1]} : vector<16xi32> to vector<1xi32>
      %squeeze3A_1049 = vector.extract %slice3A_1048[0] : i32 from vector<1xi32>
      %dma_start3A_1050 = arith.constant 42 : i32
      %dma_start3A_1051 = arith.constant 0 : i32
      %dma_start3A_1052 = tpu.memref_slice %arg11[%dma_start3A_1050, %dma_start3A_1051] : memref<64x64xf32, #tpu.memory_space<vmem>> -> memref<1x64xf32, #tpu.memory_space<vmem>>
      %dma_start3A_1053 = arith.constant 0 : i32
      %dma_start3A_1054 = tpu.memref_slice %arg5[%squeeze3A_1049, %dma_start3A_1053] : memref<1000000x64xf32, #tpu.memory_space<hbm>> -> memref<1x64xf32, #tpu.memory_space<hbm>>
      %dma_start3A_1055 = arith.constant 42 : i32
      %dma_start3A_1056 = arith.constant 0 : i32
      %dma_start3A_1057 = tpu.memref_slice %arg11[%dma_start3A_1055, %dma_start3A_1056] : memref<64x64xf32, #tpu.memory_space<vmem>> -> memref<1x64xf32, #tpu.memory_space<vmem>>
      %dma_start3A_1058 = arith.constant 0 : i32
      %dma_start3A_1059 = tpu.memref_slice %arg5[%squeeze3A_1049, %dma_start3A_1058] : memref<1000000x64xf32, #tpu.memory_space<hbm>> -> memref<1x64xf32, #tpu.memory_space<hbm>>
      tpu.enqueue_dma source(%dma_start3A_1059 : memref<1x64xf32, #tpu.memory_space<hbm>>) target(%dma_start3A_1057 : memref<1x64xf32, #tpu.memory_space<vmem>>) target_semaphore(%arg13 : memref<!tpu.dma_semaphore, #tpu.memory_space<semaphore_mem>>)
      %slice3A_1060 = vector.extract_strided_slice %get3A_791 {offsets = [11], sizes = [1], strides = [1]} : vector<16xi32> to vector<1xi32>
      %squeeze3A_1061 = vector.extract %slice3A_1060[0] : i32 from vector<1xi32>
      %dma_start3A_1062 = arith.constant 43 : i32
      %dma_start3A_1063 = arith.constant 0 : i32
      %dma_start3A_1064 = tpu.memref_slice %arg10[%dma_start3A_1062, %dma_start3A_1063] : memref<64x64xf32, #tpu.memory_space<vmem>> -> memref<1x64xf32, #tpu.memory_space<vmem>>
      %dma_start3A_1065 = arith.constant 0 : i32
      %dma_start3A_1066 = tpu.memref_slice %arg4[%squeeze3A_1061, %dma_start3A_1065] : memref<1000000x64xf32, #tpu.memory_space<hbm>> -> memref<1x64xf32, #tpu.memory_space<hbm>>
      %dma_start3A_1067 = arith.constant 43 : i32
      %dma_start3A_1068 = arith.constant 0 : i32
      %dma_start3A_1069 = tpu.memref_slice %arg10[%dma_start3A_1067, %dma_start3A_1068] : memref<64x64xf32, #tpu.memory_space<vmem>> -> memref<1x64xf32, #tpu.memory_space<vmem>>
      %dma_start3A_1070 = arith.constant 0 : i32
      %dma_start3A_1071 = tpu.memref_slice %arg4[%squeeze3A_1061, %dma_start3A_1070] : memref<1000000x64xf32, #tpu.memory_space<hbm>> -> memref<1x64xf32, #tpu.memory_space<hbm>>
      tpu.enqueue_dma source(%dma_start3A_1071 : memref<1x64xf32, #tpu.memory_space<hbm>>) target(%dma_start3A_1069 : memref<1x64xf32, #tpu.memory_space<vmem>>) target_semaphore(%arg12 : memref<!tpu.dma_semaphore, #tpu.memory_space<semaphore_mem>>)
      %slice3A_1072 = vector.extract_strided_slice %get3A_795 {offsets = [11], sizes = [1], strides = [1]} : vector<16xi32> to vector<1xi32>
      %squeeze3A_1073 = vector.extract %slice3A_1072[0] : i32 from vector<1xi32>
      %dma_start3A_1074 = arith.constant 43 : i32
      %dma_start3A_1075 = arith.constant 0 : i32
      %dma_start3A_1076 = tpu.memref_slice %arg11[%dma_start3A_1074, %dma_start3A_1075] : memref<64x64xf32, #tpu.memory_space<vmem>> -> memref<1x64xf32, #tpu.memory_space<vmem>>
      %dma_start3A_1077 = arith.constant 0 : i32
      %dma_start3A_1078 = tpu.memref_slice %arg5[%squeeze3A_1073, %dma_start3A_1077] : memref<1000000x64xf32, #tpu.memory_space<hbm>> -> memref<1x64xf32, #tpu.memory_space<hbm>>
      %dma_start3A_1079 = arith.constant 43 : i32
      %dma_start3A_1080 = arith.constant 0 : i32
      %dma_start3A_1081 = tpu.memref_slice %arg11[%dma_start3A_1079, %dma_start3A_1080] : memref<64x64xf32, #tpu.memory_space<vmem>> -> memref<1x64xf32, #tpu.memory_space<vmem>>
      %dma_start3A_1082 = arith.constant 0 : i32
      %dma_start3A_1083 = tpu.memref_slice %arg5[%squeeze3A_1073, %dma_start3A_1082] : memref<1000000x64xf32, #tpu.memory_space<hbm>> -> memref<1x64xf32, #tpu.memory_space<hbm>>
      tpu.enqueue_dma source(%dma_start3A_1083 : memref<1x64xf32, #tpu.memory_space<hbm>>) target(%dma_start3A_1081 : memref<1x64xf32, #tpu.memory_space<vmem>>) target_semaphore(%arg13 : memref<!tpu.dma_semaphore, #tpu.memory_space<semaphore_mem>>)
      %slice3A_1084 = vector.extract_strided_slice %get3A_791 {offsets = [12], sizes = [1], strides = [1]} : vector<16xi32> to vector<1xi32>
      %squeeze3A_1085 = vector.extract %slice3A_1084[0] : i32 from vector<1xi32>
      %dma_start3A_1086 = arith.constant 44 : i32
      %dma_start3A_1087 = arith.constant 0 : i32
      %dma_start3A_1088 = tpu.memref_slice %arg10[%dma_start3A_1086, %dma_start3A_1087] : memref<64x64xf32, #tpu.memory_space<vmem>> -> memref<1x64xf32, #tpu.memory_space<vmem>>
      %dma_start3A_1089 = arith.constant 0 : i32
      %dma_start3A_1090 = tpu.memref_slice %arg4[%squeeze3A_1085, %dma_start3A_1089] : memref<1000000x64xf32, #tpu.memory_space<hbm>> -> memref<1x64xf32, #tpu.memory_space<hbm>>
      %dma_start3A_1091 = arith.constant 44 : i32
      %dma_start3A_1092 = arith.constant 0 : i32
      %dma_start3A_1093 = tpu.memref_slice %arg10[%dma_start3A_1091, %dma_start3A_1092] : memref<64x64xf32, #tpu.memory_space<vmem>> -> memref<1x64xf32, #tpu.memory_space<vmem>>
      %dma_start3A_1094 = arith.constant 0 : i32
      %dma_start3A_1095 = tpu.memref_slice %arg4[%squeeze3A_1085, %dma_start3A_1094] : memref<1000000x64xf32, #tpu.memory_space<hbm>> -> memref<1x64xf32, #tpu.memory_space<hbm>>
      tpu.enqueue_dma source(%dma_start3A_1095 : memref<1x64xf32, #tpu.memory_space<hbm>>) target(%dma_start3A_1093 : memref<1x64xf32, #tpu.memory_space<vmem>>) target_semaphore(%arg12 : memref<!tpu.dma_semaphore, #tpu.memory_space<semaphore_mem>>)
      %slice3A_1096 = vector.extract_strided_slice %get3A_795 {offsets = [12], sizes = [1], strides = [1]} : vector<16xi32> to vector<1xi32>
      %squeeze3A_1097 = vector.extract %slice3A_1096[0] : i32 from vector<1xi32>
      %dma_start3A_1098 = arith.constant 44 : i32
      %dma_start3A_1099 = arith.constant 0 : i32
      %dma_start3A_1100 = tpu.memref_slice %arg11[%dma_start3A_1098, %dma_start3A_1099] : memref<64x64xf32, #tpu.memory_space<vmem>> -> memref<1x64xf32, #tpu.memory_space<vmem>>
      %dma_start3A_1101 = arith.constant 0 : i32
      %dma_start3A_1102 = tpu.memref_slice %arg5[%squeeze3A_1097, %dma_start3A_1101] : memref<1000000x64xf32, #tpu.memory_space<hbm>> -> memref<1x64xf32, #tpu.memory_space<hbm>>
      %dma_start3A_1103 = arith.constant 44 : i32
      %dma_start3A_1104 = arith.constant 0 : i32
      %dma_start3A_1105 = tpu.memref_slice %arg11[%dma_start3A_1103, %dma_start3A_1104] : memref<64x64xf32, #tpu.memory_space<vmem>> -> memref<1x64xf32, #tpu.memory_space<vmem>>
      %dma_start3A_1106 = arith.constant 0 : i32
      %dma_start3A_1107 = tpu.memref_slice %arg5[%squeeze3A_1097, %dma_start3A_1106] : memref<1000000x64xf32, #tpu.memory_space<hbm>> -> memref<1x64xf32, #tpu.memory_space<hbm>>
      tpu.enqueue_dma source(%dma_start3A_1107 : memref<1x64xf32, #tpu.memory_space<hbm>>) target(%dma_start3A_1105 : memref<1x64xf32, #tpu.memory_space<vmem>>) target_semaphore(%arg13 : memref<!tpu.dma_semaphore, #tpu.memory_space<semaphore_mem>>)
      %slice3A_1108 = vector.extract_strided_slice %get3A_791 {offsets = [13], sizes = [1], strides = [1]} : vector<16xi32> to vector<1xi32>
      %squeeze3A_1109 = vector.extract %slice3A_1108[0] : i32 from vector<1xi32>
      %dma_start3A_1110 = arith.constant 45 : i32
      %dma_start3A_1111 = arith.constant 0 : i32
      %dma_start3A_1112 = tpu.memref_slice %arg10[%dma_start3A_1110, %dma_start3A_1111] : memref<64x64xf32, #tpu.memory_space<vmem>> -> memref<1x64xf32, #tpu.memory_space<vmem>>
      %dma_start3A_1113 = arith.constant 0 : i32
      %dma_start3A_1114 = tpu.memref_slice %arg4[%squeeze3A_1109, %dma_start3A_1113] : memref<1000000x64xf32, #tpu.memory_space<hbm>> -> memref<1x64xf32, #tpu.memory_space<hbm>>
      %dma_start3A_1115 = arith.constant 45 : i32
      %dma_start3A_1116 = arith.constant 0 : i32
      %dma_start3A_1117 = tpu.memref_slice %arg10[%dma_start3A_1115, %dma_start3A_1116] : memref<64x64xf32, #tpu.memory_space<vmem>> -> memref<1x64xf32, #tpu.memory_space<vmem>>
      %dma_start3A_1118 = arith.constant 0 : i32
      %dma_start3A_1119 = tpu.memref_slice %arg4[%squeeze3A_1109, %dma_start3A_1118] : memref<1000000x64xf32, #tpu.memory_space<hbm>> -> memref<1x64xf32, #tpu.memory_space<hbm>>
      tpu.enqueue_dma source(%dma_start3A_1119 : memref<1x64xf32, #tpu.memory_space<hbm>>) target(%dma_start3A_1117 : memref<1x64xf32, #tpu.memory_space<vmem>>) target_semaphore(%arg12 : memref<!tpu.dma_semaphore, #tpu.memory_space<semaphore_mem>>)
      %slice3A_1120 = vector.extract_strided_slice %get3A_795 {offsets = [13], sizes = [1], strides = [1]} : vector<16xi32> to vector<1xi32>
      %squeeze3A_1121 = vector.extract %slice3A_1120[0] : i32 from vector<1xi32>
      %dma_start3A_1122 = arith.constant 45 : i32
      %dma_start3A_1123 = arith.constant 0 : i32
      %dma_start3A_1124 = tpu.memref_slice %arg11[%dma_start3A_1122, %dma_start3A_1123] : memref<64x64xf32, #tpu.memory_space<vmem>> -> memref<1x64xf32, #tpu.memory_space<vmem>>
      %dma_start3A_1125 = arith.constant 0 : i32
      %dma_start3A_1126 = tpu.memref_slice %arg5[%squeeze3A_1121, %dma_start3A_1125] : memref<1000000x64xf32, #tpu.memory_space<hbm>> -> memref<1x64xf32, #tpu.memory_space<hbm>>
      %dma_start3A_1127 = arith.constant 45 : i32
      %dma_start3A_1128 = arith.constant 0 : i32
      %dma_start3A_1129 = tpu.memref_slice %arg11[%dma_start3A_1127, %dma_start3A_1128] : memref<64x64xf32, #tpu.memory_space<vmem>> -> memref<1x64xf32, #tpu.memory_space<vmem>>
      %dma_start3A_1130 = arith.constant 0 : i32
      %dma_start3A_1131 = tpu.memref_slice %arg5[%squeeze3A_1121, %dma_start3A_1130] : memref<1000000x64xf32, #tpu.memory_space<hbm>> -> memref<1x64xf32, #tpu.memory_space<hbm>>
      tpu.enqueue_dma source(%dma_start3A_1131 : memref<1x64xf32, #tpu.memory_space<hbm>>) target(%dma_start3A_1129 : memref<1x64xf32, #tpu.memory_space<vmem>>) target_semaphore(%arg13 : memref<!tpu.dma_semaphore, #tpu.memory_space<semaphore_mem>>)
      %slice3A_1132 = vector.extract_strided_slice %get3A_791 {offsets = [14], sizes = [1], strides = [1]} : vector<16xi32> to vector<1xi32>
      %squeeze3A_1133 = vector.extract %slice3A_1132[0] : i32 from vector<1xi32>
      %dma_start3A_1134 = arith.constant 46 : i32
      %dma_start3A_1135 = arith.constant 0 : i32
      %dma_start3A_1136 = tpu.memref_slice %arg10[%dma_start3A_1134, %dma_start3A_1135] : memref<64x64xf32, #tpu.memory_space<vmem>> -> memref<1x64xf32, #tpu.memory_space<vmem>>
      %dma_start3A_1137 = arith.constant 0 : i32
      %dma_start3A_1138 = tpu.memref_slice %arg4[%squeeze3A_1133, %dma_start3A_1137] : memref<1000000x64xf32, #tpu.memory_space<hbm>> -> memref<1x64xf32, #tpu.memory_space<hbm>>
      %dma_start3A_1139 = arith.constant 46 : i32
      %dma_start3A_1140 = arith.constant 0 : i32
      %dma_start3A_1141 = tpu.memref_slice %arg10[%dma_start3A_1139, %dma_start3A_1140] : memref<64x64xf32, #tpu.memory_space<vmem>> -> memref<1x64xf32, #tpu.memory_space<vmem>>
      %dma_start3A_1142 = arith.constant 0 : i32
      %dma_start3A_1143 = tpu.memref_slice %arg4[%squeeze3A_1133, %dma_start3A_1142] : memref<1000000x64xf32, #tpu.memory_space<hbm>> -> memref<1x64xf32, #tpu.memory_space<hbm>>
      tpu.enqueue_dma source(%dma_start3A_1143 : memref<1x64xf32, #tpu.memory_space<hbm>>) target(%dma_start3A_1141 : memref<1x64xf32, #tpu.memory_space<vmem>>) target_semaphore(%arg12 : memref<!tpu.dma_semaphore, #tpu.memory_space<semaphore_mem>>)
      %slice3A_1144 = vector.extract_strided_slice %get3A_795 {offsets = [14], sizes = [1], strides = [1]} : vector<16xi32> to vector<1xi32>
      %squeeze3A_1145 = vector.extract %slice3A_1144[0] : i32 from vector<1xi32>
      %dma_start3A_1146 = arith.constant 46 : i32
      %dma_start3A_1147 = arith.constant 0 : i32
      %dma_start3A_1148 = tpu.memref_slice %arg11[%dma_start3A_1146, %dma_start3A_1147] : memref<64x64xf32, #tpu.memory_space<vmem>> -> memref<1x64xf32, #tpu.memory_space<vmem>>
      %dma_start3A_1149 = arith.constant 0 : i32
      %dma_start3A_1150 = tpu.memref_slice %arg5[%squeeze3A_1145, %dma_start3A_1149] : memref<1000000x64xf32, #tpu.memory_space<hbm>> -> memref<1x64xf32, #tpu.memory_space<hbm>>
      %dma_start3A_1151 = arith.constant 46 : i32
      %dma_start3A_1152 = arith.constant 0 : i32
      %dma_start3A_1153 = tpu.memref_slice %arg11[%dma_start3A_1151, %dma_start3A_1152] : memref<64x64xf32, #tpu.memory_space<vmem>> -> memref<1x64xf32, #tpu.memory_space<vmem>>
      %dma_start3A_1154 = arith.constant 0 : i32
      %dma_start3A_1155 = tpu.memref_slice %arg5[%squeeze3A_1145, %dma_start3A_1154] : memref<1000000x64xf32, #tpu.memory_space<hbm>> -> memref<1x64xf32, #tpu.memory_space<hbm>>
      tpu.enqueue_dma source(%dma_start3A_1155 : memref<1x64xf32, #tpu.memory_space<hbm>>) target(%dma_start3A_1153 : memref<1x64xf32, #tpu.memory_space<vmem>>) target_semaphore(%arg13 : memref<!tpu.dma_semaphore, #tpu.memory_space<semaphore_mem>>)
      %slice3A_1156 = vector.extract_strided_slice %get3A_791 {offsets = [15], sizes = [1], strides = [1]} : vector<16xi32> to vector<1xi32>
      %squeeze3A_1157 = vector.extract %slice3A_1156[0] : i32 from vector<1xi32>
      %dma_start3A_1158 = arith.constant 47 : i32
      %dma_start3A_1159 = arith.constant 0 : i32
      %dma_start3A_1160 = tpu.memref_slice %arg10[%dma_start3A_1158, %dma_start3A_1159] : memref<64x64xf32, #tpu.memory_space<vmem>> -> memref<1x64xf32, #tpu.memory_space<vmem>>
      %dma_start3A_1161 = arith.constant 0 : i32
      %dma_start3A_1162 = tpu.memref_slice %arg4[%squeeze3A_1157, %dma_start3A_1161] : memref<1000000x64xf32, #tpu.memory_space<hbm>> -> memref<1x64xf32, #tpu.memory_space<hbm>>
      %dma_start3A_1163 = arith.constant 47 : i32
      %dma_start3A_1164 = arith.constant 0 : i32
      %dma_start3A_1165 = tpu.memref_slice %arg10[%dma_start3A_1163, %dma_start3A_1164] : memref<64x64xf32, #tpu.memory_space<vmem>> -> memref<1x64xf32, #tpu.memory_space<vmem>>
      %dma_start3A_1166 = arith.constant 0 : i32
      %dma_start3A_1167 = tpu.memref_slice %arg4[%squeeze3A_1157, %dma_start3A_1166] : memref<1000000x64xf32, #tpu.memory_space<hbm>> -> memref<1x64xf32, #tpu.memory_space<hbm>>
      tpu.enqueue_dma source(%dma_start3A_1167 : memref<1x64xf32, #tpu.memory_space<hbm>>) target(%dma_start3A_1165 : memref<1x64xf32, #tpu.memory_space<vmem>>) target_semaphore(%arg12 : memref<!tpu.dma_semaphore, #tpu.memory_space<semaphore_mem>>)
      %slice3A_1168 = vector.extract_strided_slice %get3A_795 {offsets = [15], sizes = [1], strides = [1]} : vector<16xi32> to vector<1xi32>
      %squeeze3A_1169 = vector.extract %slice3A_1168[0] : i32 from vector<1xi32>
      %dma_start3A_1170 = arith.constant 47 : i32
      %dma_start3A_1171 = arith.constant 0 : i32
      %dma_start3A_1172 = tpu.memref_slice %arg11[%dma_start3A_1170, %dma_start3A_1171] : memref<64x64xf32, #tpu.memory_space<vmem>> -> memref<1x64xf32, #tpu.memory_space<vmem>>
      %dma_start3A_1173 = arith.constant 0 : i32
      %dma_start3A_1174 = tpu.memref_slice %arg5[%squeeze3A_1169, %dma_start3A_1173] : memref<1000000x64xf32, #tpu.memory_space<hbm>> -> memref<1x64xf32, #tpu.memory_space<hbm>>
      %dma_start3A_1175 = arith.constant 47 : i32
      %dma_start3A_1176 = arith.constant 0 : i32
      %dma_start3A_1177 = tpu.memref_slice %arg11[%dma_start3A_1175, %dma_start3A_1176] : memref<64x64xf32, #tpu.memory_space<vmem>> -> memref<1x64xf32, #tpu.memory_space<vmem>>
      %dma_start3A_1178 = arith.constant 0 : i32
      %dma_start3A_1179 = tpu.memref_slice %arg5[%squeeze3A_1169, %dma_start3A_1178] : memref<1000000x64xf32, #tpu.memory_space<hbm>> -> memref<1x64xf32, #tpu.memory_space<hbm>>
      tpu.enqueue_dma source(%dma_start3A_1179 : memref<1x64xf32, #tpu.memory_space<hbm>>) target(%dma_start3A_1177 : memref<1x64xf32, #tpu.memory_space<vmem>>) target_semaphore(%arg13 : memref<!tpu.dma_semaphore, #tpu.memory_space<semaphore_mem>>)
      %get3A_1180 = arith.index_cast %scan3A_7 : i32 to index
      %get3A_1181 = arith.constant 48 : index
      %get3A_1182 = tpu.vector_load %arg8[%get3A_1180, %get3A_1181] {strides = array<i32>} : memref<8x64xi32, #tpu.memory_space<vmem>>, vector<1x16xi32>,
      %get3A_1183 = vector.shape_cast %get3A_1182 : vector<1x16xi32> to vector<16xi32>
      %get3A_1184 = arith.index_cast %scan3A_7 : i32 to index
      %get3A_1185 = arith.constant 48 : index
      %get3A_1186 = tpu.vector_load %arg9[%get3A_1184, %get3A_1185] {strides = array<i32>} : memref<8x64xi32, #tpu.memory_space<vmem>>, vector<1x16xi32>,
      %get3A_1187 = vector.shape_cast %get3A_1186 : vector<1x16xi32> to vector<16xi32>
      %slice3A_1188 = vector.extract_strided_slice %get3A_1183 {offsets = [0], sizes = [1], strides = [1]} : vector<16xi32> to vector<1xi32>
      %squeeze3A_1189 = vector.extract %slice3A_1188[0] : i32 from vector<1xi32>
      %dma_start3A_1190 = arith.constant 48 : i32
      %dma_start3A_1191 = arith.constant 0 : i32
      %dma_start3A_1192 = tpu.memref_slice %arg10[%dma_start3A_1190, %dma_start3A_1191] : memref<64x64xf32, #tpu.memory_space<vmem>> -> memref<1x64xf32, #tpu.memory_space<vmem>>
      %dma_start3A_1193 = arith.constant 0 : i32
      %dma_start3A_1194 = tpu.memref_slice %arg4[%squeeze3A_1189, %dma_start3A_1193] : memref<1000000x64xf32, #tpu.memory_space<hbm>> -> memref<1x64xf32, #tpu.memory_space<hbm>>
      %dma_start3A_1195 = arith.constant 48 : i32
      %dma_start3A_1196 = arith.constant 0 : i32
      %dma_start3A_1197 = tpu.memref_slice %arg10[%dma_start3A_1195, %dma_start3A_1196] : memref<64x64xf32, #tpu.memory_space<vmem>> -> memref<1x64xf32, #tpu.memory_space<vmem>>
      %dma_start3A_1198 = arith.constant 0 : i32
      %dma_start3A_1199 = tpu.memref_slice %arg4[%squeeze3A_1189, %dma_start3A_1198] : memref<1000000x64xf32, #tpu.memory_space<hbm>> -> memref<1x64xf32, #tpu.memory_space<hbm>>
      tpu.enqueue_dma source(%dma_start3A_1199 : memref<1x64xf32, #tpu.memory_space<hbm>>) target(%dma_start3A_1197 : memref<1x64xf32, #tpu.memory_space<vmem>>) target_semaphore(%arg12 : memref<!tpu.dma_semaphore, #tpu.memory_space<semaphore_mem>>)
      %slice3A_1200 = vector.extract_strided_slice %get3A_1187 {offsets = [0], sizes = [1], strides = [1]} : vector<16xi32> to vector<1xi32>
      %squeeze3A_1201 = vector.extract %slice3A_1200[0] : i32 from vector<1xi32>
      %dma_start3A_1202 = arith.constant 48 : i32
      %dma_start3A_1203 = arith.constant 0 : i32
      %dma_start3A_1204 = tpu.memref_slice %arg11[%dma_start3A_1202, %dma_start3A_1203] : memref<64x64xf32, #tpu.memory_space<vmem>> -> memref<1x64xf32, #tpu.memory_space<vmem>>
      %dma_start3A_1205 = arith.constant 0 : i32
      %dma_start3A_1206 = tpu.memref_slice %arg5[%squeeze3A_1201, %dma_start3A_1205] : memref<1000000x64xf32, #tpu.memory_space<hbm>> -> memref<1x64xf32, #tpu.memory_space<hbm>>
      %dma_start3A_1207 = arith.constant 48 : i32
      %dma_start3A_1208 = arith.constant 0 : i32
      %dma_start3A_1209 = tpu.memref_slice %arg11[%dma_start3A_1207, %dma_start3A_1208] : memref<64x64xf32, #tpu.memory_space<vmem>> -> memref<1x64xf32, #tpu.memory_space<vmem>>
      %dma_start3A_1210 = arith.constant 0 : i32
      %dma_start3A_1211 = tpu.memref_slice %arg5[%squeeze3A_1201, %dma_start3A_1210] : memref<1000000x64xf32, #tpu.memory_space<hbm>> -> memref<1x64xf32, #tpu.memory_space<hbm>>
      tpu.enqueue_dma source(%dma_start3A_1211 : memref<1x64xf32, #tpu.memory_space<hbm>>) target(%dma_start3A_1209 : memref<1x64xf32, #tpu.memory_space<vmem>>) target_semaphore(%arg13 : memref<!tpu.dma_semaphore, #tpu.memory_space<semaphore_mem>>)
      %slice3A_1212 = vector.extract_strided_slice %get3A_1183 {offsets = [1], sizes = [1], strides = [1]} : vector<16xi32> to vector<1xi32>
      %squeeze3A_1213 = vector.extract %slice3A_1212[0] : i32 from vector<1xi32>
      %dma_start3A_1214 = arith.constant 49 : i32
      %dma_start3A_1215 = arith.constant 0 : i32
      %dma_start3A_1216 = tpu.memref_slice %arg10[%dma_start3A_1214, %dma_start3A_1215] : memref<64x64xf32, #tpu.memory_space<vmem>> -> memref<1x64xf32, #tpu.memory_space<vmem>>
      %dma_start3A_1217 = arith.constant 0 : i32
      %dma_start3A_1218 = tpu.memref_slice %arg4[%squeeze3A_1213, %dma_start3A_1217] : memref<1000000x64xf32, #tpu.memory_space<hbm>> -> memref<1x64xf32, #tpu.memory_space<hbm>>
      %dma_start3A_1219 = arith.constant 49 : i32
      %dma_start3A_1220 = arith.constant 0 : i32
      %dma_start3A_1221 = tpu.memref_slice %arg10[%dma_start3A_1219, %dma_start3A_1220] : memref<64x64xf32, #tpu.memory_space<vmem>> -> memref<1x64xf32, #tpu.memory_space<vmem>>
      %dma_start3A_1222 = arith.constant 0 : i32
      %dma_start3A_1223 = tpu.memref_slice %arg4[%squeeze3A_1213, %dma_start3A_1222] : memref<1000000x64xf32, #tpu.memory_space<hbm>> -> memref<1x64xf32, #tpu.memory_space<hbm>>
      tpu.enqueue_dma source(%dma_start3A_1223 : memref<1x64xf32, #tpu.memory_space<hbm>>) target(%dma_start3A_1221 : memref<1x64xf32, #tpu.memory_space<vmem>>) target_semaphore(%arg12 : memref<!tpu.dma_semaphore, #tpu.memory_space<semaphore_mem>>)
      %slice3A_1224 = vector.extract_strided_slice %get3A_1187 {offsets = [1], sizes = [1], strides = [1]} : vector<16xi32> to vector<1xi32>
      %squeeze3A_1225 = vector.extract %slice3A_1224[0] : i32 from vector<1xi32>
      %dma_start3A_1226 = arith.constant 49 : i32
      %dma_start3A_1227 = arith.constant 0 : i32
      %dma_start3A_1228 = tpu.memref_slice %arg11[%dma_start3A_1226, %dma_start3A_1227] : memref<64x64xf32, #tpu.memory_space<vmem>> -> memref<1x64xf32, #tpu.memory_space<vmem>>
      %dma_start3A_1229 = arith.constant 0 : i32
      %dma_start3A_1230 = tpu.memref_slice %arg5[%squeeze3A_1225, %dma_start3A_1229] : memref<1000000x64xf32, #tpu.memory_space<hbm>> -> memref<1x64xf32, #tpu.memory_space<hbm>>
      %dma_start3A_1231 = arith.constant 49 : i32
      %dma_start3A_1232 = arith.constant 0 : i32
      %dma_start3A_1233 = tpu.memref_slice %arg11[%dma_start3A_1231, %dma_start3A_1232] : memref<64x64xf32, #tpu.memory_space<vmem>> -> memref<1x64xf32, #tpu.memory_space<vmem>>
      %dma_start3A_1234 = arith.constant 0 : i32
      %dma_start3A_1235 = tpu.memref_slice %arg5[%squeeze3A_1225, %dma_start3A_1234] : memref<1000000x64xf32, #tpu.memory_space<hbm>> -> memref<1x64xf32, #tpu.memory_space<hbm>>
      tpu.enqueue_dma source(%dma_start3A_1235 : memref<1x64xf32, #tpu.memory_space<hbm>>) target(%dma_start3A_1233 : memref<1x64xf32, #tpu.memory_space<vmem>>) target_semaphore(%arg13 : memref<!tpu.dma_semaphore, #tpu.memory_space<semaphore_mem>>)
      %slice3A_1236 = vector.extract_strided_slice %get3A_1183 {offsets = [2], sizes = [1], strides = [1]} : vector<16xi32> to vector<1xi32>
      %squeeze3A_1237 = vector.extract %slice3A_1236[0] : i32 from vector<1xi32>
      %dma_start3A_1238 = arith.constant 50 : i32
      %dma_start3A_1239 = arith.constant 0 : i32
      %dma_start3A_1240 = tpu.memref_slice %arg10[%dma_start3A_1238, %dma_start3A_1239] : memref<64x64xf32, #tpu.memory_space<vmem>> -> memref<1x64xf32, #tpu.memory_space<vmem>>
      %dma_start3A_1241 = arith.constant 0 : i32
      %dma_start3A_1242 = tpu.memref_slice %arg4[%squeeze3A_1237, %dma_start3A_1241] : memref<1000000x64xf32, #tpu.memory_space<hbm>> -> memref<1x64xf32, #tpu.memory_space<hbm>>
      %dma_start3A_1243 = arith.constant 50 : i32
      %dma_start3A_1244 = arith.constant 0 : i32
      %dma_start3A_1245 = tpu.memref_slice %arg10[%dma_start3A_1243, %dma_start3A_1244] : memref<64x64xf32, #tpu.memory_space<vmem>> -> memref<1x64xf32, #tpu.memory_space<vmem>>
      %dma_start3A_1246 = arith.constant 0 : i32
      %dma_start3A_1247 = tpu.memref_slice %arg4[%squeeze3A_1237, %dma_start3A_1246] : memref<1000000x64xf32, #tpu.memory_space<hbm>> -> memref<1x64xf32, #tpu.memory_space<hbm>>
      tpu.enqueue_dma source(%dma_start3A_1247 : memref<1x64xf32, #tpu.memory_space<hbm>>) target(%dma_start3A_1245 : memref<1x64xf32, #tpu.memory_space<vmem>>) target_semaphore(%arg12 : memref<!tpu.dma_semaphore, #tpu.memory_space<semaphore_mem>>)
      %slice3A_1248 = vector.extract_strided_slice %get3A_1187 {offsets = [2], sizes = [1], strides = [1]} : vector<16xi32> to vector<1xi32>
      %squeeze3A_1249 = vector.extract %slice3A_1248[0] : i32 from vector<1xi32>
      %dma_start3A_1250 = arith.constant 50 : i32
      %dma_start3A_1251 = arith.constant 0 : i32
      %dma_start3A_1252 = tpu.memref_slice %arg11[%dma_start3A_1250, %dma_start3A_1251] : memref<64x64xf32, #tpu.memory_space<vmem>> -> memref<1x64xf32, #tpu.memory_space<vmem>>
      %dma_start3A_1253 = arith.constant 0 : i32
      %dma_start3A_1254 = tpu.memref_slice %arg5[%squeeze3A_1249, %dma_start3A_1253] : memref<1000000x64xf32, #tpu.memory_space<hbm>> -> memref<1x64xf32, #tpu.memory_space<hbm>>
      %dma_start3A_1255 = arith.constant 50 : i32
      %dma_start3A_1256 = arith.constant 0 : i32
      %dma_start3A_1257 = tpu.memref_slice %arg11[%dma_start3A_1255, %dma_start3A_1256] : memref<64x64xf32, #tpu.memory_space<vmem>> -> memref<1x64xf32, #tpu.memory_space<vmem>>
      %dma_start3A_1258 = arith.constant 0 : i32
      %dma_start3A_1259 = tpu.memref_slice %arg5[%squeeze3A_1249, %dma_start3A_1258] : memref<1000000x64xf32, #tpu.memory_space<hbm>> -> memref<1x64xf32, #tpu.memory_space<hbm>>
      tpu.enqueue_dma source(%dma_start3A_1259 : memref<1x64xf32, #tpu.memory_space<hbm>>) target(%dma_start3A_1257 : memref<1x64xf32, #tpu.memory_space<vmem>>) target_semaphore(%arg13 : memref<!tpu.dma_semaphore, #tpu.memory_space<semaphore_mem>>)
      %slice3A_1260 = vector.extract_strided_slice %get3A_1183 {offsets = [3], sizes = [1], strides = [1]} : vector<16xi32> to vector<1xi32>
      %squeeze3A_1261 = vector.extract %slice3A_1260[0] : i32 from vector<1xi32>
      %dma_start3A_1262 = arith.constant 51 : i32
      %dma_start3A_1263 = arith.constant 0 : i32
      %dma_start3A_1264 = tpu.memref_slice %arg10[%dma_start3A_1262, %dma_start3A_1263] : memref<64x64xf32, #tpu.memory_space<vmem>> -> memref<1x64xf32, #tpu.memory_space<vmem>>
      %dma_start3A_1265 = arith.constant 0 : i32
      %dma_start3A_1266 = tpu.memref_slice %arg4[%squeeze3A_1261, %dma_start3A_1265] : memref<1000000x64xf32, #tpu.memory_space<hbm>> -> memref<1x64xf32, #tpu.memory_space<hbm>>
      %dma_start3A_1267 = arith.constant 51 : i32
      %dma_start3A_1268 = arith.constant 0 : i32
      %dma_start3A_1269 = tpu.memref_slice %arg10[%dma_start3A_1267, %dma_start3A_1268] : memref<64x64xf32, #tpu.memory_space<vmem>> -> memref<1x64xf32, #tpu.memory_space<vmem>>
      %dma_start3A_1270 = arith.constant 0 : i32
      %dma_start3A_1271 = tpu.memref_slice %arg4[%squeeze3A_1261, %dma_start3A_1270] : memref<1000000x64xf32, #tpu.memory_space<hbm>> -> memref<1x64xf32, #tpu.memory_space<hbm>>
      tpu.enqueue_dma source(%dma_start3A_1271 : memref<1x64xf32, #tpu.memory_space<hbm>>) target(%dma_start3A_1269 : memref<1x64xf32, #tpu.memory_space<vmem>>) target_semaphore(%arg12 : memref<!tpu.dma_semaphore, #tpu.memory_space<semaphore_mem>>)
      %slice3A_1272 = vector.extract_strided_slice %get3A_1187 {offsets = [3], sizes = [1], strides = [1]} : vector<16xi32> to vector<1xi32>
      %squeeze3A_1273 = vector.extract %slice3A_1272[0] : i32 from vector<1xi32>
      %dma_start3A_1274 = arith.constant 51 : i32
      %dma_start3A_1275 = arith.constant 0 : i32
      %dma_start3A_1276 = tpu.memref_slice %arg11[%dma_start3A_1274, %dma_start3A_1275] : memref<64x64xf32, #tpu.memory_space<vmem>> -> memref<1x64xf32, #tpu.memory_space<vmem>>
      %dma_start3A_1277 = arith.constant 0 : i32
      %dma_start3A_1278 = tpu.memref_slice %arg5[%squeeze3A_1273, %dma_start3A_1277] : memref<1000000x64xf32, #tpu.memory_space<hbm>> -> memref<1x64xf32, #tpu.memory_space<hbm>>
      %dma_start3A_1279 = arith.constant 51 : i32
      %dma_start3A_1280 = arith.constant 0 : i32
      %dma_start3A_1281 = tpu.memref_slice %arg11[%dma_start3A_1279, %dma_start3A_1280] : memref<64x64xf32, #tpu.memory_space<vmem>> -> memref<1x64xf32, #tpu.memory_space<vmem>>
      %dma_start3A_1282 = arith.constant 0 : i32
      %dma_start3A_1283 = tpu.memref_slice %arg5[%squeeze3A_1273, %dma_start3A_1282] : memref<1000000x64xf32, #tpu.memory_space<hbm>> -> memref<1x64xf32, #tpu.memory_space<hbm>>
      tpu.enqueue_dma source(%dma_start3A_1283 : memref<1x64xf32, #tpu.memory_space<hbm>>) target(%dma_start3A_1281 : memref<1x64xf32, #tpu.memory_space<vmem>>) target_semaphore(%arg13 : memref<!tpu.dma_semaphore, #tpu.memory_space<semaphore_mem>>)
      %slice3A_1284 = vector.extract_strided_slice %get3A_1183 {offsets = [4], sizes = [1], strides = [1]} : vector<16xi32> to vector<1xi32>
      %squeeze3A_1285 = vector.extract %slice3A_1284[0] : i32 from vector<1xi32>
      %dma_start3A_1286 = arith.constant 52 : i32
      %dma_start3A_1287 = arith.constant 0 : i32
      %dma_start3A_1288 = tpu.memref_slice %arg10[%dma_start3A_1286, %dma_start3A_1287] : memref<64x64xf32, #tpu.memory_space<vmem>> -> memref<1x64xf32, #tpu.memory_space<vmem>>
      %dma_start3A_1289 = arith.constant 0 : i32
      %dma_start3A_1290 = tpu.memref_slice %arg4[%squeeze3A_1285, %dma_start3A_1289] : memref<1000000x64xf32, #tpu.memory_space<hbm>> -> memref<1x64xf32, #tpu.memory_space<hbm>>
      %dma_start3A_1291 = arith.constant 52 : i32
      %dma_start3A_1292 = arith.constant 0 : i32
      %dma_start3A_1293 = tpu.memref_slice %arg10[%dma_start3A_1291, %dma_start3A_1292] : memref<64x64xf32, #tpu.memory_space<vmem>> -> memref<1x64xf32, #tpu.memory_space<vmem>>
      %dma_start3A_1294 = arith.constant 0 : i32
      %dma_start3A_1295 = tpu.memref_slice %arg4[%squeeze3A_1285, %dma_start3A_1294] : memref<1000000x64xf32, #tpu.memory_space<hbm>> -> memref<1x64xf32, #tpu.memory_space<hbm>>
      tpu.enqueue_dma source(%dma_start3A_1295 : memref<1x64xf32, #tpu.memory_space<hbm>>) target(%dma_start3A_1293 : memref<1x64xf32, #tpu.memory_space<vmem>>) target_semaphore(%arg12 : memref<!tpu.dma_semaphore, #tpu.memory_space<semaphore_mem>>)
      %slice3A_1296 = vector.extract_strided_slice %get3A_1187 {offsets = [4], sizes = [1], strides = [1]} : vector<16xi32> to vector<1xi32>
      %squeeze3A_1297 = vector.extract %slice3A_1296[0] : i32 from vector<1xi32>
      %dma_start3A_1298 = arith.constant 52 : i32
      %dma_start3A_1299 = arith.constant 0 : i32
      %dma_start3A_1300 = tpu.memref_slice %arg11[%dma_start3A_1298, %dma_start3A_1299] : memref<64x64xf32, #tpu.memory_space<vmem>> -> memref<1x64xf32, #tpu.memory_space<vmem>>
      %dma_start3A_1301 = arith.constant 0 : i32
      %dma_start3A_1302 = tpu.memref_slice %arg5[%squeeze3A_1297, %dma_start3A_1301] : memref<1000000x64xf32, #tpu.memory_space<hbm>> -> memref<1x64xf32, #tpu.memory_space<hbm>>
      %dma_start3A_1303 = arith.constant 52 : i32
      %dma_start3A_1304 = arith.constant 0 : i32
      %dma_start3A_1305 = tpu.memref_slice %arg11[%dma_start3A_1303, %dma_start3A_1304] : memref<64x64xf32, #tpu.memory_space<vmem>> -> memref<1x64xf32, #tpu.memory_space<vmem>>
      %dma_start3A_1306 = arith.constant 0 : i32
      %dma_start3A_1307 = tpu.memref_slice %arg5[%squeeze3A_1297, %dma_start3A_1306] : memref<1000000x64xf32, #tpu.memory_space<hbm>> -> memref<1x64xf32, #tpu.memory_space<hbm>>
      tpu.enqueue_dma source(%dma_start3A_1307 : memref<1x64xf32, #tpu.memory_space<hbm>>) target(%dma_start3A_1305 : memref<1x64xf32, #tpu.memory_space<vmem>>) target_semaphore(%arg13 : memref<!tpu.dma_semaphore, #tpu.memory_space<semaphore_mem>>)
      %slice3A_1308 = vector.extract_strided_slice %get3A_1183 {offsets = [5], sizes = [1], strides = [1]} : vector<16xi32> to vector<1xi32>
      %squeeze3A_1309 = vector.extract %slice3A_1308[0] : i32 from vector<1xi32>
      %dma_start3A_1310 = arith.constant 53 : i32
      %dma_start3A_1311 = arith.constant 0 : i32
      %dma_start3A_1312 = tpu.memref_slice %arg10[%dma_start3A_1310, %dma_start3A_1311] : memref<64x64xf32, #tpu.memory_space<vmem>> -> memref<1x64xf32, #tpu.memory_space<vmem>>
      %dma_start3A_1313 = arith.constant 0 : i32
      %dma_start3A_1314 = tpu.memref_slice %arg4[%squeeze3A_1309, %dma_start3A_1313] : memref<1000000x64xf32, #tpu.memory_space<hbm>> -> memref<1x64xf32, #tpu.memory_space<hbm>>
      %dma_start3A_1315 = arith.constant 53 : i32
      %dma_start3A_1316 = arith.constant 0 : i32
      %dma_start3A_1317 = tpu.memref_slice %arg10[%dma_start3A_1315, %dma_start3A_1316] : memref<64x64xf32, #tpu.memory_space<vmem>> -> memref<1x64xf32, #tpu.memory_space<vmem>>
      %dma_start3A_1318 = arith.constant 0 : i32
      %dma_start3A_1319 = tpu.memref_slice %arg4[%squeeze3A_1309, %dma_start3A_1318] : memref<1000000x64xf32, #tpu.memory_space<hbm>> -> memref<1x64xf32, #tpu.memory_space<hbm>>
      tpu.enqueue_dma source(%dma_start3A_1319 : memref<1x64xf32, #tpu.memory_space<hbm>>) target(%dma_start3A_1317 : memref<1x64xf32, #tpu.memory_space<vmem>>) target_semaphore(%arg12 : memref<!tpu.dma_semaphore, #tpu.memory_space<semaphore_mem>>)
      %slice3A_1320 = vector.extract_strided_slice %get3A_1187 {offsets = [5], sizes = [1], strides = [1]} : vector<16xi32> to vector<1xi32>
      %squeeze3A_1321 = vector.extract %slice3A_1320[0] : i32 from vector<1xi32>
      %dma_start3A_1322 = arith.constant 53 : i32
      %dma_start3A_1323 = arith.constant 0 : i32
      %dma_start3A_1324 = tpu.memref_slice %arg11[%dma_start3A_1322, %dma_start3A_1323] : memref<64x64xf32, #tpu.memory_space<vmem>> -> memref<1x64xf32, #tpu.memory_space<vmem>>
      %dma_start3A_1325 = arith.constant 0 : i32
      %dma_start3A_1326 = tpu.memref_slice %arg5[%squeeze3A_1321, %dma_start3A_1325] : memref<1000000x64xf32, #tpu.memory_space<hbm>> -> memref<1x64xf32, #tpu.memory_space<hbm>>
      %dma_start3A_1327 = arith.constant 53 : i32
      %dma_start3A_1328 = arith.constant 0 : i32
      %dma_start3A_1329 = tpu.memref_slice %arg11[%dma_start3A_1327, %dma_start3A_1328] : memref<64x64xf32, #tpu.memory_space<vmem>> -> memref<1x64xf32, #tpu.memory_space<vmem>>
      %dma_start3A_1330 = arith.constant 0 : i32
      %dma_start3A_1331 = tpu.memref_slice %arg5[%squeeze3A_1321, %dma_start3A_1330] : memref<1000000x64xf32, #tpu.memory_space<hbm>> -> memref<1x64xf32, #tpu.memory_space<hbm>>
      tpu.enqueue_dma source(%dma_start3A_1331 : memref<1x64xf32, #tpu.memory_space<hbm>>) target(%dma_start3A_1329 : memref<1x64xf32, #tpu.memory_space<vmem>>) target_semaphore(%arg13 : memref<!tpu.dma_semaphore, #tpu.memory_space<semaphore_mem>>)
      %slice3A_1332 = vector.extract_strided_slice %get3A_1183 {offsets = [6], sizes = [1], strides = [1]} : vector<16xi32> to vector<1xi32>
      %squeeze3A_1333 = vector.extract %slice3A_1332[0] : i32 from vector<1xi32>
      %dma_start3A_1334 = arith.constant 54 : i32
      %dma_start3A_1335 = arith.constant 0 : i32
      %dma_start3A_1336 = tpu.memref_slice %arg10[%dma_start3A_1334, %dma_start3A_1335] : memref<64x64xf32, #tpu.memory_space<vmem>> -> memref<1x64xf32, #tpu.memory_space<vmem>>
      %dma_start3A_1337 = arith.constant 0 : i32
      %dma_start3A_1338 = tpu.memref_slice %arg4[%squeeze3A_1333, %dma_start3A_1337] : memref<1000000x64xf32, #tpu.memory_space<hbm>> -> memref<1x64xf32, #tpu.memory_space<hbm>>
      %dma_start3A_1339 = arith.constant 54 : i32
      %dma_start3A_1340 = arith.constant 0 : i32
      %dma_start3A_1341 = tpu.memref_slice %arg10[%dma_start3A_1339, %dma_start3A_1340] : memref<64x64xf32, #tpu.memory_space<vmem>> -> memref<1x64xf32, #tpu.memory_space<vmem>>
      %dma_start3A_1342 = arith.constant 0 : i32
      %dma_start3A_1343 = tpu.memref_slice %arg4[%squeeze3A_1333, %dma_start3A_1342] : memref<1000000x64xf32, #tpu.memory_space<hbm>> -> memref<1x64xf32, #tpu.memory_space<hbm>>
      tpu.enqueue_dma source(%dma_start3A_1343 : memref<1x64xf32, #tpu.memory_space<hbm>>) target(%dma_start3A_1341 : memref<1x64xf32, #tpu.memory_space<vmem>>) target_semaphore(%arg12 : memref<!tpu.dma_semaphore, #tpu.memory_space<semaphore_mem>>)
      %slice3A_1344 = vector.extract_strided_slice %get3A_1187 {offsets = [6], sizes = [1], strides = [1]} : vector<16xi32> to vector<1xi32>
      %squeeze3A_1345 = vector.extract %slice3A_1344[0] : i32 from vector<1xi32>
      %dma_start3A_1346 = arith.constant 54 : i32
      %dma_start3A_1347 = arith.constant 0 : i32
      %dma_start3A_1348 = tpu.memref_slice %arg11[%dma_start3A_1346, %dma_start3A_1347] : memref<64x64xf32, #tpu.memory_space<vmem>> -> memref<1x64xf32, #tpu.memory_space<vmem>>
      %dma_start3A_1349 = arith.constant 0 : i32
      %dma_start3A_1350 = tpu.memref_slice %arg5[%squeeze3A_1345, %dma_start3A_1349] : memref<1000000x64xf32, #tpu.memory_space<hbm>> -> memref<1x64xf32, #tpu.memory_space<hbm>>
      %dma_start3A_1351 = arith.constant 54 : i32
      %dma_start3A_1352 = arith.constant 0 : i32
      %dma_start3A_1353 = tpu.memref_slice %arg11[%dma_start3A_1351, %dma_start3A_1352] : memref<64x64xf32, #tpu.memory_space<vmem>> -> memref<1x64xf32, #tpu.memory_space<vmem>>
      %dma_start3A_1354 = arith.constant 0 : i32
      %dma_start3A_1355 = tpu.memref_slice %arg5[%squeeze3A_1345, %dma_start3A_1354] : memref<1000000x64xf32, #tpu.memory_space<hbm>> -> memref<1x64xf32, #tpu.memory_space<hbm>>
      tpu.enqueue_dma source(%dma_start3A_1355 : memref<1x64xf32, #tpu.memory_space<hbm>>) target(%dma_start3A_1353 : memref<1x64xf32, #tpu.memory_space<vmem>>) target_semaphore(%arg13 : memref<!tpu.dma_semaphore, #tpu.memory_space<semaphore_mem>>)
      %slice3A_1356 = vector.extract_strided_slice %get3A_1183 {offsets = [7], sizes = [1], strides = [1]} : vector<16xi32> to vector<1xi32>
      %squeeze3A_1357 = vector.extract %slice3A_1356[0] : i32 from vector<1xi32>
      %dma_start3A_1358 = arith.constant 55 : i32
      %dma_start3A_1359 = arith.constant 0 : i32
      %dma_start3A_1360 = tpu.memref_slice %arg10[%dma_start3A_1358, %dma_start3A_1359] : memref<64x64xf32, #tpu.memory_space<vmem>> -> memref<1x64xf32, #tpu.memory_space<vmem>>
      %dma_start3A_1361 = arith.constant 0 : i32
      %dma_start3A_1362 = tpu.memref_slice %arg4[%squeeze3A_1357, %dma_start3A_1361] : memref<1000000x64xf32, #tpu.memory_space<hbm>> -> memref<1x64xf32, #tpu.memory_space<hbm>>
      %dma_start3A_1363 = arith.constant 55 : i32
      %dma_start3A_1364 = arith.constant 0 : i32
      %dma_start3A_1365 = tpu.memref_slice %arg10[%dma_start3A_1363, %dma_start3A_1364] : memref<64x64xf32, #tpu.memory_space<vmem>> -> memref<1x64xf32, #tpu.memory_space<vmem>>
      %dma_start3A_1366 = arith.constant 0 : i32
      %dma_start3A_1367 = tpu.memref_slice %arg4[%squeeze3A_1357, %dma_start3A_1366] : memref<1000000x64xf32, #tpu.memory_space<hbm>> -> memref<1x64xf32, #tpu.memory_space<hbm>>
      tpu.enqueue_dma source(%dma_start3A_1367 : memref<1x64xf32, #tpu.memory_space<hbm>>) target(%dma_start3A_1365 : memref<1x64xf32, #tpu.memory_space<vmem>>) target_semaphore(%arg12 : memref<!tpu.dma_semaphore, #tpu.memory_space<semaphore_mem>>)
      %slice3A_1368 = vector.extract_strided_slice %get3A_1187 {offsets = [7], sizes = [1], strides = [1]} : vector<16xi32> to vector<1xi32>
      %squeeze3A_1369 = vector.extract %slice3A_1368[0] : i32 from vector<1xi32>
      %dma_start3A_1370 = arith.constant 55 : i32
      %dma_start3A_1371 = arith.constant 0 : i32
      %dma_start3A_1372 = tpu.memref_slice %arg11[%dma_start3A_1370, %dma_start3A_1371] : memref<64x64xf32, #tpu.memory_space<vmem>> -> memref<1x64xf32, #tpu.memory_space<vmem>>
      %dma_start3A_1373 = arith.constant 0 : i32
      %dma_start3A_1374 = tpu.memref_slice %arg5[%squeeze3A_1369, %dma_start3A_1373] : memref<1000000x64xf32, #tpu.memory_space<hbm>> -> memref<1x64xf32, #tpu.memory_space<hbm>>
      %dma_start3A_1375 = arith.constant 55 : i32
      %dma_start3A_1376 = arith.constant 0 : i32
      %dma_start3A_1377 = tpu.memref_slice %arg11[%dma_start3A_1375, %dma_start3A_1376] : memref<64x64xf32, #tpu.memory_space<vmem>> -> memref<1x64xf32, #tpu.memory_space<vmem>>
      %dma_start3A_1378 = arith.constant 0 : i32
      %dma_start3A_1379 = tpu.memref_slice %arg5[%squeeze3A_1369, %dma_start3A_1378] : memref<1000000x64xf32, #tpu.memory_space<hbm>> -> memref<1x64xf32, #tpu.memory_space<hbm>>
      tpu.enqueue_dma source(%dma_start3A_1379 : memref<1x64xf32, #tpu.memory_space<hbm>>) target(%dma_start3A_1377 : memref<1x64xf32, #tpu.memory_space<vmem>>) target_semaphore(%arg13 : memref<!tpu.dma_semaphore, #tpu.memory_space<semaphore_mem>>)
      %slice3A_1380 = vector.extract_strided_slice %get3A_1183 {offsets = [8], sizes = [1], strides = [1]} : vector<16xi32> to vector<1xi32>
      %squeeze3A_1381 = vector.extract %slice3A_1380[0] : i32 from vector<1xi32>
      %dma_start3A_1382 = arith.constant 56 : i32
      %dma_start3A_1383 = arith.constant 0 : i32
      %dma_start3A_1384 = tpu.memref_slice %arg10[%dma_start3A_1382, %dma_start3A_1383] : memref<64x64xf32, #tpu.memory_space<vmem>> -> memref<1x64xf32, #tpu.memory_space<vmem>>
      %dma_start3A_1385 = arith.constant 0 : i32
      %dma_start3A_1386 = tpu.memref_slice %arg4[%squeeze3A_1381, %dma_start3A_1385] : memref<1000000x64xf32, #tpu.memory_space<hbm>> -> memref<1x64xf32, #tpu.memory_space<hbm>>
      %dma_start3A_1387 = arith.constant 56 : i32
      %dma_start3A_1388 = arith.constant 0 : i32
      %dma_start3A_1389 = tpu.memref_slice %arg10[%dma_start3A_1387, %dma_start3A_1388] : memref<64x64xf32, #tpu.memory_space<vmem>> -> memref<1x64xf32, #tpu.memory_space<vmem>>
      %dma_start3A_1390 = arith.constant 0 : i32
      %dma_start3A_1391 = tpu.memref_slice %arg4[%squeeze3A_1381, %dma_start3A_1390] : memref<1000000x64xf32, #tpu.memory_space<hbm>> -> memref<1x64xf32, #tpu.memory_space<hbm>>
      tpu.enqueue_dma source(%dma_start3A_1391 : memref<1x64xf32, #tpu.memory_space<hbm>>) target(%dma_start3A_1389 : memref<1x64xf32, #tpu.memory_space<vmem>>) target_semaphore(%arg12 : memref<!tpu.dma_semaphore, #tpu.memory_space<semaphore_mem>>)
      %slice3A_1392 = vector.extract_strided_slice %get3A_1187 {offsets = [8], sizes = [1], strides = [1]} : vector<16xi32> to vector<1xi32>
      %squeeze3A_1393 = vector.extract %slice3A_1392[0] : i32 from vector<1xi32>
      %dma_start3A_1394 = arith.constant 56 : i32
      %dma_start3A_1395 = arith.constant 0 : i32
      %dma_start3A_1396 = tpu.memref_slice %arg11[%dma_start3A_1394, %dma_start3A_1395] : memref<64x64xf32, #tpu.memory_space<vmem>> -> memref<1x64xf32, #tpu.memory_space<vmem>>
      %dma_start3A_1397 = arith.constant 0 : i32
      %dma_start3A_1398 = tpu.memref_slice %arg5[%squeeze3A_1393, %dma_start3A_1397] : memref<1000000x64xf32, #tpu.memory_space<hbm>> -> memref<1x64xf32, #tpu.memory_space<hbm>>
      %dma_start3A_1399 = arith.constant 56 : i32
      %dma_start3A_1400 = arith.constant 0 : i32
      %dma_start3A_1401 = tpu.memref_slice %arg11[%dma_start3A_1399, %dma_start3A_1400] : memref<64x64xf32, #tpu.memory_space<vmem>> -> memref<1x64xf32, #tpu.memory_space<vmem>>
      %dma_start3A_1402 = arith.constant 0 : i32
      %dma_start3A_1403 = tpu.memref_slice %arg5[%squeeze3A_1393, %dma_start3A_1402] : memref<1000000x64xf32, #tpu.memory_space<hbm>> -> memref<1x64xf32, #tpu.memory_space<hbm>>
      tpu.enqueue_dma source(%dma_start3A_1403 : memref<1x64xf32, #tpu.memory_space<hbm>>) target(%dma_start3A_1401 : memref<1x64xf32, #tpu.memory_space<vmem>>) target_semaphore(%arg13 : memref<!tpu.dma_semaphore, #tpu.memory_space<semaphore_mem>>)
      %slice3A_1404 = vector.extract_strided_slice %get3A_1183 {offsets = [9], sizes = [1], strides = [1]} : vector<16xi32> to vector<1xi32>
      %squeeze3A_1405 = vector.extract %slice3A_1404[0] : i32 from vector<1xi32>
      %dma_start3A_1406 = arith.constant 57 : i32
      %dma_start3A_1407 = arith.constant 0 : i32
      %dma_start3A_1408 = tpu.memref_slice %arg10[%dma_start3A_1406, %dma_start3A_1407] : memref<64x64xf32, #tpu.memory_space<vmem>> -> memref<1x64xf32, #tpu.memory_space<vmem>>
      %dma_start3A_1409 = arith.constant 0 : i32
      %dma_start3A_1410 = tpu.memref_slice %arg4[%squeeze3A_1405, %dma_start3A_1409] : memref<1000000x64xf32, #tpu.memory_space<hbm>> -> memref<1x64xf32, #tpu.memory_space<hbm>>
      %dma_start3A_1411 = arith.constant 57 : i32
      %dma_start3A_1412 = arith.constant 0 : i32
      %dma_start3A_1413 = tpu.memref_slice %arg10[%dma_start3A_1411, %dma_start3A_1412] : memref<64x64xf32, #tpu.memory_space<vmem>> -> memref<1x64xf32, #tpu.memory_space<vmem>>
      %dma_start3A_1414 = arith.constant 0 : i32
      %dma_start3A_1415 = tpu.memref_slice %arg4[%squeeze3A_1405, %dma_start3A_1414] : memref<1000000x64xf32, #tpu.memory_space<hbm>> -> memref<1x64xf32, #tpu.memory_space<hbm>>
      tpu.enqueue_dma source(%dma_start3A_1415 : memref<1x64xf32, #tpu.memory_space<hbm>>) target(%dma_start3A_1413 : memref<1x64xf32, #tpu.memory_space<vmem>>) target_semaphore(%arg12 : memref<!tpu.dma_semaphore, #tpu.memory_space<semaphore_mem>>)
      %slice3A_1416 = vector.extract_strided_slice %get3A_1187 {offsets = [9], sizes = [1], strides = [1]} : vector<16xi32> to vector<1xi32>
      %squeeze3A_1417 = vector.extract %slice3A_1416[0] : i32 from vector<1xi32>
      %dma_start3A_1418 = arith.constant 57 : i32
      %dma_start3A_1419 = arith.constant 0 : i32
      %dma_start3A_1420 = tpu.memref_slice %arg11[%dma_start3A_1418, %dma_start3A_1419] : memref<64x64xf32, #tpu.memory_space<vmem>> -> memref<1x64xf32, #tpu.memory_space<vmem>>
      %dma_start3A_1421 = arith.constant 0 : i32
      %dma_start3A_1422 = tpu.memref_slice %arg5[%squeeze3A_1417, %dma_start3A_1421] : memref<1000000x64xf32, #tpu.memory_space<hbm>> -> memref<1x64xf32, #tpu.memory_space<hbm>>
      %dma_start3A_1423 = arith.constant 57 : i32
      %dma_start3A_1424 = arith.constant 0 : i32
      %dma_start3A_1425 = tpu.memref_slice %arg11[%dma_start3A_1423, %dma_start3A_1424] : memref<64x64xf32, #tpu.memory_space<vmem>> -> memref<1x64xf32, #tpu.memory_space<vmem>>
      %dma_start3A_1426 = arith.constant 0 : i32
      %dma_start3A_1427 = tpu.memref_slice %arg5[%squeeze3A_1417, %dma_start3A_1426] : memref<1000000x64xf32, #tpu.memory_space<hbm>> -> memref<1x64xf32, #tpu.memory_space<hbm>>
      tpu.enqueue_dma source(%dma_start3A_1427 : memref<1x64xf32, #tpu.memory_space<hbm>>) target(%dma_start3A_1425 : memref<1x64xf32, #tpu.memory_space<vmem>>) target_semaphore(%arg13 : memref<!tpu.dma_semaphore, #tpu.memory_space<semaphore_mem>>)
      %slice3A_1428 = vector.extract_strided_slice %get3A_1183 {offsets = [10], sizes = [1], strides = [1]} : vector<16xi32> to vector<1xi32>
      %squeeze3A_1429 = vector.extract %slice3A_1428[0] : i32 from vector<1xi32>
      %dma_start3A_1430 = arith.constant 58 : i32
      %dma_start3A_1431 = arith.constant 0 : i32
      %dma_start3A_1432 = tpu.memref_slice %arg10[%dma_start3A_1430, %dma_start3A_1431] : memref<64x64xf32, #tpu.memory_space<vmem>> -> memref<1x64xf32, #tpu.memory_space<vmem>>
      %dma_start3A_1433 = arith.constant 0 : i32
      %dma_start3A_1434 = tpu.memref_slice %arg4[%squeeze3A_1429, %dma_start3A_1433] : memref<1000000x64xf32, #tpu.memory_space<hbm>> -> memref<1x64xf32, #tpu.memory_space<hbm>>
      %dma_start3A_1435 = arith.constant 58 : i32
      %dma_start3A_1436 = arith.constant 0 : i32
      %dma_start3A_1437 = tpu.memref_slice %arg10[%dma_start3A_1435, %dma_start3A_1436] : memref<64x64xf32, #tpu.memory_space<vmem>> -> memref<1x64xf32, #tpu.memory_space<vmem>>
      %dma_start3A_1438 = arith.constant 0 : i32
      %dma_start3A_1439 = tpu.memref_slice %arg4[%squeeze3A_1429, %dma_start3A_1438] : memref<1000000x64xf32, #tpu.memory_space<hbm>> -> memref<1x64xf32, #tpu.memory_space<hbm>>
      tpu.enqueue_dma source(%dma_start3A_1439 : memref<1x64xf32, #tpu.memory_space<hbm>>) target(%dma_start3A_1437 : memref<1x64xf32, #tpu.memory_space<vmem>>) target_semaphore(%arg12 : memref<!tpu.dma_semaphore, #tpu.memory_space<semaphore_mem>>)
      %slice3A_1440 = vector.extract_strided_slice %get3A_1187 {offsets = [10], sizes = [1], strides = [1]} : vector<16xi32> to vector<1xi32>
      %squeeze3A_1441 = vector.extract %slice3A_1440[0] : i32 from vector<1xi32>
      %dma_start3A_1442 = arith.constant 58 : i32
      %dma_start3A_1443 = arith.constant 0 : i32
      %dma_start3A_1444 = tpu.memref_slice %arg11[%dma_start3A_1442, %dma_start3A_1443] : memref<64x64xf32, #tpu.memory_space<vmem>> -> memref<1x64xf32, #tpu.memory_space<vmem>>
      %dma_start3A_1445 = arith.constant 0 : i32
      %dma_start3A_1446 = tpu.memref_slice %arg5[%squeeze3A_1441, %dma_start3A_1445] : memref<1000000x64xf32, #tpu.memory_space<hbm>> -> memref<1x64xf32, #tpu.memory_space<hbm>>
      %dma_start3A_1447 = arith.constant 58 : i32
      %dma_start3A_1448 = arith.constant 0 : i32
      %dma_start3A_1449 = tpu.memref_slice %arg11[%dma_start3A_1447, %dma_start3A_1448] : memref<64x64xf32, #tpu.memory_space<vmem>> -> memref<1x64xf32, #tpu.memory_space<vmem>>
      %dma_start3A_1450 = arith.constant 0 : i32
      %dma_start3A_1451 = tpu.memref_slice %arg5[%squeeze3A_1441, %dma_start3A_1450] : memref<1000000x64xf32, #tpu.memory_space<hbm>> -> memref<1x64xf32, #tpu.memory_space<hbm>>
      tpu.enqueue_dma source(%dma_start3A_1451 : memref<1x64xf32, #tpu.memory_space<hbm>>) target(%dma_start3A_1449 : memref<1x64xf32, #tpu.memory_space<vmem>>) target_semaphore(%arg13 : memref<!tpu.dma_semaphore, #tpu.memory_space<semaphore_mem>>)
      %slice3A_1452 = vector.extract_strided_slice %get3A_1183 {offsets = [11], sizes = [1], strides = [1]} : vector<16xi32> to vector<1xi32>
      %squeeze3A_1453 = vector.extract %slice3A_1452[0] : i32 from vector<1xi32>
      %dma_start3A_1454 = arith.constant 59 : i32
      %dma_start3A_1455 = arith.constant 0 : i32
      %dma_start3A_1456 = tpu.memref_slice %arg10[%dma_start3A_1454, %dma_start3A_1455] : memref<64x64xf32, #tpu.memory_space<vmem>> -> memref<1x64xf32, #tpu.memory_space<vmem>>
      %dma_start3A_1457 = arith.constant 0 : i32
      %dma_start3A_1458 = tpu.memref_slice %arg4[%squeeze3A_1453, %dma_start3A_1457] : memref<1000000x64xf32, #tpu.memory_space<hbm>> -> memref<1x64xf32, #tpu.memory_space<hbm>>
      %dma_start3A_1459 = arith.constant 59 : i32
      %dma_start3A_1460 = arith.constant 0 : i32
      %dma_start3A_1461 = tpu.memref_slice %arg10[%dma_start3A_1459, %dma_start3A_1460] : memref<64x64xf32, #tpu.memory_space<vmem>> -> memref<1x64xf32, #tpu.memory_space<vmem>>
      %dma_start3A_1462 = arith.constant 0 : i32
      %dma_start3A_1463 = tpu.memref_slice %arg4[%squeeze3A_1453, %dma_start3A_1462] : memref<1000000x64xf32, #tpu.memory_space<hbm>> -> memref<1x64xf32, #tpu.memory_space<hbm>>
      tpu.enqueue_dma source(%dma_start3A_1463 : memref<1x64xf32, #tpu.memory_space<hbm>>) target(%dma_start3A_1461 : memref<1x64xf32, #tpu.memory_space<vmem>>) target_semaphore(%arg12 : memref<!tpu.dma_semaphore, #tpu.memory_space<semaphore_mem>>)
      %slice3A_1464 = vector.extract_strided_slice %get3A_1187 {offsets = [11], sizes = [1], strides = [1]} : vector<16xi32> to vector<1xi32>
      %squeeze3A_1465 = vector.extract %slice3A_1464[0] : i32 from vector<1xi32>
      %dma_start3A_1466 = arith.constant 59 : i32
      %dma_start3A_1467 = arith.constant 0 : i32
      %dma_start3A_1468 = tpu.memref_slice %arg11[%dma_start3A_1466, %dma_start3A_1467] : memref<64x64xf32, #tpu.memory_space<vmem>> -> memref<1x64xf32, #tpu.memory_space<vmem>>
      %dma_start3A_1469 = arith.constant 0 : i32
      %dma_start3A_1470 = tpu.memref_slice %arg5[%squeeze3A_1465, %dma_start3A_1469] : memref<1000000x64xf32, #tpu.memory_space<hbm>> -> memref<1x64xf32, #tpu.memory_space<hbm>>
      %dma_start3A_1471 = arith.constant 59 : i32
      %dma_start3A_1472 = arith.constant 0 : i32
      %dma_start3A_1473 = tpu.memref_slice %arg11[%dma_start3A_1471, %dma_start3A_1472] : memref<64x64xf32, #tpu.memory_space<vmem>> -> memref<1x64xf32, #tpu.memory_space<vmem>>
      %dma_start3A_1474 = arith.constant 0 : i32
      %dma_start3A_1475 = tpu.memref_slice %arg5[%squeeze3A_1465, %dma_start3A_1474] : memref<1000000x64xf32, #tpu.memory_space<hbm>> -> memref<1x64xf32, #tpu.memory_space<hbm>>
      tpu.enqueue_dma source(%dma_start3A_1475 : memref<1x64xf32, #tpu.memory_space<hbm>>) target(%dma_start3A_1473 : memref<1x64xf32, #tpu.memory_space<vmem>>) target_semaphore(%arg13 : memref<!tpu.dma_semaphore, #tpu.memory_space<semaphore_mem>>)
      %slice3A_1476 = vector.extract_strided_slice %get3A_1183 {offsets = [12], sizes = [1], strides = [1]} : vector<16xi32> to vector<1xi32>
      %squeeze3A_1477 = vector.extract %slice3A_1476[0] : i32 from vector<1xi32>
      %dma_start3A_1478 = arith.constant 60 : i32
      %dma_start3A_1479 = arith.constant 0 : i32
      %dma_start3A_1480 = tpu.memref_slice %arg10[%dma_start3A_1478, %dma_start3A_1479] : memref<64x64xf32, #tpu.memory_space<vmem>> -> memref<1x64xf32, #tpu.memory_space<vmem>>
      %dma_start3A_1481 = arith.constant 0 : i32
      %dma_start3A_1482 = tpu.memref_slice %arg4[%squeeze3A_1477, %dma_start3A_1481] : memref<1000000x64xf32, #tpu.memory_space<hbm>> -> memref<1x64xf32, #tpu.memory_space<hbm>>
      %dma_start3A_1483 = arith.constant 60 : i32
      %dma_start3A_1484 = arith.constant 0 : i32
      %dma_start3A_1485 = tpu.memref_slice %arg10[%dma_start3A_1483, %dma_start3A_1484] : memref<64x64xf32, #tpu.memory_space<vmem>> -> memref<1x64xf32, #tpu.memory_space<vmem>>
      %dma_start3A_1486 = arith.constant 0 : i32
      %dma_start3A_1487 = tpu.memref_slice %arg4[%squeeze3A_1477, %dma_start3A_1486] : memref<1000000x64xf32, #tpu.memory_space<hbm>> -> memref<1x64xf32, #tpu.memory_space<hbm>>
      tpu.enqueue_dma source(%dma_start3A_1487 : memref<1x64xf32, #tpu.memory_space<hbm>>) target(%dma_start3A_1485 : memref<1x64xf32, #tpu.memory_space<vmem>>) target_semaphore(%arg12 : memref<!tpu.dma_semaphore, #tpu.memory_space<semaphore_mem>>)
      %slice3A_1488 = vector.extract_strided_slice %get3A_1187 {offsets = [12], sizes = [1], strides = [1]} : vector<16xi32> to vector<1xi32>
      %squeeze3A_1489 = vector.extract %slice3A_1488[0] : i32 from vector<1xi32>
      %dma_start3A_1490 = arith.constant 60 : i32
      %dma_start3A_1491 = arith.constant 0 : i32
      %dma_start3A_1492 = tpu.memref_slice %arg11[%dma_start3A_1490, %dma_start3A_1491] : memref<64x64xf32, #tpu.memory_space<vmem>> -> memref<1x64xf32, #tpu.memory_space<vmem>>
      %dma_start3A_1493 = arith.constant 0 : i32
      %dma_start3A_1494 = tpu.memref_slice %arg5[%squeeze3A_1489, %dma_start3A_1493] : memref<1000000x64xf32, #tpu.memory_space<hbm>> -> memref<1x64xf32, #tpu.memory_space<hbm>>
      %dma_start3A_1495 = arith.constant 60 : i32
      %dma_start3A_1496 = arith.constant 0 : i32
      %dma_start3A_1497 = tpu.memref_slice %arg11[%dma_start3A_1495, %dma_start3A_1496] : memref<64x64xf32, #tpu.memory_space<vmem>> -> memref<1x64xf32, #tpu.memory_space<vmem>>
      %dma_start3A_1498 = arith.constant 0 : i32
      %dma_start3A_1499 = tpu.memref_slice %arg5[%squeeze3A_1489, %dma_start3A_1498] : memref<1000000x64xf32, #tpu.memory_space<hbm>> -> memref<1x64xf32, #tpu.memory_space<hbm>>
      tpu.enqueue_dma source(%dma_start3A_1499 : memref<1x64xf32, #tpu.memory_space<hbm>>) target(%dma_start3A_1497 : memref<1x64xf32, #tpu.memory_space<vmem>>) target_semaphore(%arg13 : memref<!tpu.dma_semaphore, #tpu.memory_space<semaphore_mem>>)
      %slice3A_1500 = vector.extract_strided_slice %get3A_1183 {offsets = [13], sizes = [1], strides = [1]} : vector<16xi32> to vector<1xi32>
      %squeeze3A_1501 = vector.extract %slice3A_1500[0] : i32 from vector<1xi32>
      %dma_start3A_1502 = arith.constant 61 : i32
      %dma_start3A_1503 = arith.constant 0 : i32
      %dma_start3A_1504 = tpu.memref_slice %arg10[%dma_start3A_1502, %dma_start3A_1503] : memref<64x64xf32, #tpu.memory_space<vmem>> -> memref<1x64xf32, #tpu.memory_space<vmem>>
      %dma_start3A_1505 = arith.constant 0 : i32
      %dma_start3A_1506 = tpu.memref_slice %arg4[%squeeze3A_1501, %dma_start3A_1505] : memref<1000000x64xf32, #tpu.memory_space<hbm>> -> memref<1x64xf32, #tpu.memory_space<hbm>>
      %dma_start3A_1507 = arith.constant 61 : i32
      %dma_start3A_1508 = arith.constant 0 : i32
      %dma_start3A_1509 = tpu.memref_slice %arg10[%dma_start3A_1507, %dma_start3A_1508] : memref<64x64xf32, #tpu.memory_space<vmem>> -> memref<1x64xf32, #tpu.memory_space<vmem>>
      %dma_start3A_1510 = arith.constant 0 : i32
      %dma_start3A_1511 = tpu.memref_slice %arg4[%squeeze3A_1501, %dma_start3A_1510] : memref<1000000x64xf32, #tpu.memory_space<hbm>> -> memref<1x64xf32, #tpu.memory_space<hbm>>
      tpu.enqueue_dma source(%dma_start3A_1511 : memref<1x64xf32, #tpu.memory_space<hbm>>) target(%dma_start3A_1509 : memref<1x64xf32, #tpu.memory_space<vmem>>) target_semaphore(%arg12 : memref<!tpu.dma_semaphore, #tpu.memory_space<semaphore_mem>>)
      %slice3A_1512 = vector.extract_strided_slice %get3A_1187 {offsets = [13], sizes = [1], strides = [1]} : vector<16xi32> to vector<1xi32>
      %squeeze3A_1513 = vector.extract %slice3A_1512[0] : i32 from vector<1xi32>
      %dma_start3A_1514 = arith.constant 61 : i32
      %dma_start3A_1515 = arith.constant 0 : i32
      %dma_start3A_1516 = tpu.memref_slice %arg11[%dma_start3A_1514, %dma_start3A_1515] : memref<64x64xf32, #tpu.memory_space<vmem>> -> memref<1x64xf32, #tpu.memory_space<vmem>>
      %dma_start3A_1517 = arith.constant 0 : i32
      %dma_start3A_1518 = tpu.memref_slice %arg5[%squeeze3A_1513, %dma_start3A_1517] : memref<1000000x64xf32, #tpu.memory_space<hbm>> -> memref<1x64xf32, #tpu.memory_space<hbm>>
      %dma_start3A_1519 = arith.constant 61 : i32
      %dma_start3A_1520 = arith.constant 0 : i32
      %dma_start3A_1521 = tpu.memref_slice %arg11[%dma_start3A_1519, %dma_start3A_1520] : memref<64x64xf32, #tpu.memory_space<vmem>> -> memref<1x64xf32, #tpu.memory_space<vmem>>
      %dma_start3A_1522 = arith.constant 0 : i32
      %dma_start3A_1523 = tpu.memref_slice %arg5[%squeeze3A_1513, %dma_start3A_1522] : memref<1000000x64xf32, #tpu.memory_space<hbm>> -> memref<1x64xf32, #tpu.memory_space<hbm>>
      tpu.enqueue_dma source(%dma_start3A_1523 : memref<1x64xf32, #tpu.memory_space<hbm>>) target(%dma_start3A_1521 : memref<1x64xf32, #tpu.memory_space<vmem>>) target_semaphore(%arg13 : memref<!tpu.dma_semaphore, #tpu.memory_space<semaphore_mem>>)
      %slice3A_1524 = vector.extract_strided_slice %get3A_1183 {offsets = [14], sizes = [1], strides = [1]} : vector<16xi32> to vector<1xi32>
      %squeeze3A_1525 = vector.extract %slice3A_1524[0] : i32 from vector<1xi32>
      %dma_start3A_1526 = arith.constant 62 : i32
      %dma_start3A_1527 = arith.constant 0 : i32
      %dma_start3A_1528 = tpu.memref_slice %arg10[%dma_start3A_1526, %dma_start3A_1527] : memref<64x64xf32, #tpu.memory_space<vmem>> -> memref<1x64xf32, #tpu.memory_space<vmem>>
      %dma_start3A_1529 = arith.constant 0 : i32
      %dma_start3A_1530 = tpu.memref_slice %arg4[%squeeze3A_1525, %dma_start3A_1529] : memref<1000000x64xf32, #tpu.memory_space<hbm>> -> memref<1x64xf32, #tpu.memory_space<hbm>>
      %dma_start3A_1531 = arith.constant 62 : i32
      %dma_start3A_1532 = arith.constant 0 : i32
      %dma_start3A_1533 = tpu.memref_slice %arg10[%dma_start3A_1531, %dma_start3A_1532] : memref<64x64xf32, #tpu.memory_space<vmem>> -> memref<1x64xf32, #tpu.memory_space<vmem>>
      %dma_start3A_1534 = arith.constant 0 : i32
      %dma_start3A_1535 = tpu.memref_slice %arg4[%squeeze3A_1525, %dma_start3A_1534] : memref<1000000x64xf32, #tpu.memory_space<hbm>> -> memref<1x64xf32, #tpu.memory_space<hbm>>
      tpu.enqueue_dma source(%dma_start3A_1535 : memref<1x64xf32, #tpu.memory_space<hbm>>) target(%dma_start3A_1533 : memref<1x64xf32, #tpu.memory_space<vmem>>) target_semaphore(%arg12 : memref<!tpu.dma_semaphore, #tpu.memory_space<semaphore_mem>>)
      %slice3A_1536 = vector.extract_strided_slice %get3A_1187 {offsets = [14], sizes = [1], strides = [1]} : vector<16xi32> to vector<1xi32>
      %squeeze3A_1537 = vector.extract %slice3A_1536[0] : i32 from vector<1xi32>
      %dma_start3A_1538 = arith.constant 62 : i32
      %dma_start3A_1539 = arith.constant 0 : i32
      %dma_start3A_1540 = tpu.memref_slice %arg11[%dma_start3A_1538, %dma_start3A_1539] : memref<64x64xf32, #tpu.memory_space<vmem>> -> memref<1x64xf32, #tpu.memory_space<vmem>>
      %dma_start3A_1541 = arith.constant 0 : i32
      %dma_start3A_1542 = tpu.memref_slice %arg5[%squeeze3A_1537, %dma_start3A_1541] : memref<1000000x64xf32, #tpu.memory_space<hbm>> -> memref<1x64xf32, #tpu.memory_space<hbm>>
      %dma_start3A_1543 = arith.constant 62 : i32
      %dma_start3A_1544 = arith.constant 0 : i32
      %dma_start3A_1545 = tpu.memref_slice %arg11[%dma_start3A_1543, %dma_start3A_1544] : memref<64x64xf32, #tpu.memory_space<vmem>> -> memref<1x64xf32, #tpu.memory_space<vmem>>
      %dma_start3A_1546 = arith.constant 0 : i32
      %dma_start3A_1547 = tpu.memref_slice %arg5[%squeeze3A_1537, %dma_start3A_1546] : memref<1000000x64xf32, #tpu.memory_space<hbm>> -> memref<1x64xf32, #tpu.memory_space<hbm>>
      tpu.enqueue_dma source(%dma_start3A_1547 : memref<1x64xf32, #tpu.memory_space<hbm>>) target(%dma_start3A_1545 : memref<1x64xf32, #tpu.memory_space<vmem>>) target_semaphore(%arg13 : memref<!tpu.dma_semaphore, #tpu.memory_space<semaphore_mem>>)
      %slice3A_1548 = vector.extract_strided_slice %get3A_1183 {offsets = [15], sizes = [1], strides = [1]} : vector<16xi32> to vector<1xi32>
      %squeeze3A_1549 = vector.extract %slice3A_1548[0] : i32 from vector<1xi32>
      %dma_start3A_1550 = arith.constant 63 : i32
      %dma_start3A_1551 = arith.constant 0 : i32
      %dma_start3A_1552 = tpu.memref_slice %arg10[%dma_start3A_1550, %dma_start3A_1551] : memref<64x64xf32, #tpu.memory_space<vmem>> -> memref<1x64xf32, #tpu.memory_space<vmem>>
      %dma_start3A_1553 = arith.constant 0 : i32
      %dma_start3A_1554 = tpu.memref_slice %arg4[%squeeze3A_1549, %dma_start3A_1553] : memref<1000000x64xf32, #tpu.memory_space<hbm>> -> memref<1x64xf32, #tpu.memory_space<hbm>>
      %dma_start3A_1555 = arith.constant 63 : i32
      %dma_start3A_1556 = arith.constant 0 : i32
      %dma_start3A_1557 = tpu.memref_slice %arg10[%dma_start3A_1555, %dma_start3A_1556] : memref<64x64xf32, #tpu.memory_space<vmem>> -> memref<1x64xf32, #tpu.memory_space<vmem>>
      %dma_start3A_1558 = arith.constant 0 : i32
      %dma_start3A_1559 = tpu.memref_slice %arg4[%squeeze3A_1549, %dma_start3A_1558] : memref<1000000x64xf32, #tpu.memory_space<hbm>> -> memref<1x64xf32, #tpu.memory_space<hbm>>
      tpu.enqueue_dma source(%dma_start3A_1559 : memref<1x64xf32, #tpu.memory_space<hbm>>) target(%dma_start3A_1557 : memref<1x64xf32, #tpu.memory_space<vmem>>) target_semaphore(%arg12 : memref<!tpu.dma_semaphore, #tpu.memory_space<semaphore_mem>>)
      %slice3A_1560 = vector.extract_strided_slice %get3A_1187 {offsets = [15], sizes = [1], strides = [1]} : vector<16xi32> to vector<1xi32>
      %squeeze3A_1561 = vector.extract %slice3A_1560[0] : i32 from vector<1xi32>
      %dma_start3A_1562 = arith.constant 63 : i32
      %dma_start3A_1563 = arith.constant 0 : i32
      %dma_start3A_1564 = tpu.memref_slice %arg11[%dma_start3A_1562, %dma_start3A_1563] : memref<64x64xf32, #tpu.memory_space<vmem>> -> memref<1x64xf32, #tpu.memory_space<vmem>>
      %dma_start3A_1565 = arith.constant 0 : i32
      %dma_start3A_1566 = tpu.memref_slice %arg5[%squeeze3A_1561, %dma_start3A_1565] : memref<1000000x64xf32, #tpu.memory_space<hbm>> -> memref<1x64xf32, #tpu.memory_space<hbm>>
      %dma_start3A_1567 = arith.constant 63 : i32
      %dma_start3A_1568 = arith.constant 0 : i32
      %dma_start3A_1569 = tpu.memref_slice %arg11[%dma_start3A_1567, %dma_start3A_1568] : memref<64x64xf32, #tpu.memory_space<vmem>> -> memref<1x64xf32, #tpu.memory_space<vmem>>
      %dma_start3A_1570 = arith.constant 0 : i32
      %dma_start3A_1571 = tpu.memref_slice %arg5[%squeeze3A_1561, %dma_start3A_1570] : memref<1000000x64xf32, #tpu.memory_space<hbm>> -> memref<1x64xf32, #tpu.memory_space<hbm>>
      tpu.enqueue_dma source(%dma_start3A_1571 : memref<1x64xf32, #tpu.memory_space<hbm>>) target(%dma_start3A_1569 : memref<1x64xf32, #tpu.memory_space<vmem>>) target_semaphore(%arg13 : memref<!tpu.dma_semaphore, #tpu.memory_space<semaphore_mem>>)
      %dma_wait3A = arith.constant 0 : i32
      %dma_wait3A_1572 = arith.constant 0 : i32
      %dma_wait3A_1573 = tpu.memref_slice %arg10[%dma_wait3A, %dma_wait3A_1572] : memref<64x64xf32, #tpu.memory_space<vmem>> -> memref<1x64xf32, #tpu.memory_space<vmem>>
      %dma_wait3A_1574 = arith.constant 0 : i32
      %dma_wait3A_1575 = tpu.memref_slice %arg4[%squeeze3A, %dma_wait3A_1574] : memref<1000000x64xf32, #tpu.memory_space<hbm>> -> memref<1x64xf32, #tpu.memory_space<hbm>>
      %dma_wait3A_1576 = arith.constant 0 : i32
      %dma_wait3A_1577 = arith.constant 0 : i32
      %dma_wait3A_1578 = tpu.memref_slice %arg10[%dma_wait3A_1576, %dma_wait3A_1577] : memref<64x64xf32, #tpu.memory_space<vmem>> -> memref<1x64xf32, #tpu.memory_space<vmem>>
      %dma_wait3A_1579 = arith.constant 0 : i32
      %dma_wait3A_1580 = tpu.memref_slice %arg4[%squeeze3A, %dma_wait3A_1579] : memref<1000000x64xf32, #tpu.memory_space<hbm>> -> memref<1x64xf32, #tpu.memory_space<hbm>>
      tpu.wait_dma2 semaphore(%arg12 : memref<!tpu.dma_semaphore, #tpu.memory_space<semaphore_mem>>) src(%dma_wait3A_1580 : memref<1x64xf32, #tpu.memory_space<hbm>>) dst(%dma_wait3A_1578 : memref<1x64xf32, #tpu.memory_space<vmem>>)
      %dma_wait3A_1581 = arith.constant 0 : i32
      %dma_wait3A_1582 = arith.constant 0 : i32
      %dma_wait3A_1583 = tpu.memref_slice %arg11[%dma_wait3A_1581, %dma_wait3A_1582] : memref<64x64xf32, #tpu.memory_space<vmem>> -> memref<1x64xf32, #tpu.memory_space<vmem>>
      %dma_wait3A_1584 = arith.constant 0 : i32
      %dma_wait3A_1585 = tpu.memref_slice %arg5[%squeeze3A_25, %dma_wait3A_1584] : memref<1000000x64xf32, #tpu.memory_space<hbm>> -> memref<1x64xf32, #tpu.memory_space<hbm>>
      %dma_wait3A_1586 = arith.constant 0 : i32
      %dma_wait3A_1587 = arith.constant 0 : i32
      %dma_wait3A_1588 = tpu.memref_slice %arg11[%dma_wait3A_1586, %dma_wait3A_1587] : memref<64x64xf32, #tpu.memory_space<vmem>> -> memref<1x64xf32, #tpu.memory_space<vmem>>
      %dma_wait3A_1589 = arith.constant 0 : i32
      %dma_wait3A_1590 = tpu.memref_slice %arg5[%squeeze3A_25, %dma_wait3A_1589] : memref<1000000x64xf32, #tpu.memory_space<hbm>> -> memref<1x64xf32, #tpu.memory_space<hbm>>
      tpu.wait_dma2 semaphore(%arg13 : memref<!tpu.dma_semaphore, #tpu.memory_space<semaphore_mem>>) src(%dma_wait3A_1590 : memref<1x64xf32, #tpu.memory_space<hbm>>) dst(%dma_wait3A_1588 : memref<1x64xf32, #tpu.memory_space<vmem>>)
      %dma_wait3A_1591 = arith.constant 1 : i32
      %dma_wait3A_1592 = arith.constant 0 : i32
      %dma_wait3A_1593 = tpu.memref_slice %arg10[%dma_wait3A_1591, %dma_wait3A_1592] : memref<64x64xf32, #tpu.memory_space<vmem>> -> memref<1x64xf32, #tpu.memory_space<vmem>>
      %dma_wait3A_1594 = arith.constant 0 : i32
      %dma_wait3A_1595 = tpu.memref_slice %arg4[%squeeze3A_37, %dma_wait3A_1594] : memref<1000000x64xf32, #tpu.memory_space<hbm>> -> memref<1x64xf32, #tpu.memory_space<hbm>>
      %dma_wait3A_1596 = arith.constant 1 : i32
      %dma_wait3A_1597 = arith.constant 0 : i32
      %dma_wait3A_1598 = tpu.memref_slice %arg10[%dma_wait3A_1596, %dma_wait3A_1597] : memref<64x64xf32, #tpu.memory_space<vmem>> -> memref<1x64xf32, #tpu.memory_space<vmem>>
      %dma_wait3A_1599 = arith.constant 0 : i32
      %dma_wait3A_1600 = tpu.memref_slice %arg4[%squeeze3A_37, %dma_wait3A_1599] : memref<1000000x64xf32, #tpu.memory_space<hbm>> -> memref<1x64xf32, #tpu.memory_space<hbm>>
      tpu.wait_dma2 semaphore(%arg12 : memref<!tpu.dma_semaphore, #tpu.memory_space<semaphore_mem>>) src(%dma_wait3A_1600 : memref<1x64xf32, #tpu.memory_space<hbm>>) dst(%dma_wait3A_1598 : memref<1x64xf32, #tpu.memory_space<vmem>>)
      %dma_wait3A_1601 = arith.constant 1 : i32
      %dma_wait3A_1602 = arith.constant 0 : i32
      %dma_wait3A_1603 = tpu.memref_slice %arg11[%dma_wait3A_1601, %dma_wait3A_1602] : memref<64x64xf32, #tpu.memory_space<vmem>> -> memref<1x64xf32, #tpu.memory_space<vmem>>
      %dma_wait3A_1604 = arith.constant 0 : i32
      %dma_wait3A_1605 = tpu.memref_slice %arg5[%squeeze3A_49, %dma_wait3A_1604] : memref<1000000x64xf32, #tpu.memory_space<hbm>> -> memref<1x64xf32, #tpu.memory_space<hbm>>
      %dma_wait3A_1606 = arith.constant 1 : i32
      %dma_wait3A_1607 = arith.constant 0 : i32
      %dma_wait3A_1608 = tpu.memref_slice %arg11[%dma_wait3A_1606, %dma_wait3A_1607] : memref<64x64xf32, #tpu.memory_space<vmem>> -> memref<1x64xf32, #tpu.memory_space<vmem>>
      %dma_wait3A_1609 = arith.constant 0 : i32
      %dma_wait3A_1610 = tpu.memref_slice %arg5[%squeeze3A_49, %dma_wait3A_1609] : memref<1000000x64xf32, #tpu.memory_space<hbm>> -> memref<1x64xf32, #tpu.memory_space<hbm>>
      tpu.wait_dma2 semaphore(%arg13 : memref<!tpu.dma_semaphore, #tpu.memory_space<semaphore_mem>>) src(%dma_wait3A_1610 : memref<1x64xf32, #tpu.memory_space<hbm>>) dst(%dma_wait3A_1608 : memref<1x64xf32, #tpu.memory_space<vmem>>)
      %dma_wait3A_1611 = arith.constant 2 : i32
      %dma_wait3A_1612 = arith.constant 0 : i32
      %dma_wait3A_1613 = tpu.memref_slice %arg10[%dma_wait3A_1611, %dma_wait3A_1612] : memref<64x64xf32, #tpu.memory_space<vmem>> -> memref<1x64xf32, #tpu.memory_space<vmem>>
      %dma_wait3A_1614 = arith.constant 0 : i32
      %dma_wait3A_1615 = tpu.memref_slice %arg4[%squeeze3A_61, %dma_wait3A_1614] : memref<1000000x64xf32, #tpu.memory_space<hbm>> -> memref<1x64xf32, #tpu.memory_space<hbm>>
      %dma_wait3A_1616 = arith.constant 2 : i32
      %dma_wait3A_1617 = arith.constant 0 : i32
      %dma_wait3A_1618 = tpu.memref_slice %arg10[%dma_wait3A_1616, %dma_wait3A_1617] : memref<64x64xf32, #tpu.memory_space<vmem>> -> memref<1x64xf32, #tpu.memory_space<vmem>>
      %dma_wait3A_1619 = arith.constant 0 : i32
      %dma_wait3A_1620 = tpu.memref_slice %arg4[%squeeze3A_61, %dma_wait3A_1619] : memref<1000000x64xf32, #tpu.memory_space<hbm>> -> memref<1x64xf32, #tpu.memory_space<hbm>>
      tpu.wait_dma2 semaphore(%arg12 : memref<!tpu.dma_semaphore, #tpu.memory_space<semaphore_mem>>) src(%dma_wait3A_1620 : memref<1x64xf32, #tpu.memory_space<hbm>>) dst(%dma_wait3A_1618 : memref<1x64xf32, #tpu.memory_space<vmem>>)
      %dma_wait3A_1621 = arith.constant 2 : i32
      %dma_wait3A_1622 = arith.constant 0 : i32
      %dma_wait3A_1623 = tpu.memref_slice %arg11[%dma_wait3A_1621, %dma_wait3A_1622] : memref<64x64xf32, #tpu.memory_space<vmem>> -> memref<1x64xf32, #tpu.memory_space<vmem>>
      %dma_wait3A_1624 = arith.constant 0 : i32
      %dma_wait3A_1625 = tpu.memref_slice %arg5[%squeeze3A_73, %dma_wait3A_1624] : memref<1000000x64xf32, #tpu.memory_space<hbm>> -> memref<1x64xf32, #tpu.memory_space<hbm>>
      %dma_wait3A_1626 = arith.constant 2 : i32
      %dma_wait3A_1627 = arith.constant 0 : i32
      %dma_wait3A_1628 = tpu.memref_slice %arg11[%dma_wait3A_1626, %dma_wait3A_1627] : memref<64x64xf32, #tpu.memory_space<vmem>> -> memref<1x64xf32, #tpu.memory_space<vmem>>
      %dma_wait3A_1629 = arith.constant 0 : i32
      %dma_wait3A_1630 = tpu.memref_slice %arg5[%squeeze3A_73, %dma_wait3A_1629] : memref<1000000x64xf32, #tpu.memory_space<hbm>> -> memref<1x64xf32, #tpu.memory_space<hbm>>
      tpu.wait_dma2 semaphore(%arg13 : memref<!tpu.dma_semaphore, #tpu.memory_space<semaphore_mem>>) src(%dma_wait3A_1630 : memref<1x64xf32, #tpu.memory_space<hbm>>) dst(%dma_wait3A_1628 : memref<1x64xf32, #tpu.memory_space<vmem>>)
      %dma_wait3A_1631 = arith.constant 3 : i32
      %dma_wait3A_1632 = arith.constant 0 : i32
      %dma_wait3A_1633 = tpu.memref_slice %arg10[%dma_wait3A_1631, %dma_wait3A_1632] : memref<64x64xf32, #tpu.memory_space<vmem>> -> memref<1x64xf32, #tpu.memory_space<vmem>>
      %dma_wait3A_1634 = arith.constant 0 : i32
      %dma_wait3A_1635 = tpu.memref_slice %arg4[%squeeze3A_85, %dma_wait3A_1634] : memref<1000000x64xf32, #tpu.memory_space<hbm>> -> memref<1x64xf32, #tpu.memory_space<hbm>>
      %dma_wait3A_1636 = arith.constant 3 : i32
      %dma_wait3A_1637 = arith.constant 0 : i32
      %dma_wait3A_1638 = tpu.memref_slice %arg10[%dma_wait3A_1636, %dma_wait3A_1637] : memref<64x64xf32, #tpu.memory_space<vmem>> -> memref<1x64xf32, #tpu.memory_space<vmem>>
      %dma_wait3A_1639 = arith.constant 0 : i32
      %dma_wait3A_1640 = tpu.memref_slice %arg4[%squeeze3A_85, %dma_wait3A_1639] : memref<1000000x64xf32, #tpu.memory_space<hbm>> -> memref<1x64xf32, #tpu.memory_space<hbm>>
      tpu.wait_dma2 semaphore(%arg12 : memref<!tpu.dma_semaphore, #tpu.memory_space<semaphore_mem>>) src(%dma_wait3A_1640 : memref<1x64xf32, #tpu.memory_space<hbm>>) dst(%dma_wait3A_1638 : memref<1x64xf32, #tpu.memory_space<vmem>>)
      %dma_wait3A_1641 = arith.constant 3 : i32
      %dma_wait3A_1642 = arith.constant 0 : i32
      %dma_wait3A_1643 = tpu.memref_slice %arg11[%dma_wait3A_1641, %dma_wait3A_1642] : memref<64x64xf32, #tpu.memory_space<vmem>> -> memref<1x64xf32, #tpu.memory_space<vmem>>
      %dma_wait3A_1644 = arith.constant 0 : i32
      %dma_wait3A_1645 = tpu.memref_slice %arg5[%squeeze3A_97, %dma_wait3A_1644] : memref<1000000x64xf32, #tpu.memory_space<hbm>> -> memref<1x64xf32, #tpu.memory_space<hbm>>
      %dma_wait3A_1646 = arith.constant 3 : i32
      %dma_wait3A_1647 = arith.constant 0 : i32
      %dma_wait3A_1648 = tpu.memref_slice %arg11[%dma_wait3A_1646, %dma_wait3A_1647] : memref<64x64xf32, #tpu.memory_space<vmem>> -> memref<1x64xf32, #tpu.memory_space<vmem>>
      %dma_wait3A_1649 = arith.constant 0 : i32
      %dma_wait3A_1650 = tpu.memref_slice %arg5[%squeeze3A_97, %dma_wait3A_1649] : memref<1000000x64xf32, #tpu.memory_space<hbm>> -> memref<1x64xf32, #tpu.memory_space<hbm>>
      tpu.wait_dma2 semaphore(%arg13 : memref<!tpu.dma_semaphore, #tpu.memory_space<semaphore_mem>>) src(%dma_wait3A_1650 : memref<1x64xf32, #tpu.memory_space<hbm>>) dst(%dma_wait3A_1648 : memref<1x64xf32, #tpu.memory_space<vmem>>)
      %dma_wait3A_1651 = arith.constant 4 : i32
      %dma_wait3A_1652 = arith.constant 0 : i32
      %dma_wait3A_1653 = tpu.memref_slice %arg10[%dma_wait3A_1651, %dma_wait3A_1652] : memref<64x64xf32, #tpu.memory_space<vmem>> -> memref<1x64xf32, #tpu.memory_space<vmem>>
      %dma_wait3A_1654 = arith.constant 0 : i32
      %dma_wait3A_1655 = tpu.memref_slice %arg4[%squeeze3A_109, %dma_wait3A_1654] : memref<1000000x64xf32, #tpu.memory_space<hbm>> -> memref<1x64xf32, #tpu.memory_space<hbm>>
      %dma_wait3A_1656 = arith.constant 4 : i32
      %dma_wait3A_1657 = arith.constant 0 : i32
      %dma_wait3A_1658 = tpu.memref_slice %arg10[%dma_wait3A_1656, %dma_wait3A_1657] : memref<64x64xf32, #tpu.memory_space<vmem>> -> memref<1x64xf32, #tpu.memory_space<vmem>>
      %dma_wait3A_1659 = arith.constant 0 : i32
      %dma_wait3A_1660 = tpu.memref_slice %arg4[%squeeze3A_109, %dma_wait3A_1659] : memref<1000000x64xf32, #tpu.memory_space<hbm>> -> memref<1x64xf32, #tpu.memory_space<hbm>>
      tpu.wait_dma2 semaphore(%arg12 : memref<!tpu.dma_semaphore, #tpu.memory_space<semaphore_mem>>) src(%dma_wait3A_1660 : memref<1x64xf32, #tpu.memory_space<hbm>>) dst(%dma_wait3A_1658 : memref<1x64xf32, #tpu.memory_space<vmem>>)
      %dma_wait3A_1661 = arith.constant 4 : i32
      %dma_wait3A_1662 = arith.constant 0 : i32
      %dma_wait3A_1663 = tpu.memref_slice %arg11[%dma_wait3A_1661, %dma_wait3A_1662] : memref<64x64xf32, #tpu.memory_space<vmem>> -> memref<1x64xf32, #tpu.memory_space<vmem>>
      %dma_wait3A_1664 = arith.constant 0 : i32
      %dma_wait3A_1665 = tpu.memref_slice %arg5[%squeeze3A_121, %dma_wait3A_1664] : memref<1000000x64xf32, #tpu.memory_space<hbm>> -> memref<1x64xf32, #tpu.memory_space<hbm>>
      %dma_wait3A_1666 = arith.constant 4 : i32
      %dma_wait3A_1667 = arith.constant 0 : i32
      %dma_wait3A_1668 = tpu.memref_slice %arg11[%dma_wait3A_1666, %dma_wait3A_1667] : memref<64x64xf32, #tpu.memory_space<vmem>> -> memref<1x64xf32, #tpu.memory_space<vmem>>
      %dma_wait3A_1669 = arith.constant 0 : i32
      %dma_wait3A_1670 = tpu.memref_slice %arg5[%squeeze3A_121, %dma_wait3A_1669] : memref<1000000x64xf32, #tpu.memory_space<hbm>> -> memref<1x64xf32, #tpu.memory_space<hbm>>
      tpu.wait_dma2 semaphore(%arg13 : memref<!tpu.dma_semaphore, #tpu.memory_space<semaphore_mem>>) src(%dma_wait3A_1670 : memref<1x64xf32, #tpu.memory_space<hbm>>) dst(%dma_wait3A_1668 : memref<1x64xf32, #tpu.memory_space<vmem>>)
      %dma_wait3A_1671 = arith.constant 5 : i32
      %dma_wait3A_1672 = arith.constant 0 : i32
      %dma_wait3A_1673 = tpu.memref_slice %arg10[%dma_wait3A_1671, %dma_wait3A_1672] : memref<64x64xf32, #tpu.memory_space<vmem>> -> memref<1x64xf32, #tpu.memory_space<vmem>>
      %dma_wait3A_1674 = arith.constant 0 : i32
      %dma_wait3A_1675 = tpu.memref_slice %arg4[%squeeze3A_133, %dma_wait3A_1674] : memref<1000000x64xf32, #tpu.memory_space<hbm>> -> memref<1x64xf32, #tpu.memory_space<hbm>>
      %dma_wait3A_1676 = arith.constant 5 : i32
      %dma_wait3A_1677 = arith.constant 0 : i32
      %dma_wait3A_1678 = tpu.memref_slice %arg10[%dma_wait3A_1676, %dma_wait3A_1677] : memref<64x64xf32, #tpu.memory_space<vmem>> -> memref<1x64xf32, #tpu.memory_space<vmem>>
      %dma_wait3A_1679 = arith.constant 0 : i32
      %dma_wait3A_1680 = tpu.memref_slice %arg4[%squeeze3A_133, %dma_wait3A_1679] : memref<1000000x64xf32, #tpu.memory_space<hbm>> -> memref<1x64xf32, #tpu.memory_space<hbm>>
      tpu.wait_dma2 semaphore(%arg12 : memref<!tpu.dma_semaphore, #tpu.memory_space<semaphore_mem>>) src(%dma_wait3A_1680 : memref<1x64xf32, #tpu.memory_space<hbm>>) dst(%dma_wait3A_1678 : memref<1x64xf32, #tpu.memory_space<vmem>>)
      %dma_wait3A_1681 = arith.constant 5 : i32
      %dma_wait3A_1682 = arith.constant 0 : i32
      %dma_wait3A_1683 = tpu.memref_slice %arg11[%dma_wait3A_1681, %dma_wait3A_1682] : memref<64x64xf32, #tpu.memory_space<vmem>> -> memref<1x64xf32, #tpu.memory_space<vmem>>
      %dma_wait3A_1684 = arith.constant 0 : i32
      %dma_wait3A_1685 = tpu.memref_slice %arg5[%squeeze3A_145, %dma_wait3A_1684] : memref<1000000x64xf32, #tpu.memory_space<hbm>> -> memref<1x64xf32, #tpu.memory_space<hbm>>
      %dma_wait3A_1686 = arith.constant 5 : i32
      %dma_wait3A_1687 = arith.constant 0 : i32
      %dma_wait3A_1688 = tpu.memref_slice %arg11[%dma_wait3A_1686, %dma_wait3A_1687] : memref<64x64xf32, #tpu.memory_space<vmem>> -> memref<1x64xf32, #tpu.memory_space<vmem>>
      %dma_wait3A_1689 = arith.constant 0 : i32
      %dma_wait3A_1690 = tpu.memref_slice %arg5[%squeeze3A_145, %dma_wait3A_1689] : memref<1000000x64xf32, #tpu.memory_space<hbm>> -> memref<1x64xf32, #tpu.memory_space<hbm>>
      tpu.wait_dma2 semaphore(%arg13 : memref<!tpu.dma_semaphore, #tpu.memory_space<semaphore_mem>>) src(%dma_wait3A_1690 : memref<1x64xf32, #tpu.memory_space<hbm>>) dst(%dma_wait3A_1688 : memref<1x64xf32, #tpu.memory_space<vmem>>)
      %dma_wait3A_1691 = arith.constant 6 : i32
      %dma_wait3A_1692 = arith.constant 0 : i32
      %dma_wait3A_1693 = tpu.memref_slice %arg10[%dma_wait3A_1691, %dma_wait3A_1692] : memref<64x64xf32, #tpu.memory_space<vmem>> -> memref<1x64xf32, #tpu.memory_space<vmem>>
      %dma_wait3A_1694 = arith.constant 0 : i32
      %dma_wait3A_1695 = tpu.memref_slice %arg4[%squeeze3A_157, %dma_wait3A_1694] : memref<1000000x64xf32, #tpu.memory_space<hbm>> -> memref<1x64xf32, #tpu.memory_space<hbm>>
      %dma_wait3A_1696 = arith.constant 6 : i32
      %dma_wait3A_1697 = arith.constant 0 : i32
      %dma_wait3A_1698 = tpu.memref_slice %arg10[%dma_wait3A_1696, %dma_wait3A_1697] : memref<64x64xf32, #tpu.memory_space<vmem>> -> memref<1x64xf32, #tpu.memory_space<vmem>>
      %dma_wait3A_1699 = arith.constant 0 : i32
      %dma_wait3A_1700 = tpu.memref_slice %arg4[%squeeze3A_157, %dma_wait3A_1699] : memref<1000000x64xf32, #tpu.memory_space<hbm>> -> memref<1x64xf32, #tpu.memory_space<hbm>>
      tpu.wait_dma2 semaphore(%arg12 : memref<!tpu.dma_semaphore, #tpu.memory_space<semaphore_mem>>) src(%dma_wait3A_1700 : memref<1x64xf32, #tpu.memory_space<hbm>>) dst(%dma_wait3A_1698 : memref<1x64xf32, #tpu.memory_space<vmem>>)
      %dma_wait3A_1701 = arith.constant 6 : i32
      %dma_wait3A_1702 = arith.constant 0 : i32
      %dma_wait3A_1703 = tpu.memref_slice %arg11[%dma_wait3A_1701, %dma_wait3A_1702] : memref<64x64xf32, #tpu.memory_space<vmem>> -> memref<1x64xf32, #tpu.memory_space<vmem>>
      %dma_wait3A_1704 = arith.constant 0 : i32
      %dma_wait3A_1705 = tpu.memref_slice %arg5[%squeeze3A_169, %dma_wait3A_1704] : memref<1000000x64xf32, #tpu.memory_space<hbm>> -> memref<1x64xf32, #tpu.memory_space<hbm>>
      %dma_wait3A_1706 = arith.constant 6 : i32
      %dma_wait3A_1707 = arith.constant 0 : i32
      %dma_wait3A_1708 = tpu.memref_slice %arg11[%dma_wait3A_1706, %dma_wait3A_1707] : memref<64x64xf32, #tpu.memory_space<vmem>> -> memref<1x64xf32, #tpu.memory_space<vmem>>
      %dma_wait3A_1709 = arith.constant 0 : i32
      %dma_wait3A_1710 = tpu.memref_slice %arg5[%squeeze3A_169, %dma_wait3A_1709] : memref<1000000x64xf32, #tpu.memory_space<hbm>> -> memref<1x64xf32, #tpu.memory_space<hbm>>
      tpu.wait_dma2 semaphore(%arg13 : memref<!tpu.dma_semaphore, #tpu.memory_space<semaphore_mem>>) src(%dma_wait3A_1710 : memref<1x64xf32, #tpu.memory_space<hbm>>) dst(%dma_wait3A_1708 : memref<1x64xf32, #tpu.memory_space<vmem>>)
      %dma_wait3A_1711 = arith.constant 7 : i32
      %dma_wait3A_1712 = arith.constant 0 : i32
      %dma_wait3A_1713 = tpu.memref_slice %arg10[%dma_wait3A_1711, %dma_wait3A_1712] : memref<64x64xf32, #tpu.memory_space<vmem>> -> memref<1x64xf32, #tpu.memory_space<vmem>>
      %dma_wait3A_1714 = arith.constant 0 : i32
      %dma_wait3A_1715 = tpu.memref_slice %arg4[%squeeze3A_181, %dma_wait3A_1714] : memref<1000000x64xf32, #tpu.memory_space<hbm>> -> memref<1x64xf32, #tpu.memory_space<hbm>>
      %dma_wait3A_1716 = arith.constant 7 : i32
      %dma_wait3A_1717 = arith.constant 0 : i32
      %dma_wait3A_1718 = tpu.memref_slice %arg10[%dma_wait3A_1716, %dma_wait3A_1717] : memref<64x64xf32, #tpu.memory_space<vmem>> -> memref<1x64xf32, #tpu.memory_space<vmem>>
      %dma_wait3A_1719 = arith.constant 0 : i32
      %dma_wait3A_1720 = tpu.memref_slice %arg4[%squeeze3A_181, %dma_wait3A_1719] : memref<1000000x64xf32, #tpu.memory_space<hbm>> -> memref<1x64xf32, #tpu.memory_space<hbm>>
      tpu.wait_dma2 semaphore(%arg12 : memref<!tpu.dma_semaphore, #tpu.memory_space<semaphore_mem>>) src(%dma_wait3A_1720 : memref<1x64xf32, #tpu.memory_space<hbm>>) dst(%dma_wait3A_1718 : memref<1x64xf32, #tpu.memory_space<vmem>>)
      %dma_wait3A_1721 = arith.constant 7 : i32
      %dma_wait3A_1722 = arith.constant 0 : i32
      %dma_wait3A_1723 = tpu.memref_slice %arg11[%dma_wait3A_1721, %dma_wait3A_1722] : memref<64x64xf32, #tpu.memory_space<vmem>> -> memref<1x64xf32, #tpu.memory_space<vmem>>
      %dma_wait3A_1724 = arith.constant 0 : i32
      %dma_wait3A_1725 = tpu.memref_slice %arg5[%squeeze3A_193, %dma_wait3A_1724] : memref<1000000x64xf32, #tpu.memory_space<hbm>> -> memref<1x64xf32, #tpu.memory_space<hbm>>
      %dma_wait3A_1726 = arith.constant 7 : i32
      %dma_wait3A_1727 = arith.constant 0 : i32
      %dma_wait3A_1728 = tpu.memref_slice %arg11[%dma_wait3A_1726, %dma_wait3A_1727] : memref<64x64xf32, #tpu.memory_space<vmem>> -> memref<1x64xf32, #tpu.memory_space<vmem>>
      %dma_wait3A_1729 = arith.constant 0 : i32
      %dma_wait3A_1730 = tpu.memref_slice %arg5[%squeeze3A_193, %dma_wait3A_1729] : memref<1000000x64xf32, #tpu.memory_space<hbm>> -> memref<1x64xf32, #tpu.memory_space<hbm>>
      tpu.wait_dma2 semaphore(%arg13 : memref<!tpu.dma_semaphore, #tpu.memory_space<semaphore_mem>>) src(%dma_wait3A_1730 : memref<1x64xf32, #tpu.memory_space<hbm>>) dst(%dma_wait3A_1728 : memref<1x64xf32, #tpu.memory_space<vmem>>)
      %dma_wait3A_1731 = arith.constant 8 : i32
      %dma_wait3A_1732 = arith.constant 0 : i32
      %dma_wait3A_1733 = tpu.memref_slice %arg10[%dma_wait3A_1731, %dma_wait3A_1732] : memref<64x64xf32, #tpu.memory_space<vmem>> -> memref<1x64xf32, #tpu.memory_space<vmem>>
      %dma_wait3A_1734 = arith.constant 0 : i32
      %dma_wait3A_1735 = tpu.memref_slice %arg4[%squeeze3A_205, %dma_wait3A_1734] : memref<1000000x64xf32, #tpu.memory_space<hbm>> -> memref<1x64xf32, #tpu.memory_space<hbm>>
      %dma_wait3A_1736 = arith.constant 8 : i32
      %dma_wait3A_1737 = arith.constant 0 : i32
      %dma_wait3A_1738 = tpu.memref_slice %arg10[%dma_wait3A_1736, %dma_wait3A_1737] : memref<64x64xf32, #tpu.memory_space<vmem>> -> memref<1x64xf32, #tpu.memory_space<vmem>>
      %dma_wait3A_1739 = arith.constant 0 : i32
      %dma_wait3A_1740 = tpu.memref_slice %arg4[%squeeze3A_205, %dma_wait3A_1739] : memref<1000000x64xf32, #tpu.memory_space<hbm>> -> memref<1x64xf32, #tpu.memory_space<hbm>>
      tpu.wait_dma2 semaphore(%arg12 : memref<!tpu.dma_semaphore, #tpu.memory_space<semaphore_mem>>) src(%dma_wait3A_1740 : memref<1x64xf32, #tpu.memory_space<hbm>>) dst(%dma_wait3A_1738 : memref<1x64xf32, #tpu.memory_space<vmem>>)
      %dma_wait3A_1741 = arith.constant 8 : i32
      %dma_wait3A_1742 = arith.constant 0 : i32
      %dma_wait3A_1743 = tpu.memref_slice %arg11[%dma_wait3A_1741, %dma_wait3A_1742] : memref<64x64xf32, #tpu.memory_space<vmem>> -> memref<1x64xf32, #tpu.memory_space<vmem>>
      %dma_wait3A_1744 = arith.constant 0 : i32
      %dma_wait3A_1745 = tpu.memref_slice %arg5[%squeeze3A_217, %dma_wait3A_1744] : memref<1000000x64xf32, #tpu.memory_space<hbm>> -> memref<1x64xf32, #tpu.memory_space<hbm>>
      %dma_wait3A_1746 = arith.constant 8 : i32
      %dma_wait3A_1747 = arith.constant 0 : i32
      %dma_wait3A_1748 = tpu.memref_slice %arg11[%dma_wait3A_1746, %dma_wait3A_1747] : memref<64x64xf32, #tpu.memory_space<vmem>> -> memref<1x64xf32, #tpu.memory_space<vmem>>
      %dma_wait3A_1749 = arith.constant 0 : i32
      %dma_wait3A_1750 = tpu.memref_slice %arg5[%squeeze3A_217, %dma_wait3A_1749] : memref<1000000x64xf32, #tpu.memory_space<hbm>> -> memref<1x64xf32, #tpu.memory_space<hbm>>
      tpu.wait_dma2 semaphore(%arg13 : memref<!tpu.dma_semaphore, #tpu.memory_space<semaphore_mem>>) src(%dma_wait3A_1750 : memref<1x64xf32, #tpu.memory_space<hbm>>) dst(%dma_wait3A_1748 : memref<1x64xf32, #tpu.memory_space<vmem>>)
      %dma_wait3A_1751 = arith.constant 9 : i32
      %dma_wait3A_1752 = arith.constant 0 : i32
      %dma_wait3A_1753 = tpu.memref_slice %arg10[%dma_wait3A_1751, %dma_wait3A_1752] : memref<64x64xf32, #tpu.memory_space<vmem>> -> memref<1x64xf32, #tpu.memory_space<vmem>>
      %dma_wait3A_1754 = arith.constant 0 : i32
      %dma_wait3A_1755 = tpu.memref_slice %arg4[%squeeze3A_229, %dma_wait3A_1754] : memref<1000000x64xf32, #tpu.memory_space<hbm>> -> memref<1x64xf32, #tpu.memory_space<hbm>>
      %dma_wait3A_1756 = arith.constant 9 : i32
      %dma_wait3A_1757 = arith.constant 0 : i32
      %dma_wait3A_1758 = tpu.memref_slice %arg10[%dma_wait3A_1756, %dma_wait3A_1757] : memref<64x64xf32, #tpu.memory_space<vmem>> -> memref<1x64xf32, #tpu.memory_space<vmem>>
      %dma_wait3A_1759 = arith.constant 0 : i32
      %dma_wait3A_1760 = tpu.memref_slice %arg4[%squeeze3A_229, %dma_wait3A_1759] : memref<1000000x64xf32, #tpu.memory_space<hbm>> -> memref<1x64xf32, #tpu.memory_space<hbm>>
      tpu.wait_dma2 semaphore(%arg12 : memref<!tpu.dma_semaphore, #tpu.memory_space<semaphore_mem>>) src(%dma_wait3A_1760 : memref<1x64xf32, #tpu.memory_space<hbm>>) dst(%dma_wait3A_1758 : memref<1x64xf32, #tpu.memory_space<vmem>>)
      %dma_wait3A_1761 = arith.constant 9 : i32
      %dma_wait3A_1762 = arith.constant 0 : i32
      %dma_wait3A_1763 = tpu.memref_slice %arg11[%dma_wait3A_1761, %dma_wait3A_1762] : memref<64x64xf32, #tpu.memory_space<vmem>> -> memref<1x64xf32, #tpu.memory_space<vmem>>
      %dma_wait3A_1764 = arith.constant 0 : i32
      %dma_wait3A_1765 = tpu.memref_slice %arg5[%squeeze3A_241, %dma_wait3A_1764] : memref<1000000x64xf32, #tpu.memory_space<hbm>> -> memref<1x64xf32, #tpu.memory_space<hbm>>
      %dma_wait3A_1766 = arith.constant 9 : i32
      %dma_wait3A_1767 = arith.constant 0 : i32
      %dma_wait3A_1768 = tpu.memref_slice %arg11[%dma_wait3A_1766, %dma_wait3A_1767] : memref<64x64xf32, #tpu.memory_space<vmem>> -> memref<1x64xf32, #tpu.memory_space<vmem>>
      %dma_wait3A_1769 = arith.constant 0 : i32
      %dma_wait3A_1770 = tpu.memref_slice %arg5[%squeeze3A_241, %dma_wait3A_1769] : memref<1000000x64xf32, #tpu.memory_space<hbm>> -> memref<1x64xf32, #tpu.memory_space<hbm>>
      tpu.wait_dma2 semaphore(%arg13 : memref<!tpu.dma_semaphore, #tpu.memory_space<semaphore_mem>>) src(%dma_wait3A_1770 : memref<1x64xf32, #tpu.memory_space<hbm>>) dst(%dma_wait3A_1768 : memref<1x64xf32, #tpu.memory_space<vmem>>)
      %dma_wait3A_1771 = arith.constant 10 : i32
      %dma_wait3A_1772 = arith.constant 0 : i32
      %dma_wait3A_1773 = tpu.memref_slice %arg10[%dma_wait3A_1771, %dma_wait3A_1772] : memref<64x64xf32, #tpu.memory_space<vmem>> -> memref<1x64xf32, #tpu.memory_space<vmem>>
      %dma_wait3A_1774 = arith.constant 0 : i32
      %dma_wait3A_1775 = tpu.memref_slice %arg4[%squeeze3A_253, %dma_wait3A_1774] : memref<1000000x64xf32, #tpu.memory_space<hbm>> -> memref<1x64xf32, #tpu.memory_space<hbm>>
      %dma_wait3A_1776 = arith.constant 10 : i32
      %dma_wait3A_1777 = arith.constant 0 : i32
      %dma_wait3A_1778 = tpu.memref_slice %arg10[%dma_wait3A_1776, %dma_wait3A_1777] : memref<64x64xf32, #tpu.memory_space<vmem>> -> memref<1x64xf32, #tpu.memory_space<vmem>>
      %dma_wait3A_1779 = arith.constant 0 : i32
      %dma_wait3A_1780 = tpu.memref_slice %arg4[%squeeze3A_253, %dma_wait3A_1779] : memref<1000000x64xf32, #tpu.memory_space<hbm>> -> memref<1x64xf32, #tpu.memory_space<hbm>>
      tpu.wait_dma2 semaphore(%arg12 : memref<!tpu.dma_semaphore, #tpu.memory_space<semaphore_mem>>) src(%dma_wait3A_1780 : memref<1x64xf32, #tpu.memory_space<hbm>>) dst(%dma_wait3A_1778 : memref<1x64xf32, #tpu.memory_space<vmem>>)
      %dma_wait3A_1781 = arith.constant 10 : i32
      %dma_wait3A_1782 = arith.constant 0 : i32
      %dma_wait3A_1783 = tpu.memref_slice %arg11[%dma_wait3A_1781, %dma_wait3A_1782] : memref<64x64xf32, #tpu.memory_space<vmem>> -> memref<1x64xf32, #tpu.memory_space<vmem>>
      %dma_wait3A_1784 = arith.constant 0 : i32
      %dma_wait3A_1785 = tpu.memref_slice %arg5[%squeeze3A_265, %dma_wait3A_1784] : memref<1000000x64xf32, #tpu.memory_space<hbm>> -> memref<1x64xf32, #tpu.memory_space<hbm>>
      %dma_wait3A_1786 = arith.constant 10 : i32
      %dma_wait3A_1787 = arith.constant 0 : i32
      %dma_wait3A_1788 = tpu.memref_slice %arg11[%dma_wait3A_1786, %dma_wait3A_1787] : memref<64x64xf32, #tpu.memory_space<vmem>> -> memref<1x64xf32, #tpu.memory_space<vmem>>
      %dma_wait3A_1789 = arith.constant 0 : i32
      %dma_wait3A_1790 = tpu.memref_slice %arg5[%squeeze3A_265, %dma_wait3A_1789] : memref<1000000x64xf32, #tpu.memory_space<hbm>> -> memref<1x64xf32, #tpu.memory_space<hbm>>
      tpu.wait_dma2 semaphore(%arg13 : memref<!tpu.dma_semaphore, #tpu.memory_space<semaphore_mem>>) src(%dma_wait3A_1790 : memref<1x64xf32, #tpu.memory_space<hbm>>) dst(%dma_wait3A_1788 : memref<1x64xf32, #tpu.memory_space<vmem>>)
      %dma_wait3A_1791 = arith.constant 11 : i32
      %dma_wait3A_1792 = arith.constant 0 : i32
      %dma_wait3A_1793 = tpu.memref_slice %arg10[%dma_wait3A_1791, %dma_wait3A_1792] : memref<64x64xf32, #tpu.memory_space<vmem>> -> memref<1x64xf32, #tpu.memory_space<vmem>>
      %dma_wait3A_1794 = arith.constant 0 : i32
      %dma_wait3A_1795 = tpu.memref_slice %arg4[%squeeze3A_277, %dma_wait3A_1794] : memref<1000000x64xf32, #tpu.memory_space<hbm>> -> memref<1x64xf32, #tpu.memory_space<hbm>>
      %dma_wait3A_1796 = arith.constant 11 : i32
      %dma_wait3A_1797 = arith.constant 0 : i32
      %dma_wait3A_1798 = tpu.memref_slice %arg10[%dma_wait3A_1796, %dma_wait3A_1797] : memref<64x64xf32, #tpu.memory_space<vmem>> -> memref<1x64xf32, #tpu.memory_space<vmem>>
      %dma_wait3A_1799 = arith.constant 0 : i32
      %dma_wait3A_1800 = tpu.memref_slice %arg4[%squeeze3A_277, %dma_wait3A_1799] : memref<1000000x64xf32, #tpu.memory_space<hbm>> -> memref<1x64xf32, #tpu.memory_space<hbm>>
      tpu.wait_dma2 semaphore(%arg12 : memref<!tpu.dma_semaphore, #tpu.memory_space<semaphore_mem>>) src(%dma_wait3A_1800 : memref<1x64xf32, #tpu.memory_space<hbm>>) dst(%dma_wait3A_1798 : memref<1x64xf32, #tpu.memory_space<vmem>>)
      %dma_wait3A_1801 = arith.constant 11 : i32
      %dma_wait3A_1802 = arith.constant 0 : i32
      %dma_wait3A_1803 = tpu.memref_slice %arg11[%dma_wait3A_1801, %dma_wait3A_1802] : memref<64x64xf32, #tpu.memory_space<vmem>> -> memref<1x64xf32, #tpu.memory_space<vmem>>
      %dma_wait3A_1804 = arith.constant 0 : i32
      %dma_wait3A_1805 = tpu.memref_slice %arg5[%squeeze3A_289, %dma_wait3A_1804] : memref<1000000x64xf32, #tpu.memory_space<hbm>> -> memref<1x64xf32, #tpu.memory_space<hbm>>
      %dma_wait3A_1806 = arith.constant 11 : i32
      %dma_wait3A_1807 = arith.constant 0 : i32
      %dma_wait3A_1808 = tpu.memref_slice %arg11[%dma_wait3A_1806, %dma_wait3A_1807] : memref<64x64xf32, #tpu.memory_space<vmem>> -> memref<1x64xf32, #tpu.memory_space<vmem>>
      %dma_wait3A_1809 = arith.constant 0 : i32
      %dma_wait3A_1810 = tpu.memref_slice %arg5[%squeeze3A_289, %dma_wait3A_1809] : memref<1000000x64xf32, #tpu.memory_space<hbm>> -> memref<1x64xf32, #tpu.memory_space<hbm>>
      tpu.wait_dma2 semaphore(%arg13 : memref<!tpu.dma_semaphore, #tpu.memory_space<semaphore_mem>>) src(%dma_wait3A_1810 : memref<1x64xf32, #tpu.memory_space<hbm>>) dst(%dma_wait3A_1808 : memref<1x64xf32, #tpu.memory_space<vmem>>)
      %dma_wait3A_1811 = arith.constant 12 : i32
      %dma_wait3A_1812 = arith.constant 0 : i32
      %dma_wait3A_1813 = tpu.memref_slice %arg10[%dma_wait3A_1811, %dma_wait3A_1812] : memref<64x64xf32, #tpu.memory_space<vmem>> -> memref<1x64xf32, #tpu.memory_space<vmem>>
      %dma_wait3A_1814 = arith.constant 0 : i32
      %dma_wait3A_1815 = tpu.memref_slice %arg4[%squeeze3A_301, %dma_wait3A_1814] : memref<1000000x64xf32, #tpu.memory_space<hbm>> -> memref<1x64xf32, #tpu.memory_space<hbm>>
      %dma_wait3A_1816 = arith.constant 12 : i32
      %dma_wait3A_1817 = arith.constant 0 : i32
      %dma_wait3A_1818 = tpu.memref_slice %arg10[%dma_wait3A_1816, %dma_wait3A_1817] : memref<64x64xf32, #tpu.memory_space<vmem>> -> memref<1x64xf32, #tpu.memory_space<vmem>>
      %dma_wait3A_1819 = arith.constant 0 : i32
      %dma_wait3A_1820 = tpu.memref_slice %arg4[%squeeze3A_301, %dma_wait3A_1819] : memref<1000000x64xf32, #tpu.memory_space<hbm>> -> memref<1x64xf32, #tpu.memory_space<hbm>>
      tpu.wait_dma2 semaphore(%arg12 : memref<!tpu.dma_semaphore, #tpu.memory_space<semaphore_mem>>) src(%dma_wait3A_1820 : memref<1x64xf32, #tpu.memory_space<hbm>>) dst(%dma_wait3A_1818 : memref<1x64xf32, #tpu.memory_space<vmem>>)
      %dma_wait3A_1821 = arith.constant 12 : i32
      %dma_wait3A_1822 = arith.constant 0 : i32
      %dma_wait3A_1823 = tpu.memref_slice %arg11[%dma_wait3A_1821, %dma_wait3A_1822] : memref<64x64xf32, #tpu.memory_space<vmem>> -> memref<1x64xf32, #tpu.memory_space<vmem>>
      %dma_wait3A_1824 = arith.constant 0 : i32
      %dma_wait3A_1825 = tpu.memref_slice %arg5[%squeeze3A_313, %dma_wait3A_1824] : memref<1000000x64xf32, #tpu.memory_space<hbm>> -> memref<1x64xf32, #tpu.memory_space<hbm>>
      %dma_wait3A_1826 = arith.constant 12 : i32
      %dma_wait3A_1827 = arith.constant 0 : i32
      %dma_wait3A_1828 = tpu.memref_slice %arg11[%dma_wait3A_1826, %dma_wait3A_1827] : memref<64x64xf32, #tpu.memory_space<vmem>> -> memref<1x64xf32, #tpu.memory_space<vmem>>
      %dma_wait3A_1829 = arith.constant 0 : i32
      %dma_wait3A_1830 = tpu.memref_slice %arg5[%squeeze3A_313, %dma_wait3A_1829] : memref<1000000x64xf32, #tpu.memory_space<hbm>> -> memref<1x64xf32, #tpu.memory_space<hbm>>
      tpu.wait_dma2 semaphore(%arg13 : memref<!tpu.dma_semaphore, #tpu.memory_space<semaphore_mem>>) src(%dma_wait3A_1830 : memref<1x64xf32, #tpu.memory_space<hbm>>) dst(%dma_wait3A_1828 : memref<1x64xf32, #tpu.memory_space<vmem>>)
      %dma_wait3A_1831 = arith.constant 13 : i32
      %dma_wait3A_1832 = arith.constant 0 : i32
      %dma_wait3A_1833 = tpu.memref_slice %arg10[%dma_wait3A_1831, %dma_wait3A_1832] : memref<64x64xf32, #tpu.memory_space<vmem>> -> memref<1x64xf32, #tpu.memory_space<vmem>>
      %dma_wait3A_1834 = arith.constant 0 : i32
      %dma_wait3A_1835 = tpu.memref_slice %arg4[%squeeze3A_325, %dma_wait3A_1834] : memref<1000000x64xf32, #tpu.memory_space<hbm>> -> memref<1x64xf32, #tpu.memory_space<hbm>>
      %dma_wait3A_1836 = arith.constant 13 : i32
      %dma_wait3A_1837 = arith.constant 0 : i32
      %dma_wait3A_1838 = tpu.memref_slice %arg10[%dma_wait3A_1836, %dma_wait3A_1837] : memref<64x64xf32, #tpu.memory_space<vmem>> -> memref<1x64xf32, #tpu.memory_space<vmem>>
      %dma_wait3A_1839 = arith.constant 0 : i32
      %dma_wait3A_1840 = tpu.memref_slice %arg4[%squeeze3A_325, %dma_wait3A_1839] : memref<1000000x64xf32, #tpu.memory_space<hbm>> -> memref<1x64xf32, #tpu.memory_space<hbm>>
      tpu.wait_dma2 semaphore(%arg12 : memref<!tpu.dma_semaphore, #tpu.memory_space<semaphore_mem>>) src(%dma_wait3A_1840 : memref<1x64xf32, #tpu.memory_space<hbm>>) dst(%dma_wait3A_1838 : memref<1x64xf32, #tpu.memory_space<vmem>>)
      %dma_wait3A_1841 = arith.constant 13 : i32
      %dma_wait3A_1842 = arith.constant 0 : i32
      %dma_wait3A_1843 = tpu.memref_slice %arg11[%dma_wait3A_1841, %dma_wait3A_1842] : memref<64x64xf32, #tpu.memory_space<vmem>> -> memref<1x64xf32, #tpu.memory_space<vmem>>
      %dma_wait3A_1844 = arith.constant 0 : i32
      %dma_wait3A_1845 = tpu.memref_slice %arg5[%squeeze3A_337, %dma_wait3A_1844] : memref<1000000x64xf32, #tpu.memory_space<hbm>> -> memref<1x64xf32, #tpu.memory_space<hbm>>
      %dma_wait3A_1846 = arith.constant 13 : i32
      %dma_wait3A_1847 = arith.constant 0 : i32
      %dma_wait3A_1848 = tpu.memref_slice %arg11[%dma_wait3A_1846, %dma_wait3A_1847] : memref<64x64xf32, #tpu.memory_space<vmem>> -> memref<1x64xf32, #tpu.memory_space<vmem>>
      %dma_wait3A_1849 = arith.constant 0 : i32
      %dma_wait3A_1850 = tpu.memref_slice %arg5[%squeeze3A_337, %dma_wait3A_1849] : memref<1000000x64xf32, #tpu.memory_space<hbm>> -> memref<1x64xf32, #tpu.memory_space<hbm>>
      tpu.wait_dma2 semaphore(%arg13 : memref<!tpu.dma_semaphore, #tpu.memory_space<semaphore_mem>>) src(%dma_wait3A_1850 : memref<1x64xf32, #tpu.memory_space<hbm>>) dst(%dma_wait3A_1848 : memref<1x64xf32, #tpu.memory_space<vmem>>)
      %dma_wait3A_1851 = arith.constant 14 : i32
      %dma_wait3A_1852 = arith.constant 0 : i32
      %dma_wait3A_1853 = tpu.memref_slice %arg10[%dma_wait3A_1851, %dma_wait3A_1852] : memref<64x64xf32, #tpu.memory_space<vmem>> -> memref<1x64xf32, #tpu.memory_space<vmem>>
      %dma_wait3A_1854 = arith.constant 0 : i32
      %dma_wait3A_1855 = tpu.memref_slice %arg4[%squeeze3A_349, %dma_wait3A_1854] : memref<1000000x64xf32, #tpu.memory_space<hbm>> -> memref<1x64xf32, #tpu.memory_space<hbm>>
      %dma_wait3A_1856 = arith.constant 14 : i32
      %dma_wait3A_1857 = arith.constant 0 : i32
      %dma_wait3A_1858 = tpu.memref_slice %arg10[%dma_wait3A_1856, %dma_wait3A_1857] : memref<64x64xf32, #tpu.memory_space<vmem>> -> memref<1x64xf32, #tpu.memory_space<vmem>>
      %dma_wait3A_1859 = arith.constant 0 : i32
      %dma_wait3A_1860 = tpu.memref_slice %arg4[%squeeze3A_349, %dma_wait3A_1859] : memref<1000000x64xf32, #tpu.memory_space<hbm>> -> memref<1x64xf32, #tpu.memory_space<hbm>>
      tpu.wait_dma2 semaphore(%arg12 : memref<!tpu.dma_semaphore, #tpu.memory_space<semaphore_mem>>) src(%dma_wait3A_1860 : memref<1x64xf32, #tpu.memory_space<hbm>>) dst(%dma_wait3A_1858 : memref<1x64xf32, #tpu.memory_space<vmem>>)
      %dma_wait3A_1861 = arith.constant 14 : i32
      %dma_wait3A_1862 = arith.constant 0 : i32
      %dma_wait3A_1863 = tpu.memref_slice %arg11[%dma_wait3A_1861, %dma_wait3A_1862] : memref<64x64xf32, #tpu.memory_space<vmem>> -> memref<1x64xf32, #tpu.memory_space<vmem>>
      %dma_wait3A_1864 = arith.constant 0 : i32
      %dma_wait3A_1865 = tpu.memref_slice %arg5[%squeeze3A_361, %dma_wait3A_1864] : memref<1000000x64xf32, #tpu.memory_space<hbm>> -> memref<1x64xf32, #tpu.memory_space<hbm>>
      %dma_wait3A_1866 = arith.constant 14 : i32
      %dma_wait3A_1867 = arith.constant 0 : i32
      %dma_wait3A_1868 = tpu.memref_slice %arg11[%dma_wait3A_1866, %dma_wait3A_1867] : memref<64x64xf32, #tpu.memory_space<vmem>> -> memref<1x64xf32, #tpu.memory_space<vmem>>
      %dma_wait3A_1869 = arith.constant 0 : i32
      %dma_wait3A_1870 = tpu.memref_slice %arg5[%squeeze3A_361, %dma_wait3A_1869] : memref<1000000x64xf32, #tpu.memory_space<hbm>> -> memref<1x64xf32, #tpu.memory_space<hbm>>
      tpu.wait_dma2 semaphore(%arg13 : memref<!tpu.dma_semaphore, #tpu.memory_space<semaphore_mem>>) src(%dma_wait3A_1870 : memref<1x64xf32, #tpu.memory_space<hbm>>) dst(%dma_wait3A_1868 : memref<1x64xf32, #tpu.memory_space<vmem>>)
      %dma_wait3A_1871 = arith.constant 15 : i32
      %dma_wait3A_1872 = arith.constant 0 : i32
      %dma_wait3A_1873 = tpu.memref_slice %arg10[%dma_wait3A_1871, %dma_wait3A_1872] : memref<64x64xf32, #tpu.memory_space<vmem>> -> memref<1x64xf32, #tpu.memory_space<vmem>>
      %dma_wait3A_1874 = arith.constant 0 : i32
      %dma_wait3A_1875 = tpu.memref_slice %arg4[%squeeze3A_373, %dma_wait3A_1874] : memref<1000000x64xf32, #tpu.memory_space<hbm>> -> memref<1x64xf32, #tpu.memory_space<hbm>>
      %dma_wait3A_1876 = arith.constant 15 : i32
      %dma_wait3A_1877 = arith.constant 0 : i32
      %dma_wait3A_1878 = tpu.memref_slice %arg10[%dma_wait3A_1876, %dma_wait3A_1877] : memref<64x64xf32, #tpu.memory_space<vmem>> -> memref<1x64xf32, #tpu.memory_space<vmem>>
      %dma_wait3A_1879 = arith.constant 0 : i32
      %dma_wait3A_1880 = tpu.memref_slice %arg4[%squeeze3A_373, %dma_wait3A_1879] : memref<1000000x64xf32, #tpu.memory_space<hbm>> -> memref<1x64xf32, #tpu.memory_space<hbm>>
      tpu.wait_dma2 semaphore(%arg12 : memref<!tpu.dma_semaphore, #tpu.memory_space<semaphore_mem>>) src(%dma_wait3A_1880 : memref<1x64xf32, #tpu.memory_space<hbm>>) dst(%dma_wait3A_1878 : memref<1x64xf32, #tpu.memory_space<vmem>>)
      %dma_wait3A_1881 = arith.constant 15 : i32
      %dma_wait3A_1882 = arith.constant 0 : i32
      %dma_wait3A_1883 = tpu.memref_slice %arg11[%dma_wait3A_1881, %dma_wait3A_1882] : memref<64x64xf32, #tpu.memory_space<vmem>> -> memref<1x64xf32, #tpu.memory_space<vmem>>
      %dma_wait3A_1884 = arith.constant 0 : i32
      %dma_wait3A_1885 = tpu.memref_slice %arg5[%squeeze3A_385, %dma_wait3A_1884] : memref<1000000x64xf32, #tpu.memory_space<hbm>> -> memref<1x64xf32, #tpu.memory_space<hbm>>
      %dma_wait3A_1886 = arith.constant 15 : i32
      %dma_wait3A_1887 = arith.constant 0 : i32
      %dma_wait3A_1888 = tpu.memref_slice %arg11[%dma_wait3A_1886, %dma_wait3A_1887] : memref<64x64xf32, #tpu.memory_space<vmem>> -> memref<1x64xf32, #tpu.memory_space<vmem>>
      %dma_wait3A_1889 = arith.constant 0 : i32
      %dma_wait3A_1890 = tpu.memref_slice %arg5[%squeeze3A_385, %dma_wait3A_1889] : memref<1000000x64xf32, #tpu.memory_space<hbm>> -> memref<1x64xf32, #tpu.memory_space<hbm>>
      tpu.wait_dma2 semaphore(%arg13 : memref<!tpu.dma_semaphore, #tpu.memory_space<semaphore_mem>>) src(%dma_wait3A_1890 : memref<1x64xf32, #tpu.memory_space<hbm>>) dst(%dma_wait3A_1888 : memref<1x64xf32, #tpu.memory_space<vmem>>)
      %dma_wait3A_1891 = arith.constant 16 : i32
      %dma_wait3A_1892 = arith.constant 0 : i32
      %dma_wait3A_1893 = tpu.memref_slice %arg10[%dma_wait3A_1891, %dma_wait3A_1892] : memref<64x64xf32, #tpu.memory_space<vmem>> -> memref<1x64xf32, #tpu.memory_space<vmem>>
      %dma_wait3A_1894 = arith.constant 0 : i32
      %dma_wait3A_1895 = tpu.memref_slice %arg4[%squeeze3A_405, %dma_wait3A_1894] : memref<1000000x64xf32, #tpu.memory_space<hbm>> -> memref<1x64xf32, #tpu.memory_space<hbm>>
      %dma_wait3A_1896 = arith.constant 16 : i32
      %dma_wait3A_1897 = arith.constant 0 : i32
      %dma_wait3A_1898 = tpu.memref_slice %arg10[%dma_wait3A_1896, %dma_wait3A_1897] : memref<64x64xf32, #tpu.memory_space<vmem>> -> memref<1x64xf32, #tpu.memory_space<vmem>>
      %dma_wait3A_1899 = arith.constant 0 : i32
      %dma_wait3A_1900 = tpu.memref_slice %arg4[%squeeze3A_405, %dma_wait3A_1899] : memref<1000000x64xf32, #tpu.memory_space<hbm>> -> memref<1x64xf32, #tpu.memory_space<hbm>>
      tpu.wait_dma2 semaphore(%arg12 : memref<!tpu.dma_semaphore, #tpu.memory_space<semaphore_mem>>) src(%dma_wait3A_1900 : memref<1x64xf32, #tpu.memory_space<hbm>>) dst(%dma_wait3A_1898 : memref<1x64xf32, #tpu.memory_space<vmem>>)
      %dma_wait3A_1901 = arith.constant 16 : i32
      %dma_wait3A_1902 = arith.constant 0 : i32
      %dma_wait3A_1903 = tpu.memref_slice %arg11[%dma_wait3A_1901, %dma_wait3A_1902] : memref<64x64xf32, #tpu.memory_space<vmem>> -> memref<1x64xf32, #tpu.memory_space<vmem>>
      %dma_wait3A_1904 = arith.constant 0 : i32
      %dma_wait3A_1905 = tpu.memref_slice %arg5[%squeeze3A_417, %dma_wait3A_1904] : memref<1000000x64xf32, #tpu.memory_space<hbm>> -> memref<1x64xf32, #tpu.memory_space<hbm>>
      %dma_wait3A_1906 = arith.constant 16 : i32
      %dma_wait3A_1907 = arith.constant 0 : i32
      %dma_wait3A_1908 = tpu.memref_slice %arg11[%dma_wait3A_1906, %dma_wait3A_1907] : memref<64x64xf32, #tpu.memory_space<vmem>> -> memref<1x64xf32, #tpu.memory_space<vmem>>
      %dma_wait3A_1909 = arith.constant 0 : i32
      %dma_wait3A_1910 = tpu.memref_slice %arg5[%squeeze3A_417, %dma_wait3A_1909] : memref<1000000x64xf32, #tpu.memory_space<hbm>> -> memref<1x64xf32, #tpu.memory_space<hbm>>
      tpu.wait_dma2 semaphore(%arg13 : memref<!tpu.dma_semaphore, #tpu.memory_space<semaphore_mem>>) src(%dma_wait3A_1910 : memref<1x64xf32, #tpu.memory_space<hbm>>) dst(%dma_wait3A_1908 : memref<1x64xf32, #tpu.memory_space<vmem>>)
      %dma_wait3A_1911 = arith.constant 17 : i32
      %dma_wait3A_1912 = arith.constant 0 : i32
      %dma_wait3A_1913 = tpu.memref_slice %arg10[%dma_wait3A_1911, %dma_wait3A_1912] : memref<64x64xf32, #tpu.memory_space<vmem>> -> memref<1x64xf32, #tpu.memory_space<vmem>>
      %dma_wait3A_1914 = arith.constant 0 : i32
      %dma_wait3A_1915 = tpu.memref_slice %arg4[%squeeze3A_429, %dma_wait3A_1914] : memref<1000000x64xf32, #tpu.memory_space<hbm>> -> memref<1x64xf32, #tpu.memory_space<hbm>>
      %dma_wait3A_1916 = arith.constant 17 : i32
      %dma_wait3A_1917 = arith.constant 0 : i32
      %dma_wait3A_1918 = tpu.memref_slice %arg10[%dma_wait3A_1916, %dma_wait3A_1917] : memref<64x64xf32, #tpu.memory_space<vmem>> -> memref<1x64xf32, #tpu.memory_space<vmem>>
      %dma_wait3A_1919 = arith.constant 0 : i32
      %dma_wait3A_1920 = tpu.memref_slice %arg4[%squeeze3A_429, %dma_wait3A_1919] : memref<1000000x64xf32, #tpu.memory_space<hbm>> -> memref<1x64xf32, #tpu.memory_space<hbm>>
      tpu.wait_dma2 semaphore(%arg12 : memref<!tpu.dma_semaphore, #tpu.memory_space<semaphore_mem>>) src(%dma_wait3A_1920 : memref<1x64xf32, #tpu.memory_space<hbm>>) dst(%dma_wait3A_1918 : memref<1x64xf32, #tpu.memory_space<vmem>>)
      %dma_wait3A_1921 = arith.constant 17 : i32
      %dma_wait3A_1922 = arith.constant 0 : i32
      %dma_wait3A_1923 = tpu.memref_slice %arg11[%dma_wait3A_1921, %dma_wait3A_1922] : memref<64x64xf32, #tpu.memory_space<vmem>> -> memref<1x64xf32, #tpu.memory_space<vmem>>
      %dma_wait3A_1924 = arith.constant 0 : i32
      %dma_wait3A_1925 = tpu.memref_slice %arg5[%squeeze3A_441, %dma_wait3A_1924] : memref<1000000x64xf32, #tpu.memory_space<hbm>> -> memref<1x64xf32, #tpu.memory_space<hbm>>
      %dma_wait3A_1926 = arith.constant 17 : i32
      %dma_wait3A_1927 = arith.constant 0 : i32
      %dma_wait3A_1928 = tpu.memref_slice %arg11[%dma_wait3A_1926, %dma_wait3A_1927] : memref<64x64xf32, #tpu.memory_space<vmem>> -> memref<1x64xf32, #tpu.memory_space<vmem>>
      %dma_wait3A_1929 = arith.constant 0 : i32
      %dma_wait3A_1930 = tpu.memref_slice %arg5[%squeeze3A_441, %dma_wait3A_1929] : memref<1000000x64xf32, #tpu.memory_space<hbm>> -> memref<1x64xf32, #tpu.memory_space<hbm>>
      tpu.wait_dma2 semaphore(%arg13 : memref<!tpu.dma_semaphore, #tpu.memory_space<semaphore_mem>>) src(%dma_wait3A_1930 : memref<1x64xf32, #tpu.memory_space<hbm>>) dst(%dma_wait3A_1928 : memref<1x64xf32, #tpu.memory_space<vmem>>)
      %dma_wait3A_1931 = arith.constant 18 : i32
      %dma_wait3A_1932 = arith.constant 0 : i32
      %dma_wait3A_1933 = tpu.memref_slice %arg10[%dma_wait3A_1931, %dma_wait3A_1932] : memref<64x64xf32, #tpu.memory_space<vmem>> -> memref<1x64xf32, #tpu.memory_space<vmem>>
      %dma_wait3A_1934 = arith.constant 0 : i32
      %dma_wait3A_1935 = tpu.memref_slice %arg4[%squeeze3A_453, %dma_wait3A_1934] : memref<1000000x64xf32, #tpu.memory_space<hbm>> -> memref<1x64xf32, #tpu.memory_space<hbm>>
      %dma_wait3A_1936 = arith.constant 18 : i32
      %dma_wait3A_1937 = arith.constant 0 : i32
      %dma_wait3A_1938 = tpu.memref_slice %arg10[%dma_wait3A_1936, %dma_wait3A_1937] : memref<64x64xf32, #tpu.memory_space<vmem>> -> memref<1x64xf32, #tpu.memory_space<vmem>>
      %dma_wait3A_1939 = arith.constant 0 : i32
      %dma_wait3A_1940 = tpu.memref_slice %arg4[%squeeze3A_453, %dma_wait3A_1939] : memref<1000000x64xf32, #tpu.memory_space<hbm>> -> memref<1x64xf32, #tpu.memory_space<hbm>>
      tpu.wait_dma2 semaphore(%arg12 : memref<!tpu.dma_semaphore, #tpu.memory_space<semaphore_mem>>) src(%dma_wait3A_1940 : memref<1x64xf32, #tpu.memory_space<hbm>>) dst(%dma_wait3A_1938 : memref<1x64xf32, #tpu.memory_space<vmem>>)
      %dma_wait3A_1941 = arith.constant 18 : i32
      %dma_wait3A_1942 = arith.constant 0 : i32
      %dma_wait3A_1943 = tpu.memref_slice %arg11[%dma_wait3A_1941, %dma_wait3A_1942] : memref<64x64xf32, #tpu.memory_space<vmem>> -> memref<1x64xf32, #tpu.memory_space<vmem>>
      %dma_wait3A_1944 = arith.constant 0 : i32
      %dma_wait3A_1945 = tpu.memref_slice %arg5[%squeeze3A_465, %dma_wait3A_1944] : memref<1000000x64xf32, #tpu.memory_space<hbm>> -> memref<1x64xf32, #tpu.memory_space<hbm>>
      %dma_wait3A_1946 = arith.constant 18 : i32
      %dma_wait3A_1947 = arith.constant 0 : i32
      %dma_wait3A_1948 = tpu.memref_slice %arg11[%dma_wait3A_1946, %dma_wait3A_1947] : memref<64x64xf32, #tpu.memory_space<vmem>> -> memref<1x64xf32, #tpu.memory_space<vmem>>
      %dma_wait3A_1949 = arith.constant 0 : i32
      %dma_wait3A_1950 = tpu.memref_slice %arg5[%squeeze3A_465, %dma_wait3A_1949] : memref<1000000x64xf32, #tpu.memory_space<hbm>> -> memref<1x64xf32, #tpu.memory_space<hbm>>
      tpu.wait_dma2 semaphore(%arg13 : memref<!tpu.dma_semaphore, #tpu.memory_space<semaphore_mem>>) src(%dma_wait3A_1950 : memref<1x64xf32, #tpu.memory_space<hbm>>) dst(%dma_wait3A_1948 : memref<1x64xf32, #tpu.memory_space<vmem>>)
      %dma_wait3A_1951 = arith.constant 19 : i32
      %dma_wait3A_1952 = arith.constant 0 : i32
      %dma_wait3A_1953 = tpu.memref_slice %arg10[%dma_wait3A_1951, %dma_wait3A_1952] : memref<64x64xf32, #tpu.memory_space<vmem>> -> memref<1x64xf32, #tpu.memory_space<vmem>>
      %dma_wait3A_1954 = arith.constant 0 : i32
      %dma_wait3A_1955 = tpu.memref_slice %arg4[%squeeze3A_477, %dma_wait3A_1954] : memref<1000000x64xf32, #tpu.memory_space<hbm>> -> memref<1x64xf32, #tpu.memory_space<hbm>>
      %dma_wait3A_1956 = arith.constant 19 : i32
      %dma_wait3A_1957 = arith.constant 0 : i32
      %dma_wait3A_1958 = tpu.memref_slice %arg10[%dma_wait3A_1956, %dma_wait3A_1957] : memref<64x64xf32, #tpu.memory_space<vmem>> -> memref<1x64xf32, #tpu.memory_space<vmem>>
      %dma_wait3A_1959 = arith.constant 0 : i32
      %dma_wait3A_1960 = tpu.memref_slice %arg4[%squeeze3A_477, %dma_wait3A_1959] : memref<1000000x64xf32, #tpu.memory_space<hbm>> -> memref<1x64xf32, #tpu.memory_space<hbm>>
      tpu.wait_dma2 semaphore(%arg12 : memref<!tpu.dma_semaphore, #tpu.memory_space<semaphore_mem>>) src(%dma_wait3A_1960 : memref<1x64xf32, #tpu.memory_space<hbm>>) dst(%dma_wait3A_1958 : memref<1x64xf32, #tpu.memory_space<vmem>>)
      %dma_wait3A_1961 = arith.constant 19 : i32
      %dma_wait3A_1962 = arith.constant 0 : i32
      %dma_wait3A_1963 = tpu.memref_slice %arg11[%dma_wait3A_1961, %dma_wait3A_1962] : memref<64x64xf32, #tpu.memory_space<vmem>> -> memref<1x64xf32, #tpu.memory_space<vmem>>
      %dma_wait3A_1964 = arith.constant 0 : i32
      %dma_wait3A_1965 = tpu.memref_slice %arg5[%squeeze3A_489, %dma_wait3A_1964] : memref<1000000x64xf32, #tpu.memory_space<hbm>> -> memref<1x64xf32, #tpu.memory_space<hbm>>
      %dma_wait3A_1966 = arith.constant 19 : i32
      %dma_wait3A_1967 = arith.constant 0 : i32
      %dma_wait3A_1968 = tpu.memref_slice %arg11[%dma_wait3A_1966, %dma_wait3A_1967] : memref<64x64xf32, #tpu.memory_space<vmem>> -> memref<1x64xf32, #tpu.memory_space<vmem>>
      %dma_wait3A_1969 = arith.constant 0 : i32
      %dma_wait3A_1970 = tpu.memref_slice %arg5[%squeeze3A_489, %dma_wait3A_1969] : memref<1000000x64xf32, #tpu.memory_space<hbm>> -> memref<1x64xf32, #tpu.memory_space<hbm>>
      tpu.wait_dma2 semaphore(%arg13 : memref<!tpu.dma_semaphore, #tpu.memory_space<semaphore_mem>>) src(%dma_wait3A_1970 : memref<1x64xf32, #tpu.memory_space<hbm>>) dst(%dma_wait3A_1968 : memref<1x64xf32, #tpu.memory_space<vmem>>)
      %dma_wait3A_1971 = arith.constant 20 : i32
      %dma_wait3A_1972 = arith.constant 0 : i32
      %dma_wait3A_1973 = tpu.memref_slice %arg10[%dma_wait3A_1971, %dma_wait3A_1972] : memref<64x64xf32, #tpu.memory_space<vmem>> -> memref<1x64xf32, #tpu.memory_space<vmem>>
      %dma_wait3A_1974 = arith.constant 0 : i32
      %dma_wait3A_1975 = tpu.memref_slice %arg4[%squeeze3A_501, %dma_wait3A_1974] : memref<1000000x64xf32, #tpu.memory_space<hbm>> -> memref<1x64xf32, #tpu.memory_space<hbm>>
      %dma_wait3A_1976 = arith.constant 20 : i32
      %dma_wait3A_1977 = arith.constant 0 : i32
      %dma_wait3A_1978 = tpu.memref_slice %arg10[%dma_wait3A_1976, %dma_wait3A_1977] : memref<64x64xf32, #tpu.memory_space<vmem>> -> memref<1x64xf32, #tpu.memory_space<vmem>>
      %dma_wait3A_1979 = arith.constant 0 : i32
      %dma_wait3A_1980 = tpu.memref_slice %arg4[%squeeze3A_501, %dma_wait3A_1979] : memref<1000000x64xf32, #tpu.memory_space<hbm>> -> memref<1x64xf32, #tpu.memory_space<hbm>>
      tpu.wait_dma2 semaphore(%arg12 : memref<!tpu.dma_semaphore, #tpu.memory_space<semaphore_mem>>) src(%dma_wait3A_1980 : memref<1x64xf32, #tpu.memory_space<hbm>>) dst(%dma_wait3A_1978 : memref<1x64xf32, #tpu.memory_space<vmem>>)
      %dma_wait3A_1981 = arith.constant 20 : i32
      %dma_wait3A_1982 = arith.constant 0 : i32
      %dma_wait3A_1983 = tpu.memref_slice %arg11[%dma_wait3A_1981, %dma_wait3A_1982] : memref<64x64xf32, #tpu.memory_space<vmem>> -> memref<1x64xf32, #tpu.memory_space<vmem>>
      %dma_wait3A_1984 = arith.constant 0 : i32
      %dma_wait3A_1985 = tpu.memref_slice %arg5[%squeeze3A_513, %dma_wait3A_1984] : memref<1000000x64xf32, #tpu.memory_space<hbm>> -> memref<1x64xf32, #tpu.memory_space<hbm>>
      %dma_wait3A_1986 = arith.constant 20 : i32
      %dma_wait3A_1987 = arith.constant 0 : i32
      %dma_wait3A_1988 = tpu.memref_slice %arg11[%dma_wait3A_1986, %dma_wait3A_1987] : memref<64x64xf32, #tpu.memory_space<vmem>> -> memref<1x64xf32, #tpu.memory_space<vmem>>
      %dma_wait3A_1989 = arith.constant 0 : i32
      %dma_wait3A_1990 = tpu.memref_slice %arg5[%squeeze3A_513, %dma_wait3A_1989] : memref<1000000x64xf32, #tpu.memory_space<hbm>> -> memref<1x64xf32, #tpu.memory_space<hbm>>
      tpu.wait_dma2 semaphore(%arg13 : memref<!tpu.dma_semaphore, #tpu.memory_space<semaphore_mem>>) src(%dma_wait3A_1990 : memref<1x64xf32, #tpu.memory_space<hbm>>) dst(%dma_wait3A_1988 : memref<1x64xf32, #tpu.memory_space<vmem>>)
      %dma_wait3A_1991 = arith.constant 21 : i32
      %dma_wait3A_1992 = arith.constant 0 : i32
      %dma_wait3A_1993 = tpu.memref_slice %arg10[%dma_wait3A_1991, %dma_wait3A_1992] : memref<64x64xf32, #tpu.memory_space<vmem>> -> memref<1x64xf32, #tpu.memory_space<vmem>>
      %dma_wait3A_1994 = arith.constant 0 : i32
      %dma_wait3A_1995 = tpu.memref_slice %arg4[%squeeze3A_525, %dma_wait3A_1994] : memref<1000000x64xf32, #tpu.memory_space<hbm>> -> memref<1x64xf32, #tpu.memory_space<hbm>>
      %dma_wait3A_1996 = arith.constant 21 : i32
      %dma_wait3A_1997 = arith.constant 0 : i32
      %dma_wait3A_1998 = tpu.memref_slice %arg10[%dma_wait3A_1996, %dma_wait3A_1997] : memref<64x64xf32, #tpu.memory_space<vmem>> -> memref<1x64xf32, #tpu.memory_space<vmem>>
      %dma_wait3A_1999 = arith.constant 0 : i32
      %dma_wait3A_2000 = tpu.memref_slice %arg4[%squeeze3A_525, %dma_wait3A_1999] : memref<1000000x64xf32, #tpu.memory_space<hbm>> -> memref<1x64xf32, #tpu.memory_space<hbm>>
      tpu.wait_dma2 semaphore(%arg12 : memref<!tpu.dma_semaphore, #tpu.memory_space<semaphore_mem>>) src(%dma_wait3A_2000 : memref<1x64xf32, #tpu.memory_space<hbm>>) dst(%dma_wait3A_1998 : memref<1x64xf32, #tpu.memory_space<vmem>>)
      %dma_wait3A_2001 = arith.constant 21 : i32
      %dma_wait3A_2002 = arith.constant 0 : i32
      %dma_wait3A_2003 = tpu.memref_slice %arg11[%dma_wait3A_2001, %dma_wait3A_2002] : memref<64x64xf32, #tpu.memory_space<vmem>> -> memref<1x64xf32, #tpu.memory_space<vmem>>
      %dma_wait3A_2004 = arith.constant 0 : i32
      %dma_wait3A_2005 = tpu.memref_slice %arg5[%squeeze3A_537, %dma_wait3A_2004] : memref<1000000x64xf32, #tpu.memory_space<hbm>> -> memref<1x64xf32, #tpu.memory_space<hbm>>
      %dma_wait3A_2006 = arith.constant 21 : i32
      %dma_wait3A_2007 = arith.constant 0 : i32
      %dma_wait3A_2008 = tpu.memref_slice %arg11[%dma_wait3A_2006, %dma_wait3A_2007] : memref<64x64xf32, #tpu.memory_space<vmem>> -> memref<1x64xf32, #tpu.memory_space<vmem>>
      %dma_wait3A_2009 = arith.constant 0 : i32
      %dma_wait3A_2010 = tpu.memref_slice %arg5[%squeeze3A_537, %dma_wait3A_2009] : memref<1000000x64xf32, #tpu.memory_space<hbm>> -> memref<1x64xf32, #tpu.memory_space<hbm>>
      tpu.wait_dma2 semaphore(%arg13 : memref<!tpu.dma_semaphore, #tpu.memory_space<semaphore_mem>>) src(%dma_wait3A_2010 : memref<1x64xf32, #tpu.memory_space<hbm>>) dst(%dma_wait3A_2008 : memref<1x64xf32, #tpu.memory_space<vmem>>)
      %dma_wait3A_2011 = arith.constant 22 : i32
      %dma_wait3A_2012 = arith.constant 0 : i32
      %dma_wait3A_2013 = tpu.memref_slice %arg10[%dma_wait3A_2011, %dma_wait3A_2012] : memref<64x64xf32, #tpu.memory_space<vmem>> -> memref<1x64xf32, #tpu.memory_space<vmem>>
      %dma_wait3A_2014 = arith.constant 0 : i32
      %dma_wait3A_2015 = tpu.memref_slice %arg4[%squeeze3A_549, %dma_wait3A_2014] : memref<1000000x64xf32, #tpu.memory_space<hbm>> -> memref<1x64xf32, #tpu.memory_space<hbm>>
      %dma_wait3A_2016 = arith.constant 22 : i32
      %dma_wait3A_2017 = arith.constant 0 : i32
      %dma_wait3A_2018 = tpu.memref_slice %arg10[%dma_wait3A_2016, %dma_wait3A_2017] : memref<64x64xf32, #tpu.memory_space<vmem>> -> memref<1x64xf32, #tpu.memory_space<vmem>>
      %dma_wait3A_2019 = arith.constant 0 : i32
      %dma_wait3A_2020 = tpu.memref_slice %arg4[%squeeze3A_549, %dma_wait3A_2019] : memref<1000000x64xf32, #tpu.memory_space<hbm>> -> memref<1x64xf32, #tpu.memory_space<hbm>>
      tpu.wait_dma2 semaphore(%arg12 : memref<!tpu.dma_semaphore, #tpu.memory_space<semaphore_mem>>) src(%dma_wait3A_2020 : memref<1x64xf32, #tpu.memory_space<hbm>>) dst(%dma_wait3A_2018 : memref<1x64xf32, #tpu.memory_space<vmem>>)
      %dma_wait3A_2021 = arith.constant 22 : i32
      %dma_wait3A_2022 = arith.constant 0 : i32
      %dma_wait3A_2023 = tpu.memref_slice %arg11[%dma_wait3A_2021, %dma_wait3A_2022] : memref<64x64xf32, #tpu.memory_space<vmem>> -> memref<1x64xf32, #tpu.memory_space<vmem>>
      %dma_wait3A_2024 = arith.constant 0 : i32
      %dma_wait3A_2025 = tpu.memref_slice %arg5[%squeeze3A_561, %dma_wait3A_2024] : memref<1000000x64xf32, #tpu.memory_space<hbm>> -> memref<1x64xf32, #tpu.memory_space<hbm>>
      %dma_wait3A_2026 = arith.constant 22 : i32
      %dma_wait3A_2027 = arith.constant 0 : i32
      %dma_wait3A_2028 = tpu.memref_slice %arg11[%dma_wait3A_2026, %dma_wait3A_2027] : memref<64x64xf32, #tpu.memory_space<vmem>> -> memref<1x64xf32, #tpu.memory_space<vmem>>
      %dma_wait3A_2029 = arith.constant 0 : i32
      %dma_wait3A_2030 = tpu.memref_slice %arg5[%squeeze3A_561, %dma_wait3A_2029] : memref<1000000x64xf32, #tpu.memory_space<hbm>> -> memref<1x64xf32, #tpu.memory_space<hbm>>
      tpu.wait_dma2 semaphore(%arg13 : memref<!tpu.dma_semaphore, #tpu.memory_space<semaphore_mem>>) src(%dma_wait3A_2030 : memref<1x64xf32, #tpu.memory_space<hbm>>) dst(%dma_wait3A_2028 : memref<1x64xf32, #tpu.memory_space<vmem>>)
      %dma_wait3A_2031 = arith.constant 23 : i32
      %dma_wait3A_2032 = arith.constant 0 : i32
      %dma_wait3A_2033 = tpu.memref_slice %arg10[%dma_wait3A_2031, %dma_wait3A_2032] : memref<64x64xf32, #tpu.memory_space<vmem>> -> memref<1x64xf32, #tpu.memory_space<vmem>>
      %dma_wait3A_2034 = arith.constant 0 : i32
      %dma_wait3A_2035 = tpu.memref_slice %arg4[%squeeze3A_573, %dma_wait3A_2034] : memref<1000000x64xf32, #tpu.memory_space<hbm>> -> memref<1x64xf32, #tpu.memory_space<hbm>>
      %dma_wait3A_2036 = arith.constant 23 : i32
      %dma_wait3A_2037 = arith.constant 0 : i32
      %dma_wait3A_2038 = tpu.memref_slice %arg10[%dma_wait3A_2036, %dma_wait3A_2037] : memref<64x64xf32, #tpu.memory_space<vmem>> -> memref<1x64xf32, #tpu.memory_space<vmem>>
      %dma_wait3A_2039 = arith.constant 0 : i32
      %dma_wait3A_2040 = tpu.memref_slice %arg4[%squeeze3A_573, %dma_wait3A_2039] : memref<1000000x64xf32, #tpu.memory_space<hbm>> -> memref<1x64xf32, #tpu.memory_space<hbm>>
      tpu.wait_dma2 semaphore(%arg12 : memref<!tpu.dma_semaphore, #tpu.memory_space<semaphore_mem>>) src(%dma_wait3A_2040 : memref<1x64xf32, #tpu.memory_space<hbm>>) dst(%dma_wait3A_2038 : memref<1x64xf32, #tpu.memory_space<vmem>>)
      %dma_wait3A_2041 = arith.constant 23 : i32
      %dma_wait3A_2042 = arith.constant 0 : i32
      %dma_wait3A_2043 = tpu.memref_slice %arg11[%dma_wait3A_2041, %dma_wait3A_2042] : memref<64x64xf32, #tpu.memory_space<vmem>> -> memref<1x64xf32, #tpu.memory_space<vmem>>
      %dma_wait3A_2044 = arith.constant 0 : i32
      %dma_wait3A_2045 = tpu.memref_slice %arg5[%squeeze3A_585, %dma_wait3A_2044] : memref<1000000x64xf32, #tpu.memory_space<hbm>> -> memref<1x64xf32, #tpu.memory_space<hbm>>
      %dma_wait3A_2046 = arith.constant 23 : i32
      %dma_wait3A_2047 = arith.constant 0 : i32
      %dma_wait3A_2048 = tpu.memref_slice %arg11[%dma_wait3A_2046, %dma_wait3A_2047] : memref<64x64xf32, #tpu.memory_space<vmem>> -> memref<1x64xf32, #tpu.memory_space<vmem>>
      %dma_wait3A_2049 = arith.constant 0 : i32
      %dma_wait3A_2050 = tpu.memref_slice %arg5[%squeeze3A_585, %dma_wait3A_2049] : memref<1000000x64xf32, #tpu.memory_space<hbm>> -> memref<1x64xf32, #tpu.memory_space<hbm>>
      tpu.wait_dma2 semaphore(%arg13 : memref<!tpu.dma_semaphore, #tpu.memory_space<semaphore_mem>>) src(%dma_wait3A_2050 : memref<1x64xf32, #tpu.memory_space<hbm>>) dst(%dma_wait3A_2048 : memref<1x64xf32, #tpu.memory_space<vmem>>)
      %dma_wait3A_2051 = arith.constant 24 : i32
      %dma_wait3A_2052 = arith.constant 0 : i32
      %dma_wait3A_2053 = tpu.memref_slice %arg10[%dma_wait3A_2051, %dma_wait3A_2052] : memref<64x64xf32, #tpu.memory_space<vmem>> -> memref<1x64xf32, #tpu.memory_space<vmem>>
      %dma_wait3A_2054 = arith.constant 0 : i32
      %dma_wait3A_2055 = tpu.memref_slice %arg4[%squeeze3A_597, %dma_wait3A_2054] : memref<1000000x64xf32, #tpu.memory_space<hbm>> -> memref<1x64xf32, #tpu.memory_space<hbm>>
      %dma_wait3A_2056 = arith.constant 24 : i32
      %dma_wait3A_2057 = arith.constant 0 : i32
      %dma_wait3A_2058 = tpu.memref_slice %arg10[%dma_wait3A_2056, %dma_wait3A_2057] : memref<64x64xf32, #tpu.memory_space<vmem>> -> memref<1x64xf32, #tpu.memory_space<vmem>>
      %dma_wait3A_2059 = arith.constant 0 : i32
      %dma_wait3A_2060 = tpu.memref_slice %arg4[%squeeze3A_597, %dma_wait3A_2059] : memref<1000000x64xf32, #tpu.memory_space<hbm>> -> memref<1x64xf32, #tpu.memory_space<hbm>>
      tpu.wait_dma2 semaphore(%arg12 : memref<!tpu.dma_semaphore, #tpu.memory_space<semaphore_mem>>) src(%dma_wait3A_2060 : memref<1x64xf32, #tpu.memory_space<hbm>>) dst(%dma_wait3A_2058 : memref<1x64xf32, #tpu.memory_space<vmem>>)
      %dma_wait3A_2061 = arith.constant 24 : i32
      %dma_wait3A_2062 = arith.constant 0 : i32
      %dma_wait3A_2063 = tpu.memref_slice %arg11[%dma_wait3A_2061, %dma_wait3A_2062] : memref<64x64xf32, #tpu.memory_space<vmem>> -> memref<1x64xf32, #tpu.memory_space<vmem>>
      %dma_wait3A_2064 = arith.constant 0 : i32
      %dma_wait3A_2065 = tpu.memref_slice %arg5[%squeeze3A_609, %dma_wait3A_2064] : memref<1000000x64xf32, #tpu.memory_space<hbm>> -> memref<1x64xf32, #tpu.memory_space<hbm>>
      %dma_wait3A_2066 = arith.constant 24 : i32
      %dma_wait3A_2067 = arith.constant 0 : i32
      %dma_wait3A_2068 = tpu.memref_slice %arg11[%dma_wait3A_2066, %dma_wait3A_2067] : memref<64x64xf32, #tpu.memory_space<vmem>> -> memref<1x64xf32, #tpu.memory_space<vmem>>
      %dma_wait3A_2069 = arith.constant 0 : i32
      %dma_wait3A_2070 = tpu.memref_slice %arg5[%squeeze3A_609, %dma_wait3A_2069] : memref<1000000x64xf32, #tpu.memory_space<hbm>> -> memref<1x64xf32, #tpu.memory_space<hbm>>
      tpu.wait_dma2 semaphore(%arg13 : memref<!tpu.dma_semaphore, #tpu.memory_space<semaphore_mem>>) src(%dma_wait3A_2070 : memref<1x64xf32, #tpu.memory_space<hbm>>) dst(%dma_wait3A_2068 : memref<1x64xf32, #tpu.memory_space<vmem>>)
      %dma_wait3A_2071 = arith.constant 25 : i32
      %dma_wait3A_2072 = arith.constant 0 : i32
      %dma_wait3A_2073 = tpu.memref_slice %arg10[%dma_wait3A_2071, %dma_wait3A_2072] : memref<64x64xf32, #tpu.memory_space<vmem>> -> memref<1x64xf32, #tpu.memory_space<vmem>>
      %dma_wait3A_2074 = arith.constant 0 : i32
      %dma_wait3A_2075 = tpu.memref_slice %arg4[%squeeze3A_621, %dma_wait3A_2074] : memref<1000000x64xf32, #tpu.memory_space<hbm>> -> memref<1x64xf32, #tpu.memory_space<hbm>>
      %dma_wait3A_2076 = arith.constant 25 : i32
      %dma_wait3A_2077 = arith.constant 0 : i32
      %dma_wait3A_2078 = tpu.memref_slice %arg10[%dma_wait3A_2076, %dma_wait3A_2077] : memref<64x64xf32, #tpu.memory_space<vmem>> -> memref<1x64xf32, #tpu.memory_space<vmem>>
      %dma_wait3A_2079 = arith.constant 0 : i32
      %dma_wait3A_2080 = tpu.memref_slice %arg4[%squeeze3A_621, %dma_wait3A_2079] : memref<1000000x64xf32, #tpu.memory_space<hbm>> -> memref<1x64xf32, #tpu.memory_space<hbm>>
      tpu.wait_dma2 semaphore(%arg12 : memref<!tpu.dma_semaphore, #tpu.memory_space<semaphore_mem>>) src(%dma_wait3A_2080 : memref<1x64xf32, #tpu.memory_space<hbm>>) dst(%dma_wait3A_2078 : memref<1x64xf32, #tpu.memory_space<vmem>>)
      %dma_wait3A_2081 = arith.constant 25 : i32
      %dma_wait3A_2082 = arith.constant 0 : i32
      %dma_wait3A_2083 = tpu.memref_slice %arg11[%dma_wait3A_2081, %dma_wait3A_2082] : memref<64x64xf32, #tpu.memory_space<vmem>> -> memref<1x64xf32, #tpu.memory_space<vmem>>
      %dma_wait3A_2084 = arith.constant 0 : i32
      %dma_wait3A_2085 = tpu.memref_slice %arg5[%squeeze3A_633, %dma_wait3A_2084] : memref<1000000x64xf32, #tpu.memory_space<hbm>> -> memref<1x64xf32, #tpu.memory_space<hbm>>
      %dma_wait3A_2086 = arith.constant 25 : i32
      %dma_wait3A_2087 = arith.constant 0 : i32
      %dma_wait3A_2088 = tpu.memref_slice %arg11[%dma_wait3A_2086, %dma_wait3A_2087] : memref<64x64xf32, #tpu.memory_space<vmem>> -> memref<1x64xf32, #tpu.memory_space<vmem>>
      %dma_wait3A_2089 = arith.constant 0 : i32
      %dma_wait3A_2090 = tpu.memref_slice %arg5[%squeeze3A_633, %dma_wait3A_2089] : memref<1000000x64xf32, #tpu.memory_space<hbm>> -> memref<1x64xf32, #tpu.memory_space<hbm>>
      tpu.wait_dma2 semaphore(%arg13 : memref<!tpu.dma_semaphore, #tpu.memory_space<semaphore_mem>>) src(%dma_wait3A_2090 : memref<1x64xf32, #tpu.memory_space<hbm>>) dst(%dma_wait3A_2088 : memref<1x64xf32, #tpu.memory_space<vmem>>)
      %dma_wait3A_2091 = arith.constant 26 : i32
      %dma_wait3A_2092 = arith.constant 0 : i32
      %dma_wait3A_2093 = tpu.memref_slice %arg10[%dma_wait3A_2091, %dma_wait3A_2092] : memref<64x64xf32, #tpu.memory_space<vmem>> -> memref<1x64xf32, #tpu.memory_space<vmem>>
      %dma_wait3A_2094 = arith.constant 0 : i32
      %dma_wait3A_2095 = tpu.memref_slice %arg4[%squeeze3A_645, %dma_wait3A_2094] : memref<1000000x64xf32, #tpu.memory_space<hbm>> -> memref<1x64xf32, #tpu.memory_space<hbm>>
      %dma_wait3A_2096 = arith.constant 26 : i32
      %dma_wait3A_2097 = arith.constant 0 : i32
      %dma_wait3A_2098 = tpu.memref_slice %arg10[%dma_wait3A_2096, %dma_wait3A_2097] : memref<64x64xf32, #tpu.memory_space<vmem>> -> memref<1x64xf32, #tpu.memory_space<vmem>>
      %dma_wait3A_2099 = arith.constant 0 : i32
      %dma_wait3A_2100 = tpu.memref_slice %arg4[%squeeze3A_645, %dma_wait3A_2099] : memref<1000000x64xf32, #tpu.memory_space<hbm>> -> memref<1x64xf32, #tpu.memory_space<hbm>>
      tpu.wait_dma2 semaphore(%arg12 : memref<!tpu.dma_semaphore, #tpu.memory_space<semaphore_mem>>) src(%dma_wait3A_2100 : memref<1x64xf32, #tpu.memory_space<hbm>>) dst(%dma_wait3A_2098 : memref<1x64xf32, #tpu.memory_space<vmem>>)
      %dma_wait3A_2101 = arith.constant 26 : i32
      %dma_wait3A_2102 = arith.constant 0 : i32
      %dma_wait3A_2103 = tpu.memref_slice %arg11[%dma_wait3A_2101, %dma_wait3A_2102] : memref<64x64xf32, #tpu.memory_space<vmem>> -> memref<1x64xf32, #tpu.memory_space<vmem>>
      %dma_wait3A_2104 = arith.constant 0 : i32
      %dma_wait3A_2105 = tpu.memref_slice %arg5[%squeeze3A_657, %dma_wait3A_2104] : memref<1000000x64xf32, #tpu.memory_space<hbm>> -> memref<1x64xf32, #tpu.memory_space<hbm>>
      %dma_wait3A_2106 = arith.constant 26 : i32
      %dma_wait3A_2107 = arith.constant 0 : i32
      %dma_wait3A_2108 = tpu.memref_slice %arg11[%dma_wait3A_2106, %dma_wait3A_2107] : memref<64x64xf32, #tpu.memory_space<vmem>> -> memref<1x64xf32, #tpu.memory_space<vmem>>
      %dma_wait3A_2109 = arith.constant 0 : i32
      %dma_wait3A_2110 = tpu.memref_slice %arg5[%squeeze3A_657, %dma_wait3A_2109] : memref<1000000x64xf32, #tpu.memory_space<hbm>> -> memref<1x64xf32, #tpu.memory_space<hbm>>
      tpu.wait_dma2 semaphore(%arg13 : memref<!tpu.dma_semaphore, #tpu.memory_space<semaphore_mem>>) src(%dma_wait3A_2110 : memref<1x64xf32, #tpu.memory_space<hbm>>) dst(%dma_wait3A_2108 : memref<1x64xf32, #tpu.memory_space<vmem>>)
      %dma_wait3A_2111 = arith.constant 27 : i32
      %dma_wait3A_2112 = arith.constant 0 : i32
      %dma_wait3A_2113 = tpu.memref_slice %arg10[%dma_wait3A_2111, %dma_wait3A_2112] : memref<64x64xf32, #tpu.memory_space<vmem>> -> memref<1x64xf32, #tpu.memory_space<vmem>>
      %dma_wait3A_2114 = arith.constant 0 : i32
      %dma_wait3A_2115 = tpu.memref_slice %arg4[%squeeze3A_669, %dma_wait3A_2114] : memref<1000000x64xf32, #tpu.memory_space<hbm>> -> memref<1x64xf32, #tpu.memory_space<hbm>>
      %dma_wait3A_2116 = arith.constant 27 : i32
      %dma_wait3A_2117 = arith.constant 0 : i32
      %dma_wait3A_2118 = tpu.memref_slice %arg10[%dma_wait3A_2116, %dma_wait3A_2117] : memref<64x64xf32, #tpu.memory_space<vmem>> -> memref<1x64xf32, #tpu.memory_space<vmem>>
      %dma_wait3A_2119 = arith.constant 0 : i32
      %dma_wait3A_2120 = tpu.memref_slice %arg4[%squeeze3A_669, %dma_wait3A_2119] : memref<1000000x64xf32, #tpu.memory_space<hbm>> -> memref<1x64xf32, #tpu.memory_space<hbm>>
      tpu.wait_dma2 semaphore(%arg12 : memref<!tpu.dma_semaphore, #tpu.memory_space<semaphore_mem>>) src(%dma_wait3A_2120 : memref<1x64xf32, #tpu.memory_space<hbm>>) dst(%dma_wait3A_2118 : memref<1x64xf32, #tpu.memory_space<vmem>>)
      %dma_wait3A_2121 = arith.constant 27 : i32
      %dma_wait3A_2122 = arith.constant 0 : i32
      %dma_wait3A_2123 = tpu.memref_slice %arg11[%dma_wait3A_2121, %dma_wait3A_2122] : memref<64x64xf32, #tpu.memory_space<vmem>> -> memref<1x64xf32, #tpu.memory_space<vmem>>
      %dma_wait3A_2124 = arith.constant 0 : i32
      %dma_wait3A_2125 = tpu.memref_slice %arg5[%squeeze3A_681, %dma_wait3A_2124] : memref<1000000x64xf32, #tpu.memory_space<hbm>> -> memref<1x64xf32, #tpu.memory_space<hbm>>
      %dma_wait3A_2126 = arith.constant 27 : i32
      %dma_wait3A_2127 = arith.constant 0 : i32
      %dma_wait3A_2128 = tpu.memref_slice %arg11[%dma_wait3A_2126, %dma_wait3A_2127] : memref<64x64xf32, #tpu.memory_space<vmem>> -> memref<1x64xf32, #tpu.memory_space<vmem>>
      %dma_wait3A_2129 = arith.constant 0 : i32
      %dma_wait3A_2130 = tpu.memref_slice %arg5[%squeeze3A_681, %dma_wait3A_2129] : memref<1000000x64xf32, #tpu.memory_space<hbm>> -> memref<1x64xf32, #tpu.memory_space<hbm>>
      tpu.wait_dma2 semaphore(%arg13 : memref<!tpu.dma_semaphore, #tpu.memory_space<semaphore_mem>>) src(%dma_wait3A_2130 : memref<1x64xf32, #tpu.memory_space<hbm>>) dst(%dma_wait3A_2128 : memref<1x64xf32, #tpu.memory_space<vmem>>)
      %dma_wait3A_2131 = arith.constant 28 : i32
      %dma_wait3A_2132 = arith.constant 0 : i32
      %dma_wait3A_2133 = tpu.memref_slice %arg10[%dma_wait3A_2131, %dma_wait3A_2132] : memref<64x64xf32, #tpu.memory_space<vmem>> -> memref<1x64xf32, #tpu.memory_space<vmem>>
      %dma_wait3A_2134 = arith.constant 0 : i32
      %dma_wait3A_2135 = tpu.memref_slice %arg4[%squeeze3A_693, %dma_wait3A_2134] : memref<1000000x64xf32, #tpu.memory_space<hbm>> -> memref<1x64xf32, #tpu.memory_space<hbm>>
      %dma_wait3A_2136 = arith.constant 28 : i32
      %dma_wait3A_2137 = arith.constant 0 : i32
      %dma_wait3A_2138 = tpu.memref_slice %arg10[%dma_wait3A_2136, %dma_wait3A_2137] : memref<64x64xf32, #tpu.memory_space<vmem>> -> memref<1x64xf32, #tpu.memory_space<vmem>>
      %dma_wait3A_2139 = arith.constant 0 : i32
      %dma_wait3A_2140 = tpu.memref_slice %arg4[%squeeze3A_693, %dma_wait3A_2139] : memref<1000000x64xf32, #tpu.memory_space<hbm>> -> memref<1x64xf32, #tpu.memory_space<hbm>>
      tpu.wait_dma2 semaphore(%arg12 : memref<!tpu.dma_semaphore, #tpu.memory_space<semaphore_mem>>) src(%dma_wait3A_2140 : memref<1x64xf32, #tpu.memory_space<hbm>>) dst(%dma_wait3A_2138 : memref<1x64xf32, #tpu.memory_space<vmem>>)
      %dma_wait3A_2141 = arith.constant 28 : i32
      %dma_wait3A_2142 = arith.constant 0 : i32
      %dma_wait3A_2143 = tpu.memref_slice %arg11[%dma_wait3A_2141, %dma_wait3A_2142] : memref<64x64xf32, #tpu.memory_space<vmem>> -> memref<1x64xf32, #tpu.memory_space<vmem>>
      %dma_wait3A_2144 = arith.constant 0 : i32
      %dma_wait3A_2145 = tpu.memref_slice %arg5[%squeeze3A_705, %dma_wait3A_2144] : memref<1000000x64xf32, #tpu.memory_space<hbm>> -> memref<1x64xf32, #tpu.memory_space<hbm>>
      %dma_wait3A_2146 = arith.constant 28 : i32
      %dma_wait3A_2147 = arith.constant 0 : i32
      %dma_wait3A_2148 = tpu.memref_slice %arg11[%dma_wait3A_2146, %dma_wait3A_2147] : memref<64x64xf32, #tpu.memory_space<vmem>> -> memref<1x64xf32, #tpu.memory_space<vmem>>
      %dma_wait3A_2149 = arith.constant 0 : i32
      %dma_wait3A_2150 = tpu.memref_slice %arg5[%squeeze3A_705, %dma_wait3A_2149] : memref<1000000x64xf32, #tpu.memory_space<hbm>> -> memref<1x64xf32, #tpu.memory_space<hbm>>
      tpu.wait_dma2 semaphore(%arg13 : memref<!tpu.dma_semaphore, #tpu.memory_space<semaphore_mem>>) src(%dma_wait3A_2150 : memref<1x64xf32, #tpu.memory_space<hbm>>) dst(%dma_wait3A_2148 : memref<1x64xf32, #tpu.memory_space<vmem>>)
      %dma_wait3A_2151 = arith.constant 29 : i32
      %dma_wait3A_2152 = arith.constant 0 : i32
      %dma_wait3A_2153 = tpu.memref_slice %arg10[%dma_wait3A_2151, %dma_wait3A_2152] : memref<64x64xf32, #tpu.memory_space<vmem>> -> memref<1x64xf32, #tpu.memory_space<vmem>>
      %dma_wait3A_2154 = arith.constant 0 : i32
      %dma_wait3A_2155 = tpu.memref_slice %arg4[%squeeze3A_717, %dma_wait3A_2154] : memref<1000000x64xf32, #tpu.memory_space<hbm>> -> memref<1x64xf32, #tpu.memory_space<hbm>>
      %dma_wait3A_2156 = arith.constant 29 : i32
      %dma_wait3A_2157 = arith.constant 0 : i32
      %dma_wait3A_2158 = tpu.memref_slice %arg10[%dma_wait3A_2156, %dma_wait3A_2157] : memref<64x64xf32, #tpu.memory_space<vmem>> -> memref<1x64xf32, #tpu.memory_space<vmem>>
      %dma_wait3A_2159 = arith.constant 0 : i32
      %dma_wait3A_2160 = tpu.memref_slice %arg4[%squeeze3A_717, %dma_wait3A_2159] : memref<1000000x64xf32, #tpu.memory_space<hbm>> -> memref<1x64xf32, #tpu.memory_space<hbm>>
      tpu.wait_dma2 semaphore(%arg12 : memref<!tpu.dma_semaphore, #tpu.memory_space<semaphore_mem>>) src(%dma_wait3A_2160 : memref<1x64xf32, #tpu.memory_space<hbm>>) dst(%dma_wait3A_2158 : memref<1x64xf32, #tpu.memory_space<vmem>>)
      %dma_wait3A_2161 = arith.constant 29 : i32
      %dma_wait3A_2162 = arith.constant 0 : i32
      %dma_wait3A_2163 = tpu.memref_slice %arg11[%dma_wait3A_2161, %dma_wait3A_2162] : memref<64x64xf32, #tpu.memory_space<vmem>> -> memref<1x64xf32, #tpu.memory_space<vmem>>
      %dma_wait3A_2164 = arith.constant 0 : i32
      %dma_wait3A_2165 = tpu.memref_slice %arg5[%squeeze3A_729, %dma_wait3A_2164] : memref<1000000x64xf32, #tpu.memory_space<hbm>> -> memref<1x64xf32, #tpu.memory_space<hbm>>
      %dma_wait3A_2166 = arith.constant 29 : i32
      %dma_wait3A_2167 = arith.constant 0 : i32
      %dma_wait3A_2168 = tpu.memref_slice %arg11[%dma_wait3A_2166, %dma_wait3A_2167] : memref<64x64xf32, #tpu.memory_space<vmem>> -> memref<1x64xf32, #tpu.memory_space<vmem>>
      %dma_wait3A_2169 = arith.constant 0 : i32
      %dma_wait3A_2170 = tpu.memref_slice %arg5[%squeeze3A_729, %dma_wait3A_2169] : memref<1000000x64xf32, #tpu.memory_space<hbm>> -> memref<1x64xf32, #tpu.memory_space<hbm>>
      tpu.wait_dma2 semaphore(%arg13 : memref<!tpu.dma_semaphore, #tpu.memory_space<semaphore_mem>>) src(%dma_wait3A_2170 : memref<1x64xf32, #tpu.memory_space<hbm>>) dst(%dma_wait3A_2168 : memref<1x64xf32, #tpu.memory_space<vmem>>)
      %dma_wait3A_2171 = arith.constant 30 : i32
      %dma_wait3A_2172 = arith.constant 0 : i32
      %dma_wait3A_2173 = tpu.memref_slice %arg10[%dma_wait3A_2171, %dma_wait3A_2172] : memref<64x64xf32, #tpu.memory_space<vmem>> -> memref<1x64xf32, #tpu.memory_space<vmem>>
      %dma_wait3A_2174 = arith.constant 0 : i32
      %dma_wait3A_2175 = tpu.memref_slice %arg4[%squeeze3A_741, %dma_wait3A_2174] : memref<1000000x64xf32, #tpu.memory_space<hbm>> -> memref<1x64xf32, #tpu.memory_space<hbm>>
      %dma_wait3A_2176 = arith.constant 30 : i32
      %dma_wait3A_2177 = arith.constant 0 : i32
      %dma_wait3A_2178 = tpu.memref_slice %arg10[%dma_wait3A_2176, %dma_wait3A_2177] : memref<64x64xf32, #tpu.memory_space<vmem>> -> memref<1x64xf32, #tpu.memory_space<vmem>>
      %dma_wait3A_2179 = arith.constant 0 : i32
      %dma_wait3A_2180 = tpu.memref_slice %arg4[%squeeze3A_741, %dma_wait3A_2179] : memref<1000000x64xf32, #tpu.memory_space<hbm>> -> memref<1x64xf32, #tpu.memory_space<hbm>>
      tpu.wait_dma2 semaphore(%arg12 : memref<!tpu.dma_semaphore, #tpu.memory_space<semaphore_mem>>) src(%dma_wait3A_2180 : memref<1x64xf32, #tpu.memory_space<hbm>>) dst(%dma_wait3A_2178 : memref<1x64xf32, #tpu.memory_space<vmem>>)
      %dma_wait3A_2181 = arith.constant 30 : i32
      %dma_wait3A_2182 = arith.constant 0 : i32
      %dma_wait3A_2183 = tpu.memref_slice %arg11[%dma_wait3A_2181, %dma_wait3A_2182] : memref<64x64xf32, #tpu.memory_space<vmem>> -> memref<1x64xf32, #tpu.memory_space<vmem>>
      %dma_wait3A_2184 = arith.constant 0 : i32
      %dma_wait3A_2185 = tpu.memref_slice %arg5[%squeeze3A_753, %dma_wait3A_2184] : memref<1000000x64xf32, #tpu.memory_space<hbm>> -> memref<1x64xf32, #tpu.memory_space<hbm>>
      %dma_wait3A_2186 = arith.constant 30 : i32
      %dma_wait3A_2187 = arith.constant 0 : i32
      %dma_wait3A_2188 = tpu.memref_slice %arg11[%dma_wait3A_2186, %dma_wait3A_2187] : memref<64x64xf32, #tpu.memory_space<vmem>> -> memref<1x64xf32, #tpu.memory_space<vmem>>
      %dma_wait3A_2189 = arith.constant 0 : i32
      %dma_wait3A_2190 = tpu.memref_slice %arg5[%squeeze3A_753, %dma_wait3A_2189] : memref<1000000x64xf32, #tpu.memory_space<hbm>> -> memref<1x64xf32, #tpu.memory_space<hbm>>
      tpu.wait_dma2 semaphore(%arg13 : memref<!tpu.dma_semaphore, #tpu.memory_space<semaphore_mem>>) src(%dma_wait3A_2190 : memref<1x64xf32, #tpu.memory_space<hbm>>) dst(%dma_wait3A_2188 : memref<1x64xf32, #tpu.memory_space<vmem>>)
      %dma_wait3A_2191 = arith.constant 31 : i32
      %dma_wait3A_2192 = arith.constant 0 : i32
      %dma_wait3A_2193 = tpu.memref_slice %arg10[%dma_wait3A_2191, %dma_wait3A_2192] : memref<64x64xf32, #tpu.memory_space<vmem>> -> memref<1x64xf32, #tpu.memory_space<vmem>>
      %dma_wait3A_2194 = arith.constant 0 : i32
      %dma_wait3A_2195 = tpu.memref_slice %arg4[%squeeze3A_765, %dma_wait3A_2194] : memref<1000000x64xf32, #tpu.memory_space<hbm>> -> memref<1x64xf32, #tpu.memory_space<hbm>>
      %dma_wait3A_2196 = arith.constant 31 : i32
      %dma_wait3A_2197 = arith.constant 0 : i32
      %dma_wait3A_2198 = tpu.memref_slice %arg10[%dma_wait3A_2196, %dma_wait3A_2197] : memref<64x64xf32, #tpu.memory_space<vmem>> -> memref<1x64xf32, #tpu.memory_space<vmem>>
      %dma_wait3A_2199 = arith.constant 0 : i32
      %dma_wait3A_2200 = tpu.memref_slice %arg4[%squeeze3A_765, %dma_wait3A_2199] : memref<1000000x64xf32, #tpu.memory_space<hbm>> -> memref<1x64xf32, #tpu.memory_space<hbm>>
      tpu.wait_dma2 semaphore(%arg12 : memref<!tpu.dma_semaphore, #tpu.memory_space<semaphore_mem>>) src(%dma_wait3A_2200 : memref<1x64xf32, #tpu.memory_space<hbm>>) dst(%dma_wait3A_2198 : memref<1x64xf32, #tpu.memory_space<vmem>>)
      %dma_wait3A_2201 = arith.constant 31 : i32
      %dma_wait3A_2202 = arith.constant 0 : i32
      %dma_wait3A_2203 = tpu.memref_slice %arg11[%dma_wait3A_2201, %dma_wait3A_2202] : memref<64x64xf32, #tpu.memory_space<vmem>> -> memref<1x64xf32, #tpu.memory_space<vmem>>
      %dma_wait3A_2204 = arith.constant 0 : i32
      %dma_wait3A_2205 = tpu.memref_slice %arg5[%squeeze3A_777, %dma_wait3A_2204] : memref<1000000x64xf32, #tpu.memory_space<hbm>> -> memref<1x64xf32, #tpu.memory_space<hbm>>
      %dma_wait3A_2206 = arith.constant 31 : i32
      %dma_wait3A_2207 = arith.constant 0 : i32
      %dma_wait3A_2208 = tpu.memref_slice %arg11[%dma_wait3A_2206, %dma_wait3A_2207] : memref<64x64xf32, #tpu.memory_space<vmem>> -> memref<1x64xf32, #tpu.memory_space<vmem>>
      %dma_wait3A_2209 = arith.constant 0 : i32
      %dma_wait3A_2210 = tpu.memref_slice %arg5[%squeeze3A_777, %dma_wait3A_2209] : memref<1000000x64xf32, #tpu.memory_space<hbm>> -> memref<1x64xf32, #tpu.memory_space<hbm>>
      tpu.wait_dma2 semaphore(%arg13 : memref<!tpu.dma_semaphore, #tpu.memory_space<semaphore_mem>>) src(%dma_wait3A_2210 : memref<1x64xf32, #tpu.memory_space<hbm>>) dst(%dma_wait3A_2208 : memref<1x64xf32, #tpu.memory_space<vmem>>)
      %dma_wait3A_2211 = arith.constant 32 : i32
      %dma_wait3A_2212 = arith.constant 0 : i32
      %dma_wait3A_2213 = tpu.memref_slice %arg10[%dma_wait3A_2211, %dma_wait3A_2212] : memref<64x64xf32, #tpu.memory_space<vmem>> -> memref<1x64xf32, #tpu.memory_space<vmem>>
      %dma_wait3A_2214 = arith.constant 0 : i32
      %dma_wait3A_2215 = tpu.memref_slice %arg4[%squeeze3A_797, %dma_wait3A_2214] : memref<1000000x64xf32, #tpu.memory_space<hbm>> -> memref<1x64xf32, #tpu.memory_space<hbm>>
      %dma_wait3A_2216 = arith.constant 32 : i32
      %dma_wait3A_2217 = arith.constant 0 : i32
      %dma_wait3A_2218 = tpu.memref_slice %arg10[%dma_wait3A_2216, %dma_wait3A_2217] : memref<64x64xf32, #tpu.memory_space<vmem>> -> memref<1x64xf32, #tpu.memory_space<vmem>>
      %dma_wait3A_2219 = arith.constant 0 : i32
      %dma_wait3A_2220 = tpu.memref_slice %arg4[%squeeze3A_797, %dma_wait3A_2219] : memref<1000000x64xf32, #tpu.memory_space<hbm>> -> memref<1x64xf32, #tpu.memory_space<hbm>>
      tpu.wait_dma2 semaphore(%arg12 : memref<!tpu.dma_semaphore, #tpu.memory_space<semaphore_mem>>) src(%dma_wait3A_2220 : memref<1x64xf32, #tpu.memory_space<hbm>>) dst(%dma_wait3A_2218 : memref<1x64xf32, #tpu.memory_space<vmem>>)
      %dma_wait3A_2221 = arith.constant 32 : i32
      %dma_wait3A_2222 = arith.constant 0 : i32
      %dma_wait3A_2223 = tpu.memref_slice %arg11[%dma_wait3A_2221, %dma_wait3A_2222] : memref<64x64xf32, #tpu.memory_space<vmem>> -> memref<1x64xf32, #tpu.memory_space<vmem>>
      %dma_wait3A_2224 = arith.constant 0 : i32
      %dma_wait3A_2225 = tpu.memref_slice %arg5[%squeeze3A_809, %dma_wait3A_2224] : memref<1000000x64xf32, #tpu.memory_space<hbm>> -> memref<1x64xf32, #tpu.memory_space<hbm>>
      %dma_wait3A_2226 = arith.constant 32 : i32
      %dma_wait3A_2227 = arith.constant 0 : i32
      %dma_wait3A_2228 = tpu.memref_slice %arg11[%dma_wait3A_2226, %dma_wait3A_2227] : memref<64x64xf32, #tpu.memory_space<vmem>> -> memref<1x64xf32, #tpu.memory_space<vmem>>
      %dma_wait3A_2229 = arith.constant 0 : i32
      %dma_wait3A_2230 = tpu.memref_slice %arg5[%squeeze3A_809, %dma_wait3A_2229] : memref<1000000x64xf32, #tpu.memory_space<hbm>> -> memref<1x64xf32, #tpu.memory_space<hbm>>
      tpu.wait_dma2 semaphore(%arg13 : memref<!tpu.dma_semaphore, #tpu.memory_space<semaphore_mem>>) src(%dma_wait3A_2230 : memref<1x64xf32, #tpu.memory_space<hbm>>) dst(%dma_wait3A_2228 : memref<1x64xf32, #tpu.memory_space<vmem>>)
      %dma_wait3A_2231 = arith.constant 33 : i32
      %dma_wait3A_2232 = arith.constant 0 : i32
      %dma_wait3A_2233 = tpu.memref_slice %arg10[%dma_wait3A_2231, %dma_wait3A_2232] : memref<64x64xf32, #tpu.memory_space<vmem>> -> memref<1x64xf32, #tpu.memory_space<vmem>>
      %dma_wait3A_2234 = arith.constant 0 : i32
      %dma_wait3A_2235 = tpu.memref_slice %arg4[%squeeze3A_821, %dma_wait3A_2234] : memref<1000000x64xf32, #tpu.memory_space<hbm>> -> memref<1x64xf32, #tpu.memory_space<hbm>>
      %dma_wait3A_2236 = arith.constant 33 : i32
      %dma_wait3A_2237 = arith.constant 0 : i32
      %dma_wait3A_2238 = tpu.memref_slice %arg10[%dma_wait3A_2236, %dma_wait3A_2237] : memref<64x64xf32, #tpu.memory_space<vmem>> -> memref<1x64xf32, #tpu.memory_space<vmem>>
      %dma_wait3A_2239 = arith.constant 0 : i32
      %dma_wait3A_2240 = tpu.memref_slice %arg4[%squeeze3A_821, %dma_wait3A_2239] : memref<1000000x64xf32, #tpu.memory_space<hbm>> -> memref<1x64xf32, #tpu.memory_space<hbm>>
      tpu.wait_dma2 semaphore(%arg12 : memref<!tpu.dma_semaphore, #tpu.memory_space<semaphore_mem>>) src(%dma_wait3A_2240 : memref<1x64xf32, #tpu.memory_space<hbm>>) dst(%dma_wait3A_2238 : memref<1x64xf32, #tpu.memory_space<vmem>>)
      %dma_wait3A_2241 = arith.constant 33 : i32
      %dma_wait3A_2242 = arith.constant 0 : i32
      %dma_wait3A_2243 = tpu.memref_slice %arg11[%dma_wait3A_2241, %dma_wait3A_2242] : memref<64x64xf32, #tpu.memory_space<vmem>> -> memref<1x64xf32, #tpu.memory_space<vmem>>
      %dma_wait3A_2244 = arith.constant 0 : i32
      %dma_wait3A_2245 = tpu.memref_slice %arg5[%squeeze3A_833, %dma_wait3A_2244] : memref<1000000x64xf32, #tpu.memory_space<hbm>> -> memref<1x64xf32, #tpu.memory_space<hbm>>
      %dma_wait3A_2246 = arith.constant 33 : i32
      %dma_wait3A_2247 = arith.constant 0 : i32
      %dma_wait3A_2248 = tpu.memref_slice %arg11[%dma_wait3A_2246, %dma_wait3A_2247] : memref<64x64xf32, #tpu.memory_space<vmem>> -> memref<1x64xf32, #tpu.memory_space<vmem>>
      %dma_wait3A_2249 = arith.constant 0 : i32
      %dma_wait3A_2250 = tpu.memref_slice %arg5[%squeeze3A_833, %dma_wait3A_2249] : memref<1000000x64xf32, #tpu.memory_space<hbm>> -> memref<1x64xf32, #tpu.memory_space<hbm>>
      tpu.wait_dma2 semaphore(%arg13 : memref<!tpu.dma_semaphore, #tpu.memory_space<semaphore_mem>>) src(%dma_wait3A_2250 : memref<1x64xf32, #tpu.memory_space<hbm>>) dst(%dma_wait3A_2248 : memref<1x64xf32, #tpu.memory_space<vmem>>)
      %dma_wait3A_2251 = arith.constant 34 : i32
      %dma_wait3A_2252 = arith.constant 0 : i32
      %dma_wait3A_2253 = tpu.memref_slice %arg10[%dma_wait3A_2251, %dma_wait3A_2252] : memref<64x64xf32, #tpu.memory_space<vmem>> -> memref<1x64xf32, #tpu.memory_space<vmem>>
      %dma_wait3A_2254 = arith.constant 0 : i32
      %dma_wait3A_2255 = tpu.memref_slice %arg4[%squeeze3A_845, %dma_wait3A_2254] : memref<1000000x64xf32, #tpu.memory_space<hbm>> -> memref<1x64xf32, #tpu.memory_space<hbm>>
      %dma_wait3A_2256 = arith.constant 34 : i32
      %dma_wait3A_2257 = arith.constant 0 : i32
      %dma_wait3A_2258 = tpu.memref_slice %arg10[%dma_wait3A_2256, %dma_wait3A_2257] : memref<64x64xf32, #tpu.memory_space<vmem>> -> memref<1x64xf32, #tpu.memory_space<vmem>>
      %dma_wait3A_2259 = arith.constant 0 : i32
      %dma_wait3A_2260 = tpu.memref_slice %arg4[%squeeze3A_845, %dma_wait3A_2259] : memref<1000000x64xf32, #tpu.memory_space<hbm>> -> memref<1x64xf32, #tpu.memory_space<hbm>>
      tpu.wait_dma2 semaphore(%arg12 : memref<!tpu.dma_semaphore, #tpu.memory_space<semaphore_mem>>) src(%dma_wait3A_2260 : memref<1x64xf32, #tpu.memory_space<hbm>>) dst(%dma_wait3A_2258 : memref<1x64xf32, #tpu.memory_space<vmem>>)
      %dma_wait3A_2261 = arith.constant 34 : i32
      %dma_wait3A_2262 = arith.constant 0 : i32
      %dma_wait3A_2263 = tpu.memref_slice %arg11[%dma_wait3A_2261, %dma_wait3A_2262] : memref<64x64xf32, #tpu.memory_space<vmem>> -> memref<1x64xf32, #tpu.memory_space<vmem>>
      %dma_wait3A_2264 = arith.constant 0 : i32
      %dma_wait3A_2265 = tpu.memref_slice %arg5[%squeeze3A_857, %dma_wait3A_2264] : memref<1000000x64xf32, #tpu.memory_space<hbm>> -> memref<1x64xf32, #tpu.memory_space<hbm>>
      %dma_wait3A_2266 = arith.constant 34 : i32
      %dma_wait3A_2267 = arith.constant 0 : i32
      %dma_wait3A_2268 = tpu.memref_slice %arg11[%dma_wait3A_2266, %dma_wait3A_2267] : memref<64x64xf32, #tpu.memory_space<vmem>> -> memref<1x64xf32, #tpu.memory_space<vmem>>
      %dma_wait3A_2269 = arith.constant 0 : i32
      %dma_wait3A_2270 = tpu.memref_slice %arg5[%squeeze3A_857, %dma_wait3A_2269] : memref<1000000x64xf32, #tpu.memory_space<hbm>> -> memref<1x64xf32, #tpu.memory_space<hbm>>
      tpu.wait_dma2 semaphore(%arg13 : memref<!tpu.dma_semaphore, #tpu.memory_space<semaphore_mem>>) src(%dma_wait3A_2270 : memref<1x64xf32, #tpu.memory_space<hbm>>) dst(%dma_wait3A_2268 : memref<1x64xf32, #tpu.memory_space<vmem>>)
      %dma_wait3A_2271 = arith.constant 35 : i32
      %dma_wait3A_2272 = arith.constant 0 : i32
      %dma_wait3A_2273 = tpu.memref_slice %arg10[%dma_wait3A_2271, %dma_wait3A_2272] : memref<64x64xf32, #tpu.memory_space<vmem>> -> memref<1x64xf32, #tpu.memory_space<vmem>>
      %dma_wait3A_2274 = arith.constant 0 : i32
      %dma_wait3A_2275 = tpu.memref_slice %arg4[%squeeze3A_869, %dma_wait3A_2274] : memref<1000000x64xf32, #tpu.memory_space<hbm>> -> memref<1x64xf32, #tpu.memory_space<hbm>>
      %dma_wait3A_2276 = arith.constant 35 : i32
      %dma_wait3A_2277 = arith.constant 0 : i32
      %dma_wait3A_2278 = tpu.memref_slice %arg10[%dma_wait3A_2276, %dma_wait3A_2277] : memref<64x64xf32, #tpu.memory_space<vmem>> -> memref<1x64xf32, #tpu.memory_space<vmem>>
      %dma_wait3A_2279 = arith.constant 0 : i32
      %dma_wait3A_2280 = tpu.memref_slice %arg4[%squeeze3A_869, %dma_wait3A_2279] : memref<1000000x64xf32, #tpu.memory_space<hbm>> -> memref<1x64xf32, #tpu.memory_space<hbm>>
      tpu.wait_dma2 semaphore(%arg12 : memref<!tpu.dma_semaphore, #tpu.memory_space<semaphore_mem>>) src(%dma_wait3A_2280 : memref<1x64xf32, #tpu.memory_space<hbm>>) dst(%dma_wait3A_2278 : memref<1x64xf32, #tpu.memory_space<vmem>>)
      %dma_wait3A_2281 = arith.constant 35 : i32
      %dma_wait3A_2282 = arith.constant 0 : i32
      %dma_wait3A_2283 = tpu.memref_slice %arg11[%dma_wait3A_2281, %dma_wait3A_2282] : memref<64x64xf32, #tpu.memory_space<vmem>> -> memref<1x64xf32, #tpu.memory_space<vmem>>
      %dma_wait3A_2284 = arith.constant 0 : i32
      %dma_wait3A_2285 = tpu.memref_slice %arg5[%squeeze3A_881, %dma_wait3A_2284] : memref<1000000x64xf32, #tpu.memory_space<hbm>> -> memref<1x64xf32, #tpu.memory_space<hbm>>
      %dma_wait3A_2286 = arith.constant 35 : i32
      %dma_wait3A_2287 = arith.constant 0 : i32
      %dma_wait3A_2288 = tpu.memref_slice %arg11[%dma_wait3A_2286, %dma_wait3A_2287] : memref<64x64xf32, #tpu.memory_space<vmem>> -> memref<1x64xf32, #tpu.memory_space<vmem>>
      %dma_wait3A_2289 = arith.constant 0 : i32
      %dma_wait3A_2290 = tpu.memref_slice %arg5[%squeeze3A_881, %dma_wait3A_2289] : memref<1000000x64xf32, #tpu.memory_space<hbm>> -> memref<1x64xf32, #tpu.memory_space<hbm>>
      tpu.wait_dma2 semaphore(%arg13 : memref<!tpu.dma_semaphore, #tpu.memory_space<semaphore_mem>>) src(%dma_wait3A_2290 : memref<1x64xf32, #tpu.memory_space<hbm>>) dst(%dma_wait3A_2288 : memref<1x64xf32, #tpu.memory_space<vmem>>)
      %dma_wait3A_2291 = arith.constant 36 : i32
      %dma_wait3A_2292 = arith.constant 0 : i32
      %dma_wait3A_2293 = tpu.memref_slice %arg10[%dma_wait3A_2291, %dma_wait3A_2292] : memref<64x64xf32, #tpu.memory_space<vmem>> -> memref<1x64xf32, #tpu.memory_space<vmem>>
      %dma_wait3A_2294 = arith.constant 0 : i32
      %dma_wait3A_2295 = tpu.memref_slice %arg4[%squeeze3A_893, %dma_wait3A_2294] : memref<1000000x64xf32, #tpu.memory_space<hbm>> -> memref<1x64xf32, #tpu.memory_space<hbm>>
      %dma_wait3A_2296 = arith.constant 36 : i32
      %dma_wait3A_2297 = arith.constant 0 : i32
      %dma_wait3A_2298 = tpu.memref_slice %arg10[%dma_wait3A_2296, %dma_wait3A_2297] : memref<64x64xf32, #tpu.memory_space<vmem>> -> memref<1x64xf32, #tpu.memory_space<vmem>>
      %dma_wait3A_2299 = arith.constant 0 : i32
      %dma_wait3A_2300 = tpu.memref_slice %arg4[%squeeze3A_893, %dma_wait3A_2299] : memref<1000000x64xf32, #tpu.memory_space<hbm>> -> memref<1x64xf32, #tpu.memory_space<hbm>>
      tpu.wait_dma2 semaphore(%arg12 : memref<!tpu.dma_semaphore, #tpu.memory_space<semaphore_mem>>) src(%dma_wait3A_2300 : memref<1x64xf32, #tpu.memory_space<hbm>>) dst(%dma_wait3A_2298 : memref<1x64xf32, #tpu.memory_space<vmem>>)
      %dma_wait3A_2301 = arith.constant 36 : i32
      %dma_wait3A_2302 = arith.constant 0 : i32
      %dma_wait3A_2303 = tpu.memref_slice %arg11[%dma_wait3A_2301, %dma_wait3A_2302] : memref<64x64xf32, #tpu.memory_space<vmem>> -> memref<1x64xf32, #tpu.memory_space<vmem>>
      %dma_wait3A_2304 = arith.constant 0 : i32
      %dma_wait3A_2305 = tpu.memref_slice %arg5[%squeeze3A_905, %dma_wait3A_2304] : memref<1000000x64xf32, #tpu.memory_space<hbm>> -> memref<1x64xf32, #tpu.memory_space<hbm>>
      %dma_wait3A_2306 = arith.constant 36 : i32
      %dma_wait3A_2307 = arith.constant 0 : i32
      %dma_wait3A_2308 = tpu.memref_slice %arg11[%dma_wait3A_2306, %dma_wait3A_2307] : memref<64x64xf32, #tpu.memory_space<vmem>> -> memref<1x64xf32, #tpu.memory_space<vmem>>
      %dma_wait3A_2309 = arith.constant 0 : i32
      %dma_wait3A_2310 = tpu.memref_slice %arg5[%squeeze3A_905, %dma_wait3A_2309] : memref<1000000x64xf32, #tpu.memory_space<hbm>> -> memref<1x64xf32, #tpu.memory_space<hbm>>
      tpu.wait_dma2 semaphore(%arg13 : memref<!tpu.dma_semaphore, #tpu.memory_space<semaphore_mem>>) src(%dma_wait3A_2310 : memref<1x64xf32, #tpu.memory_space<hbm>>) dst(%dma_wait3A_2308 : memref<1x64xf32, #tpu.memory_space<vmem>>)
      %dma_wait3A_2311 = arith.constant 37 : i32
      %dma_wait3A_2312 = arith.constant 0 : i32
      %dma_wait3A_2313 = tpu.memref_slice %arg10[%dma_wait3A_2311, %dma_wait3A_2312] : memref<64x64xf32, #tpu.memory_space<vmem>> -> memref<1x64xf32, #tpu.memory_space<vmem>>
      %dma_wait3A_2314 = arith.constant 0 : i32
      %dma_wait3A_2315 = tpu.memref_slice %arg4[%squeeze3A_917, %dma_wait3A_2314] : memref<1000000x64xf32, #tpu.memory_space<hbm>> -> memref<1x64xf32, #tpu.memory_space<hbm>>
      %dma_wait3A_2316 = arith.constant 37 : i32
      %dma_wait3A_2317 = arith.constant 0 : i32
      %dma_wait3A_2318 = tpu.memref_slice %arg10[%dma_wait3A_2316, %dma_wait3A_2317] : memref<64x64xf32, #tpu.memory_space<vmem>> -> memref<1x64xf32, #tpu.memory_space<vmem>>
      %dma_wait3A_2319 = arith.constant 0 : i32
      %dma_wait3A_2320 = tpu.memref_slice %arg4[%squeeze3A_917, %dma_wait3A_2319] : memref<1000000x64xf32, #tpu.memory_space<hbm>> -> memref<1x64xf32, #tpu.memory_space<hbm>>
      tpu.wait_dma2 semaphore(%arg12 : memref<!tpu.dma_semaphore, #tpu.memory_space<semaphore_mem>>) src(%dma_wait3A_2320 : memref<1x64xf32, #tpu.memory_space<hbm>>) dst(%dma_wait3A_2318 : memref<1x64xf32, #tpu.memory_space<vmem>>)
      %dma_wait3A_2321 = arith.constant 37 : i32
      %dma_wait3A_2322 = arith.constant 0 : i32
      %dma_wait3A_2323 = tpu.memref_slice %arg11[%dma_wait3A_2321, %dma_wait3A_2322] : memref<64x64xf32, #tpu.memory_space<vmem>> -> memref<1x64xf32, #tpu.memory_space<vmem>>
      %dma_wait3A_2324 = arith.constant 0 : i32
      %dma_wait3A_2325 = tpu.memref_slice %arg5[%squeeze3A_929, %dma_wait3A_2324] : memref<1000000x64xf32, #tpu.memory_space<hbm>> -> memref<1x64xf32, #tpu.memory_space<hbm>>
      %dma_wait3A_2326 = arith.constant 37 : i32
      %dma_wait3A_2327 = arith.constant 0 : i32
      %dma_wait3A_2328 = tpu.memref_slice %arg11[%dma_wait3A_2326, %dma_wait3A_2327] : memref<64x64xf32, #tpu.memory_space<vmem>> -> memref<1x64xf32, #tpu.memory_space<vmem>>
      %dma_wait3A_2329 = arith.constant 0 : i32
      %dma_wait3A_2330 = tpu.memref_slice %arg5[%squeeze3A_929, %dma_wait3A_2329] : memref<1000000x64xf32, #tpu.memory_space<hbm>> -> memref<1x64xf32, #tpu.memory_space<hbm>>
      tpu.wait_dma2 semaphore(%arg13 : memref<!tpu.dma_semaphore, #tpu.memory_space<semaphore_mem>>) src(%dma_wait3A_2330 : memref<1x64xf32, #tpu.memory_space<hbm>>) dst(%dma_wait3A_2328 : memref<1x64xf32, #tpu.memory_space<vmem>>)
      %dma_wait3A_2331 = arith.constant 38 : i32
      %dma_wait3A_2332 = arith.constant 0 : i32
      %dma_wait3A_2333 = tpu.memref_slice %arg10[%dma_wait3A_2331, %dma_wait3A_2332] : memref<64x64xf32, #tpu.memory_space<vmem>> -> memref<1x64xf32, #tpu.memory_space<vmem>>
      %dma_wait3A_2334 = arith.constant 0 : i32
      %dma_wait3A_2335 = tpu.memref_slice %arg4[%squeeze3A_941, %dma_wait3A_2334] : memref<1000000x64xf32, #tpu.memory_space<hbm>> -> memref<1x64xf32, #tpu.memory_space<hbm>>
      %dma_wait3A_2336 = arith.constant 38 : i32
      %dma_wait3A_2337 = arith.constant 0 : i32
      %dma_wait3A_2338 = tpu.memref_slice %arg10[%dma_wait3A_2336, %dma_wait3A_2337] : memref<64x64xf32, #tpu.memory_space<vmem>> -> memref<1x64xf32, #tpu.memory_space<vmem>>
      %dma_wait3A_2339 = arith.constant 0 : i32
      %dma_wait3A_2340 = tpu.memref_slice %arg4[%squeeze3A_941, %dma_wait3A_2339] : memref<1000000x64xf32, #tpu.memory_space<hbm>> -> memref<1x64xf32, #tpu.memory_space<hbm>>
      tpu.wait_dma2 semaphore(%arg12 : memref<!tpu.dma_semaphore, #tpu.memory_space<semaphore_mem>>) src(%dma_wait3A_2340 : memref<1x64xf32, #tpu.memory_space<hbm>>) dst(%dma_wait3A_2338 : memref<1x64xf32, #tpu.memory_space<vmem>>)
      %dma_wait3A_2341 = arith.constant 38 : i32
      %dma_wait3A_2342 = arith.constant 0 : i32
      %dma_wait3A_2343 = tpu.memref_slice %arg11[%dma_wait3A_2341, %dma_wait3A_2342] : memref<64x64xf32, #tpu.memory_space<vmem>> -> memref<1x64xf32, #tpu.memory_space<vmem>>
      %dma_wait3A_2344 = arith.constant 0 : i32
      %dma_wait3A_2345 = tpu.memref_slice %arg5[%squeeze3A_953, %dma_wait3A_2344] : memref<1000000x64xf32, #tpu.memory_space<hbm>> -> memref<1x64xf32, #tpu.memory_space<hbm>>
      %dma_wait3A_2346 = arith.constant 38 : i32
      %dma_wait3A_2347 = arith.constant 0 : i32
      %dma_wait3A_2348 = tpu.memref_slice %arg11[%dma_wait3A_2346, %dma_wait3A_2347] : memref<64x64xf32, #tpu.memory_space<vmem>> -> memref<1x64xf32, #tpu.memory_space<vmem>>
      %dma_wait3A_2349 = arith.constant 0 : i32
      %dma_wait3A_2350 = tpu.memref_slice %arg5[%squeeze3A_953, %dma_wait3A_2349] : memref<1000000x64xf32, #tpu.memory_space<hbm>> -> memref<1x64xf32, #tpu.memory_space<hbm>>
      tpu.wait_dma2 semaphore(%arg13 : memref<!tpu.dma_semaphore, #tpu.memory_space<semaphore_mem>>) src(%dma_wait3A_2350 : memref<1x64xf32, #tpu.memory_space<hbm>>) dst(%dma_wait3A_2348 : memref<1x64xf32, #tpu.memory_space<vmem>>)
      %dma_wait3A_2351 = arith.constant 39 : i32
      %dma_wait3A_2352 = arith.constant 0 : i32
      %dma_wait3A_2353 = tpu.memref_slice %arg10[%dma_wait3A_2351, %dma_wait3A_2352] : memref<64x64xf32, #tpu.memory_space<vmem>> -> memref<1x64xf32, #tpu.memory_space<vmem>>
      %dma_wait3A_2354 = arith.constant 0 : i32
      %dma_wait3A_2355 = tpu.memref_slice %arg4[%squeeze3A_965, %dma_wait3A_2354] : memref<1000000x64xf32, #tpu.memory_space<hbm>> -> memref<1x64xf32, #tpu.memory_space<hbm>>
      %dma_wait3A_2356 = arith.constant 39 : i32
      %dma_wait3A_2357 = arith.constant 0 : i32
      %dma_wait3A_2358 = tpu.memref_slice %arg10[%dma_wait3A_2356, %dma_wait3A_2357] : memref<64x64xf32, #tpu.memory_space<vmem>> -> memref<1x64xf32, #tpu.memory_space<vmem>>
      %dma_wait3A_2359 = arith.constant 0 : i32
      %dma_wait3A_2360 = tpu.memref_slice %arg4[%squeeze3A_965, %dma_wait3A_2359] : memref<1000000x64xf32, #tpu.memory_space<hbm>> -> memref<1x64xf32, #tpu.memory_space<hbm>>
      tpu.wait_dma2 semaphore(%arg12 : memref<!tpu.dma_semaphore, #tpu.memory_space<semaphore_mem>>) src(%dma_wait3A_2360 : memref<1x64xf32, #tpu.memory_space<hbm>>) dst(%dma_wait3A_2358 : memref<1x64xf32, #tpu.memory_space<vmem>>)
      %dma_wait3A_2361 = arith.constant 39 : i32
      %dma_wait3A_2362 = arith.constant 0 : i32
      %dma_wait3A_2363 = tpu.memref_slice %arg11[%dma_wait3A_2361, %dma_wait3A_2362] : memref<64x64xf32, #tpu.memory_space<vmem>> -> memref<1x64xf32, #tpu.memory_space<vmem>>
      %dma_wait3A_2364 = arith.constant 0 : i32
      %dma_wait3A_2365 = tpu.memref_slice %arg5[%squeeze3A_977, %dma_wait3A_2364] : memref<1000000x64xf32, #tpu.memory_space<hbm>> -> memref<1x64xf32, #tpu.memory_space<hbm>>
      %dma_wait3A_2366 = arith.constant 39 : i32
      %dma_wait3A_2367 = arith.constant 0 : i32
      %dma_wait3A_2368 = tpu.memref_slice %arg11[%dma_wait3A_2366, %dma_wait3A_2367] : memref<64x64xf32, #tpu.memory_space<vmem>> -> memref<1x64xf32, #tpu.memory_space<vmem>>
      %dma_wait3A_2369 = arith.constant 0 : i32
      %dma_wait3A_2370 = tpu.memref_slice %arg5[%squeeze3A_977, %dma_wait3A_2369] : memref<1000000x64xf32, #tpu.memory_space<hbm>> -> memref<1x64xf32, #tpu.memory_space<hbm>>
      tpu.wait_dma2 semaphore(%arg13 : memref<!tpu.dma_semaphore, #tpu.memory_space<semaphore_mem>>) src(%dma_wait3A_2370 : memref<1x64xf32, #tpu.memory_space<hbm>>) dst(%dma_wait3A_2368 : memref<1x64xf32, #tpu.memory_space<vmem>>)
      %dma_wait3A_2371 = arith.constant 40 : i32
      %dma_wait3A_2372 = arith.constant 0 : i32
      %dma_wait3A_2373 = tpu.memref_slice %arg10[%dma_wait3A_2371, %dma_wait3A_2372] : memref<64x64xf32, #tpu.memory_space<vmem>> -> memref<1x64xf32, #tpu.memory_space<vmem>>
      %dma_wait3A_2374 = arith.constant 0 : i32
      %dma_wait3A_2375 = tpu.memref_slice %arg4[%squeeze3A_989, %dma_wait3A_2374] : memref<1000000x64xf32, #tpu.memory_space<hbm>> -> memref<1x64xf32, #tpu.memory_space<hbm>>
      %dma_wait3A_2376 = arith.constant 40 : i32
      %dma_wait3A_2377 = arith.constant 0 : i32
      %dma_wait3A_2378 = tpu.memref_slice %arg10[%dma_wait3A_2376, %dma_wait3A_2377] : memref<64x64xf32, #tpu.memory_space<vmem>> -> memref<1x64xf32, #tpu.memory_space<vmem>>
      %dma_wait3A_2379 = arith.constant 0 : i32
      %dma_wait3A_2380 = tpu.memref_slice %arg4[%squeeze3A_989, %dma_wait3A_2379] : memref<1000000x64xf32, #tpu.memory_space<hbm>> -> memref<1x64xf32, #tpu.memory_space<hbm>>
      tpu.wait_dma2 semaphore(%arg12 : memref<!tpu.dma_semaphore, #tpu.memory_space<semaphore_mem>>) src(%dma_wait3A_2380 : memref<1x64xf32, #tpu.memory_space<hbm>>) dst(%dma_wait3A_2378 : memref<1x64xf32, #tpu.memory_space<vmem>>)
      %dma_wait3A_2381 = arith.constant 40 : i32
      %dma_wait3A_2382 = arith.constant 0 : i32
      %dma_wait3A_2383 = tpu.memref_slice %arg11[%dma_wait3A_2381, %dma_wait3A_2382] : memref<64x64xf32, #tpu.memory_space<vmem>> -> memref<1x64xf32, #tpu.memory_space<vmem>>
      %dma_wait3A_2384 = arith.constant 0 : i32
      %dma_wait3A_2385 = tpu.memref_slice %arg5[%squeeze3A_1001, %dma_wait3A_2384] : memref<1000000x64xf32, #tpu.memory_space<hbm>> -> memref<1x64xf32, #tpu.memory_space<hbm>>
      %dma_wait3A_2386 = arith.constant 40 : i32
      %dma_wait3A_2387 = arith.constant 0 : i32
      %dma_wait3A_2388 = tpu.memref_slice %arg11[%dma_wait3A_2386, %dma_wait3A_2387] : memref<64x64xf32, #tpu.memory_space<vmem>> -> memref<1x64xf32, #tpu.memory_space<vmem>>
      %dma_wait3A_2389 = arith.constant 0 : i32
      %dma_wait3A_2390 = tpu.memref_slice %arg5[%squeeze3A_1001, %dma_wait3A_2389] : memref<1000000x64xf32, #tpu.memory_space<hbm>> -> memref<1x64xf32, #tpu.memory_space<hbm>>
      tpu.wait_dma2 semaphore(%arg13 : memref<!tpu.dma_semaphore, #tpu.memory_space<semaphore_mem>>) src(%dma_wait3A_2390 : memref<1x64xf32, #tpu.memory_space<hbm>>) dst(%dma_wait3A_2388 : memref<1x64xf32, #tpu.memory_space<vmem>>)
      %dma_wait3A_2391 = arith.constant 41 : i32
      %dma_wait3A_2392 = arith.constant 0 : i32
      %dma_wait3A_2393 = tpu.memref_slice %arg10[%dma_wait3A_2391, %dma_wait3A_2392] : memref<64x64xf32, #tpu.memory_space<vmem>> -> memref<1x64xf32, #tpu.memory_space<vmem>>
      %dma_wait3A_2394 = arith.constant 0 : i32
      %dma_wait3A_2395 = tpu.memref_slice %arg4[%squeeze3A_1013, %dma_wait3A_2394] : memref<1000000x64xf32, #tpu.memory_space<hbm>> -> memref<1x64xf32, #tpu.memory_space<hbm>>
      %dma_wait3A_2396 = arith.constant 41 : i32
      %dma_wait3A_2397 = arith.constant 0 : i32
      %dma_wait3A_2398 = tpu.memref_slice %arg10[%dma_wait3A_2396, %dma_wait3A_2397] : memref<64x64xf32, #tpu.memory_space<vmem>> -> memref<1x64xf32, #tpu.memory_space<vmem>>
      %dma_wait3A_2399 = arith.constant 0 : i32
      %dma_wait3A_2400 = tpu.memref_slice %arg4[%squeeze3A_1013, %dma_wait3A_2399] : memref<1000000x64xf32, #tpu.memory_space<hbm>> -> memref<1x64xf32, #tpu.memory_space<hbm>>
      tpu.wait_dma2 semaphore(%arg12 : memref<!tpu.dma_semaphore, #tpu.memory_space<semaphore_mem>>) src(%dma_wait3A_2400 : memref<1x64xf32, #tpu.memory_space<hbm>>) dst(%dma_wait3A_2398 : memref<1x64xf32, #tpu.memory_space<vmem>>)
      %dma_wait3A_2401 = arith.constant 41 : i32
      %dma_wait3A_2402 = arith.constant 0 : i32
      %dma_wait3A_2403 = tpu.memref_slice %arg11[%dma_wait3A_2401, %dma_wait3A_2402] : memref<64x64xf32, #tpu.memory_space<vmem>> -> memref<1x64xf32, #tpu.memory_space<vmem>>
      %dma_wait3A_2404 = arith.constant 0 : i32
      %dma_wait3A_2405 = tpu.memref_slice %arg5[%squeeze3A_1025, %dma_wait3A_2404] : memref<1000000x64xf32, #tpu.memory_space<hbm>> -> memref<1x64xf32, #tpu.memory_space<hbm>>
      %dma_wait3A_2406 = arith.constant 41 : i32
      %dma_wait3A_2407 = arith.constant 0 : i32
      %dma_wait3A_2408 = tpu.memref_slice %arg11[%dma_wait3A_2406, %dma_wait3A_2407] : memref<64x64xf32, #tpu.memory_space<vmem>> -> memref<1x64xf32, #tpu.memory_space<vmem>>
      %dma_wait3A_2409 = arith.constant 0 : i32
      %dma_wait3A_2410 = tpu.memref_slice %arg5[%squeeze3A_1025, %dma_wait3A_2409] : memref<1000000x64xf32, #tpu.memory_space<hbm>> -> memref<1x64xf32, #tpu.memory_space<hbm>>
      tpu.wait_dma2 semaphore(%arg13 : memref<!tpu.dma_semaphore, #tpu.memory_space<semaphore_mem>>) src(%dma_wait3A_2410 : memref<1x64xf32, #tpu.memory_space<hbm>>) dst(%dma_wait3A_2408 : memref<1x64xf32, #tpu.memory_space<vmem>>)
      %dma_wait3A_2411 = arith.constant 42 : i32
      %dma_wait3A_2412 = arith.constant 0 : i32
      %dma_wait3A_2413 = tpu.memref_slice %arg10[%dma_wait3A_2411, %dma_wait3A_2412] : memref<64x64xf32, #tpu.memory_space<vmem>> -> memref<1x64xf32, #tpu.memory_space<vmem>>
      %dma_wait3A_2414 = arith.constant 0 : i32
      %dma_wait3A_2415 = tpu.memref_slice %arg4[%squeeze3A_1037, %dma_wait3A_2414] : memref<1000000x64xf32, #tpu.memory_space<hbm>> -> memref<1x64xf32, #tpu.memory_space<hbm>>
      %dma_wait3A_2416 = arith.constant 42 : i32
      %dma_wait3A_2417 = arith.constant 0 : i32
      %dma_wait3A_2418 = tpu.memref_slice %arg10[%dma_wait3A_2416, %dma_wait3A_2417] : memref<64x64xf32, #tpu.memory_space<vmem>> -> memref<1x64xf32, #tpu.memory_space<vmem>>
      %dma_wait3A_2419 = arith.constant 0 : i32
      %dma_wait3A_2420 = tpu.memref_slice %arg4[%squeeze3A_1037, %dma_wait3A_2419] : memref<1000000x64xf32, #tpu.memory_space<hbm>> -> memref<1x64xf32, #tpu.memory_space<hbm>>
      tpu.wait_dma2 semaphore(%arg12 : memref<!tpu.dma_semaphore, #tpu.memory_space<semaphore_mem>>) src(%dma_wait3A_2420 : memref<1x64xf32, #tpu.memory_space<hbm>>) dst(%dma_wait3A_2418 : memref<1x64xf32, #tpu.memory_space<vmem>>)
      %dma_wait3A_2421 = arith.constant 42 : i32
      %dma_wait3A_2422 = arith.constant 0 : i32
      %dma_wait3A_2423 = tpu.memref_slice %arg11[%dma_wait3A_2421, %dma_wait3A_2422] : memref<64x64xf32, #tpu.memory_space<vmem>> -> memref<1x64xf32, #tpu.memory_space<vmem>>
      %dma_wait3A_2424 = arith.constant 0 : i32
      %dma_wait3A_2425 = tpu.memref_slice %arg5[%squeeze3A_1049, %dma_wait3A_2424] : memref<1000000x64xf32, #tpu.memory_space<hbm>> -> memref<1x64xf32, #tpu.memory_space<hbm>>
      %dma_wait3A_2426 = arith.constant 42 : i32
      %dma_wait3A_2427 = arith.constant 0 : i32
      %dma_wait3A_2428 = tpu.memref_slice %arg11[%dma_wait3A_2426, %dma_wait3A_2427] : memref<64x64xf32, #tpu.memory_space<vmem>> -> memref<1x64xf32, #tpu.memory_space<vmem>>
      %dma_wait3A_2429 = arith.constant 0 : i32
      %dma_wait3A_2430 = tpu.memref_slice %arg5[%squeeze3A_1049, %dma_wait3A_2429] : memref<1000000x64xf32, #tpu.memory_space<hbm>> -> memref<1x64xf32, #tpu.memory_space<hbm>>
      tpu.wait_dma2 semaphore(%arg13 : memref<!tpu.dma_semaphore, #tpu.memory_space<semaphore_mem>>) src(%dma_wait3A_2430 : memref<1x64xf32, #tpu.memory_space<hbm>>) dst(%dma_wait3A_2428 : memref<1x64xf32, #tpu.memory_space<vmem>>)
      %dma_wait3A_2431 = arith.constant 43 : i32
      %dma_wait3A_2432 = arith.constant 0 : i32
      %dma_wait3A_2433 = tpu.memref_slice %arg10[%dma_wait3A_2431, %dma_wait3A_2432] : memref<64x64xf32, #tpu.memory_space<vmem>> -> memref<1x64xf32, #tpu.memory_space<vmem>>
      %dma_wait3A_2434 = arith.constant 0 : i32
      %dma_wait3A_2435 = tpu.memref_slice %arg4[%squeeze3A_1061, %dma_wait3A_2434] : memref<1000000x64xf32, #tpu.memory_space<hbm>> -> memref<1x64xf32, #tpu.memory_space<hbm>>
      %dma_wait3A_2436 = arith.constant 43 : i32
      %dma_wait3A_2437 = arith.constant 0 : i32
      %dma_wait3A_2438 = tpu.memref_slice %arg10[%dma_wait3A_2436, %dma_wait3A_2437] : memref<64x64xf32, #tpu.memory_space<vmem>> -> memref<1x64xf32, #tpu.memory_space<vmem>>
      %dma_wait3A_2439 = arith.constant 0 : i32
      %dma_wait3A_2440 = tpu.memref_slice %arg4[%squeeze3A_1061, %dma_wait3A_2439] : memref<1000000x64xf32, #tpu.memory_space<hbm>> -> memref<1x64xf32, #tpu.memory_space<hbm>>
      tpu.wait_dma2 semaphore(%arg12 : memref<!tpu.dma_semaphore, #tpu.memory_space<semaphore_mem>>) src(%dma_wait3A_2440 : memref<1x64xf32, #tpu.memory_space<hbm>>) dst(%dma_wait3A_2438 : memref<1x64xf32, #tpu.memory_space<vmem>>)
      %dma_wait3A_2441 = arith.constant 43 : i32
      %dma_wait3A_2442 = arith.constant 0 : i32
      %dma_wait3A_2443 = tpu.memref_slice %arg11[%dma_wait3A_2441, %dma_wait3A_2442] : memref<64x64xf32, #tpu.memory_space<vmem>> -> memref<1x64xf32, #tpu.memory_space<vmem>>
      %dma_wait3A_2444 = arith.constant 0 : i32
      %dma_wait3A_2445 = tpu.memref_slice %arg5[%squeeze3A_1073, %dma_wait3A_2444] : memref<1000000x64xf32, #tpu.memory_space<hbm>> -> memref<1x64xf32, #tpu.memory_space<hbm>>
      %dma_wait3A_2446 = arith.constant 43 : i32
      %dma_wait3A_2447 = arith.constant 0 : i32
      %dma_wait3A_2448 = tpu.memref_slice %arg11[%dma_wait3A_2446, %dma_wait3A_2447] : memref<64x64xf32, #tpu.memory_space<vmem>> -> memref<1x64xf32, #tpu.memory_space<vmem>>
      %dma_wait3A_2449 = arith.constant 0 : i32
      %dma_wait3A_2450 = tpu.memref_slice %arg5[%squeeze3A_1073, %dma_wait3A_2449] : memref<1000000x64xf32, #tpu.memory_space<hbm>> -> memref<1x64xf32, #tpu.memory_space<hbm>>
      tpu.wait_dma2 semaphore(%arg13 : memref<!tpu.dma_semaphore, #tpu.memory_space<semaphore_mem>>) src(%dma_wait3A_2450 : memref<1x64xf32, #tpu.memory_space<hbm>>) dst(%dma_wait3A_2448 : memref<1x64xf32, #tpu.memory_space<vmem>>)
      %dma_wait3A_2451 = arith.constant 44 : i32
      %dma_wait3A_2452 = arith.constant 0 : i32
      %dma_wait3A_2453 = tpu.memref_slice %arg10[%dma_wait3A_2451, %dma_wait3A_2452] : memref<64x64xf32, #tpu.memory_space<vmem>> -> memref<1x64xf32, #tpu.memory_space<vmem>>
      %dma_wait3A_2454 = arith.constant 0 : i32
      %dma_wait3A_2455 = tpu.memref_slice %arg4[%squeeze3A_1085, %dma_wait3A_2454] : memref<1000000x64xf32, #tpu.memory_space<hbm>> -> memref<1x64xf32, #tpu.memory_space<hbm>>
      %dma_wait3A_2456 = arith.constant 44 : i32
      %dma_wait3A_2457 = arith.constant 0 : i32
      %dma_wait3A_2458 = tpu.memref_slice %arg10[%dma_wait3A_2456, %dma_wait3A_2457] : memref<64x64xf32, #tpu.memory_space<vmem>> -> memref<1x64xf32, #tpu.memory_space<vmem>>
      %dma_wait3A_2459 = arith.constant 0 : i32
      %dma_wait3A_2460 = tpu.memref_slice %arg4[%squeeze3A_1085, %dma_wait3A_2459] : memref<1000000x64xf32, #tpu.memory_space<hbm>> -> memref<1x64xf32, #tpu.memory_space<hbm>>
      tpu.wait_dma2 semaphore(%arg12 : memref<!tpu.dma_semaphore, #tpu.memory_space<semaphore_mem>>) src(%dma_wait3A_2460 : memref<1x64xf32, #tpu.memory_space<hbm>>) dst(%dma_wait3A_2458 : memref<1x64xf32, #tpu.memory_space<vmem>>)
      %dma_wait3A_2461 = arith.constant 44 : i32
      %dma_wait3A_2462 = arith.constant 0 : i32
      %dma_wait3A_2463 = tpu.memref_slice %arg11[%dma_wait3A_2461, %dma_wait3A_2462] : memref<64x64xf32, #tpu.memory_space<vmem>> -> memref<1x64xf32, #tpu.memory_space<vmem>>
      %dma_wait3A_2464 = arith.constant 0 : i32
      %dma_wait3A_2465 = tpu.memref_slice %arg5[%squeeze3A_1097, %dma_wait3A_2464] : memref<1000000x64xf32, #tpu.memory_space<hbm>> -> memref<1x64xf32, #tpu.memory_space<hbm>>
      %dma_wait3A_2466 = arith.constant 44 : i32
      %dma_wait3A_2467 = arith.constant 0 : i32
      %dma_wait3A_2468 = tpu.memref_slice %arg11[%dma_wait3A_2466, %dma_wait3A_2467] : memref<64x64xf32, #tpu.memory_space<vmem>> -> memref<1x64xf32, #tpu.memory_space<vmem>>
      %dma_wait3A_2469 = arith.constant 0 : i32
      %dma_wait3A_2470 = tpu.memref_slice %arg5[%squeeze3A_1097, %dma_wait3A_2469] : memref<1000000x64xf32, #tpu.memory_space<hbm>> -> memref<1x64xf32, #tpu.memory_space<hbm>>
      tpu.wait_dma2 semaphore(%arg13 : memref<!tpu.dma_semaphore, #tpu.memory_space<semaphore_mem>>) src(%dma_wait3A_2470 : memref<1x64xf32, #tpu.memory_space<hbm>>) dst(%dma_wait3A_2468 : memref<1x64xf32, #tpu.memory_space<vmem>>)
      %dma_wait3A_2471 = arith.constant 45 : i32
      %dma_wait3A_2472 = arith.constant 0 : i32
      %dma_wait3A_2473 = tpu.memref_slice %arg10[%dma_wait3A_2471, %dma_wait3A_2472] : memref<64x64xf32, #tpu.memory_space<vmem>> -> memref<1x64xf32, #tpu.memory_space<vmem>>
      %dma_wait3A_2474 = arith.constant 0 : i32
      %dma_wait3A_2475 = tpu.memref_slice %arg4[%squeeze3A_1109, %dma_wait3A_2474] : memref<1000000x64xf32, #tpu.memory_space<hbm>> -> memref<1x64xf32, #tpu.memory_space<hbm>>
      %dma_wait3A_2476 = arith.constant 45 : i32
      %dma_wait3A_2477 = arith.constant 0 : i32
      %dma_wait3A_2478 = tpu.memref_slice %arg10[%dma_wait3A_2476, %dma_wait3A_2477] : memref<64x64xf32, #tpu.memory_space<vmem>> -> memref<1x64xf32, #tpu.memory_space<vmem>>
      %dma_wait3A_2479 = arith.constant 0 : i32
      %dma_wait3A_2480 = tpu.memref_slice %arg4[%squeeze3A_1109, %dma_wait3A_2479] : memref<1000000x64xf32, #tpu.memory_space<hbm>> -> memref<1x64xf32, #tpu.memory_space<hbm>>
      tpu.wait_dma2 semaphore(%arg12 : memref<!tpu.dma_semaphore, #tpu.memory_space<semaphore_mem>>) src(%dma_wait3A_2480 : memref<1x64xf32, #tpu.memory_space<hbm>>) dst(%dma_wait3A_2478 : memref<1x64xf32, #tpu.memory_space<vmem>>)
      %dma_wait3A_2481 = arith.constant 45 : i32
      %dma_wait3A_2482 = arith.constant 0 : i32
      %dma_wait3A_2483 = tpu.memref_slice %arg11[%dma_wait3A_2481, %dma_wait3A_2482] : memref<64x64xf32, #tpu.memory_space<vmem>> -> memref<1x64xf32, #tpu.memory_space<vmem>>
      %dma_wait3A_2484 = arith.constant 0 : i32
      %dma_wait3A_2485 = tpu.memref_slice %arg5[%squeeze3A_1121, %dma_wait3A_2484] : memref<1000000x64xf32, #tpu.memory_space<hbm>> -> memref<1x64xf32, #tpu.memory_space<hbm>>
      %dma_wait3A_2486 = arith.constant 45 : i32
      %dma_wait3A_2487 = arith.constant 0 : i32
      %dma_wait3A_2488 = tpu.memref_slice %arg11[%dma_wait3A_2486, %dma_wait3A_2487] : memref<64x64xf32, #tpu.memory_space<vmem>> -> memref<1x64xf32, #tpu.memory_space<vmem>>
      %dma_wait3A_2489 = arith.constant 0 : i32
      %dma_wait3A_2490 = tpu.memref_slice %arg5[%squeeze3A_1121, %dma_wait3A_2489] : memref<1000000x64xf32, #tpu.memory_space<hbm>> -> memref<1x64xf32, #tpu.memory_space<hbm>>
      tpu.wait_dma2 semaphore(%arg13 : memref<!tpu.dma_semaphore, #tpu.memory_space<semaphore_mem>>) src(%dma_wait3A_2490 : memref<1x64xf32, #tpu.memory_space<hbm>>) dst(%dma_wait3A_2488 : memref<1x64xf32, #tpu.memory_space<vmem>>)
      %dma_wait3A_2491 = arith.constant 46 : i32
      %dma_wait3A_2492 = arith.constant 0 : i32
      %dma_wait3A_2493 = tpu.memref_slice %arg10[%dma_wait3A_2491, %dma_wait3A_2492] : memref<64x64xf32, #tpu.memory_space<vmem>> -> memref<1x64xf32, #tpu.memory_space<vmem>>
      %dma_wait3A_2494 = arith.constant 0 : i32
      %dma_wait3A_2495 = tpu.memref_slice %arg4[%squeeze3A_1133, %dma_wait3A_2494] : memref<1000000x64xf32, #tpu.memory_space<hbm>> -> memref<1x64xf32, #tpu.memory_space<hbm>>
      %dma_wait3A_2496 = arith.constant 46 : i32
      %dma_wait3A_2497 = arith.constant 0 : i32
      %dma_wait3A_2498 = tpu.memref_slice %arg10[%dma_wait3A_2496, %dma_wait3A_2497] : memref<64x64xf32, #tpu.memory_space<vmem>> -> memref<1x64xf32, #tpu.memory_space<vmem>>
      %dma_wait3A_2499 = arith.constant 0 : i32
      %dma_wait3A_2500 = tpu.memref_slice %arg4[%squeeze3A_1133, %dma_wait3A_2499] : memref<1000000x64xf32, #tpu.memory_space<hbm>> -> memref<1x64xf32, #tpu.memory_space<hbm>>
      tpu.wait_dma2 semaphore(%arg12 : memref<!tpu.dma_semaphore, #tpu.memory_space<semaphore_mem>>) src(%dma_wait3A_2500 : memref<1x64xf32, #tpu.memory_space<hbm>>) dst(%dma_wait3A_2498 : memref<1x64xf32, #tpu.memory_space<vmem>>)
      %dma_wait3A_2501 = arith.constant 46 : i32
      %dma_wait3A_2502 = arith.constant 0 : i32
      %dma_wait3A_2503 = tpu.memref_slice %arg11[%dma_wait3A_2501, %dma_wait3A_2502] : memref<64x64xf32, #tpu.memory_space<vmem>> -> memref<1x64xf32, #tpu.memory_space<vmem>>
      %dma_wait3A_2504 = arith.constant 0 : i32
      %dma_wait3A_2505 = tpu.memref_slice %arg5[%squeeze3A_1145, %dma_wait3A_2504] : memref<1000000x64xf32, #tpu.memory_space<hbm>> -> memref<1x64xf32, #tpu.memory_space<hbm>>
      %dma_wait3A_2506 = arith.constant 46 : i32
      %dma_wait3A_2507 = arith.constant 0 : i32
      %dma_wait3A_2508 = tpu.memref_slice %arg11[%dma_wait3A_2506, %dma_wait3A_2507] : memref<64x64xf32, #tpu.memory_space<vmem>> -> memref<1x64xf32, #tpu.memory_space<vmem>>
      %dma_wait3A_2509 = arith.constant 0 : i32
      %dma_wait3A_2510 = tpu.memref_slice %arg5[%squeeze3A_1145, %dma_wait3A_2509] : memref<1000000x64xf32, #tpu.memory_space<hbm>> -> memref<1x64xf32, #tpu.memory_space<hbm>>
      tpu.wait_dma2 semaphore(%arg13 : memref<!tpu.dma_semaphore, #tpu.memory_space<semaphore_mem>>) src(%dma_wait3A_2510 : memref<1x64xf32, #tpu.memory_space<hbm>>) dst(%dma_wait3A_2508 : memref<1x64xf32, #tpu.memory_space<vmem>>)
      %dma_wait3A_2511 = arith.constant 47 : i32
      %dma_wait3A_2512 = arith.constant 0 : i32
      %dma_wait3A_2513 = tpu.memref_slice %arg10[%dma_wait3A_2511, %dma_wait3A_2512] : memref<64x64xf32, #tpu.memory_space<vmem>> -> memref<1x64xf32, #tpu.memory_space<vmem>>
      %dma_wait3A_2514 = arith.constant 0 : i32
      %dma_wait3A_2515 = tpu.memref_slice %arg4[%squeeze3A_1157, %dma_wait3A_2514] : memref<1000000x64xf32, #tpu.memory_space<hbm>> -> memref<1x64xf32, #tpu.memory_space<hbm>>
      %dma_wait3A_2516 = arith.constant 47 : i32
      %dma_wait3A_2517 = arith.constant 0 : i32
      %dma_wait3A_2518 = tpu.memref_slice %arg10[%dma_wait3A_2516, %dma_wait3A_2517] : memref<64x64xf32, #tpu.memory_space<vmem>> -> memref<1x64xf32, #tpu.memory_space<vmem>>
      %dma_wait3A_2519 = arith.constant 0 : i32
      %dma_wait3A_2520 = tpu.memref_slice %arg4[%squeeze3A_1157, %dma_wait3A_2519] : memref<1000000x64xf32, #tpu.memory_space<hbm>> -> memref<1x64xf32, #tpu.memory_space<hbm>>
      tpu.wait_dma2 semaphore(%arg12 : memref<!tpu.dma_semaphore, #tpu.memory_space<semaphore_mem>>) src(%dma_wait3A_2520 : memref<1x64xf32, #tpu.memory_space<hbm>>) dst(%dma_wait3A_2518 : memref<1x64xf32, #tpu.memory_space<vmem>>)
      %dma_wait3A_2521 = arith.constant 47 : i32
      %dma_wait3A_2522 = arith.constant 0 : i32
      %dma_wait3A_2523 = tpu.memref_slice %arg11[%dma_wait3A_2521, %dma_wait3A_2522] : memref<64x64xf32, #tpu.memory_space<vmem>> -> memref<1x64xf32, #tpu.memory_space<vmem>>
      %dma_wait3A_2524 = arith.constant 0 : i32
      %dma_wait3A_2525 = tpu.memref_slice %arg5[%squeeze3A_1169, %dma_wait3A_2524] : memref<1000000x64xf32, #tpu.memory_space<hbm>> -> memref<1x64xf32, #tpu.memory_space<hbm>>
      %dma_wait3A_2526 = arith.constant 47 : i32
      %dma_wait3A_2527 = arith.constant 0 : i32
      %dma_wait3A_2528 = tpu.memref_slice %arg11[%dma_wait3A_2526, %dma_wait3A_2527] : memref<64x64xf32, #tpu.memory_space<vmem>> -> memref<1x64xf32, #tpu.memory_space<vmem>>
      %dma_wait3A_2529 = arith.constant 0 : i32
      %dma_wait3A_2530 = tpu.memref_slice %arg5[%squeeze3A_1169, %dma_wait3A_2529] : memref<1000000x64xf32, #tpu.memory_space<hbm>> -> memref<1x64xf32, #tpu.memory_space<hbm>>
      tpu.wait_dma2 semaphore(%arg13 : memref<!tpu.dma_semaphore, #tpu.memory_space<semaphore_mem>>) src(%dma_wait3A_2530 : memref<1x64xf32, #tpu.memory_space<hbm>>) dst(%dma_wait3A_2528 : memref<1x64xf32, #tpu.memory_space<vmem>>)
      %dma_wait3A_2531 = arith.constant 48 : i32
      %dma_wait3A_2532 = arith.constant 0 : i32
      %dma_wait3A_2533 = tpu.memref_slice %arg10[%dma_wait3A_2531, %dma_wait3A_2532] : memref<64x64xf32, #tpu.memory_space<vmem>> -> memref<1x64xf32, #tpu.memory_space<vmem>>
      %dma_wait3A_2534 = arith.constant 0 : i32
      %dma_wait3A_2535 = tpu.memref_slice %arg4[%squeeze3A_1189, %dma_wait3A_2534] : memref<1000000x64xf32, #tpu.memory_space<hbm>> -> memref<1x64xf32, #tpu.memory_space<hbm>>
      %dma_wait3A_2536 = arith.constant 48 : i32
      %dma_wait3A_2537 = arith.constant 0 : i32
      %dma_wait3A_2538 = tpu.memref_slice %arg10[%dma_wait3A_2536, %dma_wait3A_2537] : memref<64x64xf32, #tpu.memory_space<vmem>> -> memref<1x64xf32, #tpu.memory_space<vmem>>
      %dma_wait3A_2539 = arith.constant 0 : i32
      %dma_wait3A_2540 = tpu.memref_slice %arg4[%squeeze3A_1189, %dma_wait3A_2539] : memref<1000000x64xf32, #tpu.memory_space<hbm>> -> memref<1x64xf32, #tpu.memory_space<hbm>>
      tpu.wait_dma2 semaphore(%arg12 : memref<!tpu.dma_semaphore, #tpu.memory_space<semaphore_mem>>) src(%dma_wait3A_2540 : memref<1x64xf32, #tpu.memory_space<hbm>>) dst(%dma_wait3A_2538 : memref<1x64xf32, #tpu.memory_space<vmem>>)
      %dma_wait3A_2541 = arith.constant 48 : i32
      %dma_wait3A_2542 = arith.constant 0 : i32
      %dma_wait3A_2543 = tpu.memref_slice %arg11[%dma_wait3A_2541, %dma_wait3A_2542] : memref<64x64xf32, #tpu.memory_space<vmem>> -> memref<1x64xf32, #tpu.memory_space<vmem>>
      %dma_wait3A_2544 = arith.constant 0 : i32
      %dma_wait3A_2545 = tpu.memref_slice %arg5[%squeeze3A_1201, %dma_wait3A_2544] : memref<1000000x64xf32, #tpu.memory_space<hbm>> -> memref<1x64xf32, #tpu.memory_space<hbm>>
      %dma_wait3A_2546 = arith.constant 48 : i32
      %dma_wait3A_2547 = arith.constant 0 : i32
      %dma_wait3A_2548 = tpu.memref_slice %arg11[%dma_wait3A_2546, %dma_wait3A_2547] : memref<64x64xf32, #tpu.memory_space<vmem>> -> memref<1x64xf32, #tpu.memory_space<vmem>>
      %dma_wait3A_2549 = arith.constant 0 : i32
      %dma_wait3A_2550 = tpu.memref_slice %arg5[%squeeze3A_1201, %dma_wait3A_2549] : memref<1000000x64xf32, #tpu.memory_space<hbm>> -> memref<1x64xf32, #tpu.memory_space<hbm>>
      tpu.wait_dma2 semaphore(%arg13 : memref<!tpu.dma_semaphore, #tpu.memory_space<semaphore_mem>>) src(%dma_wait3A_2550 : memref<1x64xf32, #tpu.memory_space<hbm>>) dst(%dma_wait3A_2548 : memref<1x64xf32, #tpu.memory_space<vmem>>)
      %dma_wait3A_2551 = arith.constant 49 : i32
      %dma_wait3A_2552 = arith.constant 0 : i32
      %dma_wait3A_2553 = tpu.memref_slice %arg10[%dma_wait3A_2551, %dma_wait3A_2552] : memref<64x64xf32, #tpu.memory_space<vmem>> -> memref<1x64xf32, #tpu.memory_space<vmem>>
      %dma_wait3A_2554 = arith.constant 0 : i32
      %dma_wait3A_2555 = tpu.memref_slice %arg4[%squeeze3A_1213, %dma_wait3A_2554] : memref<1000000x64xf32, #tpu.memory_space<hbm>> -> memref<1x64xf32, #tpu.memory_space<hbm>>
      %dma_wait3A_2556 = arith.constant 49 : i32
      %dma_wait3A_2557 = arith.constant 0 : i32
      %dma_wait3A_2558 = tpu.memref_slice %arg10[%dma_wait3A_2556, %dma_wait3A_2557] : memref<64x64xf32, #tpu.memory_space<vmem>> -> memref<1x64xf32, #tpu.memory_space<vmem>>
      %dma_wait3A_2559 = arith.constant 0 : i32
      %dma_wait3A_2560 = tpu.memref_slice %arg4[%squeeze3A_1213, %dma_wait3A_2559] : memref<1000000x64xf32, #tpu.memory_space<hbm>> -> memref<1x64xf32, #tpu.memory_space<hbm>>
      tpu.wait_dma2 semaphore(%arg12 : memref<!tpu.dma_semaphore, #tpu.memory_space<semaphore_mem>>) src(%dma_wait3A_2560 : memref<1x64xf32, #tpu.memory_space<hbm>>) dst(%dma_wait3A_2558 : memref<1x64xf32, #tpu.memory_space<vmem>>)
      %dma_wait3A_2561 = arith.constant 49 : i32
      %dma_wait3A_2562 = arith.constant 0 : i32
      %dma_wait3A_2563 = tpu.memref_slice %arg11[%dma_wait3A_2561, %dma_wait3A_2562] : memref<64x64xf32, #tpu.memory_space<vmem>> -> memref<1x64xf32, #tpu.memory_space<vmem>>
      %dma_wait3A_2564 = arith.constant 0 : i32
      %dma_wait3A_2565 = tpu.memref_slice %arg5[%squeeze3A_1225, %dma_wait3A_2564] : memref<1000000x64xf32, #tpu.memory_space<hbm>> -> memref<1x64xf32, #tpu.memory_space<hbm>>
      %dma_wait3A_2566 = arith.constant 49 : i32
      %dma_wait3A_2567 = arith.constant 0 : i32
      %dma_wait3A_2568 = tpu.memref_slice %arg11[%dma_wait3A_2566, %dma_wait3A_2567] : memref<64x64xf32, #tpu.memory_space<vmem>> -> memref<1x64xf32, #tpu.memory_space<vmem>>
      %dma_wait3A_2569 = arith.constant 0 : i32
      %dma_wait3A_2570 = tpu.memref_slice %arg5[%squeeze3A_1225, %dma_wait3A_2569] : memref<1000000x64xf32, #tpu.memory_space<hbm>> -> memref<1x64xf32, #tpu.memory_space<hbm>>
      tpu.wait_dma2 semaphore(%arg13 : memref<!tpu.dma_semaphore, #tpu.memory_space<semaphore_mem>>) src(%dma_wait3A_2570 : memref<1x64xf32, #tpu.memory_space<hbm>>) dst(%dma_wait3A_2568 : memref<1x64xf32, #tpu.memory_space<vmem>>)
      %dma_wait3A_2571 = arith.constant 50 : i32
      %dma_wait3A_2572 = arith.constant 0 : i32
      %dma_wait3A_2573 = tpu.memref_slice %arg10[%dma_wait3A_2571, %dma_wait3A_2572] : memref<64x64xf32, #tpu.memory_space<vmem>> -> memref<1x64xf32, #tpu.memory_space<vmem>>
      %dma_wait3A_2574 = arith.constant 0 : i32
      %dma_wait3A_2575 = tpu.memref_slice %arg4[%squeeze3A_1237, %dma_wait3A_2574] : memref<1000000x64xf32, #tpu.memory_space<hbm>> -> memref<1x64xf32, #tpu.memory_space<hbm>>
      %dma_wait3A_2576 = arith.constant 50 : i32
      %dma_wait3A_2577 = arith.constant 0 : i32
      %dma_wait3A_2578 = tpu.memref_slice %arg10[%dma_wait3A_2576, %dma_wait3A_2577] : memref<64x64xf32, #tpu.memory_space<vmem>> -> memref<1x64xf32, #tpu.memory_space<vmem>>
      %dma_wait3A_2579 = arith.constant 0 : i32
      %dma_wait3A_2580 = tpu.memref_slice %arg4[%squeeze3A_1237, %dma_wait3A_2579] : memref<1000000x64xf32, #tpu.memory_space<hbm>> -> memref<1x64xf32, #tpu.memory_space<hbm>>
      tpu.wait_dma2 semaphore(%arg12 : memref<!tpu.dma_semaphore, #tpu.memory_space<semaphore_mem>>) src(%dma_wait3A_2580 : memref<1x64xf32, #tpu.memory_space<hbm>>) dst(%dma_wait3A_2578 : memref<1x64xf32, #tpu.memory_space<vmem>>)
      %dma_wait3A_2581 = arith.constant 50 : i32
      %dma_wait3A_2582 = arith.constant 0 : i32
      %dma_wait3A_2583 = tpu.memref_slice %arg11[%dma_wait3A_2581, %dma_wait3A_2582] : memref<64x64xf32, #tpu.memory_space<vmem>> -> memref<1x64xf32, #tpu.memory_space<vmem>>
      %dma_wait3A_2584 = arith.constant 0 : i32
      %dma_wait3A_2585 = tpu.memref_slice %arg5[%squeeze3A_1249, %dma_wait3A_2584] : memref<1000000x64xf32, #tpu.memory_space<hbm>> -> memref<1x64xf32, #tpu.memory_space<hbm>>
      %dma_wait3A_2586 = arith.constant 50 : i32
      %dma_wait3A_2587 = arith.constant 0 : i32
      %dma_wait3A_2588 = tpu.memref_slice %arg11[%dma_wait3A_2586, %dma_wait3A_2587] : memref<64x64xf32, #tpu.memory_space<vmem>> -> memref<1x64xf32, #tpu.memory_space<vmem>>
      %dma_wait3A_2589 = arith.constant 0 : i32
      %dma_wait3A_2590 = tpu.memref_slice %arg5[%squeeze3A_1249, %dma_wait3A_2589] : memref<1000000x64xf32, #tpu.memory_space<hbm>> -> memref<1x64xf32, #tpu.memory_space<hbm>>
      tpu.wait_dma2 semaphore(%arg13 : memref<!tpu.dma_semaphore, #tpu.memory_space<semaphore_mem>>) src(%dma_wait3A_2590 : memref<1x64xf32, #tpu.memory_space<hbm>>) dst(%dma_wait3A_2588 : memref<1x64xf32, #tpu.memory_space<vmem>>)
      %dma_wait3A_2591 = arith.constant 51 : i32
      %dma_wait3A_2592 = arith.constant 0 : i32
      %dma_wait3A_2593 = tpu.memref_slice %arg10[%dma_wait3A_2591, %dma_wait3A_2592] : memref<64x64xf32, #tpu.memory_space<vmem>> -> memref<1x64xf32, #tpu.memory_space<vmem>>
      %dma_wait3A_2594 = arith.constant 0 : i32
      %dma_wait3A_2595 = tpu.memref_slice %arg4[%squeeze3A_1261, %dma_wait3A_2594] : memref<1000000x64xf32, #tpu.memory_space<hbm>> -> memref<1x64xf32, #tpu.memory_space<hbm>>
      %dma_wait3A_2596 = arith.constant 51 : i32
      %dma_wait3A_2597 = arith.constant 0 : i32
      %dma_wait3A_2598 = tpu.memref_slice %arg10[%dma_wait3A_2596, %dma_wait3A_2597] : memref<64x64xf32, #tpu.memory_space<vmem>> -> memref<1x64xf32, #tpu.memory_space<vmem>>
      %dma_wait3A_2599 = arith.constant 0 : i32
      %dma_wait3A_2600 = tpu.memref_slice %arg4[%squeeze3A_1261, %dma_wait3A_2599] : memref<1000000x64xf32, #tpu.memory_space<hbm>> -> memref<1x64xf32, #tpu.memory_space<hbm>>
      tpu.wait_dma2 semaphore(%arg12 : memref<!tpu.dma_semaphore, #tpu.memory_space<semaphore_mem>>) src(%dma_wait3A_2600 : memref<1x64xf32, #tpu.memory_space<hbm>>) dst(%dma_wait3A_2598 : memref<1x64xf32, #tpu.memory_space<vmem>>)
      %dma_wait3A_2601 = arith.constant 51 : i32
      %dma_wait3A_2602 = arith.constant 0 : i32
      %dma_wait3A_2603 = tpu.memref_slice %arg11[%dma_wait3A_2601, %dma_wait3A_2602] : memref<64x64xf32, #tpu.memory_space<vmem>> -> memref<1x64xf32, #tpu.memory_space<vmem>>
      %dma_wait3A_2604 = arith.constant 0 : i32
      %dma_wait3A_2605 = tpu.memref_slice %arg5[%squeeze3A_1273, %dma_wait3A_2604] : memref<1000000x64xf32, #tpu.memory_space<hbm>> -> memref<1x64xf32, #tpu.memory_space<hbm>>
      %dma_wait3A_2606 = arith.constant 51 : i32
      %dma_wait3A_2607 = arith.constant 0 : i32
      %dma_wait3A_2608 = tpu.memref_slice %arg11[%dma_wait3A_2606, %dma_wait3A_2607] : memref<64x64xf32, #tpu.memory_space<vmem>> -> memref<1x64xf32, #tpu.memory_space<vmem>>
      %dma_wait3A_2609 = arith.constant 0 : i32
      %dma_wait3A_2610 = tpu.memref_slice %arg5[%squeeze3A_1273, %dma_wait3A_2609] : memref<1000000x64xf32, #tpu.memory_space<hbm>> -> memref<1x64xf32, #tpu.memory_space<hbm>>
      tpu.wait_dma2 semaphore(%arg13 : memref<!tpu.dma_semaphore, #tpu.memory_space<semaphore_mem>>) src(%dma_wait3A_2610 : memref<1x64xf32, #tpu.memory_space<hbm>>) dst(%dma_wait3A_2608 : memref<1x64xf32, #tpu.memory_space<vmem>>)
      %dma_wait3A_2611 = arith.constant 52 : i32
      %dma_wait3A_2612 = arith.constant 0 : i32
      %dma_wait3A_2613 = tpu.memref_slice %arg10[%dma_wait3A_2611, %dma_wait3A_2612] : memref<64x64xf32, #tpu.memory_space<vmem>> -> memref<1x64xf32, #tpu.memory_space<vmem>>
      %dma_wait3A_2614 = arith.constant 0 : i32
      %dma_wait3A_2615 = tpu.memref_slice %arg4[%squeeze3A_1285, %dma_wait3A_2614] : memref<1000000x64xf32, #tpu.memory_space<hbm>> -> memref<1x64xf32, #tpu.memory_space<hbm>>
      %dma_wait3A_2616 = arith.constant 52 : i32
      %dma_wait3A_2617 = arith.constant 0 : i32
      %dma_wait3A_2618 = tpu.memref_slice %arg10[%dma_wait3A_2616, %dma_wait3A_2617] : memref<64x64xf32, #tpu.memory_space<vmem>> -> memref<1x64xf32, #tpu.memory_space<vmem>>
      %dma_wait3A_2619 = arith.constant 0 : i32
      %dma_wait3A_2620 = tpu.memref_slice %arg4[%squeeze3A_1285, %dma_wait3A_2619] : memref<1000000x64xf32, #tpu.memory_space<hbm>> -> memref<1x64xf32, #tpu.memory_space<hbm>>
      tpu.wait_dma2 semaphore(%arg12 : memref<!tpu.dma_semaphore, #tpu.memory_space<semaphore_mem>>) src(%dma_wait3A_2620 : memref<1x64xf32, #tpu.memory_space<hbm>>) dst(%dma_wait3A_2618 : memref<1x64xf32, #tpu.memory_space<vmem>>)
      %dma_wait3A_2621 = arith.constant 52 : i32
      %dma_wait3A_2622 = arith.constant 0 : i32
      %dma_wait3A_2623 = tpu.memref_slice %arg11[%dma_wait3A_2621, %dma_wait3A_2622] : memref<64x64xf32, #tpu.memory_space<vmem>> -> memref<1x64xf32, #tpu.memory_space<vmem>>
      %dma_wait3A_2624 = arith.constant 0 : i32
      %dma_wait3A_2625 = tpu.memref_slice %arg5[%squeeze3A_1297, %dma_wait3A_2624] : memref<1000000x64xf32, #tpu.memory_space<hbm>> -> memref<1x64xf32, #tpu.memory_space<hbm>>
      %dma_wait3A_2626 = arith.constant 52 : i32
      %dma_wait3A_2627 = arith.constant 0 : i32
      %dma_wait3A_2628 = tpu.memref_slice %arg11[%dma_wait3A_2626, %dma_wait3A_2627] : memref<64x64xf32, #tpu.memory_space<vmem>> -> memref<1x64xf32, #tpu.memory_space<vmem>>
      %dma_wait3A_2629 = arith.constant 0 : i32
      %dma_wait3A_2630 = tpu.memref_slice %arg5[%squeeze3A_1297, %dma_wait3A_2629] : memref<1000000x64xf32, #tpu.memory_space<hbm>> -> memref<1x64xf32, #tpu.memory_space<hbm>>
      tpu.wait_dma2 semaphore(%arg13 : memref<!tpu.dma_semaphore, #tpu.memory_space<semaphore_mem>>) src(%dma_wait3A_2630 : memref<1x64xf32, #tpu.memory_space<hbm>>) dst(%dma_wait3A_2628 : memref<1x64xf32, #tpu.memory_space<vmem>>)
      %dma_wait3A_2631 = arith.constant 53 : i32
      %dma_wait3A_2632 = arith.constant 0 : i32
      %dma_wait3A_2633 = tpu.memref_slice %arg10[%dma_wait3A_2631, %dma_wait3A_2632] : memref<64x64xf32, #tpu.memory_space<vmem>> -> memref<1x64xf32, #tpu.memory_space<vmem>>
      %dma_wait3A_2634 = arith.constant 0 : i32
      %dma_wait3A_2635 = tpu.memref_slice %arg4[%squeeze3A_1309, %dma_wait3A_2634] : memref<1000000x64xf32, #tpu.memory_space<hbm>> -> memref<1x64xf32, #tpu.memory_space<hbm>>
      %dma_wait3A_2636 = arith.constant 53 : i32
      %dma_wait3A_2637 = arith.constant 0 : i32
      %dma_wait3A_2638 = tpu.memref_slice %arg10[%dma_wait3A_2636, %dma_wait3A_2637] : memref<64x64xf32, #tpu.memory_space<vmem>> -> memref<1x64xf32, #tpu.memory_space<vmem>>
      %dma_wait3A_2639 = arith.constant 0 : i32
      %dma_wait3A_2640 = tpu.memref_slice %arg4[%squeeze3A_1309, %dma_wait3A_2639] : memref<1000000x64xf32, #tpu.memory_space<hbm>> -> memref<1x64xf32, #tpu.memory_space<hbm>>
      tpu.wait_dma2 semaphore(%arg12 : memref<!tpu.dma_semaphore, #tpu.memory_space<semaphore_mem>>) src(%dma_wait3A_2640 : memref<1x64xf32, #tpu.memory_space<hbm>>) dst(%dma_wait3A_2638 : memref<1x64xf32, #tpu.memory_space<vmem>>)
      %dma_wait3A_2641 = arith.constant 53 : i32
      %dma_wait3A_2642 = arith.constant 0 : i32
      %dma_wait3A_2643 = tpu.memref_slice %arg11[%dma_wait3A_2641, %dma_wait3A_2642] : memref<64x64xf32, #tpu.memory_space<vmem>> -> memref<1x64xf32, #tpu.memory_space<vmem>>
      %dma_wait3A_2644 = arith.constant 0 : i32
      %dma_wait3A_2645 = tpu.memref_slice %arg5[%squeeze3A_1321, %dma_wait3A_2644] : memref<1000000x64xf32, #tpu.memory_space<hbm>> -> memref<1x64xf32, #tpu.memory_space<hbm>>
      %dma_wait3A_2646 = arith.constant 53 : i32
      %dma_wait3A_2647 = arith.constant 0 : i32
      %dma_wait3A_2648 = tpu.memref_slice %arg11[%dma_wait3A_2646, %dma_wait3A_2647] : memref<64x64xf32, #tpu.memory_space<vmem>> -> memref<1x64xf32, #tpu.memory_space<vmem>>
      %dma_wait3A_2649 = arith.constant 0 : i32
      %dma_wait3A_2650 = tpu.memref_slice %arg5[%squeeze3A_1321, %dma_wait3A_2649] : memref<1000000x64xf32, #tpu.memory_space<hbm>> -> memref<1x64xf32, #tpu.memory_space<hbm>>
      tpu.wait_dma2 semaphore(%arg13 : memref<!tpu.dma_semaphore, #tpu.memory_space<semaphore_mem>>) src(%dma_wait3A_2650 : memref<1x64xf32, #tpu.memory_space<hbm>>) dst(%dma_wait3A_2648 : memref<1x64xf32, #tpu.memory_space<vmem>>)
      %dma_wait3A_2651 = arith.constant 54 : i32
      %dma_wait3A_2652 = arith.constant 0 : i32
      %dma_wait3A_2653 = tpu.memref_slice %arg10[%dma_wait3A_2651, %dma_wait3A_2652] : memref<64x64xf32, #tpu.memory_space<vmem>> -> memref<1x64xf32, #tpu.memory_space<vmem>>
      %dma_wait3A_2654 = arith.constant 0 : i32
      %dma_wait3A_2655 = tpu.memref_slice %arg4[%squeeze3A_1333, %dma_wait3A_2654] : memref<1000000x64xf32, #tpu.memory_space<hbm>> -> memref<1x64xf32, #tpu.memory_space<hbm>>
      %dma_wait3A_2656 = arith.constant 54 : i32
      %dma_wait3A_2657 = arith.constant 0 : i32
      %dma_wait3A_2658 = tpu.memref_slice %arg10[%dma_wait3A_2656, %dma_wait3A_2657] : memref<64x64xf32, #tpu.memory_space<vmem>> -> memref<1x64xf32, #tpu.memory_space<vmem>>
      %dma_wait3A_2659 = arith.constant 0 : i32
      %dma_wait3A_2660 = tpu.memref_slice %arg4[%squeeze3A_1333, %dma_wait3A_2659] : memref<1000000x64xf32, #tpu.memory_space<hbm>> -> memref<1x64xf32, #tpu.memory_space<hbm>>
      tpu.wait_dma2 semaphore(%arg12 : memref<!tpu.dma_semaphore, #tpu.memory_space<semaphore_mem>>) src(%dma_wait3A_2660 : memref<1x64xf32, #tpu.memory_space<hbm>>) dst(%dma_wait3A_2658 : memref<1x64xf32, #tpu.memory_space<vmem>>)
      %dma_wait3A_2661 = arith.constant 54 : i32
      %dma_wait3A_2662 = arith.constant 0 : i32
      %dma_wait3A_2663 = tpu.memref_slice %arg11[%dma_wait3A_2661, %dma_wait3A_2662] : memref<64x64xf32, #tpu.memory_space<vmem>> -> memref<1x64xf32, #tpu.memory_space<vmem>>
      %dma_wait3A_2664 = arith.constant 0 : i32
      %dma_wait3A_2665 = tpu.memref_slice %arg5[%squeeze3A_1345, %dma_wait3A_2664] : memref<1000000x64xf32, #tpu.memory_space<hbm>> -> memref<1x64xf32, #tpu.memory_space<hbm>>
      %dma_wait3A_2666 = arith.constant 54 : i32
      %dma_wait3A_2667 = arith.constant 0 : i32
      %dma_wait3A_2668 = tpu.memref_slice %arg11[%dma_wait3A_2666, %dma_wait3A_2667] : memref<64x64xf32, #tpu.memory_space<vmem>> -> memref<1x64xf32, #tpu.memory_space<vmem>>
      %dma_wait3A_2669 = arith.constant 0 : i32
      %dma_wait3A_2670 = tpu.memref_slice %arg5[%squeeze3A_1345, %dma_wait3A_2669] : memref<1000000x64xf32, #tpu.memory_space<hbm>> -> memref<1x64xf32, #tpu.memory_space<hbm>>
      tpu.wait_dma2 semaphore(%arg13 : memref<!tpu.dma_semaphore, #tpu.memory_space<semaphore_mem>>) src(%dma_wait3A_2670 : memref<1x64xf32, #tpu.memory_space<hbm>>) dst(%dma_wait3A_2668 : memref<1x64xf32, #tpu.memory_space<vmem>>)
      %dma_wait3A_2671 = arith.constant 55 : i32
      %dma_wait3A_2672 = arith.constant 0 : i32
      %dma_wait3A_2673 = tpu.memref_slice %arg10[%dma_wait3A_2671, %dma_wait3A_2672] : memref<64x64xf32, #tpu.memory_space<vmem>> -> memref<1x64xf32, #tpu.memory_space<vmem>>
      %dma_wait3A_2674 = arith.constant 0 : i32
      %dma_wait3A_2675 = tpu.memref_slice %arg4[%squeeze3A_1357, %dma_wait3A_2674] : memref<1000000x64xf32, #tpu.memory_space<hbm>> -> memref<1x64xf32, #tpu.memory_space<hbm>>
      %dma_wait3A_2676 = arith.constant 55 : i32
      %dma_wait3A_2677 = arith.constant 0 : i32
      %dma_wait3A_2678 = tpu.memref_slice %arg10[%dma_wait3A_2676, %dma_wait3A_2677] : memref<64x64xf32, #tpu.memory_space<vmem>> -> memref<1x64xf32, #tpu.memory_space<vmem>>
      %dma_wait3A_2679 = arith.constant 0 : i32
      %dma_wait3A_2680 = tpu.memref_slice %arg4[%squeeze3A_1357, %dma_wait3A_2679] : memref<1000000x64xf32, #tpu.memory_space<hbm>> -> memref<1x64xf32, #tpu.memory_space<hbm>>
      tpu.wait_dma2 semaphore(%arg12 : memref<!tpu.dma_semaphore, #tpu.memory_space<semaphore_mem>>) src(%dma_wait3A_2680 : memref<1x64xf32, #tpu.memory_space<hbm>>) dst(%dma_wait3A_2678 : memref<1x64xf32, #tpu.memory_space<vmem>>)
      %dma_wait3A_2681 = arith.constant 55 : i32
      %dma_wait3A_2682 = arith.constant 0 : i32
      %dma_wait3A_2683 = tpu.memref_slice %arg11[%dma_wait3A_2681, %dma_wait3A_2682] : memref<64x64xf32, #tpu.memory_space<vmem>> -> memref<1x64xf32, #tpu.memory_space<vmem>>
      %dma_wait3A_2684 = arith.constant 0 : i32
      %dma_wait3A_2685 = tpu.memref_slice %arg5[%squeeze3A_1369, %dma_wait3A_2684] : memref<1000000x64xf32, #tpu.memory_space<hbm>> -> memref<1x64xf32, #tpu.memory_space<hbm>>
      %dma_wait3A_2686 = arith.constant 55 : i32
      %dma_wait3A_2687 = arith.constant 0 : i32
      %dma_wait3A_2688 = tpu.memref_slice %arg11[%dma_wait3A_2686, %dma_wait3A_2687] : memref<64x64xf32, #tpu.memory_space<vmem>> -> memref<1x64xf32, #tpu.memory_space<vmem>>
      %dma_wait3A_2689 = arith.constant 0 : i32
      %dma_wait3A_2690 = tpu.memref_slice %arg5[%squeeze3A_1369, %dma_wait3A_2689] : memref<1000000x64xf32, #tpu.memory_space<hbm>> -> memref<1x64xf32, #tpu.memory_space<hbm>>
      tpu.wait_dma2 semaphore(%arg13 : memref<!tpu.dma_semaphore, #tpu.memory_space<semaphore_mem>>) src(%dma_wait3A_2690 : memref<1x64xf32, #tpu.memory_space<hbm>>) dst(%dma_wait3A_2688 : memref<1x64xf32, #tpu.memory_space<vmem>>)
      %dma_wait3A_2691 = arith.constant 56 : i32
      %dma_wait3A_2692 = arith.constant 0 : i32
      %dma_wait3A_2693 = tpu.memref_slice %arg10[%dma_wait3A_2691, %dma_wait3A_2692] : memref<64x64xf32, #tpu.memory_space<vmem>> -> memref<1x64xf32, #tpu.memory_space<vmem>>
      %dma_wait3A_2694 = arith.constant 0 : i32
      %dma_wait3A_2695 = tpu.memref_slice %arg4[%squeeze3A_1381, %dma_wait3A_2694] : memref<1000000x64xf32, #tpu.memory_space<hbm>> -> memref<1x64xf32, #tpu.memory_space<hbm>>
      %dma_wait3A_2696 = arith.constant 56 : i32
      %dma_wait3A_2697 = arith.constant 0 : i32
      %dma_wait3A_2698 = tpu.memref_slice %arg10[%dma_wait3A_2696, %dma_wait3A_2697] : memref<64x64xf32, #tpu.memory_space<vmem>> -> memref<1x64xf32, #tpu.memory_space<vmem>>
      %dma_wait3A_2699 = arith.constant 0 : i32
      %dma_wait3A_2700 = tpu.memref_slice %arg4[%squeeze3A_1381, %dma_wait3A_2699] : memref<1000000x64xf32, #tpu.memory_space<hbm>> -> memref<1x64xf32, #tpu.memory_space<hbm>>
      tpu.wait_dma2 semaphore(%arg12 : memref<!tpu.dma_semaphore, #tpu.memory_space<semaphore_mem>>) src(%dma_wait3A_2700 : memref<1x64xf32, #tpu.memory_space<hbm>>) dst(%dma_wait3A_2698 : memref<1x64xf32, #tpu.memory_space<vmem>>)
      %dma_wait3A_2701 = arith.constant 56 : i32
      %dma_wait3A_2702 = arith.constant 0 : i32
      %dma_wait3A_2703 = tpu.memref_slice %arg11[%dma_wait3A_2701, %dma_wait3A_2702] : memref<64x64xf32, #tpu.memory_space<vmem>> -> memref<1x64xf32, #tpu.memory_space<vmem>>
      %dma_wait3A_2704 = arith.constant 0 : i32
      %dma_wait3A_2705 = tpu.memref_slice %arg5[%squeeze3A_1393, %dma_wait3A_2704] : memref<1000000x64xf32, #tpu.memory_space<hbm>> -> memref<1x64xf32, #tpu.memory_space<hbm>>
      %dma_wait3A_2706 = arith.constant 56 : i32
      %dma_wait3A_2707 = arith.constant 0 : i32
      %dma_wait3A_2708 = tpu.memref_slice %arg11[%dma_wait3A_2706, %dma_wait3A_2707] : memref<64x64xf32, #tpu.memory_space<vmem>> -> memref<1x64xf32, #tpu.memory_space<vmem>>
      %dma_wait3A_2709 = arith.constant 0 : i32
      %dma_wait3A_2710 = tpu.memref_slice %arg5[%squeeze3A_1393, %dma_wait3A_2709] : memref<1000000x64xf32, #tpu.memory_space<hbm>> -> memref<1x64xf32, #tpu.memory_space<hbm>>
      tpu.wait_dma2 semaphore(%arg13 : memref<!tpu.dma_semaphore, #tpu.memory_space<semaphore_mem>>) src(%dma_wait3A_2710 : memref<1x64xf32, #tpu.memory_space<hbm>>) dst(%dma_wait3A_2708 : memref<1x64xf32, #tpu.memory_space<vmem>>)
      %dma_wait3A_2711 = arith.constant 57 : i32
      %dma_wait3A_2712 = arith.constant 0 : i32
      %dma_wait3A_2713 = tpu.memref_slice %arg10[%dma_wait3A_2711, %dma_wait3A_2712] : memref<64x64xf32, #tpu.memory_space<vmem>> -> memref<1x64xf32, #tpu.memory_space<vmem>>
      %dma_wait3A_2714 = arith.constant 0 : i32
      %dma_wait3A_2715 = tpu.memref_slice %arg4[%squeeze3A_1405, %dma_wait3A_2714] : memref<1000000x64xf32, #tpu.memory_space<hbm>> -> memref<1x64xf32, #tpu.memory_space<hbm>>
      %dma_wait3A_2716 = arith.constant 57 : i32
      %dma_wait3A_2717 = arith.constant 0 : i32
      %dma_wait3A_2718 = tpu.memref_slice %arg10[%dma_wait3A_2716, %dma_wait3A_2717] : memref<64x64xf32, #tpu.memory_space<vmem>> -> memref<1x64xf32, #tpu.memory_space<vmem>>
      %dma_wait3A_2719 = arith.constant 0 : i32
      %dma_wait3A_2720 = tpu.memref_slice %arg4[%squeeze3A_1405, %dma_wait3A_2719] : memref<1000000x64xf32, #tpu.memory_space<hbm>> -> memref<1x64xf32, #tpu.memory_space<hbm>>
      tpu.wait_dma2 semaphore(%arg12 : memref<!tpu.dma_semaphore, #tpu.memory_space<semaphore_mem>>) src(%dma_wait3A_2720 : memref<1x64xf32, #tpu.memory_space<hbm>>) dst(%dma_wait3A_2718 : memref<1x64xf32, #tpu.memory_space<vmem>>)
      %dma_wait3A_2721 = arith.constant 57 : i32
      %dma_wait3A_2722 = arith.constant 0 : i32
      %dma_wait3A_2723 = tpu.memref_slice %arg11[%dma_wait3A_2721, %dma_wait3A_2722] : memref<64x64xf32, #tpu.memory_space<vmem>> -> memref<1x64xf32, #tpu.memory_space<vmem>>
      %dma_wait3A_2724 = arith.constant 0 : i32
      %dma_wait3A_2725 = tpu.memref_slice %arg5[%squeeze3A_1417, %dma_wait3A_2724] : memref<1000000x64xf32, #tpu.memory_space<hbm>> -> memref<1x64xf32, #tpu.memory_space<hbm>>
      %dma_wait3A_2726 = arith.constant 57 : i32
      %dma_wait3A_2727 = arith.constant 0 : i32
      %dma_wait3A_2728 = tpu.memref_slice %arg11[%dma_wait3A_2726, %dma_wait3A_2727] : memref<64x64xf32, #tpu.memory_space<vmem>> -> memref<1x64xf32, #tpu.memory_space<vmem>>
      %dma_wait3A_2729 = arith.constant 0 : i32
      %dma_wait3A_2730 = tpu.memref_slice %arg5[%squeeze3A_1417, %dma_wait3A_2729] : memref<1000000x64xf32, #tpu.memory_space<hbm>> -> memref<1x64xf32, #tpu.memory_space<hbm>>
      tpu.wait_dma2 semaphore(%arg13 : memref<!tpu.dma_semaphore, #tpu.memory_space<semaphore_mem>>) src(%dma_wait3A_2730 : memref<1x64xf32, #tpu.memory_space<hbm>>) dst(%dma_wait3A_2728 : memref<1x64xf32, #tpu.memory_space<vmem>>)
      %dma_wait3A_2731 = arith.constant 58 : i32
      %dma_wait3A_2732 = arith.constant 0 : i32
      %dma_wait3A_2733 = tpu.memref_slice %arg10[%dma_wait3A_2731, %dma_wait3A_2732] : memref<64x64xf32, #tpu.memory_space<vmem>> -> memref<1x64xf32, #tpu.memory_space<vmem>>
      %dma_wait3A_2734 = arith.constant 0 : i32
      %dma_wait3A_2735 = tpu.memref_slice %arg4[%squeeze3A_1429, %dma_wait3A_2734] : memref<1000000x64xf32, #tpu.memory_space<hbm>> -> memref<1x64xf32, #tpu.memory_space<hbm>>
      %dma_wait3A_2736 = arith.constant 58 : i32
      %dma_wait3A_2737 = arith.constant 0 : i32
      %dma_wait3A_2738 = tpu.memref_slice %arg10[%dma_wait3A_2736, %dma_wait3A_2737] : memref<64x64xf32, #tpu.memory_space<vmem>> -> memref<1x64xf32, #tpu.memory_space<vmem>>
      %dma_wait3A_2739 = arith.constant 0 : i32
      %dma_wait3A_2740 = tpu.memref_slice %arg4[%squeeze3A_1429, %dma_wait3A_2739] : memref<1000000x64xf32, #tpu.memory_space<hbm>> -> memref<1x64xf32, #tpu.memory_space<hbm>>
      tpu.wait_dma2 semaphore(%arg12 : memref<!tpu.dma_semaphore, #tpu.memory_space<semaphore_mem>>) src(%dma_wait3A_2740 : memref<1x64xf32, #tpu.memory_space<hbm>>) dst(%dma_wait3A_2738 : memref<1x64xf32, #tpu.memory_space<vmem>>)
      %dma_wait3A_2741 = arith.constant 58 : i32
      %dma_wait3A_2742 = arith.constant 0 : i32
      %dma_wait3A_2743 = tpu.memref_slice %arg11[%dma_wait3A_2741, %dma_wait3A_2742] : memref<64x64xf32, #tpu.memory_space<vmem>> -> memref<1x64xf32, #tpu.memory_space<vmem>>
      %dma_wait3A_2744 = arith.constant 0 : i32
      %dma_wait3A_2745 = tpu.memref_slice %arg5[%squeeze3A_1441, %dma_wait3A_2744] : memref<1000000x64xf32, #tpu.memory_space<hbm>> -> memref<1x64xf32, #tpu.memory_space<hbm>>
      %dma_wait3A_2746 = arith.constant 58 : i32
      %dma_wait3A_2747 = arith.constant 0 : i32
      %dma_wait3A_2748 = tpu.memref_slice %arg11[%dma_wait3A_2746, %dma_wait3A_2747] : memref<64x64xf32, #tpu.memory_space<vmem>> -> memref<1x64xf32, #tpu.memory_space<vmem>>
      %dma_wait3A_2749 = arith.constant 0 : i32
      %dma_wait3A_2750 = tpu.memref_slice %arg5[%squeeze3A_1441, %dma_wait3A_2749] : memref<1000000x64xf32, #tpu.memory_space<hbm>> -> memref<1x64xf32, #tpu.memory_space<hbm>>
      tpu.wait_dma2 semaphore(%arg13 : memref<!tpu.dma_semaphore, #tpu.memory_space<semaphore_mem>>) src(%dma_wait3A_2750 : memref<1x64xf32, #tpu.memory_space<hbm>>) dst(%dma_wait3A_2748 : memref<1x64xf32, #tpu.memory_space<vmem>>)
      %dma_wait3A_2751 = arith.constant 59 : i32
      %dma_wait3A_2752 = arith.constant 0 : i32
      %dma_wait3A_2753 = tpu.memref_slice %arg10[%dma_wait3A_2751, %dma_wait3A_2752] : memref<64x64xf32, #tpu.memory_space<vmem>> -> memref<1x64xf32, #tpu.memory_space<vmem>>
      %dma_wait3A_2754 = arith.constant 0 : i32
      %dma_wait3A_2755 = tpu.memref_slice %arg4[%squeeze3A_1453, %dma_wait3A_2754] : memref<1000000x64xf32, #tpu.memory_space<hbm>> -> memref<1x64xf32, #tpu.memory_space<hbm>>
      %dma_wait3A_2756 = arith.constant 59 : i32
      %dma_wait3A_2757 = arith.constant 0 : i32
      %dma_wait3A_2758 = tpu.memref_slice %arg10[%dma_wait3A_2756, %dma_wait3A_2757] : memref<64x64xf32, #tpu.memory_space<vmem>> -> memref<1x64xf32, #tpu.memory_space<vmem>>
      %dma_wait3A_2759 = arith.constant 0 : i32
      %dma_wait3A_2760 = tpu.memref_slice %arg4[%squeeze3A_1453, %dma_wait3A_2759] : memref<1000000x64xf32, #tpu.memory_space<hbm>> -> memref<1x64xf32, #tpu.memory_space<hbm>>
      tpu.wait_dma2 semaphore(%arg12 : memref<!tpu.dma_semaphore, #tpu.memory_space<semaphore_mem>>) src(%dma_wait3A_2760 : memref<1x64xf32, #tpu.memory_space<hbm>>) dst(%dma_wait3A_2758 : memref<1x64xf32, #tpu.memory_space<vmem>>)
      %dma_wait3A_2761 = arith.constant 59 : i32
      %dma_wait3A_2762 = arith.constant 0 : i32
      %dma_wait3A_2763 = tpu.memref_slice %arg11[%dma_wait3A_2761, %dma_wait3A_2762] : memref<64x64xf32, #tpu.memory_space<vmem>> -> memref<1x64xf32, #tpu.memory_space<vmem>>
      %dma_wait3A_2764 = arith.constant 0 : i32
      %dma_wait3A_2765 = tpu.memref_slice %arg5[%squeeze3A_1465, %dma_wait3A_2764] : memref<1000000x64xf32, #tpu.memory_space<hbm>> -> memref<1x64xf32, #tpu.memory_space<hbm>>
      %dma_wait3A_2766 = arith.constant 59 : i32
      %dma_wait3A_2767 = arith.constant 0 : i32
      %dma_wait3A_2768 = tpu.memref_slice %arg11[%dma_wait3A_2766, %dma_wait3A_2767] : memref<64x64xf32, #tpu.memory_space<vmem>> -> memref<1x64xf32, #tpu.memory_space<vmem>>
      %dma_wait3A_2769 = arith.constant 0 : i32
      %dma_wait3A_2770 = tpu.memref_slice %arg5[%squeeze3A_1465, %dma_wait3A_2769] : memref<1000000x64xf32, #tpu.memory_space<hbm>> -> memref<1x64xf32, #tpu.memory_space<hbm>>
      tpu.wait_dma2 semaphore(%arg13 : memref<!tpu.dma_semaphore, #tpu.memory_space<semaphore_mem>>) src(%dma_wait3A_2770 : memref<1x64xf32, #tpu.memory_space<hbm>>) dst(%dma_wait3A_2768 : memref<1x64xf32, #tpu.memory_space<vmem>>)
      %dma_wait3A_2771 = arith.constant 60 : i32
      %dma_wait3A_2772 = arith.constant 0 : i32
      %dma_wait3A_2773 = tpu.memref_slice %arg10[%dma_wait3A_2771, %dma_wait3A_2772] : memref<64x64xf32, #tpu.memory_space<vmem>> -> memref<1x64xf32, #tpu.memory_space<vmem>>
      %dma_wait3A_2774 = arith.constant 0 : i32
      %dma_wait3A_2775 = tpu.memref_slice %arg4[%squeeze3A_1477, %dma_wait3A_2774] : memref<1000000x64xf32, #tpu.memory_space<hbm>> -> memref<1x64xf32, #tpu.memory_space<hbm>>
      %dma_wait3A_2776 = arith.constant 60 : i32
      %dma_wait3A_2777 = arith.constant 0 : i32
      %dma_wait3A_2778 = tpu.memref_slice %arg10[%dma_wait3A_2776, %dma_wait3A_2777] : memref<64x64xf32, #tpu.memory_space<vmem>> -> memref<1x64xf32, #tpu.memory_space<vmem>>
      %dma_wait3A_2779 = arith.constant 0 : i32
      %dma_wait3A_2780 = tpu.memref_slice %arg4[%squeeze3A_1477, %dma_wait3A_2779] : memref<1000000x64xf32, #tpu.memory_space<hbm>> -> memref<1x64xf32, #tpu.memory_space<hbm>>
      tpu.wait_dma2 semaphore(%arg12 : memref<!tpu.dma_semaphore, #tpu.memory_space<semaphore_mem>>) src(%dma_wait3A_2780 : memref<1x64xf32, #tpu.memory_space<hbm>>) dst(%dma_wait3A_2778 : memref<1x64xf32, #tpu.memory_space<vmem>>)
      %dma_wait3A_2781 = arith.constant 60 : i32
      %dma_wait3A_2782 = arith.constant 0 : i32
      %dma_wait3A_2783 = tpu.memref_slice %arg11[%dma_wait3A_2781, %dma_wait3A_2782] : memref<64x64xf32, #tpu.memory_space<vmem>> -> memref<1x64xf32, #tpu.memory_space<vmem>>
      %dma_wait3A_2784 = arith.constant 0 : i32
      %dma_wait3A_2785 = tpu.memref_slice %arg5[%squeeze3A_1489, %dma_wait3A_2784] : memref<1000000x64xf32, #tpu.memory_space<hbm>> -> memref<1x64xf32, #tpu.memory_space<hbm>>
      %dma_wait3A_2786 = arith.constant 60 : i32
      %dma_wait3A_2787 = arith.constant 0 : i32
      %dma_wait3A_2788 = tpu.memref_slice %arg11[%dma_wait3A_2786, %dma_wait3A_2787] : memref<64x64xf32, #tpu.memory_space<vmem>> -> memref<1x64xf32, #tpu.memory_space<vmem>>
      %dma_wait3A_2789 = arith.constant 0 : i32
      %dma_wait3A_2790 = tpu.memref_slice %arg5[%squeeze3A_1489, %dma_wait3A_2789] : memref<1000000x64xf32, #tpu.memory_space<hbm>> -> memref<1x64xf32, #tpu.memory_space<hbm>>
      tpu.wait_dma2 semaphore(%arg13 : memref<!tpu.dma_semaphore, #tpu.memory_space<semaphore_mem>>) src(%dma_wait3A_2790 : memref<1x64xf32, #tpu.memory_space<hbm>>) dst(%dma_wait3A_2788 : memref<1x64xf32, #tpu.memory_space<vmem>>)
      %dma_wait3A_2791 = arith.constant 61 : i32
      %dma_wait3A_2792 = arith.constant 0 : i32
      %dma_wait3A_2793 = tpu.memref_slice %arg10[%dma_wait3A_2791, %dma_wait3A_2792] : memref<64x64xf32, #tpu.memory_space<vmem>> -> memref<1x64xf32, #tpu.memory_space<vmem>>
      %dma_wait3A_2794 = arith.constant 0 : i32
      %dma_wait3A_2795 = tpu.memref_slice %arg4[%squeeze3A_1501, %dma_wait3A_2794] : memref<1000000x64xf32, #tpu.memory_space<hbm>> -> memref<1x64xf32, #tpu.memory_space<hbm>>
      %dma_wait3A_2796 = arith.constant 61 : i32
      %dma_wait3A_2797 = arith.constant 0 : i32
      %dma_wait3A_2798 = tpu.memref_slice %arg10[%dma_wait3A_2796, %dma_wait3A_2797] : memref<64x64xf32, #tpu.memory_space<vmem>> -> memref<1x64xf32, #tpu.memory_space<vmem>>
      %dma_wait3A_2799 = arith.constant 0 : i32
      %dma_wait3A_2800 = tpu.memref_slice %arg4[%squeeze3A_1501, %dma_wait3A_2799] : memref<1000000x64xf32, #tpu.memory_space<hbm>> -> memref<1x64xf32, #tpu.memory_space<hbm>>
      tpu.wait_dma2 semaphore(%arg12 : memref<!tpu.dma_semaphore, #tpu.memory_space<semaphore_mem>>) src(%dma_wait3A_2800 : memref<1x64xf32, #tpu.memory_space<hbm>>) dst(%dma_wait3A_2798 : memref<1x64xf32, #tpu.memory_space<vmem>>)
      %dma_wait3A_2801 = arith.constant 61 : i32
      %dma_wait3A_2802 = arith.constant 0 : i32
      %dma_wait3A_2803 = tpu.memref_slice %arg11[%dma_wait3A_2801, %dma_wait3A_2802] : memref<64x64xf32, #tpu.memory_space<vmem>> -> memref<1x64xf32, #tpu.memory_space<vmem>>
      %dma_wait3A_2804 = arith.constant 0 : i32
      %dma_wait3A_2805 = tpu.memref_slice %arg5[%squeeze3A_1513, %dma_wait3A_2804] : memref<1000000x64xf32, #tpu.memory_space<hbm>> -> memref<1x64xf32, #tpu.memory_space<hbm>>
      %dma_wait3A_2806 = arith.constant 61 : i32
      %dma_wait3A_2807 = arith.constant 0 : i32
      %dma_wait3A_2808 = tpu.memref_slice %arg11[%dma_wait3A_2806, %dma_wait3A_2807] : memref<64x64xf32, #tpu.memory_space<vmem>> -> memref<1x64xf32, #tpu.memory_space<vmem>>
      %dma_wait3A_2809 = arith.constant 0 : i32
      %dma_wait3A_2810 = tpu.memref_slice %arg5[%squeeze3A_1513, %dma_wait3A_2809] : memref<1000000x64xf32, #tpu.memory_space<hbm>> -> memref<1x64xf32, #tpu.memory_space<hbm>>
      tpu.wait_dma2 semaphore(%arg13 : memref<!tpu.dma_semaphore, #tpu.memory_space<semaphore_mem>>) src(%dma_wait3A_2810 : memref<1x64xf32, #tpu.memory_space<hbm>>) dst(%dma_wait3A_2808 : memref<1x64xf32, #tpu.memory_space<vmem>>)
      %dma_wait3A_2811 = arith.constant 62 : i32
      %dma_wait3A_2812 = arith.constant 0 : i32
      %dma_wait3A_2813 = tpu.memref_slice %arg10[%dma_wait3A_2811, %dma_wait3A_2812] : memref<64x64xf32, #tpu.memory_space<vmem>> -> memref<1x64xf32, #tpu.memory_space<vmem>>
      %dma_wait3A_2814 = arith.constant 0 : i32
      %dma_wait3A_2815 = tpu.memref_slice %arg4[%squeeze3A_1525, %dma_wait3A_2814] : memref<1000000x64xf32, #tpu.memory_space<hbm>> -> memref<1x64xf32, #tpu.memory_space<hbm>>
      %dma_wait3A_2816 = arith.constant 62 : i32
      %dma_wait3A_2817 = arith.constant 0 : i32
      %dma_wait3A_2818 = tpu.memref_slice %arg10[%dma_wait3A_2816, %dma_wait3A_2817] : memref<64x64xf32, #tpu.memory_space<vmem>> -> memref<1x64xf32, #tpu.memory_space<vmem>>
      %dma_wait3A_2819 = arith.constant 0 : i32
      %dma_wait3A_2820 = tpu.memref_slice %arg4[%squeeze3A_1525, %dma_wait3A_2819] : memref<1000000x64xf32, #tpu.memory_space<hbm>> -> memref<1x64xf32, #tpu.memory_space<hbm>>
      tpu.wait_dma2 semaphore(%arg12 : memref<!tpu.dma_semaphore, #tpu.memory_space<semaphore_mem>>) src(%dma_wait3A_2820 : memref<1x64xf32, #tpu.memory_space<hbm>>) dst(%dma_wait3A_2818 : memref<1x64xf32, #tpu.memory_space<vmem>>)
      %dma_wait3A_2821 = arith.constant 62 : i32
      %dma_wait3A_2822 = arith.constant 0 : i32
      %dma_wait3A_2823 = tpu.memref_slice %arg11[%dma_wait3A_2821, %dma_wait3A_2822] : memref<64x64xf32, #tpu.memory_space<vmem>> -> memref<1x64xf32, #tpu.memory_space<vmem>>
      %dma_wait3A_2824 = arith.constant 0 : i32
      %dma_wait3A_2825 = tpu.memref_slice %arg5[%squeeze3A_1537, %dma_wait3A_2824] : memref<1000000x64xf32, #tpu.memory_space<hbm>> -> memref<1x64xf32, #tpu.memory_space<hbm>>
      %dma_wait3A_2826 = arith.constant 62 : i32
      %dma_wait3A_2827 = arith.constant 0 : i32
      %dma_wait3A_2828 = tpu.memref_slice %arg11[%dma_wait3A_2826, %dma_wait3A_2827] : memref<64x64xf32, #tpu.memory_space<vmem>> -> memref<1x64xf32, #tpu.memory_space<vmem>>
      %dma_wait3A_2829 = arith.constant 0 : i32
      %dma_wait3A_2830 = tpu.memref_slice %arg5[%squeeze3A_1537, %dma_wait3A_2829] : memref<1000000x64xf32, #tpu.memory_space<hbm>> -> memref<1x64xf32, #tpu.memory_space<hbm>>
      tpu.wait_dma2 semaphore(%arg13 : memref<!tpu.dma_semaphore, #tpu.memory_space<semaphore_mem>>) src(%dma_wait3A_2830 : memref<1x64xf32, #tpu.memory_space<hbm>>) dst(%dma_wait3A_2828 : memref<1x64xf32, #tpu.memory_space<vmem>>)
      %dma_wait3A_2831 = arith.constant 63 : i32
      %dma_wait3A_2832 = arith.constant 0 : i32
      %dma_wait3A_2833 = tpu.memref_slice %arg10[%dma_wait3A_2831, %dma_wait3A_2832] : memref<64x64xf32, #tpu.memory_space<vmem>> -> memref<1x64xf32, #tpu.memory_space<vmem>>
      %dma_wait3A_2834 = arith.constant 0 : i32
      %dma_wait3A_2835 = tpu.memref_slice %arg4[%squeeze3A_1549, %dma_wait3A_2834] : memref<1000000x64xf32, #tpu.memory_space<hbm>> -> memref<1x64xf32, #tpu.memory_space<hbm>>
      %dma_wait3A_2836 = arith.constant 63 : i32
      %dma_wait3A_2837 = arith.constant 0 : i32
      %dma_wait3A_2838 = tpu.memref_slice %arg10[%dma_wait3A_2836, %dma_wait3A_2837] : memref<64x64xf32, #tpu.memory_space<vmem>> -> memref<1x64xf32, #tpu.memory_space<vmem>>
      %dma_wait3A_2839 = arith.constant 0 : i32
      %dma_wait3A_2840 = tpu.memref_slice %arg4[%squeeze3A_1549, %dma_wait3A_2839] : memref<1000000x64xf32, #tpu.memory_space<hbm>> -> memref<1x64xf32, #tpu.memory_space<hbm>>
      tpu.wait_dma2 semaphore(%arg12 : memref<!tpu.dma_semaphore, #tpu.memory_space<semaphore_mem>>) src(%dma_wait3A_2840 : memref<1x64xf32, #tpu.memory_space<hbm>>) dst(%dma_wait3A_2838 : memref<1x64xf32, #tpu.memory_space<vmem>>)
      %dma_wait3A_2841 = arith.constant 63 : i32
      %dma_wait3A_2842 = arith.constant 0 : i32
      %dma_wait3A_2843 = tpu.memref_slice %arg11[%dma_wait3A_2841, %dma_wait3A_2842] : memref<64x64xf32, #tpu.memory_space<vmem>> -> memref<1x64xf32, #tpu.memory_space<vmem>>
      %dma_wait3A_2844 = arith.constant 0 : i32
      %dma_wait3A_2845 = tpu.memref_slice %arg5[%squeeze3A_1561, %dma_wait3A_2844] : memref<1000000x64xf32, #tpu.memory_space<hbm>> -> memref<1x64xf32, #tpu.memory_space<hbm>>
      %dma_wait3A_2846 = arith.constant 63 : i32
      %dma_wait3A_2847 = arith.constant 0 : i32
      %dma_wait3A_2848 = tpu.memref_slice %arg11[%dma_wait3A_2846, %dma_wait3A_2847] : memref<64x64xf32, #tpu.memory_space<vmem>> -> memref<1x64xf32, #tpu.memory_space<vmem>>
      %dma_wait3A_2849 = arith.constant 0 : i32
      %dma_wait3A_2850 = tpu.memref_slice %arg5[%squeeze3A_1561, %dma_wait3A_2849] : memref<1000000x64xf32, #tpu.memory_space<hbm>> -> memref<1x64xf32, #tpu.memory_space<hbm>>
      tpu.wait_dma2 semaphore(%arg13 : memref<!tpu.dma_semaphore, #tpu.memory_space<semaphore_mem>>) src(%dma_wait3A_2850 : memref<1x64xf32, #tpu.memory_space<hbm>>) dst(%dma_wait3A_2848 : memref<1x64xf32, #tpu.memory_space<vmem>>)
      %mul3A_2851 = arith.constant 64 : i32
      %mul3A_2852 = arith.muli %scan3A_7, %mul3A_2851 : i32
      %add3A_2853 = arith.addi %mul3A_2, %mul3A_2852 : i32
      %multiple_of3A = tpu.assume_multiple %add3A_2853, 64 : i32
      "tpu.region"() ({
        %run_scoped3A = tpu.sem_alloc : memref<!tpu.dma_semaphore, #tpu.memory_space<semaphore_mem>>
        %dma_start3A_2854 = arith.constant 0 : i32
        %dma_start3A_2855 = tpu.memref_slice %arg6[%multiple_of3A, %dma_start3A_2854] : memref<16384x64xf32, #tpu.memory_space<hbm>> -> memref<64x64xf32, #tpu.memory_space<hbm>>
        %dma_start3A_2856 = arith.constant 0 : i32
        %dma_start3A_2857 = tpu.memref_slice %arg6[%multiple_of3A, %dma_start3A_2856] : memref<16384x64xf32, #tpu.memory_space<hbm>> -> memref<64x64xf32, #tpu.memory_space<hbm>>
        tpu.enqueue_dma source(%arg10 : memref<64x64xf32, #tpu.memory_space<vmem>>) target(%dma_start3A_2857 : memref<64x64xf32, #tpu.memory_space<hbm>>) target_semaphore(%run_scoped3A : memref<!tpu.dma_semaphore, #tpu.memory_space<semaphore_mem>>)
        %dma_wait3A_2858 = arith.constant 0 : i32
        %dma_wait3A_2859 = tpu.memref_slice %arg6[%multiple_of3A, %dma_wait3A_2858] : memref<16384x64xf32, #tpu.memory_space<hbm>> -> memref<64x64xf32, #tpu.memory_space<hbm>>
        %dma_wait3A_2860 = arith.constant 0 : i32
        %dma_wait3A_2861 = tpu.memref_slice %arg6[%multiple_of3A, %dma_wait3A_2860] : memref<16384x64xf32, #tpu.memory_space<hbm>> -> memref<64x64xf32, #tpu.memory_space<hbm>>
        tpu.wait_dma2 semaphore(%run_scoped3A : memref<!tpu.dma_semaphore, #tpu.memory_space<semaphore_mem>>) src(%arg10 : memref<64x64xf32, #tpu.memory_space<vmem>>) dst(%dma_wait3A_2861 : memref<64x64xf32, #tpu.memory_space<hbm>>)
        tpu.yield
      }) : () -> ()
      "tpu.region"() ({
        %run_scoped3A = tpu.sem_alloc : memref<!tpu.dma_semaphore, #tpu.memory_space<semaphore_mem>>
        %dma_start3A_2854 = arith.constant 0 : i32
        %dma_start3A_2855 = tpu.memref_slice %arg7[%multiple_of3A, %dma_start3A_2854] : memref<16384x64xf32, #tpu.memory_space<hbm>> -> memref<64x64xf32, #tpu.memory_space<hbm>>
        %dma_start3A_2856 = arith.constant 0 : i32
        %dma_start3A_2857 = tpu.memref_slice %arg7[%multiple_of3A, %dma_start3A_2856] : memref<16384x64xf32, #tpu.memory_space<hbm>> -> memref<64x64xf32, #tpu.memory_space<hbm>>
        tpu.enqueue_dma source(%arg11 : memref<64x64xf32, #tpu.memory_space<vmem>>) target(%dma_start3A_2857 : memref<64x64xf32, #tpu.memory_space<hbm>>) target_semaphore(%run_scoped3A : memref<!tpu.dma_semaphore, #tpu.memory_space<semaphore_mem>>)
        %dma_wait3A_2858 = arith.constant 0 : i32
        %dma_wait3A_2859 = tpu.memref_slice %arg7[%multiple_of3A, %dma_wait3A_2858] : memref<16384x64xf32, #tpu.memory_space<hbm>> -> memref<64x64xf32, #tpu.memory_space<hbm>>
        %dma_wait3A_2860 = arith.constant 0 : i32
        %dma_wait3A_2861 = tpu.memref_slice %arg7[%multiple_of3A, %dma_wait3A_2860] : memref<16384x64xf32, #tpu.memory_space<hbm>> -> memref<64x64xf32, #tpu.memory_space<hbm>>
        tpu.wait_dma2 semaphore(%run_scoped3A : memref<!tpu.dma_semaphore, #tpu.memory_space<semaphore_mem>>) src(%arg11 : memref<64x64xf32, #tpu.memory_space<vmem>>) dst(%dma_wait3A_2861 : memref<64x64xf32, #tpu.memory_space<hbm>>)
        tpu.yield
      }) : () -> ()
    }
    %scan3A_6 = arith.constant 8 : i32
    return
  }
}

module attributes {stable_mosaic.version = 14 : i64} {
  func.func @_mlp_body(%arg0: i32, %arg1: memref<2048x64xf32, #tpu.memory_space<vmem>>, %arg2: memref<2048x64xf32, #tpu.memory_space<vmem>>, %arg3: memref<64x80xf32, #tpu.memory_space<vmem>>, %arg4: memref<64x80xf32, #tpu.memory_space<vmem>>, %arg5: memref<1x80xf32, #tpu.memory_space<vmem>>, %arg6: memref<80x5xf32, #tpu.memory_space<vmem>>, %arg7: memref<1x5xf32, #tpu.memory_space<vmem>>, %arg8: memref<2048x5xf32, #tpu.memory_space<vmem>>) attributes {dimension_semantics = [#tpu.dimension_semantics<arbitrary>], iteration_bounds = array<i64: 8>, scalar_prefetch = 0 : i64, scratch_operands = 0 : i64, tpu.core_type = #tpu.core_type<tc>, window_params = [{transform_indices = @transform_0, window_bounds = array<i64: 2048, 64>}, {transform_indices = @transform_1, window_bounds = array<i64: 2048, 64>}, {pipeline_mode = #tpu.pipeline_mode<synchronous>, transform_indices = @transform_2, window_bounds = array<i64: 64, 80>}, {pipeline_mode = #tpu.pipeline_mode<synchronous>, transform_indices = @transform_3, window_bounds = array<i64: 64, 80>}, {pipeline_mode = #tpu.pipeline_mode<synchronous>, transform_indices = @transform_4, window_bounds = array<i64: 1, 80>}, {pipeline_mode = #tpu.pipeline_mode<synchronous>, transform_indices = @transform_5, window_bounds = array<i64: 80, 5>}, {pipeline_mode = #tpu.pipeline_mode<synchronous>, transform_indices = @transform_6, window_bounds = array<i64: 1, 5>}, {transform_indices = @transform_7, window_bounds = array<i64: 2048, 5>}]} {
    %get3A = arith.constant 0 : index
    %get3A_0 = arith.constant 0 : index
    %get3A_1 = vector.load %arg1[%get3A, %get3A_0] : memref<2048x64xf32, #tpu.memory_space<vmem>>, vector<2048x64xf32>
    %get3A_2 = arith.constant 0 : index
    %get3A_3 = arith.constant 0 : index
    %get3A_4 = vector.load %arg3[%get3A_2, %get3A_3] : memref<64x80xf32, #tpu.memory_space<vmem>>, vector<64x80xf32>
    %dot_general3A = arith.constant dense<0.000000e+00> : vector<2048x80xf32>
    %dot_general3A_5 = tpu.matmul %get3A_1, %get3A_4, %dot_general3A {dimension_numbers = #tpu.dot_dimension_numbers<[1], [0], [0], [1], [0, 0, 1, 1], [], []>, transpose_lhs_hint = false} : vector<2048x64xf32>, vector<64x80xf32>, vector<2048x80xf32> -> vector<2048x80xf32>
    %get3A_6 = arith.constant 0 : index
    %get3A_7 = arith.constant 0 : index
    %get3A_8 = vector.load %arg2[%get3A_6, %get3A_7] : memref<2048x64xf32, #tpu.memory_space<vmem>>, vector<2048x64xf32>
    %get3A_9 = arith.constant 0 : index
    %get3A_10 = arith.constant 0 : index
    %get3A_11 = vector.load %arg4[%get3A_9, %get3A_10] : memref<64x80xf32, #tpu.memory_space<vmem>>, vector<64x80xf32>
    %dot_general3A_12 = arith.constant dense<0.000000e+00> : vector<2048x80xf32>
    %dot_general3A_13 = tpu.matmul %get3A_8, %get3A_11, %dot_general3A_12 {dimension_numbers = #tpu.dot_dimension_numbers<[1], [0], [0], [1], [0, 0, 1, 1], [], []>, transpose_lhs_hint = false} : vector<2048x64xf32>, vector<64x80xf32>, vector<2048x80xf32> -> vector<2048x80xf32>
    %add3A = arith.addf %dot_general3A_5, %dot_general3A_13 : vector<2048x80xf32>
    %get3A_14 = arith.constant 0 : index
    %get3A_15 = arith.constant 0 : index
    %get3A_16 = vector.load %arg5[%get3A_14, %get3A_15] : memref<1x80xf32, #tpu.memory_space<vmem>>, vector<1x80xf32>
    %add3A_17 = vector.broadcast %get3A_16 : vector<1x80xf32> to vector<2048x80xf32>
    %add3A_18 = arith.addf %add3A, %add3A_17 : vector<2048x80xf32>
    %get3A_19 = arith.constant 0 : index
    %get3A_20 = arith.constant 0 : index
    %get3A_21 = vector.load %arg6[%get3A_19, %get3A_20] : memref<80x5xf32, #tpu.memory_space<vmem>>, vector<80x5xf32>
    %dot_general3A_22 = arith.constant dense<0.000000e+00> : vector<2048x5xf32>
    %dot_general3A_23 = tpu.matmul %add3A_18, %get3A_21, %dot_general3A_22 {dimension_numbers = #tpu.dot_dimension_numbers<[1], [0], [0], [1], [0, 0, 1, 1], [], []>, transpose_lhs_hint = false} : vector<2048x80xf32>, vector<80x5xf32>, vector<2048x5xf32> -> vector<2048x5xf32>
    %get3A_24 = arith.constant 0 : index
    %get3A_25 = arith.constant 0 : index
    %get3A_26 = vector.load %arg7[%get3A_24, %get3A_25] : memref<1x5xf32, #tpu.memory_space<vmem>>, vector<1x5xf32>
    %add3A_27 = vector.broadcast %get3A_26 : vector<1x5xf32> to vector<2048x5xf32>
    %add3A_28 = arith.addf %dot_general3A_23, %add3A_27 : vector<2048x5xf32>
    %neg3A = arith.constant 0.000000e+00 : f32
    %neg3A_29 = vector.broadcast %neg3A : f32 to vector<2048x5xf32>
    %neg3A_30 = arith.subf %neg3A_29, %add3A_28 : vector<2048x5xf32>
    %exp3A = math.exp %neg3A_30 : vector<2048x5xf32>
    %add3A_31 = arith.constant 1.000000e+00 : f32
    %add3A_32 = vector.broadcast %add3A_31 : f32 to vector<2048x5xf32>
    %add3A_33 = arith.addf %add3A_32, %exp3A : vector<2048x5xf32>
    %div3A = arith.constant 1.000000e+00 : f32
    %div3A_34 = vector.broadcast %div3A : f32 to vector<2048x5xf32>
    %div3A_35 = arith.divf %div3A_34, %add3A_33 : vector<2048x5xf32>
    %mul3A = arith.constant 4.000000e+00 : f32
    %mul3A_36 = vector.broadcast %mul3A : f32 to vector<2048x5xf32>
    %mul3A_37 = arith.mulf %div3A_35, %mul3A_36 : vector<2048x5xf32>
    %add3A_38 = arith.constant 1.000000e+00 : f32
    %add3A_39 = vector.broadcast %add3A_38 : f32 to vector<2048x5xf32>
    %add3A_40 = arith.addf %mul3A_37, %add3A_39 : vector<2048x5xf32>
    %swap3A = arith.constant 0 : index
    %swap3A_41 = arith.constant 0 : index
    %swap3A_42 = vector.load %arg8[%swap3A, %swap3A_41] : memref<2048x5xf32, #tpu.memory_space<vmem>>, vector<2048x5xf32>
    tpu.vector_store %arg8[%swap3A, %swap3A_41], %add3A_40 {strides = array<i32>} : memref<2048x5xf32, #tpu.memory_space<vmem>>, vector<2048x5xf32>,
    return
  }
  func.func @transform_0(%arg0: i32) -> (i32, i32) {
    %c0_i32 = arith.constant 0 : i32
    %c0_i32_0 = arith.constant 0 : i32
    return %arg0, %c0_i32 : i32, i32
  }
  func.func @transform_1(%arg0: i32) -> (i32, i32) {
    %c0_i32 = arith.constant 0 : i32
    %c0_i32_0 = arith.constant 0 : i32
    return %arg0, %c0_i32 : i32, i32
  }
  func.func @transform_2(%arg0: i32) -> (i32, i32) {
    %c0_i32 = arith.constant 0 : i32
    %c0_i32_0 = arith.constant 0 : i32
    %c0_i32_1 = arith.constant 0 : i32
    return %c0_i32, %c0_i32_0 : i32, i32
  }
  func.func @transform_3(%arg0: i32) -> (i32, i32) {
    %c0_i32 = arith.constant 0 : i32
    %c0_i32_0 = arith.constant 0 : i32
    %c0_i32_1 = arith.constant 0 : i32
    return %c0_i32, %c0_i32_0 : i32, i32
  }
  func.func @transform_4(%arg0: i32) -> (i32, i32) {
    %c0_i32 = arith.constant 0 : i32
    %c0_i32_0 = arith.constant 0 : i32
    %c0_i32_1 = arith.constant 0 : i32
    return %c0_i32, %c0_i32_0 : i32, i32
  }
  func.func @transform_5(%arg0: i32) -> (i32, i32) {
    %c0_i32 = arith.constant 0 : i32
    %c0_i32_0 = arith.constant 0 : i32
    %c0_i32_1 = arith.constant 0 : i32
    return %c0_i32, %c0_i32_0 : i32, i32
  }
  func.func @transform_6(%arg0: i32) -> (i32, i32) {
    %c0_i32 = arith.constant 0 : i32
    %c0_i32_0 = arith.constant 0 : i32
    %c0_i32_1 = arith.constant 0 : i32
    return %c0_i32, %c0_i32_0 : i32, i32
  }
  func.func @transform_7(%arg0: i32) -> (i32, i32) {
    %c0_i32 = arith.constant 0 : i32
    %c0_i32_0 = arith.constant 0 : i32
    return %arg0, %c0_i32 : i32, i32
  }
}

</mosaic_0001>

<sc_bundles>
// kernel: kernel.4.cloned.1.call-start
scs
__scs_entry_jumppad:
0x0: {  	(pc) =	sbr.rel $0x88, $3  }
0x1: {  	(tag) =	ssettag $0x0;
	lr =	simm.s32 $0x1  }
0x2: {  	[smem:$0x3F9A] =	sst lr;
	_ =	strace $0xD0000000  }
0x3: {  	_ = 	snop  }
0x4: {  	_ = 	snop  }
0x5: {  	_ = 	snop  }
0x6: {  	_ = 	snop  }
0x7: {  	_ = 	snop  }
__scs_overlays_trampoline_lowered:
0x8: {  	[smem:$0x3FA9] =	sst s0  }
0x9: {  	[smem:$0x3FAA] =	sst s1  }
0xa: {  	[smem:$0x3FAB] =	sst s2  }
0xb: {  	[smem:$0x3FAC] =	sst s3  }
0xc: {  	[smem:$0x3FAD] =	sst s4  }
0xd: {  	[smem:$0x3FAE] =	sst s5  }
0xe: {  	[smem:$0x3FAF] =	sst s6  }
0xf: {  	[smem:$0x3FB0] =	sst s7  }
0x10: {  	[smem:$0x3FB1] =	sst s8  }
0x11: {  	[smem:$0x3FB2] =	sst s9;
	s0 =	simm.s32 @!p0 $0x0  }
0x12: {  	s1 =	sld [smem:$0x3F98];
	s0 =	simm.s32 @p0 $0x1  }
0x13: {  	[smem:$0x3FB3] =	sst s0;
	s0 =	simm.s32 @!p1 $0x0  }
0x14: {  	s2 =	sld [smem:$0x3F97];
	s0 =	simm.s32 @p1 $0x1  }
0x15: {  	[smem:$0x3FB4] =	sst s0;
	s0 =	simm.s32 @!p2 $0x0  }
0x16: {  	s3 =	sld [smem:$0x3FDB];
	s0 =	simm.s32 @p2 $0x1  }
0x17: {  	s4 =	simm.s32 $0x1BF5;
	[smem:$0x3FB6] =	sst s0  }
0x18: {  	s0 =	sld [smem:$0x3F99];
	_ =	swait.ge [sflag:s4], $0x0  }
0x19: {  	s7 =	sld [smem:$0x3F9A]  }
0x1a: {  	s8 =	sadd.s32 $0xFFFFE003, lr  }
0x1b: {  	s9 =	sadd.s32 $0xFFFFFEF7, lr;
	s5 =	simm.s32 $0xFFFFFFFF;
	p2 =	slt.u32 s8, $0xFFFFF086  }
0x1c: {  	p1 =	slt.u32 s9, $0xF7A;
	s5 =	simm.s32 @!p2 $0x0  }
0x1d: {  	s5 =	simm.s32 @p1 $0x1;
	p0 =	seq.s32 s7, s2  }
0x1e: {  	s7 =	smul.u32 @!p0 $0xF7A, s2;
	p2 =	seq.s32 @!p0 s5, $0x0  }
0x1f: {  	s9 =	smul.u32 $0xF7A, s1;
	s8 =	simm.s32 @!p0 $0x1BF5;
	p2 =	por !p2, p0  }
0x20: {  	[sflag:s8] =	ssyncset.s32 @!p0 $0xFFFFF086;
	s6 =	sadd.s32 @!p0 s3, s7;
	s7 =	simm.s32 @!p0 $0x108  }
0x21: {  	s3 =	sadd.s32 s3, s9;
	s6 =	sadd.s32 @!p0 $0x88, s6;
	s7 =	simm.s32 @p2 $0x1082  }
0x22: {  	[simem:s7], [sflag:s8] =	dma.local @!p0 [hbm:s6], $0xF7A  }
0x23: {  	s9 =	sor.u32 $0xD0000000, s2;
	s6 =	simm.s32 $0x108;
	_ =	swait.ge @!p0 [sflag:s8], $0x0  }
0x24: {  	s3 =	sadd.s32 $0x88, s3;
	s6 =	simm.s32 @!p1 $0x1082;
	[sflag:s4] =	ssyncset.s32 $0xFFFFF086  }
0x25: {  	[simem:s6], [sflag:s4] =	dma.local [hbm:s3], $0xF7A  }
0x26: {  	[smem:$0x3F9A] =	sst s1;
	(tag) =	ssettag s2;
	_ =	strace s9  }
0x27: {  	s1 =	sld [smem:$0x3FAA]  }
0x28: {  	s2 =	sld [smem:$0x3FAB]  }
0x29: {  	s4 =	sld [smem:$0x3FAD]  }
0x2a: {  	p0 =	seq.s32 s5, $0x0;
	s5 =	sld [smem:$0x3FAE]  }
0x2b: {  	s6 =	sld [smem:$0x3FAF]  }
0x2c: {  	s7 =	sld [smem:$0x3FB0]  }
0x2d: {  	s3 =	simm.s32 $0x108;
	s8 =	sld [smem:$0x3FB1]  }
0x2e: {  	s3 =	simm.s32 @!p0 $0x1082;
	s9 =	sld [smem:$0x3FB2]  }
0x2f: {  	lr =	sadd.s32 s0, s3;
	s0 =	sld [smem:$0x3FA9]  }
0x30: {  	s3 =	sld [smem:$0x3FAC]  }
0x31: {  	[smem:$0x3FB5] =	sst s10  }
0x32: {  	s10 =	sld [smem:$0x3FB3];
	_ =	sdelay $0x3  }
0x33: {  	p0 =	seq.s32 s10, $0x1;
	s10 =	sld [smem:$0x3FB5];
	_ =	sdelay $0x3  }
0x34: {  	[smem:$0x3FB5] =	sst s10  }
0x35: {  	s10 =	sld [smem:$0x3FB4];
	_ =	sdelay $0x3  }
0x36: {  	p1 =	seq.s32 s10, $0x1;
	s10 =	sld [smem:$0x3FB5];
	_ =	sdelay $0x3  }
0x37: {  	[smem:$0x3FB5] =	sst s10  }
0x38: {  	s10 =	sld [smem:$0x3FB6]  }
0x39: {  	_ = 	snop;
	(pc) =	sbr.ind lr, $3  }
0x3a: {  	_ = 	snop  }
0x3b: {  	_ = 	snop  }
0x3c: {  	p2 =	seq.s32 s10, $0x1;
	s10 =	sld [smem:$0x3FB5]  }
0x3d: {  	_ =	shalt  }
0x3e: {  	_ =	shalt  }
0x3f: {  	_ =	shalt  }
0x40: {  	_ =	shalt  }
0x41: {  	_ =	shalt  }
0x42: {  	_ =	shalt  }
0x43: {  	_ =	shalt  }
0x44: {  	_ =	shalt  }
0x45: {  	_ =	shalt  }
0x46: {  	_ =	shalt  }
0x47: {  	_ =	shalt  }
0x48: {  	_ =	shalt  }
0x49: {  	_ =	shalt  }
0x4a: {  	_ =	shalt  }
0x4b: {  	_ =	shalt  }
0x4c: {  	_ =	shalt  }
0x4d: {  	_ =	shalt  }
0x4e: {  	_ =	shalt  }
0x4f: {  	_ =	shalt  }
0x50: {  	_ =	shalt  }
0x51: {  	_ =	shalt  }
0x52: {  	_ =	shalt  }
0x53: {  	_ =	shalt  }
0x54: {  	_ =	shalt  }
0x55: {  	_ =	shalt  }
0x56: {  	_ =	shalt  }
0x57: {  	_ =	shalt  }
0x58: {  	_ =	shalt  }
0x59: {  	_ =	shalt  }
0x5a: {  	_ =	shalt  }
0x5b: {  	_ =	shalt  }
0x5c: {  	_ =	shalt  }
0x5d: {  	_ =	shalt  }
0x5e: {  	_ =	shalt  }
0x5f: {  	_ =	shalt  }
0x60: {  	_ =	shalt  }
0x61: {  	_ =	shalt  }
0x62: {  	_ =	shalt  }
0x63: {  	_ =	shalt  }
0x64: {  	_ =	shalt  }
0x65: {  	_ =	shalt  }
0x66: {  	_ =	shalt  }
0x67: {  	_ =	shalt  }
0x68: {  	_ =	shalt  }
0x69: {  	_ =	shalt  }
0x6a: {  	_ =	shalt  }
0x6b: {  	_ =	shalt  }
0x6c: {  	_ =	shalt  }
0x6d: {  	_ =	shalt  }
0x6e: {  	_ =	shalt  }
0x6f: {  	_ =	shalt  }
0x70: {  	_ =	shalt  }
0x71: {  	_ =	shalt  }
0x72: {  	_ =	shalt  }
0x73: {  	_ =	shalt  }
0x74: {  	_ =	shalt  }
0x75: {  	_ =	shalt  }
0x76: {  	_ =	shalt  }
0x77: {  	_ =	shalt  }
0x78: {  	_ =	shalt  }
0x79: {  	_ =	shalt  }
0x7a: {  	_ =	shalt  }
0x7b: {  	_ =	shalt  }
0x7c: {  	_ =	shalt  }
0x7d: {  	_ =	shalt  }
0x7e: {  	_ =	shalt  }
0x7f: {  	_ =	shalt  }
0x80: {  	_ =	shalt  }
0x81: {  	_ =	shalt  }
0x82: {  	_ =	shalt  }
0x83: {  	_ =	shalt  }
0x84: {  	_ =	shalt  }
0x85: {  	_ =	shalt  }
0x86: {  	_ =	shalt  }
0x87: {  	_ =	shalt  }
.Lfunc_end0:
.L_simem_size_0:
called_computation_lowered:
.L_overlay_start_0:
0x88: {  	s2 =	sld [smem:$0x3FD9]  }
0x89: {  	s3 =	sld [smem:$0x3FFE];
	_ =	sdelay $0x1  }
0x8a: {  	s1 =	srdreg.scid  }
0x8b: {  	s0 =	sand.u32 $0x1, s1  }
0x8c: {  	s17 =	sshll.u32 s0, $0xA;
	s2 =	sadd.s32 s3, s2  }
0x8d: {  	s2 =	sadd.s32 s2, s17  }
0x8e: {  	[smem:$0x3FC1] =	sst s2  }
0x8f: {  	_ = 	snop  }
0x90: {  	s2 =	sld [smem:$0x3FD0];
	(tm) =	ssettm $0x1  }
0x91: {  	s18 =	sld [smem:$0x3FFB];
	_ =	sdelay $0x3  }
0x92: {  	_ =	strace s18  }
0x93: {  	s3 =	sld [smem:$0x3FFC];
	_ =	sdelay $0x3  }
0x94: {  	_ =	strace s3  }
0x95: {  	s3 =	sld [smem:$0x3FFD];
	_ =	sdelay $0x3  }
0x96: {  	_ =	strace s3  }
0x97: {  	_ =	strace $0x8FFFFFFF  }
0x98: {  	s19 =	sld [smem:$0x3FDB];
	_ =	sdelay $0x1  }
0x99: {  	s4 =	simm.s32 $_scs_section_size  }
0x9a: {  	s5 =	simm.s32 $_size__tile_overlayer_lowered;
	s6 =	simm.s32 $_tile_overlayer_lowered  }
0x9b: {  	s22 =	simm.s32 $0x1BFF;
	s21 =	sshll.u32 s6, $0x1;
	s3 =	sadd.s32 s4, s19  }
0x9c: {  	s7 =	simm.s32 $0x0;
	s20 =	sshll.u32 s5, $0x1;
	s5 =	sadd.s32 s21, s3  }
0x9d: {  	[timem:s7], [sflag:s22] =	dma.local [hbm:s5], s20  }
0x9e: {  	_ =	swait.ge [sflag:s22], s20  }
0x9f: {  	s4 =	ssub.s32 $0x0, s20;
	[sflag:s22] =	ssyncset.done $0x0  }
0xa0: {  	[sflag:s22] =	ssyncadd.s32 s4;
	_ =	sdelay $0x1  }
0xa1: {  	s23 =	simm.s32 $0x1B8B  }
0xa2: {  	_ =	swait.ge [sflag:s23], $0x1  }
0xa3: {  	[sflag:s23] =	ssyncset.done $0x0  }
0xa4: {  	s25 =	simm.s32 $0x1B8E;
	s24 =	sld [smem:$0x3FFE];
	[sflag:s23] =	ssyncadd.s32 $0xFFFFFFFF  }
0xa5: {  	s26 =	simm.s32 $execute0_lowered;
	[smem:$0x3FD2] =	sst s25  }
0xa6: {  	s5 =	sshll.u32 s26, $0x1;
	_ =	strace $0x80000046;
	[dreg:$0x1] =	wrdreg $0xFFFFFFFF  }
0xa7: {  	s28 =	simm.s32 $_size_execute0_lowered;
	s3 =	sadd.s32 s3, s5;
	[dreg:$0x0] =	wrdreg $0x0  }
0xa8: {  	s5 =	sshll.u32 s28, $0x1;
	[dreg:$0x2] =	wrdreg s3  }
0xa9: {  	[dreg:$0x3] =	wrdreg s5  }
0xaa: {  	[dreg:$0x4] =	wrdreg $0xC0  }
0xab: {  	_ =	task [dreg:s7], $0x5FFFF  }
0xac: {  	[dreg:$0x1] =	wrdreg $0xFFFFFFFF  }
0xad: {  	[dreg:$0x0] =	wrdreg $0x60  }
0xae: {  	[dreg:$0x2] =	wrdreg s2  }
0xaf: {  	[dreg:$0x3] =	wrdreg s24  }
0xb0: {  	[dreg:$0x4] =	wrdreg $0x9  }
0xb1: {  	_ =	task.clear_ibuf [dreg:s7], $0x5FFFF;
	_ =	strace $0x90000046  }
0xb2: {  	s29 =	simm.s32 $0x9;
	_ =	strace $0x80000048  }
0xb3: {  	_ =	swait.ge [sflag:s29], $0x1  }
0xb4: {  	[sflag:s29] =	ssyncadd.s32 $0xFFFFFFFF  }
0xb5: {  	_ =	strace $0x90000048  }
0xb6: {  	_ =	sfence  }
0xb7: {  	s30 =	sld [smem:$0x0];
	_ =	sdelay $0x2  }
0xb8: {  	s31 =	sshll.u32 s1, $0xD;
	s1 =	sshrl.u32 s1, $0x2  }
0xb9: {  	s3 =	sand.u32 $0x4000, s31;
	s1 =	sadd.s32 s1, s30  }
0xba: {  	s0 =	sor.u32 s3, s0;
	s1 =	sshll.u32 s1, $0x11  }
0xbb: {  	s0 =	sor.u32 s1, s0  }
0xbc: {  	s0 =	sadd.s32 $0x8F2B, s0  }
0xbd: {  	[sflag:s0] =	ssyncadd.remote.s32 $0x1  }
0xbe: {  	_ =	sfence.sel $0xFFFF  }
0xbf: {  	[dreg:$0x0] =	wrdreg $0xFFFFFFFF;
	(pc) =	sbr.abs _section_cstart, $3  }
0xc0: {  	[dreg:$0x1] =	wrdreg $0xFFFFFFFF  }
0xc1: {  	_ =	task.clear_ibuf [dreg:s7], $0x2FFFF;
	_ =	strace $0x9FFFFFFF  }
0xc2: {  	(tm) =	ssettm $0x7FFFFFFF  }
0xc3: {  	_ =	shalt  }
tec
execute0_lowered:
.L_overlay_start_1:
0x0: {  	(tag) =	ssettag $0x1  }
0x1: {  	s5 =	rddreg [dreg:$0x0]  }
0x2: {  	s4 =	rddreg [dreg:$0x1];
	s2 =	srdreg.scid  }
0x3: {  	s0 =	rddreg [dreg:$0x2];
	s6 =	sand.u32 $0x1, s2;
	s2 =	simm.s32 $0x0  }
0x4: {  	s26 =	simm.s32 $0x880;
	[smem:$0x7FF] =	sst s2  }
0x5: {  	s28 =	simm.s32 $0x2880;
	_ =	strace $0x80000047;
	[dreg:$0x5] =	wrdreg s26  }
0x6: {  	s29 =	simm.s32 $0x900;
	[dreg:$0x6] =	wrdreg s28  }
0x7: {  	s30 =	simm.s32 $0x2900;
	[dreg:$0x7] =	wrdreg s29  }
0x8: {  	s31 =	simm.s32 $0x980;
	[dreg:$0x8] =	wrdreg s30  }
0x9: {  	s8 =	simm.s32 $0xA00;
	[dreg:$0x9] =	wrdreg s31  }
0xa: {  	s9 =	simm.s32 $0x2A00;
	[dreg:$0xb] =	wrdreg s8  }
0xb: {  	s10 =	simm.s32 $0xA80;
	[dreg:$0xc] =	wrdreg s9  }
0xc: {  	s11 =	simm.s32 $0x2A80;
	[dreg:$0xd] =	wrdreg s10  }
0xd: {  	s12 =	simm.s32 $0xB00;
	[dreg:$0xe] =	wrdreg s11  }
0xe: {  	s13 =	simm.s32 $0x2B00;
	[dreg:$0xf] =	wrdreg s12  }
0xf: {  	s14 =	simm.s32 $0xB80;
	[dreg:$0x10] =	wrdreg s13  }
0x10: {  	s15 =	simm.s32 $0x2B80;
	[dreg:$0x11] =	wrdreg s14  }
0x11: {  	s16 =	simm.s32 $0xC00;
	[dreg:$0x12] =	wrdreg s15  }
0x12: {  	s17 =	simm.s32 $0x2C00;
	[dreg:$0x13] =	wrdreg s16  }
0x13: {  	s18 =	simm.s32 $0xC80;
	[dreg:$0x14] =	wrdreg s17  }
0x14: {  	s19 =	simm.s32 $0x2C80;
	[dreg:$0x15] =	wrdreg s18  }
0x15: {  	s20 =	simm.s32 $0xD00;
	[dreg:$0x16] =	wrdreg s19  }
0x16: {  	s21 =	simm.s32 $0x2D00;
	[dreg:$0x17] =	wrdreg s20  }
0x17: {  	s22 =	simm.s32 $0xD80;
	[dreg:$0x18] =	wrdreg s21  }
0x18: {  	s23 =	simm.s32 $0x2D80;
	[dreg:$0x19] =	wrdreg s22  }
0x19: {  	s24 =	simm.s32 $0xE00;
	[dreg:$0x1a] =	wrdreg s23  }
0x1a: {  	s25 =	simm.s32 $0x2E00;
	[dreg:$0x1b] =	wrdreg s24  }
0x1b: {  	[dreg:$0x1c] =	wrdreg s25;
	s26 =	simm.s32 $0xE80  }
0x1c: {  	s28 =	simm.s32 $0x2E80;
	[dreg:$0x1d] =	wrdreg s26  }
0x1d: {  	s29 =	simm.s32 $0xF00;
	[dreg:$0x1e] =	wrdreg s28  }
0x1e: {  	s30 =	simm.s32 $0x2F00;
	[dreg:$0x1f] =	wrdreg s29  }
0x1f: {  	s31 =	simm.s32 $0xF80;
	[smem:$0x79B] =	sst s30  }
0x20: {  	s8 =	simm.s32 $0x1000;
	[smem:$0x79C] =	sst s31  }
0x21: {  	s9 =	simm.s32 $0x3000;
	[smem:$0x79E] =	sst s8  }
0x22: {  	s10 =	simm.s32 $0x1080;
	[smem:$0x79F] =	sst s9  }
0x23: {  	s11 =	simm.s32 $0x3080;
	[smem:$0x7A0] =	sst s10  }
0x24: {  	s12 =	simm.s32 $0x1100;
	[smem:$0x7A1] =	sst s11  }
0x25: {  	s13 =	simm.s32 $0x3100;
	[smem:$0x7A2] =	sst s12  }
0x26: {  	s14 =	simm.s32 $0x1180;
	[smem:$0x7A3] =	sst s13  }
0x27: {  	s15 =	simm.s32 $0x3180;
	[smem:$0x7A4] =	sst s14  }
0x28: {  	s16 =	simm.s32 $0x1200;
	[smem:$0x7A5] =	sst s15  }
0x29: {  	s17 =	simm.s32 $0x3200;
	[smem:$0x7A6] =	sst s16  }
0x2a: {  	s18 =	simm.s32 $0x1280;
	[smem:$0x7A7] =	sst s17  }
0x2b: {  	s19 =	simm.s32 $0x3280;
	[smem:$0x7A8] =	sst s18  }
0x2c: {  	s20 =	simm.s32 $0x1300;
	[smem:$0x7A9] =	sst s19  }
0x2d: {  	s1 =	stileid.u32;
	s21 =	simm.s32 $0x3300;
	[smem:$0x7AA] =	sst s20  }
0x2e: {  	s3 =	sshll.u32 s1, $0xE;
	s22 =	simm.s32 $0x1380;
	[smem:$0x7AB] =	sst s21  }
0x2f: {  	s3 =	sadd.s32 s3, s4;
	s23 =	simm.s32 $0x3380;
	[smem:$0x7AC] =	sst s22  }
0x30: {  	s7 =	sshll.u32 s6, $0xD;
	s24 =	simm.s32 $0x1400;
	[smem:$0x7AD] =	sst s23  }
0x31: {  	s3 =	sadd.s32 s7, s3;
	s25 =	simm.s32 $0x3400;
	[smem:$0x7AE] =	sst s24  }
0x32: {  	s7 =	sadd.s32 $0x1EC6400, s3;
	[smem:$0x7AF] =	sst s25  }
0x33: {  	s3 =	sadd.s32 $0x1E86400, s3;
	[dreg:$0x3] =	wrdreg s7  }
0x34: {  	s26 =	simm.s32 $0x1480;
	[dreg:$0x4] =	wrdreg s3  }
0x35: {  	s28 =	simm.s32 $0x3480;
	[smem:$0x7B0] =	sst s26  }
0x36: {  	s29 =	simm.s32 $0x1500;
	[smem:$0x7B1] =	sst s28  }
0x37: {  	s30 =	simm.s32 $0x3500;
	[smem:$0x7B2] =	sst s29  }
0x38: {  	s31 =	simm.s32 $0x1580;
	[smem:$0x7B3] =	sst s30  }
0x39: {  	s8 =	simm.s32 $0x1600;
	[smem:$0x7B4] =	sst s31  }
0x3a: {  	s9 =	simm.s32 $0x3600;
	[smem:$0x7B6] =	sst s8  }
0x3b: {  	s10 =	simm.s32 $0x1680;
	[smem:$0x7B7] =	sst s9  }
0x3c: {  	s11 =	simm.s32 $0x3680;
	[smem:$0x7B8] =	sst s10  }
0x3d: {  	s12 =	simm.s32 $0x1700;
	[smem:$0x7B9] =	sst s11  }
0x3e: {  	s13 =	simm.s32 $0x3700;
	[smem:$0x7BA] =	sst s12  }
0x3f: {  	s14 =	simm.s32 $0x1780;
	[smem:$0x7BB] =	sst s13  }
0x40: {  	s15 =	simm.s32 $0x3780;
	[smem:$0x7BC] =	sst s14  }
0x41: {  	s16 =	simm.s32 $0x1800;
	[smem:$0x7BD] =	sst s15  }
0x42: {  	s17 =	simm.s32 $0x3800;
	[smem:$0x7BE] =	sst s16  }
0x43: {  	s18 =	simm.s32 $0x1880;
	[smem:$0x7BF] =	sst s17  }
0x44: {  	s19 =	simm.s32 $0x3880;
	[smem:$0x7C0] =	sst s18  }
0x45: {  	s20 =	simm.s32 $0x1900;
	[smem:$0x7C1] =	sst s19  }
0x46: {  	s21 =	simm.s32 $0x3900;
	[smem:$0x7C2] =	sst s20  }
0x47: {  	s22 =	simm.s32 $0x1980;
	[smem:$0x7C3] =	sst s21  }
0x48: {  	s23 =	simm.s32 $0x3980;
	[smem:$0x7C4] =	sst s22  }
0x49: {  	s24 =	simm.s32 $0x1A00;
	[smem:$0x7C5] =	sst s23  }
0x4a: {  	s25 =	simm.s32 $0x3A00;
	[smem:$0x7C6] =	sst s24  }
0x4b: {  	s7 =	simm.s32 $0x2980;
	[smem:$0x7C7] =	sst s25  }
0x4c: {  	s26 =	simm.s32 $0x1A80;
	[dreg:$0xa] =	wrdreg s7  }
0x4d: {  	s28 =	simm.s32 $0x3A80;
	[smem:$0x7C8] =	sst s26  }
0x4e: {  	s29 =	simm.s32 $0x1B00;
	[smem:$0x7C9] =	sst s28  }
0x4f: {  	s30 =	simm.s32 $0x3B00;
	[smem:$0x7CA] =	sst s29  }
0x50: {  	s31 =	simm.s32 $0x1B80;
	[smem:$0x7CB] =	sst s30  }
0x51: {  	s8 =	simm.s32 $0x1C00;
	[smem:$0x7CC] =	sst s31  }
0x52: {  	s9 =	simm.s32 $0x3C00;
	[smem:$0x7CE] =	sst s8  }
0x53: {  	s10 =	simm.s32 $0x1C80;
	[smem:$0x7CF] =	sst s9  }
0x54: {  	s11 =	simm.s32 $0x3C80;
	[smem:$0x7D0] =	sst s10  }
0x55: {  	s12 =	simm.s32 $0x1D00;
	[smem:$0x7D1] =	sst s11  }
0x56: {  	s13 =	simm.s32 $0x3D00;
	[smem:$0x7D2] =	sst s12  }
0x57: {  	s14 =	simm.s32 $0x1D80;
	[smem:$0x7D3] =	sst s13  }
0x58: {  	s15 =	simm.s32 $0x3D80;
	[smem:$0x7D4] =	sst s14  }
0x59: {  	s16 =	simm.s32 $0x1E00;
	[smem:$0x7D5] =	sst s15  }
0x5a: {  	s17 =	simm.s32 $0x3E00;
	[smem:$0x7D6] =	sst s16  }
0x5b: {  	s18 =	simm.s32 $0x1E80;
	[smem:$0x7D7] =	sst s17  }
0x5c: {  	s19 =	simm.s32 $0x3E80;
	[smem:$0x7D8] =	sst s18  }
0x5d: {  	s20 =	simm.s32 $0x1F00;
	[smem:$0x7D9] =	sst s19  }
0x5e: {  	s21 =	simm.s32 $0x3F00;
	[smem:$0x7DA] =	sst s20  }
0x5f: {  	s22 =	simm.s32 $0x1F80;
	[smem:$0x7DB] =	sst s21  }
0x60: {  	s23 =	simm.s32 $0x3F80;
	[smem:$0x7DC] =	sst s22  }
0x61: {  	s24 =	simm.s32 $0x2000;
	[smem:$0x7DD] =	sst s23  }
0x62: {  	s25 =	simm.s32 $0x4000;
	[smem:$0x7DE] =	sst s24  }
0x63: {  	s7 =	simm.s32 $0x2F80;
	[smem:$0x7DF] =	sst s25  }
0x64: {  	s26 =	simm.s32 $0x2080;
	[smem:$0x79D] =	sst s7  }
0x65: {  	s28 =	simm.s32 $0x4080;
	[smem:$0x7E0] =	sst s26  }
0x66: {  	s29 =	simm.s32 $0x2100;
	[smem:$0x7E1] =	sst s28  }
0x67: {  	s30 =	simm.s32 $0x4100;
	[smem:$0x7E2] =	sst s29  }
0x68: {  	s31 =	simm.s32 $0x2180;
	[smem:$0x7E3] =	sst s30  }
0x69: {  	s8 =	simm.s32 $0x2200;
	[smem:$0x7E4] =	sst s31  }
0x6a: {  	s9 =	simm.s32 $0x4200;
	[smem:$0x7E6] =	sst s8  }
0x6b: {  	s10 =	simm.s32 $0x2280;
	[smem:$0x7E7] =	sst s9  }
0x6c: {  	s11 =	simm.s32 $0x4280;
	[smem:$0x7E8] =	sst s10  }
0x6d: {  	s12 =	simm.s32 $0x2300;
	[smem:$0x7E9] =	sst s11  }
0x6e: {  	s13 =	simm.s32 $0x4300;
	[smem:$0x7EA] =	sst s12  }
0x6f: {  	s14 =	simm.s32 $0x2380;
	[smem:$0x7EB] =	sst s13  }
0x70: {  	s15 =	simm.s32 $0x4380;
	[smem:$0x7EC] =	sst s14  }
0x71: {  	s16 =	simm.s32 $0x2400;
	[smem:$0x7ED] =	sst s15  }
0x72: {  	s17 =	simm.s32 $0x4400;
	[smem:$0x7EE] =	sst s16  }
0x73: {  	s19 =	simm.s32 $0x2480;
	[smem:$0x7EF] =	sst s17  }
0x74: {  	s20 =	simm.s32 $0x4480;
	[smem:$0x7F0] =	sst s19  }
0x75: {  	s21 =	simm.s32 $0x2500;
	[smem:$0x7F1] =	sst s20  }
0x76: {  	s22 =	simm.s32 $0x2580;
	[smem:$0x7F2] =	sst s21  }
0x77: {  	s23 =	simm.s32 $0x4580;
	[smem:$0x7F4] =	sst s22  }
0x78: {  	s24 =	simm.s32 $0x2600;
	[smem:$0x7F5] =	sst s23  }
0x79: {  	s25 =	simm.s32 $0x4600;
	[smem:$0x7F6] =	sst s24  }
0x7a: {  	s7 =	simm.s32 $0x3580;
	[smem:$0x7F7] =	sst s25  }
0x7b: {  	s9 =	simm.s32 $0x4500;
	[smem:$0x7B5] =	sst s7  }
0x7c: {  	s3 =	sadd.s32 $0x1C00, s4;
	s26 =	simm.s32 $0x2680;
	[smem:$0x7F3] =	sst s9  }
0x7d: {  	s18 =	sshll.u32 s1, $0x8;
	s28 =	simm.s32 $0x4680;
	[smem:$0x7F8] =	sst s26  }
0x7e: {  	s8 =	sshll.u32 s6, $0x7;
	s29 =	simm.s32 $0x2700;
	[smem:$0x7F9] =	sst s28  }
0x7f: {  	s6 =	ssub.s32 $0x2, s6;
	s30 =	simm.s32 $0x4700;
	[smem:$0x7FA] =	sst s29  }
0x80: {  	s31 =	simm.s32 $0x2780;
	s12 =	simm.s32 $0x4780;
	[smem:$0x7FB] =	sst s30  }
0x81: {  	s11 =	simm.s32 $0x2800;
	s13 =	simm.s32 $0x2;
	[smem:$0x7FC] =	sst s31  }
0x82: {  	s14 =	simm.s32 $0x0;
	s7 =	simm.s32 $0x3B80;
	[smem:$0x7FD] =	sst s12  }
0x83: {  	s10 =	sshrl.u32 s6, $0x1;
	[smem:$0x7CD] =	sst s7;
	s7 =	simm.s32 $0x4180  }
0x84: {  	s9 =	simm.s32 $0x400;
	[smem:$0x7E5] =	sst s7;
	s7 =	sor.u32 s8, s18  }
0x85: {  	s12 =	simm.s32 $0x1;
	s10 =	ssub.s32 s6, s10;
	s8 =	sadd.s32 s7, s4  }
0x86: {  	s4 =	sadd.s32 $0xF44000, s4;
	s5 =	sadd.s32 s5, s7;
	s7 =	smax.u32 s10, $0x1  }
0x87: {  	s10 =	simm.s32 $0x800;
	s6 =	sadd.s32 $0xC00, s8;
	s8 =	simm.s32 $0x3  }
.LBB2_1:
0x88: {  	[tilespmem:s2], [sflag:$0x3] =	stream.linear.gather [hbm4b:s5+s2], $0x400, $0x38;
	[tilespmem:$0x4800] =	vst v63  }
0x89: {  	_ =	swait.ge [sflag:s8], $0x400  }
0x8a: {  	[sflag:s8] =	ssyncset.done $0x0  }
0x8b: {  	[sflag:s8] =	ssyncadd.s32 $0xFFFFFC00  }
0x8c: {  	[tilespmem:s9], [sflag:$0x3] =	stream.linear.gather [hbm4b:s6+s2], $0x400, $0x38;
	[tilespmem:$0x4800] =	vst v63  }
0x8d: {  	_ =	swait.ge [sflag:s8], $0x400  }
0x8e: {  	s15 =	simm.s32 $0x20;
	[sflag:s8] =	ssyncset.done $0x0  }
0x8f: {  	s16 =	simm.s32 $0x420;
	s17 =	simm.s32 $0x0;
	[sflag:s8] =	ssyncadd.s32 $0xFFFFFC00  }
.LBB2_2:
0x90: {  	v0 =	vld [tilespmem:s15+$0xFFFFFFE0];
	_ =	sdelay $0x1  }
0x91: {  	v2 =	vld [tilespmem:s16+$0xFFFFFFE0];
	_ =	sdelay $0x2  }
0x92: {  	v1 =	vshll.u32 v0, $0x4  }
0x93: {  	(v2sf) =	vpush v1, $0x0  }
0x94: {  	v51 =	vshll.u32 v2, $0x4  }
0x95: {  	(v2sf) =	vpush v51, $0x0;
	_ =	sdelay $0x1  }
0x96: {  	(v2sf) =	vpush v1, $0x1;
	_ =	sdelay $0x5  }
0x97: {  	(v2sf) =	vpush v51, $0x1;
	_ =	sdelay $0x4  }
0x98: {  	s18 =	spop (v2sf);
	(v2sf) =	vpush v1, $0x2  }
0x99: {  	s18 =	sand.u32 $0x1FFFFFF0, s18  }
0x9a: {  	s30 =	spop (v2sf);
	(v2sf) =	vpush v51, $0x2;
	s18 =	sadd.s32 s3, s18  }
0x9b: {  	[tilespmem:s10], [sflag:$0x1] =	stream.linear.gather [hbm4b:s18+s2], $0x80, $0x38;
	[tilespmem:$0x4800] =	vst v63  }
0x9c: {  	s31 =	spop (v2sf);
	(v2sf) =	vpush v1, $0x3;
	s18 =	sand.u32 $0x1FFFFFF0, s30  }
0x9d: {  	s18 =	sadd.s32 s4, s18  }
0x9e: {  	[tilespmem:s11], [sflag:$0x2] =	stream.linear.gather [hbm4b:s18+s2], $0x80, $0x38;
	[tilespmem:$0x4800] =	vst v63  }
0x9f: {  	s18 =	sand.u32 $0x1FFFFFF0, s31  }
0xa0: {  	s19 =	rddreg [dreg:$0x5];
	s18 =	sadd.s32 s3, s18  }
0xa1: {  	[tilespmem:s19], [sflag:$0x1] =	stream.linear.gather [hbm4b:s18+s2], $0x80, $0x38;
	[tilespmem:$0x4800] =	vst v63  }
0xa2: {  	s19 =	spop (v2sf);
	(v2sf) =	vpush v51, $0x3;
	_ =	sdelay $0x4  }
0xa3: {  	s21 =	spop (v2sf);
	(v2sf) =	vpush v1, $0x4;
	_ =	sdelay $0x1  }
0xa4: {  	s23 =	spop (v2sf);
	(v2sf) =	vpush v51, $0x4;
	_ =	sdelay $0x1  }
0xa5: {  	s25 =	spop (v2sf);
	(v2sf) =	vpush v1, $0x5;
	_ =	sdelay $0x2  }
0xa6: {  	s18 =	sand.u32 $0x1FFFFFF0, s19  }
0xa7: {  	s20 =	rddreg [dreg:$0x6];
	s18 =	sadd.s32 s4, s18  }
0xa8: {  	[tilespmem:s20], [sflag:$0x2] =	stream.linear.gather [hbm4b:s18+s2], $0x80, $0x38;
	[tilespmem:$0x4800] =	vst v63  }
0xa9: {  	s28 =	spop (v2sf);
	(v2sf) =	vpush v51, $0x5  }
0xaa: {  	s18 =	sand.u32 $0x1FFFFFF0, s21  }
0xab: {  	s22 =	rddreg [dreg:$0x7];
	s18 =	sadd.s32 s3, s18  }
0xac: {  	[tilespmem:s22], [sflag:$0x1] =	stream.linear.gather [hbm4b:s18+s2], $0x80, $0x38;
	[tilespmem:$0x4800] =	vst v63  }
0xad: {  	s18 =	sand.u32 $0x1FFFFFF0, s23  }
0xae: {  	s24 =	rddreg [dreg:$0x8];
	s18 =	sadd.s32 s4, s18;
	s30 =	spop (v2sf);
	(v2sf) =	vpush v1, $0x6  }
0xaf: {  	[tilespmem:s24], [sflag:$0x2] =	stream.linear.gather [hbm4b:s18+s2], $0x80, $0x38;
	[tilespmem:$0x4800] =	vst v63  }
0xb0: {  	s19 =	spop (v2sf);
	(v2sf) =	vpush v51, $0x6  }
0xb1: {  	s18 =	sand.u32 $0x1FFFFFF0, s25  }
0xb2: {  	s26 =	rddreg [dreg:$0x9];
	s18 =	sadd.s32 s3, s18;
	s21 =	spop (v2sf);
	(v2sf) =	vpush v1, $0x7  }
0xb3: {  	[tilespmem:s26], [sflag:$0x1] =	stream.linear.gather [hbm4b:s18+s2], $0x80, $0x38;
	[tilespmem:$0x4800] =	vst v63  }
0xb4: {  	s18 =	sand.u32 $0x1FFFFFF0, s28  }
0xb5: {  	s29 =	rddreg [dreg:$0xa];
	s18 =	sadd.s32 s4, s18  }
0xb6: {  	[tilespmem:s29], [sflag:$0x2] =	stream.linear.gather [hbm4b:s18+s2], $0x80, $0x38;
	[tilespmem:$0x4800] =	vst v63  }
0xb7: {  	s18 =	sand.u32 $0x1FFFFFF0, s30  }
0xb8: {  	s31 =	rddreg [dreg:$0xb];
	s18 =	sadd.s32 s3, s18;
	s23 =	spop (v2sf);
	(v2sf) =	vpush v51, $0x7  }
0xb9: {  	[tilespmem:s31], [sflag:$0x1] =	stream.linear.gather [hbm4b:s18+s2], $0x80, $0x38;
	[tilespmem:$0x4800] =	vst v63  }
0xba: {  	s18 =	sand.u32 $0x1FFFFFF0, s19  }
0xbb: {  	s20 =	rddreg [dreg:$0xc];
	s18 =	sadd.s32 s4, s18  }
0xbc: {  	[tilespmem:s20], [sflag:$0x2] =	stream.linear.gather [hbm4b:s18+s2], $0x80, $0x38;
	[tilespmem:$0x4800] =	vst v63  }
0xbd: {  	s25 =	spop (v2sf);
	(v2sf) =	vpush v1, $0x8  }
0xbe: {  	s18 =	sand.u32 $0x1FFFFFF0, s21  }
0xbf: {  	s22 =	rddreg [dreg:$0xd];
	s18 =	sadd.s32 s3, s18;
	s28 =	spop (v2sf);
	(v2sf) =	vpush v51, $0x8  }
0xc0: {  	[tilespmem:s22], [sflag:$0x1] =	stream.linear.gather [hbm4b:s18+s2], $0x80, $0x38;
	[tilespmem:$0x4800] =	vst v63  }
0xc1: {  	s18 =	sand.u32 $0x1FFFFFF0, s23;
	s30 =	spop (v2sf);
	(v2sf) =	vpush v1, $0x9  }
0xc2: {  	s24 =	rddreg [dreg:$0xe];
	s18 =	sadd.s32 s4, s18  }
0xc3: {  	[tilespmem:s24], [sflag:$0x2] =	stream.linear.gather [hbm4b:s18+s2], $0x80, $0x38;
	[tilespmem:$0x4800] =	vst v63  }
0xc4: {  	s18 =	sand.u32 $0x1FFFFFF0, s25  }
0xc5: {  	s26 =	rddreg [dreg:$0xf];
	s18 =	sadd.s32 s3, s18  }
0xc6: {  	[tilespmem:s26], [sflag:$0x1] =	stream.linear.gather [hbm4b:s18+s2], $0x80, $0x38;
	[tilespmem:$0x4800] =	vst v63  }
0xc7: {  	s19 =	spop (v2sf);
	(v2sf) =	vpush v51, $0x9  }
0xc8: {  	s18 =	sand.u32 $0x1FFFFFF0, s28  }
0xc9: {  	s29 =	rddreg [dreg:$0x10];
	s18 =	sadd.s32 s4, s18  }
0xca: {  	[tilespmem:s29], [sflag:$0x2] =	stream.linear.gather [hbm4b:s18+s2], $0x80, $0x38;
	[tilespmem:$0x4800] =	vst v63  }
0xcb: {  	s18 =	sand.u32 $0x1FFFFFF0, s30  }
0xcc: {  	s31 =	rddreg [dreg:$0x11];
	s18 =	sadd.s32 s3, s18;
	s21 =	spop (v2sf);
	(v2sf) =	vpush v1, $0xA  }
0xcd: {  	[tilespmem:s31], [sflag:$0x1] =	stream.linear.gather [hbm4b:s18+s2], $0x80, $0x38;
	[tilespmem:$0x4800] =	vst v63  }
0xce: {  	s23 =	spop (v2sf);
	(v2sf) =	vpush v51, $0xA  }
0xcf: {  	s18 =	sand.u32 $0x1FFFFFF0, s19  }
0xd0: {  	s20 =	rddreg [dreg:$0x12];
	s18 =	sadd.s32 s4, s18;
	s25 =	spop (v2sf);
	(v2sf) =	vpush v1, $0xB  }
0xd1: {  	[tilespmem:s20], [sflag:$0x2] =	stream.linear.gather [hbm4b:s18+s2], $0x80, $0x38;
	[tilespmem:$0x4800] =	vst v63  }
0xd2: {  	s18 =	sand.u32 $0x1FFFFFF0, s21  }
0xd3: {  	s22 =	rddreg [dreg:$0x13];
	s18 =	sadd.s32 s3, s18  }
0xd4: {  	[tilespmem:s22], [sflag:$0x1] =	stream.linear.gather [hbm4b:s18+s2], $0x80, $0x38;
	[tilespmem:$0x4800] =	vst v63  }
0xd5: {  	s18 =	sand.u32 $0x1FFFFFF0, s23  }
0xd6: {  	s24 =	rddreg [dreg:$0x14];
	s18 =	sadd.s32 s4, s18;
	s28 =	spop (v2sf);
	(v2sf) =	vpush v51, $0xB  }
0xd7: {  	[tilespmem:s24], [sflag:$0x2] =	stream.linear.gather [hbm4b:s18+s2], $0x80, $0x38;
	[tilespmem:$0x4800] =	vst v63  }
0xd8: {  	s18 =	sand.u32 $0x1FFFFFF0, s25  }
0xd9: {  	s26 =	rddreg [dreg:$0x15];
	s18 =	sadd.s32 s3, s18  }
0xda: {  	[tilespmem:s26], [sflag:$0x1] =	stream.linear.gather [hbm4b:s18+s2], $0x80, $0x38;
	[tilespmem:$0x4800] =	vst v63  }
0xdb: {  	s30 =	spop (v2sf);
	(v2sf) =	vpush v1, $0xC  }
0xdc: {  	s18 =	sand.u32 $0x1FFFFFF0, s28  }
0xdd: {  	s29 =	rddreg [dreg:$0x16];
	s18 =	sadd.s32 s4, s18;
	s19 =	spop (v2sf);
	(v2sf) =	vpush v51, $0xC  }
0xde: {  	[tilespmem:s29], [sflag:$0x2] =	stream.linear.gather [hbm4b:s18+s2], $0x80, $0x38;
	[tilespmem:$0x4800] =	vst v63  }
0xdf: {  	s18 =	sand.u32 $0x1FFFFFF0, s30;
	s21 =	spop (v2sf);
	(v2sf) =	vpush v1, $0xD  }
0xe0: {  	s31 =	rddreg [dreg:$0x17];
	s18 =	sadd.s32 s3, s18  }
0xe1: {  	[tilespmem:s31], [sflag:$0x1] =	stream.linear.gather [hbm4b:s18+s2], $0x80, $0x38;
	[tilespmem:$0x4800] =	vst v63  }
0xe2: {  	s18 =	sand.u32 $0x1FFFFFF0, s19  }
0xe3: {  	s20 =	rddreg [dreg:$0x18];
	s18 =	sadd.s32 s4, s18  }
0xe4: {  	[tilespmem:s20], [sflag:$0x2] =	stream.linear.gather [hbm4b:s18+s2], $0x80, $0x38;
	[tilespmem:$0x4800] =	vst v63  }
0xe5: {  	s23 =	spop (v2sf);
	(v2sf) =	vpush v51, $0xD  }
0xe6: {  	s18 =	sand.u32 $0x1FFFFFF0, s21  }
0xe7: {  	s22 =	rddreg [dreg:$0x19];
	s18 =	sadd.s32 s3, s18  }
0xe8: {  	[tilespmem:s22], [sflag:$0x1] =	stream.linear.gather [hbm4b:s18+s2], $0x80, $0x38;
	[tilespmem:$0x4800] =	vst v63  }
0xe9: {  	s18 =	sand.u32 $0x1FFFFFF0, s23  }
0xea: {  	s24 =	rddreg [dreg:$0x1a];
	s18 =	sadd.s32 s4, s18;
	s25 =	spop (v2sf);
	(v2sf) =	vpush v1, $0xE  }
0xeb: {  	[tilespmem:s24], [sflag:$0x2] =	stream.linear.gather [hbm4b:s18+s2], $0x80, $0x38;
	[tilespmem:$0x4800] =	vst v63  }
0xec: {  	s28 =	spop (v2sf);
	(v2sf) =	vpush v51, $0xE  }
0xed: {  	s18 =	sand.u32 $0x1FFFFFF0, s25  }
0xee: {  	s26 =	rddreg [dreg:$0x1b];
	s18 =	sadd.s32 s3, s18;
	s30 =	spop (v2sf)  }
0xef: {  	(v2sf) =	vpush v1, $0xF;
	[tilespmem:s26], [sflag:$0x1] =	stream.linear.gather [hbm4b:s18+s2], $0x80, $0x38;
	[tilespmem:$0x4800] =	vst v63  }
0xf0: {  	s18 =	sand.u32 $0x1FFFFFF0, s28  }
0xf1: {  	s29 =	rddreg [dreg:$0x1c];
	s18 =	sadd.s32 s4, s18  }
0xf2: {  	[tilespmem:s29], [sflag:$0x2] =	stream.linear.gather [hbm4b:s18+s2], $0x80, $0x38;
	[tilespmem:$0x4800] =	vst v63  }
0xf3: {  	s18 =	sand.u32 $0x1FFFFFF0, s30  }
0xf4: {  	s31 =	rddreg [dreg:$0x1d];
	s18 =	sadd.s32 s3, s18;
	s19 =	spop (v2sf);
	(v2sf) =	vpush v51, $0xF  }
0xf5: {  	[tilespmem:s31], [sflag:$0x1] =	stream.linear.gather [hbm4b:s18+s2], $0x80, $0x38;
	[tilespmem:$0x4800] =	vst v63  }
0xf6: {  	s18 =	sand.u32 $0x1FFFFFF0, s19  }
0xf7: {  	s20 =	rddreg [dreg:$0x1e];
	s18 =	sadd.s32 s4, s18  }
0xf8: {  	[tilespmem:s20], [sflag:$0x2] =	stream.linear.gather [hbm4b:s18+s2], $0x80, $0x38;
	[tilespmem:$0x4800] =	vst v63  }
0xf9: {  	s21 =	spop (v2sf)  }
0xfa: {  	s22 =	rddreg [dreg:$0x1f];
	s18 =	sand.u32 $0x1FFFFFF0, s21  }
0xfb: {  	s24 =	sld [smem:$0x79B];
	s23 =	spop (v2sf);
	s18 =	sadd.s32 s3, s18  }
0xfc: {  	[tilespmem:s22], [sflag:$0x1] =	stream.linear.gather [hbm4b:s18+s2], $0x80, $0x38;
	[tilespmem:$0x4800] =	vst v63  }
0xfd: {  	s18 =	sand.u32 $0x1FFFFFF0, s23  }
0xfe: {  	s26 =	sld [smem:$0x79C];
	s25 =	spop (v2sf);
	s18 =	sadd.s32 s4, s18  }
0xff: {  	[tilespmem:s24], [sflag:$0x2] =	stream.linear.gather [hbm4b:s18+s2], $0x80, $0x38;
	[tilespmem:$0x4800] =	vst v63  }
0x100: {  	s18 =	sand.u32 $0x1FFFFFF0, s25  }
0x101: {  	s18 =	sadd.s32 s3, s18  }
0x102: {  	[tilespmem:s26], [sflag:$0x1] =	stream.linear.gather [hbm4b:s18+s2], $0x80, $0x38;
	[tilespmem:$0x4800] =	vst v63  }
0x103: {  	s29 =	sld [smem:$0x79D];
	s28 =	spop (v2sf)  }
0x104: {  	s18 =	sand.u32 $0x1FFFFFF0, s28  }
0x105: {  	s18 =	sadd.s32 s4, s18  }
0x106: {  	[tilespmem:s29], [sflag:$0x2] =	stream.linear.gather [hbm4b:s18+s2], $0x80, $0x38;
	[tilespmem:$0x4800] =	vst v63  }
0x107: {  	v52 =	vld [tilespmem:s15+$0xFFFFFFF0];
	_ =	sdelay $0x1  }
0x108: {  	v53 =	vld [tilespmem:s16+$0xFFFFFFF0];
	_ =	sdelay $0x2  }
0x109: {  	v54 =	vshll.u32 v52, $0x4  }
0x10a: {  	(v2sf) =	vpush v54, $0x0  }
0x10b: {  	v55 =	vshll.u32 v53, $0x4  }
0x10c: {  	(v2sf) =	vpush v55, $0x0;
	_ =	sdelay $0x1  }
0x10d: {  	(v2sf) =	vpush v54, $0x1;
	_ =	sdelay $0x2  }
0x10e: {  	(v2sf) =	vpush v55, $0x1;
	_ =	sdelay $0x7  }
0x10f: {  	s30 =	spop (v2sf);
	(v2sf) =	vpush v54, $0x2;
	_ =	sdelay $0x1  }
0x110: {  	s19 =	spop (v2sf);
	(v2sf) =	vpush v55, $0x2;
	_ =	sdelay $0x1  }
0x111: {  	s21 =	spop (v2sf);
	(v2sf) =	vpush v54, $0x3;
	_ =	sdelay $0x2  }
0x112: {  	s23 =	spop (v2sf);
	(v2sf) =	vpush v55, $0x3;
	_ =	sdelay $0x3  }
0x113: {  	s31 =	sld [smem:$0x79E]  }
0x114: {  	s18 =	sand.u32 $0x1FFFFFF0, s30  }
0x115: {  	s18 =	sadd.s32 s3, s18  }
0x116: {  	[tilespmem:s31], [sflag:$0x1] =	stream.linear.gather [hbm4b:s18+s2], $0x80, $0x38;
	[tilespmem:$0x4800] =	vst v63  }
0x117: {  	s20 =	sld [smem:$0x79F];
	s25 =	spop (v2sf);
	(v2sf) =	vpush v54, $0x4  }
0x118: {  	s18 =	sand.u32 $0x1FFFFFF0, s19  }
0x119: {  	s22 =	sld [smem:$0x7A0];
	s18 =	sadd.s32 s4, s18;
	s28 =	spop (v2sf);
	(v2sf) =	vpush v55, $0x4  }
0x11a: {  	[tilespmem:s20], [sflag:$0x2] =	stream.linear.gather [hbm4b:s18+s2], $0x80, $0x38;
	[tilespmem:$0x4800] =	vst v63  }
0x11b: {  	s18 =	sand.u32 $0x1FFFFFF0, s21;
	s30 =	spop (v2sf);
	(v2sf) =	vpush v54, $0x5  }
0x11c: {  	s18 =	sadd.s32 s3, s18  }
0x11d: {  	[tilespmem:s22], [sflag:$0x1] =	stream.linear.gather [hbm4b:s18+s2], $0x80, $0x38;
	[tilespmem:$0x4800] =	vst v63  }
0x11e: {  	s24 =	sld [smem:$0x7A1];
	s19 =	spop (v2sf);
	(v2sf) =	vpush v55, $0x5  }
0x11f: {  	s18 =	sand.u32 $0x1FFFFFF0, s23  }
0x120: {  	s26 =	sld [smem:$0x7A2];
	s18 =	sadd.s32 s4, s18  }
0x121: {  	[tilespmem:s24], [sflag:$0x2] =	stream.linear.gather [hbm4b:s18+s2], $0x80, $0x38;
	[tilespmem:$0x4800] =	vst v63  }
0x122: {  	s18 =	sand.u32 $0x1FFFFFF0, s25  }
0x123: {  	s29 =	sld [smem:$0x7A3];
	s18 =	sadd.s32 s3, s18  }
0x124: {  	[tilespmem:s26], [sflag:$0x1] =	stream.linear.gather [hbm4b:s18+s2], $0x80, $0x38;
	[tilespmem:$0x4800] =	vst v63  }
0x125: {  	s18 =	sand.u32 $0x1FFFFFF0, s28  }
0x126: {  	s18 =	sadd.s32 s4, s18;
	s21 =	spop (v2sf);
	(v2sf) =	vpush v54, $0x6  }
0x127: {  	[tilespmem:s29], [sflag:$0x2] =	stream.linear.gather [hbm4b:s18+s2], $0x80, $0x38;
	[tilespmem:$0x4800] =	vst v63  }
0x128: {  	s31 =	sld [smem:$0x7A4];
	s23 =	spop (v2sf);
	(v2sf) =	vpush v55, $0x6  }
0x129: {  	s18 =	sand.u32 $0x1FFFFFF0, s30  }
0x12a: {  	s20 =	sld [smem:$0x7A5];
	s18 =	sadd.s32 s3, s18;
	s25 =	spop (v2sf);
	(v2sf) =	vpush v54, $0x7  }
0x12b: {  	[tilespmem:s31], [sflag:$0x1] =	stream.linear.gather [hbm4b:s18+s2], $0x80, $0x38;
	[tilespmem:$0x4800] =	vst v63  }
0x12c: {  	s18 =	sand.u32 $0x1FFFFFF0, s19  }
0x12d: {  	s22 =	sld [smem:$0x7A6];
	s18 =	sadd.s32 s4, s18;
	s28 =	spop (v2sf);
	(v2sf) =	vpush v55, $0x7  }
0x12e: {  	[tilespmem:s20], [sflag:$0x2] =	stream.linear.gather [hbm4b:s18+s2], $0x80, $0x38;
	[tilespmem:$0x4800] =	vst v63  }
0x12f: {  	s18 =	sand.u32 $0x1FFFFFF0, s21  }
0x130: {  	s24 =	sld [smem:$0x7A7];
	s18 =	sadd.s32 s3, s18  }
0x131: {  	[tilespmem:s22], [sflag:$0x1] =	stream.linear.gather [hbm4b:s18+s2], $0x80, $0x38;
	[tilespmem:$0x4800] =	vst v63  }
0x132: {  	s18 =	sand.u32 $0x1FFFFFF0, s23  }
0x133: {  	s18 =	sadd.s32 s4, s18  }
0x134: {  	[tilespmem:s24], [sflag:$0x2] =	stream.linear.gather [hbm4b:s18+s2], $0x80, $0x38;
	[tilespmem:$0x4800] =	vst v63  }
0x135: {  	s26 =	sld [smem:$0x7A8];
	s30 =	spop (v2sf);
	(v2sf) =	vpush v54, $0x8  }
0x136: {  	s18 =	sand.u32 $0x1FFFFFF0, s25  }
0x137: {  	s29 =	sld [smem:$0x7A9];
	s18 =	sadd.s32 s3, s18;
	s19 =	spop (v2sf);
	(v2sf) =	vpush v55, $0x8  }
0x138: {  	[tilespmem:s26], [sflag:$0x1] =	stream.linear.gather [hbm4b:s18+s2], $0x80, $0x38;
	[tilespmem:$0x4800] =	vst v63  }
0x139: {  	s18 =	sand.u32 $0x1FFFFFF0, s28;
	s21 =	spop (v2sf);
	(v2sf) =	vpush v54, $0x9  }
0x13a: {  	s18 =	sadd.s32 s4, s18  }
0x13b: {  	[tilespmem:s29], [sflag:$0x2] =	stream.linear.gather [hbm4b:s18+s2], $0x80, $0x38;
	[tilespmem:$0x4800] =	vst v63  }
0x13c: {  	s31 =	sld [smem:$0x7AA];
	s23 =	spop (v2sf);
	(v2sf) =	vpush v55, $0x9  }
0x13d: {  	s18 =	sand.u32 $0x1FFFFFF0, s30  }
0x13e: {  	s20 =	sld [smem:$0x7AB];
	s18 =	sadd.s32 s3, s18  }
0x13f: {  	[tilespmem:s31], [sflag:$0x1] =	stream.linear.gather [hbm4b:s18+s2], $0x80, $0x38;
	[tilespmem:$0x4800] =	vst v63  }
0x140: {  	s18 =	sand.u32 $0x1FFFFFF0, s19  }
0x141: {  	s22 =	sld [smem:$0x7AC];
	s18 =	sadd.s32 s4, s18  }
0x142: {  	[tilespmem:s20], [sflag:$0x2] =	stream.linear.gather [hbm4b:s18+s2], $0x80, $0x38;
	[tilespmem:$0x4800] =	vst v63  }
0x143: {  	s18 =	sand.u32 $0x1FFFFFF0, s21  }
0x144: {  	s18 =	sadd.s32 s3, s18;
	s25 =	spop (v2sf);
	(v2sf) =	vpush v54, $0xA  }
0x145: {  	[tilespmem:s22], [sflag:$0x1] =	stream.linear.gather [hbm4b:s18+s2], $0x80, $0x38;
	[tilespmem:$0x4800] =	vst v63  }
0x146: {  	s24 =	sld [smem:$0x7AD];
	s28 =	spop (v2sf);
	(v2sf) =	vpush v55, $0xA  }
0x147: {  	s18 =	sand.u32 $0x1FFFFFF0, s23  }
0x148: {  	s26 =	sld [smem:$0x7AE];
	s18 =	sadd.s32 s4, s18;
	s30 =	spop (v2sf);
	(v2sf) =	vpush v54, $0xB  }
0x149: {  	[tilespmem:s24], [sflag:$0x2] =	stream.linear.gather [hbm4b:s18+s2], $0x80, $0x38;
	[tilespmem:$0x4800] =	vst v63  }
0x14a: {  	s18 =	sand.u32 $0x1FFFFFF0, s25  }
0x14b: {  	s29 =	sld [smem:$0x7AF];
	s18 =	sadd.s32 s3, s18;
	s19 =	spop (v2sf);
	(v2sf) =	vpush v55, $0xB  }
0x14c: {  	[tilespmem:s26], [sflag:$0x1] =	stream.linear.gather [hbm4b:s18+s2], $0x80, $0x38;
	[tilespmem:$0x4800] =	vst v63  }
0x14d: {  	s18 =	sand.u32 $0x1FFFFFF0, s28  }
0x14e: {  	s31 =	sld [smem:$0x7B0];
	s18 =	sadd.s32 s4, s18  }
0x14f: {  	[tilespmem:s29], [sflag:$0x2] =	stream.linear.gather [hbm4b:s18+s2], $0x80, $0x38;
	[tilespmem:$0x4800] =	vst v63  }
0x150: {  	s18 =	sand.u32 $0x1FFFFFF0, s30  }
0x151: {  	s18 =	sadd.s32 s3, s18  }
0x152: {  	[tilespmem:s31], [sflag:$0x1] =	stream.linear.gather [hbm4b:s18+s2], $0x80, $0x38;
	[tilespmem:$0x4800] =	vst v63  }
0x153: {  	s20 =	sld [smem:$0x7B1];
	s21 =	spop (v2sf);
	(v2sf) =	vpush v54, $0xC  }
0x154: {  	s18 =	sand.u32 $0x1FFFFFF0, s19  }
0x155: {  	s22 =	sld [smem:$0x7B2];
	s18 =	sadd.s32 s4, s18;
	s23 =	spop (v2sf);
	(v2sf) =	vpush v55, $0xC  }
0x156: {  	[tilespmem:s20], [sflag:$0x2] =	stream.linear.gather [hbm4b:s18+s2], $0x80, $0x38;
	[tilespmem:$0x4800] =	vst v63  }
0x157: {  	s18 =	sand.u32 $0x1FFFFFF0, s21;
	s25 =	spop (v2sf);
	(v2sf) =	vpush v54, $0xD  }
0x158: {  	s18 =	sadd.s32 s3, s18  }
0x159: {  	[tilespmem:s22], [sflag:$0x1] =	stream.linear.gather [hbm4b:s18+s2], $0x80, $0x38;
	[tilespmem:$0x4800] =	vst v63  }
0x15a: {  	s24 =	sld [smem:$0x7B3];
	s28 =	spop (v2sf);
	(v2sf) =	vpush v55, $0xD  }
0x15b: {  	s18 =	sand.u32 $0x1FFFFFF0, s23  }
0x15c: {  	s26 =	sld [smem:$0x7B4];
	s18 =	sadd.s32 s4, s18  }
0x15d: {  	[tilespmem:s24], [sflag:$0x2] =	stream.linear.gather [hbm4b:s18+s2], $0x80, $0x38;
	[tilespmem:$0x4800] =	vst v63  }
0x15e: {  	s18 =	sand.u32 $0x1FFFFFF0, s25  }
0x15f: {  	s29 =	sld [smem:$0x7B5];
	s18 =	sadd.s32 s3, s18  }
0x160: {  	[tilespmem:s26], [sflag:$0x1] =	stream.linear.gather [hbm4b:s18+s2], $0x80, $0x38;
	[tilespmem:$0x4800] =	vst v63  }
0x161: {  	s18 =	sand.u32 $0x1FFFFFF0, s28  }
0x162: {  	s18 =	sadd.s32 s4, s18;
	s30 =	spop (v2sf);
	(v2sf) =	vpush v54, $0xE  }
0x163: {  	[tilespmem:s29], [sflag:$0x2] =	stream.linear.gather [hbm4b:s18+s2], $0x80, $0x38;
	[tilespmem:$0x4800] =	vst v63  }
0x164: {  	s31 =	sld [smem:$0x7B6];
	s19 =	spop (v2sf);
	(v2sf) =	vpush v55, $0xE  }
0x165: {  	s18 =	sand.u32 $0x1FFFFFF0, s30  }
0x166: {  	s20 =	sld [smem:$0x7B7];
	s18 =	sadd.s32 s3, s18;
	s21 =	spop (v2sf)  }
0x167: {  	(v2sf) =	vpush v54, $0xF;
	[tilespmem:s31], [sflag:$0x1] =	stream.linear.gather [hbm4b:s18+s2], $0x80, $0x38;
	[tilespmem:$0x4800] =	vst v63  }
0x168: {  	s18 =	sand.u32 $0x1FFFFFF0, s19  }
0x169: {  	s22 =	sld [smem:$0x7B8];
	s23 =	spop (v2sf);
	s18 =	sadd.s32 s4, s18  }
0x16a: {  	(v2sf) =	vpush v55, $0xF;
	[tilespmem:s20], [sflag:$0x2] =	stream.linear.gather [hbm4b:s18+s2], $0x80, $0x38;
	[tilespmem:$0x4800] =	vst v63  }
0x16b: {  	s18 =	sand.u32 $0x1FFFFFF0, s21  }
0x16c: {  	s24 =	sld [smem:$0x7B9];
	s18 =	sadd.s32 s3, s18  }
0x16d: {  	[tilespmem:s22], [sflag:$0x1] =	stream.linear.gather [hbm4b:s18+s2], $0x80, $0x38;
	[tilespmem:$0x4800] =	vst v63  }
0x16e: {  	s18 =	sand.u32 $0x1FFFFFF0, s23  }
0x16f: {  	s18 =	sadd.s32 s4, s18  }
0x170: {  	[tilespmem:s24], [sflag:$0x2] =	stream.linear.gather [hbm4b:s18+s2], $0x80, $0x38;
	[tilespmem:$0x4800] =	vst v63  }
0x171: {  	s26 =	sld [smem:$0x7BA];
	s25 =	spop (v2sf)  }
0x172: {  	s18 =	sand.u32 $0x1FFFFFF0, s25  }
0x173: {  	s29 =	sld [smem:$0x7BB];
	s28 =	spop (v2sf);
	s18 =	sadd.s32 s3, s18  }
0x174: {  	[tilespmem:s26], [sflag:$0x1] =	stream.linear.gather [hbm4b:s18+s2], $0x80, $0x38;
	[tilespmem:$0x4800] =	vst v63  }
0x175: {  	s18 =	sand.u32 $0x1FFFFFF0, s28  }
0x176: {  	s31 =	sld [smem:$0x7BC];
	s30 =	spop (v2sf);
	s18 =	sadd.s32 s4, s18  }
0x177: {  	[tilespmem:s29], [sflag:$0x2] =	stream.linear.gather [hbm4b:s18+s2], $0x80, $0x38;
	[tilespmem:$0x4800] =	vst v63  }
0x178: {  	s18 =	sand.u32 $0x1FFFFFF0, s30  }
0x179: {  	s20 =	sld [smem:$0x7BD];
	s19 =	spop (v2sf);
	s18 =	sadd.s32 s3, s18  }
0x17a: {  	[tilespmem:s31], [sflag:$0x1] =	stream.linear.gather [hbm4b:s18+s2], $0x80, $0x38;
	[tilespmem:$0x4800] =	vst v63  }
0x17b: {  	s18 =	sand.u32 $0x1FFFFFF0, s19  }
0x17c: {  	s18 =	sadd.s32 s4, s18  }
0x17d: {  	[tilespmem:s20], [sflag:$0x2] =	stream.linear.gather [hbm4b:s18+s2], $0x80, $0x38;
	[tilespmem:$0x4800] =	vst v63  }
0x17e: {  	v56 =	vld [tilespmem:s15+$0x0];
	_ =	sdelay $0x1  }
0x17f: {  	v57 =	vld [tilespmem:s16+$0x0];
	_ =	sdelay $0x2  }
0x180: {  	v58 =	vshll.u32 v56, $0x4  }
0x181: {  	(v2sf) =	vpush v58, $0x0  }
0x182: {  	v59 =	vshll.u32 v57, $0x4  }
0x183: {  	(v2sf) =	vpush v59, $0x0;
	_ =	sdelay $0x4  }
0x184: {  	(v2sf) =	vpush v58, $0x1;
	_ =	sdelay $0x2  }
0x185: {  	(v2sf) =	vpush v59, $0x1;
	_ =	sdelay $0x4  }
0x186: {  	s21 =	spop (v2sf);
	(v2sf) =	vpush v58, $0x2;
	_ =	sdelay $0x1  }
0x187: {  	s22 =	sld [smem:$0x7BE];
	s23 =	spop (v2sf);
	(v2sf) =	vpush v59, $0x2  }
0x188: {  	s18 =	sand.u32 $0x1FFFFFF0, s21  }
0x189: {  	s24 =	sld [smem:$0x7BF];
	s18 =	sadd.s32 s3, s18  }
0x18a: {  	[tilespmem:s22], [sflag:$0x1] =	stream.linear.gather [hbm4b:s18+s2], $0x80, $0x38;
	[tilespmem:$0x4800] =	vst v63  }
0x18b: {  	s18 =	sand.u32 $0x1FFFFFF0, s23  }
0x18c: {  	s26 =	sld [smem:$0x7C0];
	s25 =	spop (v2sf);
	s18 =	sadd.s32 s4, s18  }
0x18d: {  	[tilespmem:s24], [sflag:$0x2] =	stream.linear.gather [hbm4b:s18+s2], $0x80, $0x38;
	[tilespmem:$0x4800] =	vst v63  }
0x18e: {  	s18 =	sand.u32 $0x1FFFFFF0, s25  }
0x18f: {  	s29 =	sld [smem:$0x7C1];
	s28 =	spop (v2sf);
	s18 =	sadd.s32 s3, s18  }
0x190: {  	[tilespmem:s26], [sflag:$0x1] =	stream.linear.gather [hbm4b:s18+s2], $0x80, $0x38;
	[tilespmem:$0x4800] =	vst v63  }
0x191: {  	s18 =	sand.u32 $0x1FFFFFF0, s28  }
0x192: {  	s18 =	sadd.s32 s4, s18  }
0x193: {  	[tilespmem:s29], [sflag:$0x2] =	stream.linear.gather [hbm4b:s18+s2], $0x80, $0x38;
	[tilespmem:$0x4800] =	vst v63  }
0x194: {  	s31 =	sld [smem:$0x7C2];
	s30 =	spop (v2sf)  }
0x195: {  	s18 =	sand.u32 $0x1FFFFFF0, s30  }
0x196: {  	s20 =	spop (v2sf);
	s18 =	sadd.s32 s3, s18  }
0x197: {  	[tilespmem:s31], [sflag:$0x1] =	stream.linear.gather [hbm4b:s18+s2], $0x80, $0x38;
	[tilespmem:$0x4800] =	vst v63  }
0x198: {  	s19 =	sld [smem:$0x7C3];
	(v2sf) =	vpush v58, $0x3;
	_ =	sdelay $0x1  }
0x199: {  	(v2sf) =	vpush v59, $0x3;
	_ =	sdelay $0x3  }
0x19a: {  	(v2sf) =	vpush v58, $0x4;
	_ =	sdelay $0x2  }
0x19b: {  	(v2sf) =	vpush v59, $0x4;
	_ =	sdelay $0x5  }
0x19c: {  	s21 =	spop (v2sf);
	(v2sf) =	vpush v58, $0x5;
	_ =	sdelay $0x1  }
0x19d: {  	s23 =	spop (v2sf);
	(v2sf) =	vpush v59, $0x5;
	_ =	sdelay $0x3  }
0x19e: {  	s25 =	spop (v2sf);
	(v2sf) =	vpush v58, $0x6;
	_ =	sdelay $0x2  }
0x19f: {  	s28 =	spop (v2sf);
	(v2sf) =	vpush v59, $0x6;
	_ =	sdelay $0x4  }
0x1a0: {  	s18 =	sand.u32 $0x1FFFFFF0, s20  }
0x1a1: {  	s18 =	sadd.s32 s4, s18;
	s22 =	sld [smem:$0x7C4];
	s30 =	spop (v2sf);
	(v2sf) =	vpush v58, $0x7  }
0x1a2: {  	[tilespmem:s19], [sflag:$0x2] =	stream.linear.gather [hbm4b:s18+s2], $0x80, $0x38;
	[tilespmem:$0x4800] =	vst v63  }
0x1a3: {  	s18 =	sand.u32 $0x1FFFFFF0, s21;
	s19 =	spop (v2sf);
	(v2sf) =	vpush v59, $0x7  }
0x1a4: {  	s24 =	sld [smem:$0x7C5];
	s18 =	sadd.s32 s3, s18  }
0x1a5: {  	[tilespmem:s22], [sflag:$0x1] =	stream.linear.gather [hbm4b:s18+s2], $0x80, $0x38;
	[tilespmem:$0x4800] =	vst v63  }
0x1a6: {  	s18 =	sand.u32 $0x1FFFFFF0, s23  }
0x1a7: {  	s26 =	sld [smem:$0x7C6];
	s18 =	sadd.s32 s4, s18;
	s21 =	spop (v2sf);
	(v2sf) =	vpush v58, $0x8  }
0x1a8: {  	[tilespmem:s24], [sflag:$0x2] =	stream.linear.gather [hbm4b:s18+s2], $0x80, $0x38;
	[tilespmem:$0x4800] =	vst v63  }
0x1a9: {  	s18 =	sand.u32 $0x1FFFFFF0, s25  }
0x1aa: {  	s29 =	sld [smem:$0x7C7];
	s18 =	sadd.s32 s3, s18;
	s23 =	spop (v2sf);
	(v2sf) =	vpush v59, $0x8  }
0x1ab: {  	[tilespmem:s26], [sflag:$0x1] =	stream.linear.gather [hbm4b:s18+s2], $0x80, $0x38;
	[tilespmem:$0x4800] =	vst v63  }
0x1ac: {  	s18 =	sand.u32 $0x1FFFFFF0, s28  }
0x1ad: {  	s31 =	sld [smem:$0x7C8];
	s18 =	sadd.s32 s4, s18  }
0x1ae: {  	[tilespmem:s29], [sflag:$0x2] =	stream.linear.gather [hbm4b:s18+s2], $0x80, $0x38;
	[tilespmem:$0x4800] =	vst v63  }
0x1af: {  	s18 =	sand.u32 $0x1FFFFFF0, s30  }
0x1b0: {  	s20 =	sld [smem:$0x7C9];
	s18 =	sadd.s32 s3, s18;
	s25 =	spop (v2sf);
	(v2sf) =	vpush v58, $0x9  }
0x1b1: {  	[tilespmem:s31], [sflag:$0x1] =	stream.linear.gather [hbm4b:s18+s2], $0x80, $0x38;
	[tilespmem:$0x4800] =	vst v63  }
0x1b2: {  	s18 =	sand.u32 $0x1FFFFFF0, s19;
	s28 =	spop (v2sf);
	(v2sf) =	vpush v59, $0x9  }
0x1b3: {  	s22 =	sld [smem:$0x7CA];
	s18 =	sadd.s32 s4, s18  }
0x1b4: {  	[tilespmem:s20], [sflag:$0x2] =	stream.linear.gather [hbm4b:s18+s2], $0x80, $0x38;
	[tilespmem:$0x4800] =	vst v63  }
0x1b5: {  	s18 =	sand.u32 $0x1FFFFFF0, s21  }
0x1b6: {  	s24 =	sld [smem:$0x7CB];
	s18 =	sadd.s32 s3, s18;
	s30 =	spop (v2sf);
	(v2sf) =	vpush v58, $0xA  }
0x1b7: {  	[tilespmem:s22], [sflag:$0x1] =	stream.linear.gather [hbm4b:s18+s2], $0x80, $0x38;
	[tilespmem:$0x4800] =	vst v63  }
0x1b8: {  	s18 =	sand.u32 $0x1FFFFFF0, s23  }
0x1b9: {  	s26 =	sld [smem:$0x7CC];
	s18 =	sadd.s32 s4, s18;
	s19 =	spop (v2sf);
	(v2sf) =	vpush v59, $0xA  }
0x1ba: {  	[tilespmem:s24], [sflag:$0x2] =	stream.linear.gather [hbm4b:s18+s2], $0x80, $0x38;
	[tilespmem:$0x4800] =	vst v63  }
0x1bb: {  	s18 =	sand.u32 $0x1FFFFFF0, s25  }
0x1bc: {  	s29 =	sld [smem:$0x7CD];
	s18 =	sadd.s32 s3, s18  }
0x1bd: {  	[tilespmem:s26], [sflag:$0x1] =	stream.linear.gather [hbm4b:s18+s2], $0x80, $0x38;
	[tilespmem:$0x4800] =	vst v63  }
0x1be: {  	s18 =	sand.u32 $0x1FFFFFF0, s28  }
0x1bf: {  	s31 =	sld [smem:$0x7CE];
	s18 =	sadd.s32 s4, s18;
	s21 =	spop (v2sf);
	(v2sf) =	vpush v58, $0xB  }
0x1c0: {  	[tilespmem:s29], [sflag:$0x2] =	stream.linear.gather [hbm4b:s18+s2], $0x80, $0x38;
	[tilespmem:$0x4800] =	vst v63  }
0x1c1: {  	s18 =	sand.u32 $0x1FFFFFF0, s30;
	s23 =	spop (v2sf);
	(v2sf) =	vpush v59, $0xB  }
0x1c2: {  	s20 =	sld [smem:$0x7CF];
	s18 =	sadd.s32 s3, s18  }
0x1c3: {  	[tilespmem:s31], [sflag:$0x1] =	stream.linear.gather [hbm4b:s18+s2], $0x80, $0x38;
	[tilespmem:$0x4800] =	vst v63  }
0x1c4: {  	s18 =	sand.u32 $0x1FFFFFF0, s19  }
0x1c5: {  	s22 =	sld [smem:$0x7D0];
	s18 =	sadd.s32 s4, s18;
	s25 =	spop (v2sf);
	(v2sf) =	vpush v58, $0xC  }
0x1c6: {  	[tilespmem:s20], [sflag:$0x2] =	stream.linear.gather [hbm4b:s18+s2], $0x80, $0x38;
	[tilespmem:$0x4800] =	vst v63  }
0x1c7: {  	s18 =	sand.u32 $0x1FFFFFF0, s21  }
0x1c8: {  	s24 =	sld [smem:$0x7D1];
	s18 =	sadd.s32 s3, s18;
	s28 =	spop (v2sf);
	(v2sf) =	vpush v59, $0xC  }
0x1c9: {  	[tilespmem:s22], [sflag:$0x1] =	stream.linear.gather [hbm4b:s18+s2], $0x80, $0x38;
	[tilespmem:$0x4800] =	vst v63  }
0x1ca: {  	s18 =	sand.u32 $0x1FFFFFF0, s23  }
0x1cb: {  	s26 =	sld [smem:$0x7D2];
	s18 =	sadd.s32 s4, s18  }
0x1cc: {  	[tilespmem:s24], [sflag:$0x2] =	stream.linear.gather [hbm4b:s18+s2], $0x80, $0x38;
	[tilespmem:$0x4800] =	vst v63  }
0x1cd: {  	s18 =	sand.u32 $0x1FFFFFF0, s25  }
0x1ce: {  	s29 =	sld [smem:$0x7D3];
	s18 =	sadd.s32 s3, s18;
	s30 =	spop (v2sf);
	(v2sf) =	vpush v58, $0xD  }
0x1cf: {  	[tilespmem:s26], [sflag:$0x1] =	stream.linear.gather [hbm4b:s18+s2], $0x80, $0x38;
	[tilespmem:$0x4800] =	vst v63  }
0x1d0: {  	s18 =	sand.u32 $0x1FFFFFF0, s28;
	s19 =	spop (v2sf);
	(v2sf) =	vpush v59, $0xD  }
0x1d1: {  	s31 =	sld [smem:$0x7D4];
	s18 =	sadd.s32 s4, s18  }
0x1d2: {  	[tilespmem:s29], [sflag:$0x2] =	stream.linear.gather [hbm4b:s18+s2], $0x80, $0x38;
	[tilespmem:$0x4800] =	vst v63  }
0x1d3: {  	s18 =	sand.u32 $0x1FFFFFF0, s30  }
0x1d4: {  	s20 =	sld [smem:$0x7D5];
	s18 =	sadd.s32 s3, s18;
	s21 =	spop (v2sf)  }
0x1d5: {  	(v2sf) =	vpush v58, $0xE;
	[tilespmem:s31], [sflag:$0x1] =	stream.linear.gather [hbm4b:s18+s2], $0x80, $0x38;
	[tilespmem:$0x4800] =	vst v63  }
0x1d6: {  	s18 =	sand.u32 $0x1FFFFFF0, s19  }
0x1d7: {  	s22 =	sld [smem:$0x7D6];
	s23 =	spop (v2sf);
	s18 =	sadd.s32 s4, s18  }
0x1d8: {  	(v2sf) =	vpush v59, $0xE;
	[tilespmem:s20], [sflag:$0x2] =	stream.linear.gather [hbm4b:s18+s2], $0x80, $0x38;
	[tilespmem:$0x4800] =	vst v63  }
0x1d9: {  	s18 =	sand.u32 $0x1FFFFFF0, s21  }
0x1da: {  	s24 =	sld [smem:$0x7D7];
	s18 =	sadd.s32 s3, s18  }
0x1db: {  	[tilespmem:s22], [sflag:$0x1] =	stream.linear.gather [hbm4b:s18+s2], $0x80, $0x38;
	[tilespmem:$0x4800] =	vst v63  }
0x1dc: {  	s18 =	sand.u32 $0x1FFFFFF0, s23  }
0x1dd: {  	s18 =	sadd.s32 s4, s18;
	s25 =	spop (v2sf);
	(v2sf) =	vpush v58, $0xF  }
0x1de: {  	[tilespmem:s24], [sflag:$0x2] =	stream.linear.gather [hbm4b:s18+s2], $0x80, $0x38;
	[tilespmem:$0x4800] =	vst v63  }
0x1df: {  	s26 =	sld [smem:$0x7D8];
	s28 =	spop (v2sf);
	(v2sf) =	vpush v59, $0xF  }
0x1e0: {  	s18 =	sand.u32 $0x1FFFFFF0, s25  }
0x1e1: {  	s29 =	sld [smem:$0x7D9];
	s18 =	sadd.s32 s3, s18  }
0x1e2: {  	[tilespmem:s26], [sflag:$0x1] =	stream.linear.gather [hbm4b:s18+s2], $0x80, $0x38;
	[tilespmem:$0x4800] =	vst v63  }
0x1e3: {  	s18 =	sand.u32 $0x1FFFFFF0, s28  }
0x1e4: {  	s31 =	sld [smem:$0x7DA];
	s30 =	spop (v2sf);
	s18 =	sadd.s32 s4, s18  }
0x1e5: {  	[tilespmem:s29], [sflag:$0x2] =	stream.linear.gather [hbm4b:s18+s2], $0x80, $0x38;
	[tilespmem:$0x4800] =	vst v63  }
0x1e6: {  	s18 =	sand.u32 $0x1FFFFFF0, s30  }
0x1e7: {  	s20 =	sld [smem:$0x7DB];
	s19 =	spop (v2sf);
	s18 =	sadd.s32 s3, s18  }
0x1e8: {  	[tilespmem:s31], [sflag:$0x1] =	stream.linear.gather [hbm4b:s18+s2], $0x80, $0x38;
	[tilespmem:$0x4800] =	vst v63  }
0x1e9: {  	s18 =	sand.u32 $0x1FFFFFF0, s19  }
0x1ea: {  	s18 =	sadd.s32 s4, s18  }
0x1eb: {  	[tilespmem:s20], [sflag:$0x2] =	stream.linear.gather [hbm4b:s18+s2], $0x80, $0x38;
	[tilespmem:$0x4800] =	vst v63  }
0x1ec: {  	s22 =	sld [smem:$0x7DC];
	s21 =	spop (v2sf)  }
0x1ed: {  	s18 =	sand.u32 $0x1FFFFFF0, s21  }
0x1ee: {  	s24 =	sld [smem:$0x7DD];
	s23 =	spop (v2sf);
	s18 =	sadd.s32 s3, s18  }
0x1ef: {  	[tilespmem:s22], [sflag:$0x1] =	stream.linear.gather [hbm4b:s18+s2], $0x80, $0x38;
	[tilespmem:$0x4800] =	vst v63  }
0x1f0: {  	s18 =	sand.u32 $0x1FFFFFF0, s23  }
0x1f1: {  	s18 =	sadd.s32 s4, s18  }
0x1f2: {  	[tilespmem:s24], [sflag:$0x2] =	stream.linear.gather [hbm4b:s18+s2], $0x80, $0x38;
	[tilespmem:$0x4800] =	vst v63  }
0x1f3: {  	v60 =	vld [tilespmem:s15+$0x10];
	_ =	sdelay $0x1  }
0x1f4: {  	v61 =	vld [tilespmem:s16+$0x10];
	_ =	sdelay $0x2  }
0x1f5: {  	v62 =	vshll.u32 v60, $0x4  }
0x1f6: {  	(v2sf) =	vpush v62, $0x0  }
0x1f7: {  	v63 =	vshll.u32 v61, $0x4  }
0x1f8: {  	(v2sf) =	vpush v63, $0x0;
	_ =	sdelay $0x1  }
0x1f9: {  	(v2sf) =	vpush v62, $0x1;
	_ =	sdelay $0x2  }
0x1fa: {  	(v2sf) =	vpush v63, $0x1;
	_ =	sdelay $0x7  }
0x1fb: {  	s25 =	spop (v2sf);
	(v2sf) =	vpush v62, $0x2;
	_ =	sdelay $0x1  }
0x1fc: {  	s28 =	spop (v2sf);
	(v2sf) =	vpush v63, $0x2;
	_ =	sdelay $0x1  }
0x1fd: {  	s30 =	spop (v2sf);
	(v2sf) =	vpush v62, $0x3;
	_ =	sdelay $0x2  }
0x1fe: {  	s19 =	spop (v2sf);
	(v2sf) =	vpush v63, $0x3;
	_ =	sdelay $0x3  }
0x1ff: {  	s26 =	sld [smem:$0x7DE]  }
0x200: {  	s18 =	sand.u32 $0x1FFFFFF0, s25  }
0x201: {  	s18 =	sadd.s32 s3, s18  }
0x202: {  	[tilespmem:s26], [sflag:$0x1] =	stream.linear.gather [hbm4b:s18+s2], $0x80, $0x38;
	[tilespmem:$0x4800] =	vst v63  }
0x203: {  	s29 =	sld [smem:$0x7DF];
	s21 =	spop (v2sf);
	(v2sf) =	vpush v62, $0x4  }
0x204: {  	s18 =	sand.u32 $0x1FFFFFF0, s28  }
0x205: {  	s31 =	sld [smem:$0x7E0];
	s18 =	sadd.s32 s4, s18;
	s23 =	spop (v2sf);
	(v2sf) =	vpush v63, $0x4  }
0x206: {  	[tilespmem:s29], [sflag:$0x2] =	stream.linear.gather [hbm4b:s18+s2], $0x80, $0x38;
	[tilespmem:$0x4800] =	vst v63  }
0x207: {  	s18 =	sand.u32 $0x1FFFFFF0, s30;
	s25 =	spop (v2sf);
	(v2sf) =	vpush v62, $0x5  }
0x208: {  	s18 =	sadd.s32 s3, s18  }
0x209: {  	[tilespmem:s31], [sflag:$0x1] =	stream.linear.gather [hbm4b:s18+s2], $0x80, $0x38;
	[tilespmem:$0x4800] =	vst v63  }
0x20a: {  	s20 =	sld [smem:$0x7E1];
	s28 =	spop (v2sf);
	(v2sf) =	vpush v63, $0x5  }
0x20b: {  	s18 =	sand.u32 $0x1FFFFFF0, s19  }
0x20c: {  	s22 =	sld [smem:$0x7E2];
	s18 =	sadd.s32 s4, s18  }
0x20d: {  	[tilespmem:s20], [sflag:$0x2] =	stream.linear.gather [hbm4b:s18+s2], $0x80, $0x38;
	[tilespmem:$0x4800] =	vst v63  }
0x20e: {  	s18 =	sand.u32 $0x1FFFFFF0, s21  }
0x20f: {  	s24 =	sld [smem:$0x7E3];
	s18 =	sadd.s32 s3, s18  }
0x210: {  	[tilespmem:s22], [sflag:$0x1] =	stream.linear.gather [hbm4b:s18+s2], $0x80, $0x38;
	[tilespmem:$0x4800] =	vst v63  }
0x211: {  	s18 =	sand.u32 $0x1FFFFFF0, s23  }
0x212: {  	s18 =	sadd.s32 s4, s18;
	s30 =	spop (v2sf);
	(v2sf) =	vpush v62, $0x6  }
0x213: {  	[tilespmem:s24], [sflag:$0x2] =	stream.linear.gather [hbm4b:s18+s2], $0x80, $0x38;
	[tilespmem:$0x4800] =	vst v63  }
0x214: {  	s26 =	sld [smem:$0x7E4];
	s19 =	spop (v2sf);
	(v2sf) =	vpush v63, $0x6  }
0x215: {  	s18 =	sand.u32 $0x1FFFFFF0, s25  }
0x216: {  	s29 =	sld [smem:$0x7E5];
	s18 =	sadd.s32 s3, s18;
	s21 =	spop (v2sf);
	(v2sf) =	vpush v62, $0x7  }
0x217: {  	[tilespmem:s26], [sflag:$0x1] =	stream.linear.gather [hbm4b:s18+s2], $0x80, $0x38;
	[tilespmem:$0x4800] =	vst v63  }
0x218: {  	s18 =	sand.u32 $0x1FFFFFF0, s28  }
0x219: {  	s31 =	sld [smem:$0x7E6];
	s18 =	sadd.s32 s4, s18;
	s23 =	spop (v2sf);
	(v2sf) =	vpush v63, $0x7  }
0x21a: {  	[tilespmem:s29], [sflag:$0x2] =	stream.linear.gather [hbm4b:s18+s2], $0x80, $0x38;
	[tilespmem:$0x4800] =	vst v63  }
0x21b: {  	s18 =	sand.u32 $0x1FFFFFF0, s30  }
0x21c: {  	s20 =	sld [smem:$0x7E7];
	s18 =	sadd.s32 s3, s18  }
0x21d: {  	[tilespmem:s31], [sflag:$0x1] =	stream.linear.gather [hbm4b:s18+s2], $0x80, $0x38;
	[tilespmem:$0x4800] =	vst v63  }
0x21e: {  	s18 =	sand.u32 $0x1FFFFFF0, s19  }
0x21f: {  	s18 =	sadd.s32 s4, s18  }
0x220: {  	[tilespmem:s20], [sflag:$0x2] =	stream.linear.gather [hbm4b:s18+s2], $0x80, $0x38;
	[tilespmem:$0x4800] =	vst v63  }
0x221: {  	s22 =	sld [smem:$0x7E8];
	s25 =	spop (v2sf);
	(v2sf) =	vpush v62, $0x8  }
0x222: {  	s18 =	sand.u32 $0x1FFFFFF0, s21  }
0x223: {  	s24 =	sld [smem:$0x7E9];
	s18 =	sadd.s32 s3, s18;
	s28 =	spop (v2sf);
	(v2sf) =	vpush v63, $0x8  }
0x224: {  	[tilespmem:s22], [sflag:$0x1] =	stream.linear.gather [hbm4b:s18+s2], $0x80, $0x38;
	[tilespmem:$0x4800] =	vst v63  }
0x225: {  	s18 =	sand.u32 $0x1FFFFFF0, s23;
	s30 =	spop (v2sf);
	(v2sf) =	vpush v62, $0x9  }
0x226: {  	s18 =	sadd.s32 s4, s18  }
0x227: {  	[tilespmem:s24], [sflag:$0x2] =	stream.linear.gather [hbm4b:s18+s2], $0x80, $0x38;
	[tilespmem:$0x4800] =	vst v63  }
0x228: {  	s26 =	sld [smem:$0x7EA];
	s19 =	spop (v2sf);
	(v2sf) =	vpush v63, $0x9  }
0x229: {  	s18 =	sand.u32 $0x1FFFFFF0, s25  }
0x22a: {  	s29 =	sld [smem:$0x7EB];
	s18 =	sadd.s32 s3, s18  }
0x22b: {  	[tilespmem:s26], [sflag:$0x1] =	stream.linear.gather [hbm4b:s18+s2], $0x80, $0x38;
	[tilespmem:$0x4800] =	vst v63  }
0x22c: {  	s18 =	sand.u32 $0x1FFFFFF0, s28  }
0x22d: {  	s31 =	sld [smem:$0x7EC];
	s18 =	sadd.s32 s4, s18  }
0x22e: {  	[tilespmem:s29], [sflag:$0x2] =	stream.linear.gather [hbm4b:s18+s2], $0x80, $0x38;
	[tilespmem:$0x4800] =	vst v63  }
0x22f: {  	s18 =	sand.u32 $0x1FFFFFF0, s30  }
0x230: {  	s18 =	sadd.s32 s3, s18;
	s21 =	spop (v2sf);
	(v2sf) =	vpush v62, $0xA  }
0x231: {  	[tilespmem:s31], [sflag:$0x1] =	stream.linear.gather [hbm4b:s18+s2], $0x80, $0x38;
	[tilespmem:$0x4800] =	vst v63  }
0x232: {  	s20 =	sld [smem:$0x7ED];
	s23 =	spop (v2sf);
	(v2sf) =	vpush v63, $0xA  }
0x233: {  	s18 =	sand.u32 $0x1FFFFFF0, s19  }
0x234: {  	s22 =	sld [smem:$0x7EE];
	s18 =	sadd.s32 s4, s18;
	s25 =	spop (v2sf);
	(v2sf) =	vpush v62, $0xB  }
0x235: {  	[tilespmem:s20], [sflag:$0x2] =	stream.linear.gather [hbm4b:s18+s2], $0x80, $0x38;
	[tilespmem:$0x4800] =	vst v63  }
0x236: {  	s18 =	sand.u32 $0x1FFFFFF0, s21  }
0x237: {  	s24 =	sld [smem:$0x7EF];
	s18 =	sadd.s32 s3, s18;
	s28 =	spop (v2sf);
	(v2sf) =	vpush v63, $0xB  }
0x238: {  	[tilespmem:s22], [sflag:$0x1] =	stream.linear.gather [hbm4b:s18+s2], $0x80, $0x38;
	[tilespmem:$0x4800] =	vst v63  }
0x239: {  	s18 =	sand.u32 $0x1FFFFFF0, s23  }
0x23a: {  	s26 =	sld [smem:$0x7F0];
	s18 =	sadd.s32 s4, s18  }
0x23b: {  	[tilespmem:s24], [sflag:$0x2] =	stream.linear.gather [hbm4b:s18+s2], $0x80, $0x38;
	[tilespmem:$0x4800] =	vst v63  }
0x23c: {  	s18 =	sand.u32 $0x1FFFFFF0, s25  }
0x23d: {  	s18 =	sadd.s32 s3, s18  }
0x23e: {  	[tilespmem:s26], [sflag:$0x1] =	stream.linear.gather [hbm4b:s18+s2], $0x80, $0x38;
	[tilespmem:$0x4800] =	vst v63  }
0x23f: {  	s29 =	sld [smem:$0x7F1];
	s30 =	spop (v2sf);
	(v2sf) =	vpush v62, $0xC  }
0x240: {  	s18 =	sand.u32 $0x1FFFFFF0, s28  }
0x241: {  	s31 =	sld [smem:$0x7F2];
	s18 =	sadd.s32 s4, s18;
	s19 =	spop (v2sf);
	(v2sf) =	vpush v63, $0xC  }
0x242: {  	[tilespmem:s29], [sflag:$0x2] =	stream.linear.gather [hbm4b:s18+s2], $0x80, $0x38;
	[tilespmem:$0x4800] =	vst v63  }
0x243: {  	s18 =	sand.u32 $0x1FFFFFF0, s30;
	s21 =	spop (v2sf);
	(v2sf) =	vpush v62, $0xD  }
0x244: {  	s18 =	sadd.s32 s3, s18  }
0x245: {  	[tilespmem:s31], [sflag:$0x1] =	stream.linear.gather [hbm4b:s18+s2], $0x80, $0x38;
	[tilespmem:$0x4800] =	vst v63  }
0x246: {  	s20 =	sld [smem:$0x7F3];
	s23 =	spop (v2sf);
	(v2sf) =	vpush v63, $0xD  }
0x247: {  	s18 =	sand.u32 $0x1FFFFFF0, s19  }
0x248: {  	s22 =	sld [smem:$0x7F4];
	s18 =	sadd.s32 s4, s18  }
0x249: {  	[tilespmem:s20], [sflag:$0x2] =	stream.linear.gather [hbm4b:s18+s2], $0x80, $0x38;
	[tilespmem:$0x4800] =	vst v63  }
0x24a: {  	s18 =	sand.u32 $0x1FFFFFF0, s21  }
0x24b: {  	s24 =	sld [smem:$0x7F5];
	s18 =	sadd.s32 s3, s18  }
0x24c: {  	[tilespmem:s22], [sflag:$0x1] =	stream.linear.gather [hbm4b:s18+s2], $0x80, $0x38;
	[tilespmem:$0x4800] =	vst v63  }
0x24d: {  	s18 =	sand.u32 $0x1FFFFFF0, s23  }
0x24e: {  	s18 =	sadd.s32 s4, s18;
	s25 =	spop (v2sf);
	(v2sf) =	vpush v62, $0xE  }
0x24f: {  	[tilespmem:s24], [sflag:$0x2] =	stream.linear.gather [hbm4b:s18+s2], $0x80, $0x38;
	[tilespmem:$0x4800] =	vst v63  }
0x250: {  	s26 =	sld [smem:$0x7F6];
	s28 =	spop (v2sf);
	(v2sf) =	vpush v63, $0xE  }
0x251: {  	s18 =	sand.u32 $0x1FFFFFF0, s25  }
0x252: {  	s29 =	sld [smem:$0x7F7];
	s18 =	sadd.s32 s3, s18;
	s30 =	spop (v2sf)  }
0x253: {  	(v2sf) =	vpush v62, $0xF;
	[tilespmem:s26], [sflag:$0x1] =	stream.linear.gather [hbm4b:s18+s2], $0x80, $0x38;
	[tilespmem:$0x4800] =	vst v63  }
0x254: {  	s18 =	sand.u32 $0x1FFFFFF0, s28  }
0x255: {  	s31 =	sld [smem:$0x7F8];
	s19 =	spop (v2sf);
	s18 =	sadd.s32 s4, s18  }
0x256: {  	(v2sf) =	vpush v63, $0xF;
	[tilespmem:s29], [sflag:$0x2] =	stream.linear.gather [hbm4b:s18+s2], $0x80, $0x38;
	[tilespmem:$0x4800] =	vst v63  }
0x257: {  	s18 =	sand.u32 $0x1FFFFFF0, s30  }
0x258: {  	s20 =	sld [smem:$0x7F9];
	s18 =	sadd.s32 s3, s18  }
0x259: {  	[tilespmem:s31], [sflag:$0x1] =	stream.linear.gather [hbm4b:s18+s2], $0x80, $0x38;
	[tilespmem:$0x4800] =	vst v63  }
0x25a: {  	s18 =	sand.u32 $0x1FFFFFF0, s19  }
0x25b: {  	s18 =	sadd.s32 s4, s18  }
0x25c: {  	[tilespmem:s20], [sflag:$0x2] =	stream.linear.gather [hbm4b:s18+s2], $0x80, $0x38;
	[tilespmem:$0x4800] =	vst v63  }
0x25d: {  	s22 =	sld [smem:$0x7FA];
	s21 =	spop (v2sf)  }
0x25e: {  	s18 =	sand.u32 $0x1FFFFFF0, s21  }
0x25f: {  	s24 =	sld [smem:$0x7FB];
	s23 =	spop (v2sf);
	s18 =	sadd.s32 s3, s18  }
0x260: {  	[tilespmem:s22], [sflag:$0x1] =	stream.linear.gather [hbm4b:s18+s2], $0x80, $0x38;
	[tilespmem:$0x4800] =	vst v63  }
0x261: {  	s18 =	sand.u32 $0x1FFFFFF0, s23  }
0x262: {  	s26 =	sld [smem:$0x7FC];
	s25 =	spop (v2sf);
	s18 =	sadd.s32 s4, s18  }
0x263: {  	[tilespmem:s24], [sflag:$0x2] =	stream.linear.gather [hbm4b:s18+s2], $0x80, $0x38;
	[tilespmem:$0x4800] =	vst v63  }
0x264: {  	s18 =	sand.u32 $0x1FFFFFF0, s25  }
0x265: {  	s29 =	sld [smem:$0x7FD];
	s28 =	spop (v2sf);
	s18 =	sadd.s32 s3, s18  }
0x266: {  	[tilespmem:s26], [sflag:$0x1] =	stream.linear.gather [hbm4b:s18+s2], $0x80, $0x38;
	[tilespmem:$0x4800] =	vst v63  }
0x267: {  	s18 =	sand.u32 $0x1FFFFFF0, s28  }
0x268: {  	s18 =	sadd.s32 s4, s18  }
0x269: {  	[tilespmem:s29], [sflag:$0x2] =	stream.linear.gather [hbm4b:s18+s2], $0x80, $0x38;
	[tilespmem:$0x4800] =	vst v63  }
0x26a: {  	_ =	swait.ge [sflag:s12], $0x80  }
0x26b: {  	[sflag:s12] =	ssyncset.done $0x0  }
0x26c: {  	[sflag:s12] =	ssyncadd.s32 $0xFFFFFF80  }
0x26d: {  	_ =	swait.ge [sflag:s13], $0x80  }
0x26e: {  	[sflag:s13] =	ssyncset.done $0x0  }
0x26f: {  	[sflag:s13] =	ssyncadd.s32 $0xFFFFFF80  }
0x270: {  	_ =	swait.ge [sflag:s12], $0x80  }
0x271: {  	[sflag:s12] =	ssyncset.done $0x0  }
0x272: {  	[sflag:s12] =	ssyncadd.s32 $0xFFFFFF80  }
0x273: {  	_ =	swait.ge [sflag:s13], $0x80  }
0x274: {  	[sflag:s13] =	ssyncset.done $0x0  }
0x275: {  	[sflag:s13] =	ssyncadd.s32 $0xFFFFFF80  }
0x276: {  	_ =	swait.ge [sflag:s12], $0x80  }
0x277: {  	[sflag:s12] =	ssyncset.done $0x0  }
0x278: {  	[sflag:s12] =	ssyncadd.s32 $0xFFFFFF80  }
0x279: {  	_ =	swait.ge [sflag:s13], $0x80  }
0x27a: {  	[sflag:s13] =	ssyncset.done $0x0  }
0x27b: {  	[sflag:s13] =	ssyncadd.s32 $0xFFFFFF80  }
0x27c: {  	_ =	swait.ge [sflag:s12], $0x80  }
0x27d: {  	[sflag:s12] =	ssyncset.done $0x0  }
0x27e: {  	[sflag:s12] =	ssyncadd.s32 $0xFFFFFF80  }
0x27f: {  	_ =	swait.ge [sflag:s13], $0x80  }
0x280: {  	[sflag:s13] =	ssyncset.done $0x0  }
0x281: {  	[sflag:s13] =	ssyncadd.s32 $0xFFFFFF80  }
0x282: {  	_ =	swait.ge [sflag:s12], $0x80  }
0x283: {  	[sflag:s12] =	ssyncset.done $0x0  }
0x284: {  	[sflag:s12] =	ssyncadd.s32 $0xFFFFFF80  }
0x285: {  	_ =	swait.ge [sflag:s13], $0x80  }
0x286: {  	[sflag:s13] =	ssyncset.done $0x0  }
0x287: {  	[sflag:s13] =	ssyncadd.s32 $0xFFFFFF80  }
0x288: {  	_ =	swait.ge [sflag:s12], $0x80  }
0x289: {  	[sflag:s12] =	ssyncset.done $0x0  }
0x28a: {  	[sflag:s12] =	ssyncadd.s32 $0xFFFFFF80  }
0x28b: {  	_ =	swait.ge [sflag:s13], $0x80  }
0x28c: {  	[sflag:s13] =	ssyncset.done $0x0  }
0x28d: {  	[sflag:s13] =	ssyncadd.s32 $0xFFFFFF80  }
0x28e: {  	_ =	swait.ge [sflag:s12], $0x80  }
0x28f: {  	[sflag:s12] =	ssyncset.done $0x0  }
0x290: {  	[sflag:s12] =	ssyncadd.s32 $0xFFFFFF80  }
0x291: {  	_ =	swait.ge [sflag:s13], $0x80  }
0x292: {  	[sflag:s13] =	ssyncset.done $0x0  }
0x293: {  	[sflag:s13] =	ssyncadd.s32 $0xFFFFFF80  }
0x294: {  	_ =	swait.ge [sflag:s12], $0x80  }
0x295: {  	[sflag:s12] =	ssyncset.done $0x0  }
0x296: {  	[sflag:s12] =	ssyncadd.s32 $0xFFFFFF80  }
0x297: {  	_ =	swait.ge [sflag:s13], $0x80  }
0x298: {  	[sflag:s13] =	ssyncset.done $0x0  }
0x299: {  	[sflag:s13] =	ssyncadd.s32 $0xFFFFFF80  }
0x29a: {  	_ =	swait.ge [sflag:s12], $0x80  }
0x29b: {  	[sflag:s12] =	ssyncset.done $0x0  }
0x29c: {  	[sflag:s12] =	ssyncadd.s32 $0xFFFFFF80  }
0x29d: {  	_ =	swait.ge [sflag:s13], $0x80  }
0x29e: {  	[sflag:s13] =	ssyncset.done $0x0  }
0x29f: {  	[sflag:s13] =	ssyncadd.s32 $0xFFFFFF80  }
0x2a0: {  	_ =	swait.ge [sflag:s12], $0x80  }
0x2a1: {  	[sflag:s12] =	ssyncset.done $0x0  }
0x2a2: {  	[sflag:s12] =	ssyncadd.s32 $0xFFFFFF80  }
0x2a3: {  	_ =	swait.ge [sflag:s13], $0x80  }
0x2a4: {  	[sflag:s13] =	ssyncset.done $0x0  }
0x2a5: {  	[sflag:s13] =	ssyncadd.s32 $0xFFFFFF80  }
0x2a6: {  	_ =	swait.ge [sflag:s12], $0x80  }
0x2a7: {  	[sflag:s12] =	ssyncset.done $0x0  }
0x2a8: {  	[sflag:s12] =	ssyncadd.s32 $0xFFFFFF80  }
0x2a9: {  	_ =	swait.ge [sflag:s13], $0x80  }
0x2aa: {  	[sflag:s13] =	ssyncset.done $0x0  }
0x2ab: {  	[sflag:s13] =	ssyncadd.s32 $0xFFFFFF80  }
0x2ac: {  	_ =	swait.ge [sflag:s12], $0x80  }
0x2ad: {  	[sflag:s12] =	ssyncset.done $0x0  }
0x2ae: {  	[sflag:s12] =	ssyncadd.s32 $0xFFFFFF80  }
0x2af: {  	_ =	swait.ge [sflag:s13], $0x80  }
0x2b0: {  	[sflag:s13] =	ssyncset.done $0x0  }
0x2b1: {  	[sflag:s13] =	ssyncadd.s32 $0xFFFFFF80  }
0x2b2: {  	_ =	swait.ge [sflag:s12], $0x80  }
0x2b3: {  	[sflag:s12] =	ssyncset.done $0x0  }
0x2b4: {  	[sflag:s12] =	ssyncadd.s32 $0xFFFFFF80  }
0x2b5: {  	_ =	swait.ge [sflag:s13], $0x80  }
0x2b6: {  	[sflag:s13] =	ssyncset.done $0x0  }
0x2b7: {  	[sflag:s13] =	ssyncadd.s32 $0xFFFFFF80  }
0x2b8: {  	_ =	swait.ge [sflag:s12], $0x80  }
0x2b9: {  	[sflag:s12] =	ssyncset.done $0x0  }
0x2ba: {  	[sflag:s12] =	ssyncadd.s32 $0xFFFFFF80  }
0x2bb: {  	_ =	swait.ge [sflag:s13], $0x80  }
0x2bc: {  	[sflag:s13] =	ssyncset.done $0x0  }
0x2bd: {  	[sflag:s13] =	ssyncadd.s32 $0xFFFFFF80  }
0x2be: {  	_ =	swait.ge [sflag:s12], $0x80  }
0x2bf: {  	[sflag:s12] =	ssyncset.done $0x0  }
0x2c0: {  	[sflag:s12] =	ssyncadd.s32 $0xFFFFFF80  }
0x2c1: {  	_ =	swait.ge [sflag:s13], $0x80  }
0x2c2: {  	[sflag:s13] =	ssyncset.done $0x0  }
0x2c3: {  	[sflag:s13] =	ssyncadd.s32 $0xFFFFFF80  }
0x2c4: {  	_ =	swait.ge [sflag:s12], $0x80  }
0x2c5: {  	[sflag:s12] =	ssyncset.done $0x0  }
0x2c6: {  	[sflag:s12] =	ssyncadd.s32 $0xFFFFFF80  }
0x2c7: {  	_ =	swait.ge [sflag:s13], $0x80  }
0x2c8: {  	[sflag:s13] =	ssyncset.done $0x0  }
0x2c9: {  	[sflag:s13] =	ssyncadd.s32 $0xFFFFFF80  }
0x2ca: {  	_ =	swait.ge [sflag:s12], $0x80  }
0x2cb: {  	[sflag:s12] =	ssyncset.done $0x0  }
0x2cc: {  	[sflag:s12] =	ssyncadd.s32 $0xFFFFFF80  }
0x2cd: {  	_ =	swait.ge [sflag:s13], $0x80  }
0x2ce: {  	[sflag:s13] =	ssyncset.done $0x0  }
0x2cf: {  	[sflag:s13] =	ssyncadd.s32 $0xFFFFFF80  }
0x2d0: {  	_ =	swait.ge [sflag:s12], $0x80  }
0x2d1: {  	[sflag:s12] =	ssyncset.done $0x0  }
0x2d2: {  	[sflag:s12] =	ssyncadd.s32 $0xFFFFFF80  }
0x2d3: {  	_ =	swait.ge [sflag:s13], $0x80  }
0x2d4: {  	[sflag:s13] =	ssyncset.done $0x0  }
0x2d5: {  	[sflag:s13] =	ssyncadd.s32 $0xFFFFFF80  }
0x2d6: {  	_ =	swait.ge [sflag:s12], $0x80  }
0x2d7: {  	[sflag:s12] =	ssyncset.done $0x0  }
0x2d8: {  	[sflag:s12] =	ssyncadd.s32 $0xFFFFFF80  }
0x2d9: {  	_ =	swait.ge [sflag:s13], $0x80  }
0x2da: {  	[sflag:s13] =	ssyncset.done $0x0  }
0x2db: {  	[sflag:s13] =	ssyncadd.s32 $0xFFFFFF80  }
0x2dc: {  	_ =	swait.ge [sflag:s12], $0x80  }
0x2dd: {  	[sflag:s12] =	ssyncset.done $0x0  }
0x2de: {  	[sflag:s12] =	ssyncadd.s32 $0xFFFFFF80  }
0x2df: {  	_ =	swait.ge [sflag:s13], $0x80  }
0x2e0: {  	[sflag:s13] =	ssyncset.done $0x0  }
0x2e1: {  	[sflag:s13] =	ssyncadd.s32 $0xFFFFFF80  }
0x2e2: {  	_ =	swait.ge [sflag:s12], $0x80  }
0x2e3: {  	[sflag:s12] =	ssyncset.done $0x0  }
0x2e4: {  	[sflag:s12] =	ssyncadd.s32 $0xFFFFFF80  }
0x2e5: {  	_ =	swait.ge [sflag:s13], $0x80  }
0x2e6: {  	[sflag:s13] =	ssyncset.done $0x0  }
0x2e7: {  	[sflag:s13] =	ssyncadd.s32 $0xFFFFFF80  }
0x2e8: {  	_ =	swait.ge [sflag:s12], $0x80  }
0x2e9: {  	[sflag:s12] =	ssyncset.done $0x0  }
0x2ea: {  	[sflag:s12] =	ssyncadd.s32 $0xFFFFFF80  }
0x2eb: {  	_ =	swait.ge [sflag:s13], $0x80  }
0x2ec: {  	[sflag:s13] =	ssyncset.done $0x0  }
0x2ed: {  	[sflag:s13] =	ssyncadd.s32 $0xFFFFFF80  }
0x2ee: {  	_ =	swait.ge [sflag:s12], $0x80  }
0x2ef: {  	[sflag:s12] =	ssyncset.done $0x0  }
0x2f0: {  	[sflag:s12] =	ssyncadd.s32 $0xFFFFFF80  }
0x2f1: {  	_ =	swait.ge [sflag:s13], $0x80  }
0x2f2: {  	[sflag:s13] =	ssyncset.done $0x0  }
0x2f3: {  	[sflag:s13] =	ssyncadd.s32 $0xFFFFFF80  }
0x2f4: {  	_ =	swait.ge [sflag:s12], $0x80  }
0x2f5: {  	[sflag:s12] =	ssyncset.done $0x0  }
0x2f6: {  	[sflag:s12] =	ssyncadd.s32 $0xFFFFFF80  }
0x2f7: {  	_ =	swait.ge [sflag:s13], $0x80  }
0x2f8: {  	[sflag:s13] =	ssyncset.done $0x0  }
0x2f9: {  	[sflag:s13] =	ssyncadd.s32 $0xFFFFFF80  }
0x2fa: {  	_ =	swait.ge [sflag:s12], $0x80  }
0x2fb: {  	[sflag:s12] =	ssyncset.done $0x0  }
0x2fc: {  	[sflag:s12] =	ssyncadd.s32 $0xFFFFFF80  }
0x2fd: {  	_ =	swait.ge [sflag:s13], $0x80  }
0x2fe: {  	[sflag:s13] =	ssyncset.done $0x0  }
0x2ff: {  	[sflag:s13] =	ssyncadd.s32 $0xFFFFFF80  }
0x300: {  	_ =	swait.ge [sflag:s12], $0x80  }
0x301: {  	[sflag:s12] =	ssyncset.done $0x0  }
0x302: {  	[sflag:s12] =	ssyncadd.s32 $0xFFFFFF80  }
0x303: {  	_ =	swait.ge [sflag:s13], $0x80  }
0x304: {  	[sflag:s13] =	ssyncset.done $0x0  }
0x305: {  	[sflag:s13] =	ssyncadd.s32 $0xFFFFFF80  }
0x306: {  	_ =	swait.ge [sflag:s12], $0x80  }
0x307: {  	[sflag:s12] =	ssyncset.done $0x0  }
0x308: {  	[sflag:s12] =	ssyncadd.s32 $0xFFFFFF80  }
0x309: {  	_ =	swait.ge [sflag:s13], $0x80  }
0x30a: {  	[sflag:s13] =	ssyncset.done $0x0  }
0x30b: {  	[sflag:s13] =	ssyncadd.s32 $0xFFFFFF80  }
0x30c: {  	_ =	swait.ge [sflag:s12], $0x80  }
0x30d: {  	[sflag:s12] =	ssyncset.done $0x0  }
0x30e: {  	[sflag:s12] =	ssyncadd.s32 $0xFFFFFF80  }
0x30f: {  	_ =	swait.ge [sflag:s13], $0x80  }
0x310: {  	[sflag:s13] =	ssyncset.done $0x0  }
0x311: {  	[sflag:s13] =	ssyncadd.s32 $0xFFFFFF80  }
0x312: {  	_ =	swait.ge [sflag:s12], $0x80  }
0x313: {  	[sflag:s12] =	ssyncset.done $0x0  }
0x314: {  	[sflag:s12] =	ssyncadd.s32 $0xFFFFFF80  }
0x315: {  	_ =	swait.ge [sflag:s13], $0x80  }
0x316: {  	[sflag:s13] =	ssyncset.done $0x0  }
0x317: {  	[sflag:s13] =	ssyncadd.s32 $0xFFFFFF80  }
0x318: {  	_ =	swait.ge [sflag:s12], $0x80  }
0x319: {  	[sflag:s12] =	ssyncset.done $0x0  }
0x31a: {  	[sflag:s12] =	ssyncadd.s32 $0xFFFFFF80  }
0x31b: {  	_ =	swait.ge [sflag:s13], $0x80  }
0x31c: {  	[sflag:s13] =	ssyncset.done $0x0  }
0x31d: {  	[sflag:s13] =	ssyncadd.s32 $0xFFFFFF80  }
0x31e: {  	_ =	swait.ge [sflag:s12], $0x80  }
0x31f: {  	[sflag:s12] =	ssyncset.done $0x0  }
0x320: {  	[sflag:s12] =	ssyncadd.s32 $0xFFFFFF80  }
0x321: {  	_ =	swait.ge [sflag:s13], $0x80  }
0x322: {  	[sflag:s13] =	ssyncset.done $0x0  }
0x323: {  	[sflag:s13] =	ssyncadd.s32 $0xFFFFFF80  }
0x324: {  	_ =	swait.ge [sflag:s12], $0x80  }
0x325: {  	[sflag:s12] =	ssyncset.done $0x0  }
0x326: {  	[sflag:s12] =	ssyncadd.s32 $0xFFFFFF80  }
0x327: {  	_ =	swait.ge [sflag:s13], $0x80  }
0x328: {  	[sflag:s13] =	ssyncset.done $0x0  }
0x329: {  	[sflag:s13] =	ssyncadd.s32 $0xFFFFFF80  }
0x32a: {  	_ =	swait.ge [sflag:s12], $0x80  }
0x32b: {  	[sflag:s12] =	ssyncset.done $0x0  }
0x32c: {  	[sflag:s12] =	ssyncadd.s32 $0xFFFFFF80  }
0x32d: {  	_ =	swait.ge [sflag:s13], $0x80  }
0x32e: {  	[sflag:s13] =	ssyncset.done $0x0  }
0x32f: {  	[sflag:s13] =	ssyncadd.s32 $0xFFFFFF80  }
0x330: {  	_ =	swait.ge [sflag:s12], $0x80  }
0x331: {  	[sflag:s12] =	ssyncset.done $0x0  }
0x332: {  	[sflag:s12] =	ssyncadd.s32 $0xFFFFFF80  }
0x333: {  	_ =	swait.ge [sflag:s13], $0x80  }
0x334: {  	[sflag:s13] =	ssyncset.done $0x0  }
0x335: {  	[sflag:s13] =	ssyncadd.s32 $0xFFFFFF80  }
0x336: {  	_ =	swait.ge [sflag:s12], $0x80  }
0x337: {  	[sflag:s12] =	ssyncset.done $0x0  }
0x338: {  	[sflag:s12] =	ssyncadd.s32 $0xFFFFFF80  }
0x339: {  	_ =	swait.ge [sflag:s13], $0x80  }
0x33a: {  	[sflag:s13] =	ssyncset.done $0x0  }
0x33b: {  	[sflag:s13] =	ssyncadd.s32 $0xFFFFFF80  }
0x33c: {  	_ =	swait.ge [sflag:s12], $0x80  }
0x33d: {  	[sflag:s12] =	ssyncset.done $0x0  }
0x33e: {  	[sflag:s12] =	ssyncadd.s32 $0xFFFFFF80  }
0x33f: {  	_ =	swait.ge [sflag:s13], $0x80  }
0x340: {  	[sflag:s13] =	ssyncset.done $0x0  }
0x341: {  	[sflag:s13] =	ssyncadd.s32 $0xFFFFFF80  }
0x342: {  	_ =	swait.ge [sflag:s12], $0x80  }
0x343: {  	[sflag:s12] =	ssyncset.done $0x0  }
0x344: {  	[sflag:s12] =	ssyncadd.s32 $0xFFFFFF80  }
0x345: {  	_ =	swait.ge [sflag:s13], $0x80  }
0x346: {  	[sflag:s13] =	ssyncset.done $0x0  }
0x347: {  	[sflag:s13] =	ssyncadd.s32 $0xFFFFFF80  }
0x348: {  	_ =	swait.ge [sflag:s12], $0x80  }
0x349: {  	[sflag:s12] =	ssyncset.done $0x0  }
0x34a: {  	[sflag:s12] =	ssyncadd.s32 $0xFFFFFF80  }
0x34b: {  	_ =	swait.ge [sflag:s13], $0x80  }
0x34c: {  	[sflag:s13] =	ssyncset.done $0x0  }
0x34d: {  	[sflag:s13] =	ssyncadd.s32 $0xFFFFFF80  }
0x34e: {  	_ =	swait.ge [sflag:s12], $0x80  }
0x34f: {  	[sflag:s12] =	ssyncset.done $0x0  }
0x350: {  	[sflag:s12] =	ssyncadd.s32 $0xFFFFFF80  }
0x351: {  	_ =	swait.ge [sflag:s13], $0x80  }
0x352: {  	[sflag:s13] =	ssyncset.done $0x0  }
0x353: {  	[sflag:s13] =	ssyncadd.s32 $0xFFFFFF80  }
0x354: {  	_ =	swait.ge [sflag:s12], $0x80  }
0x355: {  	[sflag:s12] =	ssyncset.done $0x0  }
0x356: {  	[sflag:s12] =	ssyncadd.s32 $0xFFFFFF80  }
0x357: {  	_ =	swait.ge [sflag:s13], $0x80  }
0x358: {  	[sflag:s13] =	ssyncset.done $0x0  }
0x359: {  	[sflag:s13] =	ssyncadd.s32 $0xFFFFFF80  }
0x35a: {  	_ =	swait.ge [sflag:s12], $0x80  }
0x35b: {  	[sflag:s12] =	ssyncset.done $0x0  }
0x35c: {  	[sflag:s12] =	ssyncadd.s32 $0xFFFFFF80  }
0x35d: {  	_ =	swait.ge [sflag:s13], $0x80  }
0x35e: {  	[sflag:s13] =	ssyncset.done $0x0  }
0x35f: {  	[sflag:s13] =	ssyncadd.s32 $0xFFFFFF80  }
0x360: {  	_ =	swait.ge [sflag:s12], $0x80  }
0x361: {  	[sflag:s12] =	ssyncset.done $0x0  }
0x362: {  	[sflag:s12] =	ssyncadd.s32 $0xFFFFFF80  }
0x363: {  	_ =	swait.ge [sflag:s13], $0x80  }
0x364: {  	[sflag:s13] =	ssyncset.done $0x0  }
0x365: {  	[sflag:s13] =	ssyncadd.s32 $0xFFFFFF80  }
0x366: {  	_ =	swait.ge [sflag:s12], $0x80  }
0x367: {  	[sflag:s12] =	ssyncset.done $0x0  }
0x368: {  	[sflag:s12] =	ssyncadd.s32 $0xFFFFFF80  }
0x369: {  	_ =	swait.ge [sflag:s13], $0x80  }
0x36a: {  	[sflag:s13] =	ssyncset.done $0x0  }
0x36b: {  	[sflag:s13] =	ssyncadd.s32 $0xFFFFFF80  }
0x36c: {  	_ =	swait.ge [sflag:s12], $0x80  }
0x36d: {  	[sflag:s12] =	ssyncset.done $0x0  }
0x36e: {  	[sflag:s12] =	ssyncadd.s32 $0xFFFFFF80  }
0x36f: {  	_ =	swait.ge [sflag:s13], $0x80  }
0x370: {  	[sflag:s13] =	ssyncset.done $0x0  }
0x371: {  	[sflag:s13] =	ssyncadd.s32 $0xFFFFFF80  }
0x372: {  	_ =	swait.ge [sflag:s12], $0x80  }
0x373: {  	[sflag:s12] =	ssyncset.done $0x0  }
0x374: {  	[sflag:s12] =	ssyncadd.s32 $0xFFFFFF80  }
0x375: {  	_ =	swait.ge [sflag:s13], $0x80  }
0x376: {  	[sflag:s13] =	ssyncset.done $0x0  }
0x377: {  	[sflag:s13] =	ssyncadd.s32 $0xFFFFFF80  }
0x378: {  	_ =	swait.ge [sflag:s12], $0x80  }
0x379: {  	[sflag:s12] =	ssyncset.done $0x0  }
0x37a: {  	[sflag:s12] =	ssyncadd.s32 $0xFFFFFF80  }
0x37b: {  	_ =	swait.ge [sflag:s13], $0x80  }
0x37c: {  	[sflag:s13] =	ssyncset.done $0x0  }
0x37d: {  	[sflag:s13] =	ssyncadd.s32 $0xFFFFFF80  }
0x37e: {  	_ =	swait.ge [sflag:s12], $0x80  }
0x37f: {  	[sflag:s12] =	ssyncset.done $0x0  }
0x380: {  	[sflag:s12] =	ssyncadd.s32 $0xFFFFFF80  }
0x381: {  	_ =	swait.ge [sflag:s13], $0x80  }
0x382: {  	[sflag:s13] =	ssyncset.done $0x0  }
0x383: {  	[sflag:s13] =	ssyncadd.s32 $0xFFFFFF80  }
0x384: {  	_ =	swait.ge [sflag:s12], $0x80  }
0x385: {  	[sflag:s12] =	ssyncset.done $0x0  }
0x386: {  	[sflag:s12] =	ssyncadd.s32 $0xFFFFFF80  }
0x387: {  	_ =	swait.ge [sflag:s13], $0x80  }
0x388: {  	[sflag:s13] =	ssyncset.done $0x0  }
0x389: {  	[sflag:s13] =	ssyncadd.s32 $0xFFFFFF80  }
0x38a: {  	_ =	swait.ge [sflag:s12], $0x80  }
0x38b: {  	[sflag:s12] =	ssyncset.done $0x0  }
0x38c: {  	[sflag:s12] =	ssyncadd.s32 $0xFFFFFF80  }
0x38d: {  	_ =	swait.ge [sflag:s13], $0x80  }
0x38e: {  	[sflag:s13] =	ssyncset.done $0x0  }
0x38f: {  	[sflag:s13] =	ssyncadd.s32 $0xFFFFFF80  }
0x390: {  	_ =	swait.ge [sflag:s12], $0x80  }
0x391: {  	[sflag:s12] =	ssyncset.done $0x0  }
0x392: {  	[sflag:s12] =	ssyncadd.s32 $0xFFFFFF80  }
0x393: {  	_ =	swait.ge [sflag:s13], $0x80  }
0x394: {  	[sflag:s13] =	ssyncset.done $0x0  }
0x395: {  	[sflag:s13] =	ssyncadd.s32 $0xFFFFFF80  }
0x396: {  	_ =	swait.ge [sflag:s12], $0x80  }
0x397: {  	[sflag:s12] =	ssyncset.done $0x0  }
0x398: {  	[sflag:s12] =	ssyncadd.s32 $0xFFFFFF80  }
0x399: {  	_ =	swait.ge [sflag:s13], $0x80  }
0x39a: {  	[sflag:s13] =	ssyncset.done $0x0  }
0x39b: {  	[sflag:s13] =	ssyncadd.s32 $0xFFFFFF80  }
0x39c: {  	_ =	swait.ge [sflag:s12], $0x80  }
0x39d: {  	[sflag:s12] =	ssyncset.done $0x0  }
0x39e: {  	[sflag:s12] =	ssyncadd.s32 $0xFFFFFF80  }
0x39f: {  	_ =	swait.ge [sflag:s13], $0x80  }
0x3a0: {  	[sflag:s13] =	ssyncset.done $0x0  }
0x3a1: {  	[sflag:s13] =	ssyncadd.s32 $0xFFFFFF80  }
0x3a2: {  	_ =	swait.ge [sflag:s12], $0x80  }
0x3a3: {  	[sflag:s12] =	ssyncset.done $0x0  }
0x3a4: {  	[sflag:s12] =	ssyncadd.s32 $0xFFFFFF80  }
0x3a5: {  	_ =	swait.ge [sflag:s13], $0x80  }
0x3a6: {  	[sflag:s13] =	ssyncset.done $0x0  }
0x3a7: {  	[sflag:s13] =	ssyncadd.s32 $0xFFFFFF80  }
0x3a8: {  	_ =	swait.ge [sflag:s12], $0x80  }
0x3a9: {  	[sflag:s12] =	ssyncset.done $0x0  }
0x3aa: {  	[sflag:s12] =	ssyncadd.s32 $0xFFFFFF80  }
0x3ab: {  	_ =	swait.ge [sflag:s13], $0x80  }
0x3ac: {  	[sflag:s13] =	ssyncset.done $0x0  }
0x3ad: {  	[sflag:s13] =	ssyncadd.s32 $0xFFFFFF80  }
0x3ae: {  	_ =	swait.ge [sflag:s12], $0x80  }
0x3af: {  	[sflag:s12] =	ssyncset.done $0x0  }
0x3b0: {  	[sflag:s12] =	ssyncadd.s32 $0xFFFFFF80  }
0x3b1: {  	_ =	swait.ge [sflag:s13], $0x80  }
0x3b2: {  	[sflag:s13] =	ssyncset.done $0x0  }
0x3b3: {  	[sflag:s13] =	ssyncadd.s32 $0xFFFFFF80  }
0x3b4: {  	_ =	swait.ge [sflag:s12], $0x80  }
0x3b5: {  	[sflag:s12] =	ssyncset.done $0x0  }
0x3b6: {  	[sflag:s12] =	ssyncadd.s32 $0xFFFFFF80  }
0x3b7: {  	_ =	swait.ge [sflag:s13], $0x80  }
0x3b8: {  	[sflag:s13] =	ssyncset.done $0x0  }
0x3b9: {  	[sflag:s13] =	ssyncadd.s32 $0xFFFFFF80  }
0x3ba: {  	_ =	swait.ge [sflag:s12], $0x80  }
0x3bb: {  	[sflag:s12] =	ssyncset.done $0x0  }
0x3bc: {  	[sflag:s12] =	ssyncadd.s32 $0xFFFFFF80  }
0x3bd: {  	_ =	swait.ge [sflag:s13], $0x80  }
0x3be: {  	[sflag:s13] =	ssyncset.done $0x0  }
0x3bf: {  	[sflag:s13] =	ssyncadd.s32 $0xFFFFFF80  }
0x3c0: {  	_ =	swait.ge [sflag:s12], $0x80  }
0x3c1: {  	[sflag:s12] =	ssyncset.done $0x0  }
0x3c2: {  	[sflag:s12] =	ssyncadd.s32 $0xFFFFFF80  }
0x3c3: {  	_ =	swait.ge [sflag:s13], $0x80  }
0x3c4: {  	[sflag:s13] =	ssyncset.done $0x0  }
0x3c5: {  	[sflag:s13] =	ssyncadd.s32 $0xFFFFFF80  }
0x3c6: {  	_ =	swait.ge [sflag:s12], $0x80  }
0x3c7: {  	[sflag:s12] =	ssyncset.done $0x0  }
0x3c8: {  	[sflag:s12] =	ssyncadd.s32 $0xFFFFFF80  }
0x3c9: {  	_ =	swait.ge [sflag:s13], $0x80  }
0x3ca: {  	[sflag:s13] =	ssyncset.done $0x0  }
0x3cb: {  	[sflag:s13] =	ssyncadd.s32 $0xFFFFFF80  }
0x3cc: {  	_ =	swait.ge [sflag:s12], $0x80  }
0x3cd: {  	[sflag:s12] =	ssyncset.done $0x0  }
0x3ce: {  	[sflag:s12] =	ssyncadd.s32 $0xFFFFFF80  }
0x3cf: {  	_ =	swait.ge [sflag:s13], $0x80  }
0x3d0: {  	[sflag:s13] =	ssyncset.done $0x0  }
0x3d1: {  	[sflag:s13] =	ssyncadd.s32 $0xFFFFFF80  }
0x3d2: {  	_ =	swait.ge [sflag:s12], $0x80  }
0x3d3: {  	[sflag:s12] =	ssyncset.done $0x0  }
0x3d4: {  	[sflag:s12] =	ssyncadd.s32 $0xFFFFFF80  }
0x3d5: {  	_ =	swait.ge [sflag:s13], $0x80  }
0x3d6: {  	[sflag:s13] =	ssyncset.done $0x0  }
0x3d7: {  	[sflag:s13] =	ssyncadd.s32 $0xFFFFFF80  }
0x3d8: {  	_ =	swait.ge [sflag:s12], $0x80  }
0x3d9: {  	[sflag:s12] =	ssyncset.done $0x0  }
0x3da: {  	[sflag:s12] =	ssyncadd.s32 $0xFFFFFF80  }
0x3db: {  	_ =	swait.ge [sflag:s13], $0x80  }
0x3dc: {  	[sflag:s13] =	ssyncset.done $0x0  }
0x3dd: {  	[sflag:s13] =	ssyncadd.s32 $0xFFFFFF80  }
0x3de: {  	_ =	swait.ge [sflag:s12], $0x80  }
0x3df: {  	[sflag:s12] =	ssyncset.done $0x0  }
0x3e0: {  	[sflag:s12] =	ssyncadd.s32 $0xFFFFFF80  }
0x3e1: {  	_ =	swait.ge [sflag:s13], $0x80  }
0x3e2: {  	[sflag:s13] =	ssyncset.done $0x0  }
0x3e3: {  	[sflag:s13] =	ssyncadd.s32 $0xFFFFFF80  }
0x3e4: {  	_ =	swait.ge [sflag:s12], $0x80  }
0x3e5: {  	[sflag:s12] =	ssyncset.done $0x0  }
0x3e6: {  	[sflag:s12] =	ssyncadd.s32 $0xFFFFFF80  }
0x3e7: {  	_ =	swait.ge [sflag:s13], $0x80  }
0x3e8: {  	s30 =	rddreg [dreg:$0x4];
	[sflag:s13] =	ssyncset.done $0x0  }
0x3e9: {  	[sflag:s13] =	ssyncadd.s32 $0xFFFFFF80;
	s18 =	sadd.s32 s17, s30  }
0x3ea: {  	[hbm4b:s18+s2] =	stream.linear.scatter [tilespmem:s10], [sflag:$0x3], $0x2000, $0x38;
	[tilespmem:$0x4800] =	vst v63  }
0x3eb: {  	_ =	swait.ge [sflag:s8], $0x2000  }
0x3ec: {  	p0 =	sne.s32 s17, $0x1C00;
	s31 =	rddreg [dreg:$0x3];
	[sflag:s8] =	ssyncset.done $0x0  }
.Ltmp0:
0x3ed: {  	[sflag:s8] =	ssyncadd.s32 $0xFFFFE000;
	s18 =	sadd.s32 s17, s31;
	(pc) =	sbr.rel @p0 .LBB2_2-.Ltmp0, $4  }
0x3ee: {  	[hbm4b:s18+s2] =	stream.linear.scatter [tilespmem:s11], [sflag:$0x3], $0x2000, $0x38;
	[tilespmem:$0x4800] =	vst v63  }
0x3ef: {  	_ =	swait.ge [sflag:s8], $0x2000  }
0x3f0: {  	s15 =	sadd.s32 $0x80, s15;
	[sflag:s8] =	ssyncset.done $0x0  }
0x3f1: {  	s16 =	sadd.s32 $0x80, s16;
	s17 =	sadd.s32 $0x400, s17;
	[sflag:s8] =	ssyncadd.s32 $0xFFFFE000  }
0x3f2: {  	s14 =	sadd.s32 $0x1, s14  }
0x3f3: {  	p0 =	sne.s32 s14, s7  }
.Ltmp1:
0x3f4: {  	_ = 	snop;
	(pc) =	sbr.rel @p0 .LBB2_1-.Ltmp1, $1  }
0x3f5: {  	_ =	sdelay $0x3  }
0x3f6: {  	_ =	sfence.sel $0x180000  }
0x3f7: {  	[bflag:$0x0] =	sbarrier.arrive $0xFFFF  }
0x3f8: {  	p0 =	sne.s32 s1, $0x0;
	_ =	strace $0x90000047  }
0x3f9: {  	s0 =	sadd.s32 @!p0 $0x100000, s0;
	[bflag:$0x2] =	sbarrier.arrive $0xFFFF  }
0x3fa: {  	[sflag:s0] =	ssyncadd.tile.s32 @!p0 $0x1;
	_ =	shalt  }
.Lfunc_end2:
_tile_overlayer_lowered:
.L_overlay_start_2:
0x3fb: {  	(tag) =	ssettag $0x2  }
0x3fc: {  	s0 =	rddreg [dreg:$0x0];
	s2 =	stileid.u32  }
0x3fd: {  	s1 =	rddreg [dreg:$0x1];
	p0 =	sne.s32 s2, $0x0  }
0x3fe: {  	s3 =	rddreg [dreg:$0x2];
	[bflag:$0x3] =	sbarrier.arrive $0xFFFF;
	s2 =	simm.s32 @!p0 $0x1C03  }
0x3ff: {  	[timem:s3], [sflag:s2] =	dma.local @!p0 [hbm:s0], s1  }
0x400: {  	s0 =	simm.s32 @!p0 $0x3  }
0x401: {  	_ =	swait.ge @!p0 [sflag:s0], s1  }
0x402: {  	s1 =	ssub.s32 @!p0 $0x0, s1;
	[sflag:s0] =	ssyncset.done @!p0 $0x0  }
0x403: {  	[sflag:s0] =	ssyncadd.s32 @!p0 s1  }
0x404: {  	[bflag:$0x3] =	sbarrier.arrive $0xFFFF  }
0x405: {  	_ =	shalt  }

</sc_bundles>
